<compile_context>
chip_gen: v7x
topology: tpu7x:2x2x1
jax: 0.10.2.dev20260603
libtpu: 0.0.44.dev20260713+nightly
codegen_flags: <defaults>
</compile_context>

<pallas_src>
import jax
import jax.numpy as jnp
from jax import lax
from jax.experimental import pallas as pl
from jax.experimental.pallas import tpu as pltpu
from jax.experimental.pallas import tpu_sc as plsc

NC = 2
NS = 16
NW = NC * NS
L = 16

NPLANE = 49
PSIZE = 256 * 2048
NTILE = PSIZE // 1024
T0 = 128
E_SC = T0 * 1024
PER_W = E_SC // NW
CH = 1024
NCHUNK = PER_W // CH
GROUPS = CH // L
TROW = (NTILE - T0) // 16 * 8


def _sort4(a, b, c, d):
    a, b = jnp.maximum(a, b), jnp.minimum(a, b)
    c, d = jnp.maximum(c, d), jnp.minimum(c, d)
    a, c = jnp.maximum(a, c), jnp.minimum(a, c)
    b, d = jnp.maximum(b, d), jnp.minimum(b, d)
    b, c = jnp.maximum(b, c), jnp.minimum(b, c)
    return a, b, c, d


def _merge44(A, B):
    a1, a2, a3, a4 = A
    b1, b2, b3, b4 = B
    c1 = jnp.maximum(a1, b1)
    q = jnp.minimum(a1, b1)
    r = jnp.maximum(a3, b3)
    c2 = jnp.maximum(q, r)
    c3 = jnp.minimum(q, r)
    d1 = jnp.maximum(a2, b2)
    q2 = jnp.minimum(a2, b2)
    r2 = jnp.maximum(a4, b4)
    d2 = jnp.maximum(q2, r2)
    return c1, jnp.maximum(d1, c2), jnp.minimum(d1, c2), jnp.maximum(d2, c3)


def _insert4(m, v):
    m1, m2, m3, m4 = m
    t = jnp.minimum(m1, v)
    m1 = jnp.maximum(m1, v)
    u = jnp.minimum(m2, t)
    m2 = jnp.maximum(m2, t)
    w = jnp.minimum(m3, u)
    m3 = jnp.maximum(m3, u)
    m4 = jnp.maximum(m4, w)
    return m1, m2, m3, m4


def _top4mean(load):
    def t4(p0):
        return _sort4(load(p0), load(p0 + 1), load(p0 + 2), load(p0 + 3))

    def t16(p0):
        return _merge44(_merge44(t4(p0), t4(p0 + 4)),
                        _merge44(t4(p0 + 8), t4(p0 + 12)))

    t = _merge44(_merge44(t16(0), t16(16)), t16(32))
    t = _insert4(t, load(48))
    return (t[0] + t[1] + t[2] + t[3]) * 0.25


def _sc_body(x_hbm, out_hbm, in0, in1, oacc, si0, si1, so):
    wid = lax.axis_index("s") * NC + lax.axis_index("c")
    wbase = wid * PER_W

    bufs = (in0, in1)
    sems = (si0, si1)

    def issue(c, b):
        base = wbase + c * CH
        for p in range(NPLANE):
            pltpu.async_copy(
                x_hbm.at[pl.ds(p * PSIZE + base, CH)],
                bufs[b].at[pl.ds(p * CH, CH)],
                sems[b],
            )

    def drain(b):
        pltpu.make_async_copy(
            x_hbm.at[pl.ds(0, NPLANE * CH)], bufs[b], sems[b]
        ).wait()

    def compute(c, b):
        buf = bufs[b]

        def group2(i, carry):
            g = 2 * i

            def res(gg):
                return _top4mean(lambda p: buf[pl.ds(p * CH + gg * L, L)])

            o = ((g >> 3) * NCHUNK << 7) + (c << 7) + ((g & 7) << 4)
            oacc[pl.ds(o, L)] = res(g)
            g1 = g + 1
            o1 = ((g1 >> 3) * NCHUNK << 7) + (c << 7) + ((g1 & 7) << 4)
            oacc[pl.ds(o1, L)] = res(g1)
            return carry

        lax.fori_loop(0, GROUPS // 2, group2, 0)

    issue(0, 0)

    def pair(i, carry):
        c0 = 2 * i
        issue(c0 + 1, 1)
        drain(0)
        compute(c0, 0)

        @pl.when(i < NCHUNK // 2 - 1)
        def _():
            issue(c0 + 2, 0)

        drain(1)
        compute(c0 + 1, 1)
        return carry

    lax.fori_loop(0, NCHUNK // 2, pair, 0)

    wcol = NCHUNK << 7
    obase = (wid // (16 // NCHUNK)) * 8 * 2048 + (wid * NCHUNK % 16) * 128
    for r in range(8):
        pltpu.async_copy(
            oacc.at[pl.ds(r * wcol, wcol)],
            out_hbm.at[pl.ds(obase + r * 2048, wcol)],
            so,
        )
    pltpu.make_async_copy(
        x_hbm.at[pl.ds(0, 8 * wcol)], oacc, so
    ).wait()


@jax.jit
def _apool_sc(xf):
    mesh = plsc.VectorSubcoreMesh(
        core_axis_name="c", subcore_axis_name="s", num_cores=NC, num_subcores=NS
    )
    return pl.kernel(
        _sc_body,
        out_type=jax.ShapeDtypeStruct((E_SC,), jnp.float32),
        mesh=mesh,
        compiler_params=pltpu.CompilerParams(
            needs_layout_passes=False, skip_device_barrier=True
        ),
        scratch_types=[
            pltpu.VMEM((NPLANE * CH,), jnp.float32),
            pltpu.VMEM((NPLANE * CH,), jnp.float32),
            pltpu.VMEM((PER_W,), jnp.float32),
            pltpu.SemaphoreType.DMA,
            pltpu.SemaphoreType.DMA,
            pltpu.SemaphoreType.DMA,
        ],
    )(xf)


TCR = 512


def _tc_block(x_ref, o_ref):
    res = _top4mean(lambda p: x_ref[p])
    for j in range(TCR // 8):
        o_ref[(j // 16) * 8:(j // 16) * 8 + 8,
              (j % 16) * 128:(j % 16) * 128 + 128] = res[j * 8:(j + 1) * 8, :]


@jax.jit
def _apool_tc(x3):
    return pl.pallas_call(
        _tc_block,
        grid=((NTILE - T0) * 8 // TCR,),
        in_specs=[
            pl.BlockSpec((NPLANE, TCR, 128), lambda t: (0, t + T0 * 8 // TCR, 0)),
        ],
        out_specs=pl.BlockSpec((TCR // 16, 2048), lambda t: (t, 0)),
        out_shape=jax.ShapeDtypeStruct((TROW, 2048), jnp.float32),
    )(x3)


def kernel(input, dim):
    xt = jnp.transpose(input, (2, 3, 0, 1))
    x5 = xt.reshape(49, 32, 8, 16, 128)
    x5 = jnp.transpose(x5, (0, 1, 3, 2, 4))
    xf = x5.reshape(-1)
    osc = _apool_sc(xf)
    otc = _apool_tc(xf.reshape(NPLANE, PSIZE // 128, 128))
    out = jnp.concatenate([osc, otc.reshape(-1)])
    return out.reshape(256, 2048, 1, 1)

# --- scband reference (transcript-rebuilt; emitter-appended) ---
"""Pipeline reference for scband-apool-52286931861675 (READ-ONLY COPY).

The authoritative reference and input builder live on the scoring server;
editing this copy changes nothing except your own understanding.
"""

import jax, jax.numpy as jnp
import numpy as np


def setup_inputs(seed: int = 0) -> dict:
    key = jax.random.key(seed)
    x = jax.random.normal(key, (256, 2048, 7, 7), dtype=jnp.float32)
    return {"input": x, "dim": 2}


def reference(input, dim):
    # feature = input.reshape(-1, 2048, 49)
    feature = input.reshape(-1, 2048, 49)
    # torch.sort(descending=True)[:, :, :4] == top-4 along last axis
    a, idx = jax.lax.top_k(feature, 4)
    feature = a.sum(axis=2) / 4
    feature = feature[:, :, None, None]
    return feature

if __name__ == "__main__":
    import jax
    _d = setup_inputs()
    print(jax.jit(kernel)(*tuple(_d.values())))

</pallas_src>

<mosaic_0001>
#map = affine_map<(d0, d1) -> (0)>
module attributes {stable_mosaic.version = 14 : i64} {
  func.func @_sc_body(%arg0: i32, %arg1: i32, %arg2: memref<25690112xf32, #tpu.memory_space<hbm>>, %arg3: memref<131072xf32, #tpu.memory_space<hbm>>, %arg4: memref<50176xf32, #tpu.memory_space<vmem>>, %arg5: memref<50176xf32, #tpu.memory_space<vmem>>, %arg6: memref<4096xf32, #tpu.memory_space<vmem>>, %arg7: memref<!tpu.dma_semaphore, #tpu.memory_space<semaphore_mem>>, %arg8: memref<!tpu.dma_semaphore, #tpu.memory_space<semaphore_mem>>, %arg9: memref<!tpu.dma_semaphore, #tpu.memory_space<semaphore_mem>>) attributes {dimension_semantics = [#tpu.dimension_semantics<core_parallel>, #tpu.dimension_semantics<subcore_parallel>], iteration_bounds = array<i64: 2, 16>, scalar_prefetch = 0 : i64, scratch_operands = 6 : i64, tpu.core_type = #tpu.core_type<sc_vector_subcore>, window_params = [{transform_indices = #map}, {transform_indices = #map}]} {
    %mul3A = arith.constant 2 : i32
    %mul3A_0 = arith.muli %arg1, %mul3A : i32
    %add3A = arith.addi %mul3A_0, %arg0 : i32
    %mul3A_1 = arith.constant 4096 : i32
    %mul3A_2 = arith.muli %add3A, %mul3A_1 : i32
    %add3A_3 = arith.constant 0 : i32
    %add3A_4 = arith.addi %mul3A_2, %add3A_3 : i32
    %add3A_5 = arith.constant 0 : i32
    %add3A_6 = arith.addi %add3A_5, %add3A_4 : i32
    %dma_start3A = arith.constant 0 : i32
    %dma_start3A_7 = tpu.memref_slice %arg4[%dma_start3A] : memref<50176xf32, #tpu.memory_space<vmem>> -> memref<1024xf32, #tpu.memory_space<vmem>>
    %dma_start3A_8 = tpu.memref_slice %arg2[%add3A_6] : memref<25690112xf32, #tpu.memory_space<hbm>> -> memref<1024xf32, #tpu.memory_space<hbm>>
    %dma_start3A_9 = arith.constant 0 : i32
    %dma_start3A_10 = tpu.memref_slice %arg4[%dma_start3A_9] : memref<50176xf32, #tpu.memory_space<vmem>> -> memref<1024xf32, #tpu.memory_space<vmem>>
    %dma_start3A_11 = tpu.memref_slice %arg2[%add3A_6] : memref<25690112xf32, #tpu.memory_space<hbm>> -> memref<1024xf32, #tpu.memory_space<hbm>>
    tpu.enqueue_dma source(%dma_start3A_11 : memref<1024xf32, #tpu.memory_space<hbm>>) target(%dma_start3A_10 : memref<1024xf32, #tpu.memory_space<vmem>>) target_semaphore(%arg7 : memref<!tpu.dma_semaphore, #tpu.memory_space<semaphore_mem>>)
    %add3A_12 = arith.constant 524288 : i32
    %add3A_13 = arith.addi %add3A_12, %add3A_4 : i32
    %dma_start3A_14 = arith.constant 1024 : i32
    %dma_start3A_15 = tpu.memref_slice %arg4[%dma_start3A_14] : memref<50176xf32, #tpu.memory_space<vmem>> -> memref<1024xf32, #tpu.memory_space<vmem>>
    %dma_start3A_16 = tpu.memref_slice %arg2[%add3A_13] : memref<25690112xf32, #tpu.memory_space<hbm>> -> memref<1024xf32, #tpu.memory_space<hbm>>
    %dma_start3A_17 = arith.constant 1024 : i32
    %dma_start3A_18 = tpu.memref_slice %arg4[%dma_start3A_17] : memref<50176xf32, #tpu.memory_space<vmem>> -> memref<1024xf32, #tpu.memory_space<vmem>>
    %dma_start3A_19 = tpu.memref_slice %arg2[%add3A_13] : memref<25690112xf32, #tpu.memory_space<hbm>> -> memref<1024xf32, #tpu.memory_space<hbm>>
    tpu.enqueue_dma source(%dma_start3A_19 : memref<1024xf32, #tpu.memory_space<hbm>>) target(%dma_start3A_18 : memref<1024xf32, #tpu.memory_space<vmem>>) target_semaphore(%arg7 : memref<!tpu.dma_semaphore, #tpu.memory_space<semaphore_mem>>)
    %add3A_20 = arith.constant 1048576 : i32
    %add3A_21 = arith.addi %add3A_20, %add3A_4 : i32
    %dma_start3A_22 = arith.constant 2048 : i32
    %dma_start3A_23 = tpu.memref_slice %arg4[%dma_start3A_22] : memref<50176xf32, #tpu.memory_space<vmem>> -> memref<1024xf32, #tpu.memory_space<vmem>>
    %dma_start3A_24 = tpu.memref_slice %arg2[%add3A_21] : memref<25690112xf32, #tpu.memory_space<hbm>> -> memref<1024xf32, #tpu.memory_space<hbm>>
    %dma_start3A_25 = arith.constant 2048 : i32
    %dma_start3A_26 = tpu.memref_slice %arg4[%dma_start3A_25] : memref<50176xf32, #tpu.memory_space<vmem>> -> memref<1024xf32, #tpu.memory_space<vmem>>
    %dma_start3A_27 = tpu.memref_slice %arg2[%add3A_21] : memref<25690112xf32, #tpu.memory_space<hbm>> -> memref<1024xf32, #tpu.memory_space<hbm>>
    tpu.enqueue_dma source(%dma_start3A_27 : memref<1024xf32, #tpu.memory_space<hbm>>) target(%dma_start3A_26 : memref<1024xf32, #tpu.memory_space<vmem>>) target_semaphore(%arg7 : memref<!tpu.dma_semaphore, #tpu.memory_space<semaphore_mem>>)
    %add3A_28 = arith.constant 1572864 : i32
    %add3A_29 = arith.addi %add3A_28, %add3A_4 : i32
    %dma_start3A_30 = arith.constant 3072 : i32
    %dma_start3A_31 = tpu.memref_slice %arg4[%dma_start3A_30] : memref<50176xf32, #tpu.memory_space<vmem>> -> memref<1024xf32, #tpu.memory_space<vmem>>
    %dma_start3A_32 = tpu.memref_slice %arg2[%add3A_29] : memref<25690112xf32, #tpu.memory_space<hbm>> -> memref<1024xf32, #tpu.memory_space<hbm>>
    %dma_start3A_33 = arith.constant 3072 : i32
    %dma_start3A_34 = tpu.memref_slice %arg4[%dma_start3A_33] : memref<50176xf32, #tpu.memory_space<vmem>> -> memref<1024xf32, #tpu.memory_space<vmem>>
    %dma_start3A_35 = tpu.memref_slice %arg2[%add3A_29] : memref<25690112xf32, #tpu.memory_space<hbm>> -> memref<1024xf32, #tpu.memory_space<hbm>>
    tpu.enqueue_dma source(%dma_start3A_35 : memref<1024xf32, #tpu.memory_space<hbm>>) target(%dma_start3A_34 : memref<1024xf32, #tpu.memory_space<vmem>>) target_semaphore(%arg7 : memref<!tpu.dma_semaphore, #tpu.memory_space<semaphore_mem>>)
    %add3A_36 = arith.constant 2097152 : i32
    %add3A_37 = arith.addi %add3A_36, %add3A_4 : i32
    %dma_start3A_38 = arith.constant 4096 : i32
    %dma_start3A_39 = tpu.memref_slice %arg4[%dma_start3A_38] : memref<50176xf32, #tpu.memory_space<vmem>> -> memref<1024xf32, #tpu.memory_space<vmem>>
    %dma_start3A_40 = tpu.memref_slice %arg2[%add3A_37] : memref<25690112xf32, #tpu.memory_space<hbm>> -> memref<1024xf32, #tpu.memory_space<hbm>>
    %dma_start3A_41 = arith.constant 4096 : i32
    %dma_start3A_42 = tpu.memref_slice %arg4[%dma_start3A_41] : memref<50176xf32, #tpu.memory_space<vmem>> -> memref<1024xf32, #tpu.memory_space<vmem>>
    %dma_start3A_43 = tpu.memref_slice %arg2[%add3A_37] : memref<25690112xf32, #tpu.memory_space<hbm>> -> memref<1024xf32, #tpu.memory_space<hbm>>
    tpu.enqueue_dma source(%dma_start3A_43 : memref<1024xf32, #tpu.memory_space<hbm>>) target(%dma_start3A_42 : memref<1024xf32, #tpu.memory_space<vmem>>) target_semaphore(%arg7 : memref<!tpu.dma_semaphore, #tpu.memory_space<semaphore_mem>>)
    %add3A_44 = arith.constant 2621440 : i32
    %add3A_45 = arith.addi %add3A_44, %add3A_4 : i32
    %dma_start3A_46 = arith.constant 5120 : i32
    %dma_start3A_47 = tpu.memref_slice %arg4[%dma_start3A_46] : memref<50176xf32, #tpu.memory_space<vmem>> -> memref<1024xf32, #tpu.memory_space<vmem>>
    %dma_start3A_48 = tpu.memref_slice %arg2[%add3A_45] : memref<25690112xf32, #tpu.memory_space<hbm>> -> memref<1024xf32, #tpu.memory_space<hbm>>
    %dma_start3A_49 = arith.constant 5120 : i32
    %dma_start3A_50 = tpu.memref_slice %arg4[%dma_start3A_49] : memref<50176xf32, #tpu.memory_space<vmem>> -> memref<1024xf32, #tpu.memory_space<vmem>>
    %dma_start3A_51 = tpu.memref_slice %arg2[%add3A_45] : memref<25690112xf32, #tpu.memory_space<hbm>> -> memref<1024xf32, #tpu.memory_space<hbm>>
    tpu.enqueue_dma source(%dma_start3A_51 : memref<1024xf32, #tpu.memory_space<hbm>>) target(%dma_start3A_50 : memref<1024xf32, #tpu.memory_space<vmem>>) target_semaphore(%arg7 : memref<!tpu.dma_semaphore, #tpu.memory_space<semaphore_mem>>)
    %add3A_52 = arith.constant 3145728 : i32
    %add3A_53 = arith.addi %add3A_52, %add3A_4 : i32
    %dma_start3A_54 = arith.constant 6144 : i32
    %dma_start3A_55 = tpu.memref_slice %arg4[%dma_start3A_54] : memref<50176xf32, #tpu.memory_space<vmem>> -> memref<1024xf32, #tpu.memory_space<vmem>>
    %dma_start3A_56 = tpu.memref_slice %arg2[%add3A_53] : memref<25690112xf32, #tpu.memory_space<hbm>> -> memref<1024xf32, #tpu.memory_space<hbm>>
    %dma_start3A_57 = arith.constant 6144 : i32
    %dma_start3A_58 = tpu.memref_slice %arg4[%dma_start3A_57] : memref<50176xf32, #tpu.memory_space<vmem>> -> memref<1024xf32, #tpu.memory_space<vmem>>
    %dma_start3A_59 = tpu.memref_slice %arg2[%add3A_53] : memref<25690112xf32, #tpu.memory_space<hbm>> -> memref<1024xf32, #tpu.memory_space<hbm>>
    tpu.enqueue_dma source(%dma_start3A_59 : memref<1024xf32, #tpu.memory_space<hbm>>) target(%dma_start3A_58 : memref<1024xf32, #tpu.memory_space<vmem>>) target_semaphore(%arg7 : memref<!tpu.dma_semaphore, #tpu.memory_space<semaphore_mem>>)
    %add3A_60 = arith.constant 3670016 : i32
    %add3A_61 = arith.addi %add3A_60, %add3A_4 : i32
    %dma_start3A_62 = arith.constant 7168 : i32
    %dma_start3A_63 = tpu.memref_slice %arg4[%dma_start3A_62] : memref<50176xf32, #tpu.memory_space<vmem>> -> memref<1024xf32, #tpu.memory_space<vmem>>
    %dma_start3A_64 = tpu.memref_slice %arg2[%add3A_61] : memref<25690112xf32, #tpu.memory_space<hbm>> -> memref<1024xf32, #tpu.memory_space<hbm>>
    %dma_start3A_65 = arith.constant 7168 : i32
    %dma_start3A_66 = tpu.memref_slice %arg4[%dma_start3A_65] : memref<50176xf32, #tpu.memory_space<vmem>> -> memref<1024xf32, #tpu.memory_space<vmem>>
    %dma_start3A_67 = tpu.memref_slice %arg2[%add3A_61] : memref<25690112xf32, #tpu.memory_space<hbm>> -> memref<1024xf32, #tpu.memory_space<hbm>>
    tpu.enqueue_dma source(%dma_start3A_67 : memref<1024xf32, #tpu.memory_space<hbm>>) target(%dma_start3A_66 : memref<1024xf32, #tpu.memory_space<vmem>>) target_semaphore(%arg7 : memref<!tpu.dma_semaphore, #tpu.memory_space<semaphore_mem>>)
    %add3A_68 = arith.constant 4194304 : i32
    %add3A_69 = arith.addi %add3A_68, %add3A_4 : i32
    %dma_start3A_70 = arith.constant 8192 : i32
    %dma_start3A_71 = tpu.memref_slice %arg4[%dma_start3A_70] : memref<50176xf32, #tpu.memory_space<vmem>> -> memref<1024xf32, #tpu.memory_space<vmem>>
    %dma_start3A_72 = tpu.memref_slice %arg2[%add3A_69] : memref<25690112xf32, #tpu.memory_space<hbm>> -> memref<1024xf32, #tpu.memory_space<hbm>>
    %dma_start3A_73 = arith.constant 8192 : i32
    %dma_start3A_74 = tpu.memref_slice %arg4[%dma_start3A_73] : memref<50176xf32, #tpu.memory_space<vmem>> -> memref<1024xf32, #tpu.memory_space<vmem>>
    %dma_start3A_75 = tpu.memref_slice %arg2[%add3A_69] : memref<25690112xf32, #tpu.memory_space<hbm>> -> memref<1024xf32, #tpu.memory_space<hbm>>
    tpu.enqueue_dma source(%dma_start3A_75 : memref<1024xf32, #tpu.memory_space<hbm>>) target(%dma_start3A_74 : memref<1024xf32, #tpu.memory_space<vmem>>) target_semaphore(%arg7 : memref<!tpu.dma_semaphore, #tpu.memory_space<semaphore_mem>>)
    %add3A_76 = arith.constant 4718592 : i32
    %add3A_77 = arith.addi %add3A_76, %add3A_4 : i32
    %dma_start3A_78 = arith.constant 9216 : i32
    %dma_start3A_79 = tpu.memref_slice %arg4[%dma_start3A_78] : memref<50176xf32, #tpu.memory_space<vmem>> -> memref<1024xf32, #tpu.memory_space<vmem>>
    %dma_start3A_80 = tpu.memref_slice %arg2[%add3A_77] : memref<25690112xf32, #tpu.memory_space<hbm>> -> memref<1024xf32, #tpu.memory_space<hbm>>
    %dma_start3A_81 = arith.constant 9216 : i32
    %dma_start3A_82 = tpu.memref_slice %arg4[%dma_start3A_81] : memref<50176xf32, #tpu.memory_space<vmem>> -> memref<1024xf32, #tpu.memory_space<vmem>>
    %dma_start3A_83 = tpu.memref_slice %arg2[%add3A_77] : memref<25690112xf32, #tpu.memory_space<hbm>> -> memref<1024xf32, #tpu.memory_space<hbm>>
    tpu.enqueue_dma source(%dma_start3A_83 : memref<1024xf32, #tpu.memory_space<hbm>>) target(%dma_start3A_82 : memref<1024xf32, #tpu.memory_space<vmem>>) target_semaphore(%arg7 : memref<!tpu.dma_semaphore, #tpu.memory_space<semaphore_mem>>)
    %add3A_84 = arith.constant 5242880 : i32
    %add3A_85 = arith.addi %add3A_84, %add3A_4 : i32
    %dma_start3A_86 = arith.constant 10240 : i32
    %dma_start3A_87 = tpu.memref_slice %arg4[%dma_start3A_86] : memref<50176xf32, #tpu.memory_space<vmem>> -> memref<1024xf32, #tpu.memory_space<vmem>>
    %dma_start3A_88 = tpu.memref_slice %arg2[%add3A_85] : memref<25690112xf32, #tpu.memory_space<hbm>> -> memref<1024xf32, #tpu.memory_space<hbm>>
    %dma_start3A_89 = arith.constant 10240 : i32
    %dma_start3A_90 = tpu.memref_slice %arg4[%dma_start3A_89] : memref<50176xf32, #tpu.memory_space<vmem>> -> memref<1024xf32, #tpu.memory_space<vmem>>
    %dma_start3A_91 = tpu.memref_slice %arg2[%add3A_85] : memref<25690112xf32, #tpu.memory_space<hbm>> -> memref<1024xf32, #tpu.memory_space<hbm>>
    tpu.enqueue_dma source(%dma_start3A_91 : memref<1024xf32, #tpu.memory_space<hbm>>) target(%dma_start3A_90 : memref<1024xf32, #tpu.memory_space<vmem>>) target_semaphore(%arg7 : memref<!tpu.dma_semaphore, #tpu.memory_space<semaphore_mem>>)
    %add3A_92 = arith.constant 5767168 : i32
    %add3A_93 = arith.addi %add3A_92, %add3A_4 : i32
    %dma_start3A_94 = arith.constant 11264 : i32
    %dma_start3A_95 = tpu.memref_slice %arg4[%dma_start3A_94] : memref<50176xf32, #tpu.memory_space<vmem>> -> memref<1024xf32, #tpu.memory_space<vmem>>
    %dma_start3A_96 = tpu.memref_slice %arg2[%add3A_93] : memref<25690112xf32, #tpu.memory_space<hbm>> -> memref<1024xf32, #tpu.memory_space<hbm>>
    %dma_start3A_97 = arith.constant 11264 : i32
    %dma_start3A_98 = tpu.memref_slice %arg4[%dma_start3A_97] : memref<50176xf32, #tpu.memory_space<vmem>> -> memref<1024xf32, #tpu.memory_space<vmem>>
    %dma_start3A_99 = tpu.memref_slice %arg2[%add3A_93] : memref<25690112xf32, #tpu.memory_space<hbm>> -> memref<1024xf32, #tpu.memory_space<hbm>>
    tpu.enqueue_dma source(%dma_start3A_99 : memref<1024xf32, #tpu.memory_space<hbm>>) target(%dma_start3A_98 : memref<1024xf32, #tpu.memory_space<vmem>>) target_semaphore(%arg7 : memref<!tpu.dma_semaphore, #tpu.memory_space<semaphore_mem>>)
    %add3A_100 = arith.constant 6291456 : i32
    %add3A_101 = arith.addi %add3A_100, %add3A_4 : i32
    %dma_start3A_102 = arith.constant 12288 : i32
    %dma_start3A_103 = tpu.memref_slice %arg4[%dma_start3A_102] : memref<50176xf32, #tpu.memory_space<vmem>> -> memref<1024xf32, #tpu.memory_space<vmem>>
    %dma_start3A_104 = tpu.memref_slice %arg2[%add3A_101] : memref<25690112xf32, #tpu.memory_space<hbm>> -> memref<1024xf32, #tpu.memory_space<hbm>>
    %dma_start3A_105 = arith.constant 12288 : i32
    %dma_start3A_106 = tpu.memref_slice %arg4[%dma_start3A_105] : memref<50176xf32, #tpu.memory_space<vmem>> -> memref<1024xf32, #tpu.memory_space<vmem>>
    %dma_start3A_107 = tpu.memref_slice %arg2[%add3A_101] : memref<25690112xf32, #tpu.memory_space<hbm>> -> memref<1024xf32, #tpu.memory_space<hbm>>
    tpu.enqueue_dma source(%dma_start3A_107 : memref<1024xf32, #tpu.memory_space<hbm>>) target(%dma_start3A_106 : memref<1024xf32, #tpu.memory_space<vmem>>) target_semaphore(%arg7 : memref<!tpu.dma_semaphore, #tpu.memory_space<semaphore_mem>>)
    %add3A_108 = arith.constant 6815744 : i32
    %add3A_109 = arith.addi %add3A_108, %add3A_4 : i32
    %dma_start3A_110 = arith.constant 13312 : i32
    %dma_start3A_111 = tpu.memref_slice %arg4[%dma_start3A_110] : memref<50176xf32, #tpu.memory_space<vmem>> -> memref<1024xf32, #tpu.memory_space<vmem>>
    %dma_start3A_112 = tpu.memref_slice %arg2[%add3A_109] : memref<25690112xf32, #tpu.memory_space<hbm>> -> memref<1024xf32, #tpu.memory_space<hbm>>
    %dma_start3A_113 = arith.constant 13312 : i32
    %dma_start3A_114 = tpu.memref_slice %arg4[%dma_start3A_113] : memref<50176xf32, #tpu.memory_space<vmem>> -> memref<1024xf32, #tpu.memory_space<vmem>>
    %dma_start3A_115 = tpu.memref_slice %arg2[%add3A_109] : memref<25690112xf32, #tpu.memory_space<hbm>> -> memref<1024xf32, #tpu.memory_space<hbm>>
    tpu.enqueue_dma source(%dma_start3A_115 : memref<1024xf32, #tpu.memory_space<hbm>>) target(%dma_start3A_114 : memref<1024xf32, #tpu.memory_space<vmem>>) target_semaphore(%arg7 : memref<!tpu.dma_semaphore, #tpu.memory_space<semaphore_mem>>)
    %add3A_116 = arith.constant 7340032 : i32
    %add3A_117 = arith.addi %add3A_116, %add3A_4 : i32
    %dma_start3A_118 = arith.constant 14336 : i32
    %dma_start3A_119 = tpu.memref_slice %arg4[%dma_start3A_118] : memref<50176xf32, #tpu.memory_space<vmem>> -> memref<1024xf32, #tpu.memory_space<vmem>>
    %dma_start3A_120 = tpu.memref_slice %arg2[%add3A_117] : memref<25690112xf32, #tpu.memory_space<hbm>> -> memref<1024xf32, #tpu.memory_space<hbm>>
    %dma_start3A_121 = arith.constant 14336 : i32
    %dma_start3A_122 = tpu.memref_slice %arg4[%dma_start3A_121] : memref<50176xf32, #tpu.memory_space<vmem>> -> memref<1024xf32, #tpu.memory_space<vmem>>
    %dma_start3A_123 = tpu.memref_slice %arg2[%add3A_117] : memref<25690112xf32, #tpu.memory_space<hbm>> -> memref<1024xf32, #tpu.memory_space<hbm>>
    tpu.enqueue_dma source(%dma_start3A_123 : memref<1024xf32, #tpu.memory_space<hbm>>) target(%dma_start3A_122 : memref<1024xf32, #tpu.memory_space<vmem>>) target_semaphore(%arg7 : memref<!tpu.dma_semaphore, #tpu.memory_space<semaphore_mem>>)
    %add3A_124 = arith.constant 7864320 : i32
    %add3A_125 = arith.addi %add3A_124, %add3A_4 : i32
    %dma_start3A_126 = arith.constant 15360 : i32
    %dma_start3A_127 = tpu.memref_slice %arg4[%dma_start3A_126] : memref<50176xf32, #tpu.memory_space<vmem>> -> memref<1024xf32, #tpu.memory_space<vmem>>
    %dma_start3A_128 = tpu.memref_slice %arg2[%add3A_125] : memref<25690112xf32, #tpu.memory_space<hbm>> -> memref<1024xf32, #tpu.memory_space<hbm>>
    %dma_start3A_129 = arith.constant 15360 : i32
    %dma_start3A_130 = tpu.memref_slice %arg4[%dma_start3A_129] : memref<50176xf32, #tpu.memory_space<vmem>> -> memref<1024xf32, #tpu.memory_space<vmem>>
    %dma_start3A_131 = tpu.memref_slice %arg2[%add3A_125] : memref<25690112xf32, #tpu.memory_space<hbm>> -> memref<1024xf32, #tpu.memory_space<hbm>>
    tpu.enqueue_dma source(%dma_start3A_131 : memref<1024xf32, #tpu.memory_space<hbm>>) target(%dma_start3A_130 : memref<1024xf32, #tpu.memory_space<vmem>>) target_semaphore(%arg7 : memref<!tpu.dma_semaphore, #tpu.memory_space<semaphore_mem>>)
    %add3A_132 = arith.constant 8388608 : i32
    %add3A_133 = arith.addi %add3A_132, %add3A_4 : i32
    %dma_start3A_134 = arith.constant 16384 : i32
    %dma_start3A_135 = tpu.memref_slice %arg4[%dma_start3A_134] : memref<50176xf32, #tpu.memory_space<vmem>> -> memref<1024xf32, #tpu.memory_space<vmem>>
    %dma_start3A_136 = tpu.memref_slice %arg2[%add3A_133] : memref<25690112xf32, #tpu.memory_space<hbm>> -> memref<1024xf32, #tpu.memory_space<hbm>>
    %dma_start3A_137 = arith.constant 16384 : i32
    %dma_start3A_138 = tpu.memref_slice %arg4[%dma_start3A_137] : memref<50176xf32, #tpu.memory_space<vmem>> -> memref<1024xf32, #tpu.memory_space<vmem>>
    %dma_start3A_139 = tpu.memref_slice %arg2[%add3A_133] : memref<25690112xf32, #tpu.memory_space<hbm>> -> memref<1024xf32, #tpu.memory_space<hbm>>
    tpu.enqueue_dma source(%dma_start3A_139 : memref<1024xf32, #tpu.memory_space<hbm>>) target(%dma_start3A_138 : memref<1024xf32, #tpu.memory_space<vmem>>) target_semaphore(%arg7 : memref<!tpu.dma_semaphore, #tpu.memory_space<semaphore_mem>>)
    %add3A_140 = arith.constant 8912896 : i32
    %add3A_141 = arith.addi %add3A_140, %add3A_4 : i32
    %dma_start3A_142 = arith.constant 17408 : i32
    %dma_start3A_143 = tpu.memref_slice %arg4[%dma_start3A_142] : memref<50176xf32, #tpu.memory_space<vmem>> -> memref<1024xf32, #tpu.memory_space<vmem>>
    %dma_start3A_144 = tpu.memref_slice %arg2[%add3A_141] : memref<25690112xf32, #tpu.memory_space<hbm>> -> memref<1024xf32, #tpu.memory_space<hbm>>
    %dma_start3A_145 = arith.constant 17408 : i32
    %dma_start3A_146 = tpu.memref_slice %arg4[%dma_start3A_145] : memref<50176xf32, #tpu.memory_space<vmem>> -> memref<1024xf32, #tpu.memory_space<vmem>>
    %dma_start3A_147 = tpu.memref_slice %arg2[%add3A_141] : memref<25690112xf32, #tpu.memory_space<hbm>> -> memref<1024xf32, #tpu.memory_space<hbm>>
    tpu.enqueue_dma source(%dma_start3A_147 : memref<1024xf32, #tpu.memory_space<hbm>>) target(%dma_start3A_146 : memref<1024xf32, #tpu.memory_space<vmem>>) target_semaphore(%arg7 : memref<!tpu.dma_semaphore, #tpu.memory_space<semaphore_mem>>)
    %add3A_148 = arith.constant 9437184 : i32
    %add3A_149 = arith.addi %add3A_148, %add3A_4 : i32
    %dma_start3A_150 = arith.constant 18432 : i32
    %dma_start3A_151 = tpu.memref_slice %arg4[%dma_start3A_150] : memref<50176xf32, #tpu.memory_space<vmem>> -> memref<1024xf32, #tpu.memory_space<vmem>>
    %dma_start3A_152 = tpu.memref_slice %arg2[%add3A_149] : memref<25690112xf32, #tpu.memory_space<hbm>> -> memref<1024xf32, #tpu.memory_space<hbm>>
    %dma_start3A_153 = arith.constant 18432 : i32
    %dma_start3A_154 = tpu.memref_slice %arg4[%dma_start3A_153] : memref<50176xf32, #tpu.memory_space<vmem>> -> memref<1024xf32, #tpu.memory_space<vmem>>
    %dma_start3A_155 = tpu.memref_slice %arg2[%add3A_149] : memref<25690112xf32, #tpu.memory_space<hbm>> -> memref<1024xf32, #tpu.memory_space<hbm>>
    tpu.enqueue_dma source(%dma_start3A_155 : memref<1024xf32, #tpu.memory_space<hbm>>) target(%dma_start3A_154 : memref<1024xf32, #tpu.memory_space<vmem>>) target_semaphore(%arg7 : memref<!tpu.dma_semaphore, #tpu.memory_space<semaphore_mem>>)
    %add3A_156 = arith.constant 9961472 : i32
    %add3A_157 = arith.addi %add3A_156, %add3A_4 : i32
    %dma_start3A_158 = arith.constant 19456 : i32
    %dma_start3A_159 = tpu.memref_slice %arg4[%dma_start3A_158] : memref<50176xf32, #tpu.memory_space<vmem>> -> memref<1024xf32, #tpu.memory_space<vmem>>
    %dma_start3A_160 = tpu.memref_slice %arg2[%add3A_157] : memref<25690112xf32, #tpu.memory_space<hbm>> -> memref<1024xf32, #tpu.memory_space<hbm>>
    %dma_start3A_161 = arith.constant 19456 : i32
    %dma_start3A_162 = tpu.memref_slice %arg4[%dma_start3A_161] : memref<50176xf32, #tpu.memory_space<vmem>> -> memref<1024xf32, #tpu.memory_space<vmem>>
    %dma_start3A_163 = tpu.memref_slice %arg2[%add3A_157] : memref<25690112xf32, #tpu.memory_space<hbm>> -> memref<1024xf32, #tpu.memory_space<hbm>>
    tpu.enqueue_dma source(%dma_start3A_163 : memref<1024xf32, #tpu.memory_space<hbm>>) target(%dma_start3A_162 : memref<1024xf32, #tpu.memory_space<vmem>>) target_semaphore(%arg7 : memref<!tpu.dma_semaphore, #tpu.memory_space<semaphore_mem>>)
    %add3A_164 = arith.constant 10485760 : i32
    %add3A_165 = arith.addi %add3A_164, %add3A_4 : i32
    %dma_start3A_166 = arith.constant 20480 : i32
    %dma_start3A_167 = tpu.memref_slice %arg4[%dma_start3A_166] : memref<50176xf32, #tpu.memory_space<vmem>> -> memref<1024xf32, #tpu.memory_space<vmem>>
    %dma_start3A_168 = tpu.memref_slice %arg2[%add3A_165] : memref<25690112xf32, #tpu.memory_space<hbm>> -> memref<1024xf32, #tpu.memory_space<hbm>>
    %dma_start3A_169 = arith.constant 20480 : i32
    %dma_start3A_170 = tpu.memref_slice %arg4[%dma_start3A_169] : memref<50176xf32, #tpu.memory_space<vmem>> -> memref<1024xf32, #tpu.memory_space<vmem>>
    %dma_start3A_171 = tpu.memref_slice %arg2[%add3A_165] : memref<25690112xf32, #tpu.memory_space<hbm>> -> memref<1024xf32, #tpu.memory_space<hbm>>
    tpu.enqueue_dma source(%dma_start3A_171 : memref<1024xf32, #tpu.memory_space<hbm>>) target(%dma_start3A_170 : memref<1024xf32, #tpu.memory_space<vmem>>) target_semaphore(%arg7 : memref<!tpu.dma_semaphore, #tpu.memory_space<semaphore_mem>>)
    %add3A_172 = arith.constant 11010048 : i32
    %add3A_173 = arith.addi %add3A_172, %add3A_4 : i32
    %dma_start3A_174 = arith.constant 21504 : i32
    %dma_start3A_175 = tpu.memref_slice %arg4[%dma_start3A_174] : memref<50176xf32, #tpu.memory_space<vmem>> -> memref<1024xf32, #tpu.memory_space<vmem>>
    %dma_start3A_176 = tpu.memref_slice %arg2[%add3A_173] : memref<25690112xf32, #tpu.memory_space<hbm>> -> memref<1024xf32, #tpu.memory_space<hbm>>
    %dma_start3A_177 = arith.constant 21504 : i32
    %dma_start3A_178 = tpu.memref_slice %arg4[%dma_start3A_177] : memref<50176xf32, #tpu.memory_space<vmem>> -> memref<1024xf32, #tpu.memory_space<vmem>>
    %dma_start3A_179 = tpu.memref_slice %arg2[%add3A_173] : memref<25690112xf32, #tpu.memory_space<hbm>> -> memref<1024xf32, #tpu.memory_space<hbm>>
    tpu.enqueue_dma source(%dma_start3A_179 : memref<1024xf32, #tpu.memory_space<hbm>>) target(%dma_start3A_178 : memref<1024xf32, #tpu.memory_space<vmem>>) target_semaphore(%arg7 : memref<!tpu.dma_semaphore, #tpu.memory_space<semaphore_mem>>)
    %add3A_180 = arith.constant 11534336 : i32
    %add3A_181 = arith.addi %add3A_180, %add3A_4 : i32
    %dma_start3A_182 = arith.constant 22528 : i32
    %dma_start3A_183 = tpu.memref_slice %arg4[%dma_start3A_182] : memref<50176xf32, #tpu.memory_space<vmem>> -> memref<1024xf32, #tpu.memory_space<vmem>>
    %dma_start3A_184 = tpu.memref_slice %arg2[%add3A_181] : memref<25690112xf32, #tpu.memory_space<hbm>> -> memref<1024xf32, #tpu.memory_space<hbm>>
    %dma_start3A_185 = arith.constant 22528 : i32
    %dma_start3A_186 = tpu.memref_slice %arg4[%dma_start3A_185] : memref<50176xf32, #tpu.memory_space<vmem>> -> memref<1024xf32, #tpu.memory_space<vmem>>
    %dma_start3A_187 = tpu.memref_slice %arg2[%add3A_181] : memref<25690112xf32, #tpu.memory_space<hbm>> -> memref<1024xf32, #tpu.memory_space<hbm>>
    tpu.enqueue_dma source(%dma_start3A_187 : memref<1024xf32, #tpu.memory_space<hbm>>) target(%dma_start3A_186 : memref<1024xf32, #tpu.memory_space<vmem>>) target_semaphore(%arg7 : memref<!tpu.dma_semaphore, #tpu.memory_space<semaphore_mem>>)
    %add3A_188 = arith.constant 12058624 : i32
    %add3A_189 = arith.addi %add3A_188, %add3A_4 : i32
    %dma_start3A_190 = arith.constant 23552 : i32
    %dma_start3A_191 = tpu.memref_slice %arg4[%dma_start3A_190] : memref<50176xf32, #tpu.memory_space<vmem>> -> memref<1024xf32, #tpu.memory_space<vmem>>
    %dma_start3A_192 = tpu.memref_slice %arg2[%add3A_189] : memref<25690112xf32, #tpu.memory_space<hbm>> -> memref<1024xf32, #tpu.memory_space<hbm>>
    %dma_start3A_193 = arith.constant 23552 : i32
    %dma_start3A_194 = tpu.memref_slice %arg4[%dma_start3A_193] : memref<50176xf32, #tpu.memory_space<vmem>> -> memref<1024xf32, #tpu.memory_space<vmem>>
    %dma_start3A_195 = tpu.memref_slice %arg2[%add3A_189] : memref<25690112xf32, #tpu.memory_space<hbm>> -> memref<1024xf32, #tpu.memory_space<hbm>>
    tpu.enqueue_dma source(%dma_start3A_195 : memref<1024xf32, #tpu.memory_space<hbm>>) target(%dma_start3A_194 : memref<1024xf32, #tpu.memory_space<vmem>>) target_semaphore(%arg7 : memref<!tpu.dma_semaphore, #tpu.memory_space<semaphore_mem>>)
    %add3A_196 = arith.constant 12582912 : i32
    %add3A_197 = arith.addi %add3A_196, %add3A_4 : i32
    %dma_start3A_198 = arith.constant 24576 : i32
    %dma_start3A_199 = tpu.memref_slice %arg4[%dma_start3A_198] : memref<50176xf32, #tpu.memory_space<vmem>> -> memref<1024xf32, #tpu.memory_space<vmem>>
    %dma_start3A_200 = tpu.memref_slice %arg2[%add3A_197] : memref<25690112xf32, #tpu.memory_space<hbm>> -> memref<1024xf32, #tpu.memory_space<hbm>>
    %dma_start3A_201 = arith.constant 24576 : i32
    %dma_start3A_202 = tpu.memref_slice %arg4[%dma_start3A_201] : memref<50176xf32, #tpu.memory_space<vmem>> -> memref<1024xf32, #tpu.memory_space<vmem>>
    %dma_start3A_203 = tpu.memref_slice %arg2[%add3A_197] : memref<25690112xf32, #tpu.memory_space<hbm>> -> memref<1024xf32, #tpu.memory_space<hbm>>
    tpu.enqueue_dma source(%dma_start3A_203 : memref<1024xf32, #tpu.memory_space<hbm>>) target(%dma_start3A_202 : memref<1024xf32, #tpu.memory_space<vmem>>) target_semaphore(%arg7 : memref<!tpu.dma_semaphore, #tpu.memory_space<semaphore_mem>>)
    %add3A_204 = arith.constant 13107200 : i32
    %add3A_205 = arith.addi %add3A_204, %add3A_4 : i32
    %dma_start3A_206 = arith.constant 25600 : i32
    %dma_start3A_207 = tpu.memref_slice %arg4[%dma_start3A_206] : memref<50176xf32, #tpu.memory_space<vmem>> -> memref<1024xf32, #tpu.memory_space<vmem>>
    %dma_start3A_208 = tpu.memref_slice %arg2[%add3A_205] : memref<25690112xf32, #tpu.memory_space<hbm>> -> memref<1024xf32, #tpu.memory_space<hbm>>
    %dma_start3A_209 = arith.constant 25600 : i32
    %dma_start3A_210 = tpu.memref_slice %arg4[%dma_start3A_209] : memref<50176xf32, #tpu.memory_space<vmem>> -> memref<1024xf32, #tpu.memory_space<vmem>>
    %dma_start3A_211 = tpu.memref_slice %arg2[%add3A_205] : memref<25690112xf32, #tpu.memory_space<hbm>> -> memref<1024xf32, #tpu.memory_space<hbm>>
    tpu.enqueue_dma source(%dma_start3A_211 : memref<1024xf32, #tpu.memory_space<hbm>>) target(%dma_start3A_210 : memref<1024xf32, #tpu.memory_space<vmem>>) target_semaphore(%arg7 : memref<!tpu.dma_semaphore, #tpu.memory_space<semaphore_mem>>)
    %add3A_212 = arith.constant 13631488 : i32
    %add3A_213 = arith.addi %add3A_212, %add3A_4 : i32
    %dma_start3A_214 = arith.constant 26624 : i32
    %dma_start3A_215 = tpu.memref_slice %arg4[%dma_start3A_214] : memref<50176xf32, #tpu.memory_space<vmem>> -> memref<1024xf32, #tpu.memory_space<vmem>>
    %dma_start3A_216 = tpu.memref_slice %arg2[%add3A_213] : memref<25690112xf32, #tpu.memory_space<hbm>> -> memref<1024xf32, #tpu.memory_space<hbm>>
    %dma_start3A_217 = arith.constant 26624 : i32
    %dma_start3A_218 = tpu.memref_slice %arg4[%dma_start3A_217] : memref<50176xf32, #tpu.memory_space<vmem>> -> memref<1024xf32, #tpu.memory_space<vmem>>
    %dma_start3A_219 = tpu.memref_slice %arg2[%add3A_213] : memref<25690112xf32, #tpu.memory_space<hbm>> -> memref<1024xf32, #tpu.memory_space<hbm>>
    tpu.enqueue_dma source(%dma_start3A_219 : memref<1024xf32, #tpu.memory_space<hbm>>) target(%dma_start3A_218 : memref<1024xf32, #tpu.memory_space<vmem>>) target_semaphore(%arg7 : memref<!tpu.dma_semaphore, #tpu.memory_space<semaphore_mem>>)
    %add3A_220 = arith.constant 14155776 : i32
    %add3A_221 = arith.addi %add3A_220, %add3A_4 : i32
    %dma_start3A_222 = arith.constant 27648 : i32
    %dma_start3A_223 = tpu.memref_slice %arg4[%dma_start3A_222] : memref<50176xf32, #tpu.memory_space<vmem>> -> memref<1024xf32, #tpu.memory_space<vmem>>
    %dma_start3A_224 = tpu.memref_slice %arg2[%add3A_221] : memref<25690112xf32, #tpu.memory_space<hbm>> -> memref<1024xf32, #tpu.memory_space<hbm>>
    %dma_start3A_225 = arith.constant 27648 : i32
    %dma_start3A_226 = tpu.memref_slice %arg4[%dma_start3A_225] : memref<50176xf32, #tpu.memory_space<vmem>> -> memref<1024xf32, #tpu.memory_space<vmem>>
    %dma_start3A_227 = tpu.memref_slice %arg2[%add3A_221] : memref<25690112xf32, #tpu.memory_space<hbm>> -> memref<1024xf32, #tpu.memory_space<hbm>>
    tpu.enqueue_dma source(%dma_start3A_227 : memref<1024xf32, #tpu.memory_space<hbm>>) target(%dma_start3A_226 : memref<1024xf32, #tpu.memory_space<vmem>>) target_semaphore(%arg7 : memref<!tpu.dma_semaphore, #tpu.memory_space<semaphore_mem>>)
    %add3A_228 = arith.constant 14680064 : i32
    %add3A_229 = arith.addi %add3A_228, %add3A_4 : i32
    %dma_start3A_230 = arith.constant 28672 : i32
    %dma_start3A_231 = tpu.memref_slice %arg4[%dma_start3A_230] : memref<50176xf32, #tpu.memory_space<vmem>> -> memref<1024xf32, #tpu.memory_space<vmem>>
    %dma_start3A_232 = tpu.memref_slice %arg2[%add3A_229] : memref<25690112xf32, #tpu.memory_space<hbm>> -> memref<1024xf32, #tpu.memory_space<hbm>>
    %dma_start3A_233 = arith.constant 28672 : i32
    %dma_start3A_234 = tpu.memref_slice %arg4[%dma_start3A_233] : memref<50176xf32, #tpu.memory_space<vmem>> -> memref<1024xf32, #tpu.memory_space<vmem>>
    %dma_start3A_235 = tpu.memref_slice %arg2[%add3A_229] : memref<25690112xf32, #tpu.memory_space<hbm>> -> memref<1024xf32, #tpu.memory_space<hbm>>
    tpu.enqueue_dma source(%dma_start3A_235 : memref<1024xf32, #tpu.memory_space<hbm>>) target(%dma_start3A_234 : memref<1024xf32, #tpu.memory_space<vmem>>) target_semaphore(%arg7 : memref<!tpu.dma_semaphore, #tpu.memory_space<semaphore_mem>>)
    %add3A_236 = arith.constant 15204352 : i32
    %add3A_237 = arith.addi %add3A_236, %add3A_4 : i32
    %dma_start3A_238 = arith.constant 29696 : i32
    %dma_start3A_239 = tpu.memref_slice %arg4[%dma_start3A_238] : memref<50176xf32, #tpu.memory_space<vmem>> -> memref<1024xf32, #tpu.memory_space<vmem>>
    %dma_start3A_240 = tpu.memref_slice %arg2[%add3A_237] : memref<25690112xf32, #tpu.memory_space<hbm>> -> memref<1024xf32, #tpu.memory_space<hbm>>
    %dma_start3A_241 = arith.constant 29696 : i32
    %dma_start3A_242 = tpu.memref_slice %arg4[%dma_start3A_241] : memref<50176xf32, #tpu.memory_space<vmem>> -> memref<1024xf32, #tpu.memory_space<vmem>>
    %dma_start3A_243 = tpu.memref_slice %arg2[%add3A_237] : memref<25690112xf32, #tpu.memory_space<hbm>> -> memref<1024xf32, #tpu.memory_space<hbm>>
    tpu.enqueue_dma source(%dma_start3A_243 : memref<1024xf32, #tpu.memory_space<hbm>>) target(%dma_start3A_242 : memref<1024xf32, #tpu.memory_space<vmem>>) target_semaphore(%arg7 : memref<!tpu.dma_semaphore, #tpu.memory_space<semaphore_mem>>)
    %add3A_244 = arith.constant 15728640 : i32
    %add3A_245 = arith.addi %add3A_244, %add3A_4 : i32
    %dma_start3A_246 = arith.constant 30720 : i32
    %dma_start3A_247 = tpu.memref_slice %arg4[%dma_start3A_246] : memref<50176xf32, #tpu.memory_space<vmem>> -> memref<1024xf32, #tpu.memory_space<vmem>>
    %dma_start3A_248 = tpu.memref_slice %arg2[%add3A_245] : memref<25690112xf32, #tpu.memory_space<hbm>> -> memref<1024xf32, #tpu.memory_space<hbm>>
    %dma_start3A_249 = arith.constant 30720 : i32
    %dma_start3A_250 = tpu.memref_slice %arg4[%dma_start3A_249] : memref<50176xf32, #tpu.memory_space<vmem>> -> memref<1024xf32, #tpu.memory_space<vmem>>
    %dma_start3A_251 = tpu.memref_slice %arg2[%add3A_245] : memref<25690112xf32, #tpu.memory_space<hbm>> -> memref<1024xf32, #tpu.memory_space<hbm>>
    tpu.enqueue_dma source(%dma_start3A_251 : memref<1024xf32, #tpu.memory_space<hbm>>) target(%dma_start3A_250 : memref<1024xf32, #tpu.memory_space<vmem>>) target_semaphore(%arg7 : memref<!tpu.dma_semaphore, #tpu.memory_space<semaphore_mem>>)
    %add3A_252 = arith.constant 16252928 : i32
    %add3A_253 = arith.addi %add3A_252, %add3A_4 : i32
    %dma_start3A_254 = arith.constant 31744 : i32
    %dma_start3A_255 = tpu.memref_slice %arg4[%dma_start3A_254] : memref<50176xf32, #tpu.memory_space<vmem>> -> memref<1024xf32, #tpu.memory_space<vmem>>
    %dma_start3A_256 = tpu.memref_slice %arg2[%add3A_253] : memref<25690112xf32, #tpu.memory_space<hbm>> -> memref<1024xf32, #tpu.memory_space<hbm>>
    %dma_start3A_257 = arith.constant 31744 : i32
    %dma_start3A_258 = tpu.memref_slice %arg4[%dma_start3A_257] : memref<50176xf32, #tpu.memory_space<vmem>> -> memref<1024xf32, #tpu.memory_space<vmem>>
    %dma_start3A_259 = tpu.memref_slice %arg2[%add3A_253] : memref<25690112xf32, #tpu.memory_space<hbm>> -> memref<1024xf32, #tpu.memory_space<hbm>>
    tpu.enqueue_dma source(%dma_start3A_259 : memref<1024xf32, #tpu.memory_space<hbm>>) target(%dma_start3A_258 : memref<1024xf32, #tpu.memory_space<vmem>>) target_semaphore(%arg7 : memref<!tpu.dma_semaphore, #tpu.memory_space<semaphore_mem>>)
    %add3A_260 = arith.constant 16777216 : i32
    %add3A_261 = arith.addi %add3A_260, %add3A_4 : i32
    %dma_start3A_262 = arith.constant 32768 : i32
    %dma_start3A_263 = tpu.memref_slice %arg4[%dma_start3A_262] : memref<50176xf32, #tpu.memory_space<vmem>> -> memref<1024xf32, #tpu.memory_space<vmem>>
    %dma_start3A_264 = tpu.memref_slice %arg2[%add3A_261] : memref<25690112xf32, #tpu.memory_space<hbm>> -> memref<1024xf32, #tpu.memory_space<hbm>>
    %dma_start3A_265 = arith.constant 32768 : i32
    %dma_start3A_266 = tpu.memref_slice %arg4[%dma_start3A_265] : memref<50176xf32, #tpu.memory_space<vmem>> -> memref<1024xf32, #tpu.memory_space<vmem>>
    %dma_start3A_267 = tpu.memref_slice %arg2[%add3A_261] : memref<25690112xf32, #tpu.memory_space<hbm>> -> memref<1024xf32, #tpu.memory_space<hbm>>
    tpu.enqueue_dma source(%dma_start3A_267 : memref<1024xf32, #tpu.memory_space<hbm>>) target(%dma_start3A_266 : memref<1024xf32, #tpu.memory_space<vmem>>) target_semaphore(%arg7 : memref<!tpu.dma_semaphore, #tpu.memory_space<semaphore_mem>>)
    %add3A_268 = arith.constant 17301504 : i32
    %add3A_269 = arith.addi %add3A_268, %add3A_4 : i32
    %dma_start3A_270 = arith.constant 33792 : i32
    %dma_start3A_271 = tpu.memref_slice %arg4[%dma_start3A_270] : memref<50176xf32, #tpu.memory_space<vmem>> -> memref<1024xf32, #tpu.memory_space<vmem>>
    %dma_start3A_272 = tpu.memref_slice %arg2[%add3A_269] : memref<25690112xf32, #tpu.memory_space<hbm>> -> memref<1024xf32, #tpu.memory_space<hbm>>
    %dma_start3A_273 = arith.constant 33792 : i32
    %dma_start3A_274 = tpu.memref_slice %arg4[%dma_start3A_273] : memref<50176xf32, #tpu.memory_space<vmem>> -> memref<1024xf32, #tpu.memory_space<vmem>>
    %dma_start3A_275 = tpu.memref_slice %arg2[%add3A_269] : memref<25690112xf32, #tpu.memory_space<hbm>> -> memref<1024xf32, #tpu.memory_space<hbm>>
    tpu.enqueue_dma source(%dma_start3A_275 : memref<1024xf32, #tpu.memory_space<hbm>>) target(%dma_start3A_274 : memref<1024xf32, #tpu.memory_space<vmem>>) target_semaphore(%arg7 : memref<!tpu.dma_semaphore, #tpu.memory_space<semaphore_mem>>)
    %add3A_276 = arith.constant 17825792 : i32
    %add3A_277 = arith.addi %add3A_276, %add3A_4 : i32
    %dma_start3A_278 = arith.constant 34816 : i32
    %dma_start3A_279 = tpu.memref_slice %arg4[%dma_start3A_278] : memref<50176xf32, #tpu.memory_space<vmem>> -> memref<1024xf32, #tpu.memory_space<vmem>>
    %dma_start3A_280 = tpu.memref_slice %arg2[%add3A_277] : memref<25690112xf32, #tpu.memory_space<hbm>> -> memref<1024xf32, #tpu.memory_space<hbm>>
    %dma_start3A_281 = arith.constant 34816 : i32
    %dma_start3A_282 = tpu.memref_slice %arg4[%dma_start3A_281] : memref<50176xf32, #tpu.memory_space<vmem>> -> memref<1024xf32, #tpu.memory_space<vmem>>
    %dma_start3A_283 = tpu.memref_slice %arg2[%add3A_277] : memref<25690112xf32, #tpu.memory_space<hbm>> -> memref<1024xf32, #tpu.memory_space<hbm>>
    tpu.enqueue_dma source(%dma_start3A_283 : memref<1024xf32, #tpu.memory_space<hbm>>) target(%dma_start3A_282 : memref<1024xf32, #tpu.memory_space<vmem>>) target_semaphore(%arg7 : memref<!tpu.dma_semaphore, #tpu.memory_space<semaphore_mem>>)
    %add3A_284 = arith.constant 18350080 : i32
    %add3A_285 = arith.addi %add3A_284, %add3A_4 : i32
    %dma_start3A_286 = arith.constant 35840 : i32
    %dma_start3A_287 = tpu.memref_slice %arg4[%dma_start3A_286] : memref<50176xf32, #tpu.memory_space<vmem>> -> memref<1024xf32, #tpu.memory_space<vmem>>
    %dma_start3A_288 = tpu.memref_slice %arg2[%add3A_285] : memref<25690112xf32, #tpu.memory_space<hbm>> -> memref<1024xf32, #tpu.memory_space<hbm>>
    %dma_start3A_289 = arith.constant 35840 : i32
    %dma_start3A_290 = tpu.memref_slice %arg4[%dma_start3A_289] : memref<50176xf32, #tpu.memory_space<vmem>> -> memref<1024xf32, #tpu.memory_space<vmem>>
    %dma_start3A_291 = tpu.memref_slice %arg2[%add3A_285] : memref<25690112xf32, #tpu.memory_space<hbm>> -> memref<1024xf32, #tpu.memory_space<hbm>>
    tpu.enqueue_dma source(%dma_start3A_291 : memref<1024xf32, #tpu.memory_space<hbm>>) target(%dma_start3A_290 : memref<1024xf32, #tpu.memory_space<vmem>>) target_semaphore(%arg7 : memref<!tpu.dma_semaphore, #tpu.memory_space<semaphore_mem>>)
    %add3A_292 = arith.constant 18874368 : i32
    %add3A_293 = arith.addi %add3A_292, %add3A_4 : i32
    %dma_start3A_294 = arith.constant 36864 : i32
    %dma_start3A_295 = tpu.memref_slice %arg4[%dma_start3A_294] : memref<50176xf32, #tpu.memory_space<vmem>> -> memref<1024xf32, #tpu.memory_space<vmem>>
    %dma_start3A_296 = tpu.memref_slice %arg2[%add3A_293] : memref<25690112xf32, #tpu.memory_space<hbm>> -> memref<1024xf32, #tpu.memory_space<hbm>>
    %dma_start3A_297 = arith.constant 36864 : i32
    %dma_start3A_298 = tpu.memref_slice %arg4[%dma_start3A_297] : memref<50176xf32, #tpu.memory_space<vmem>> -> memref<1024xf32, #tpu.memory_space<vmem>>
    %dma_start3A_299 = tpu.memref_slice %arg2[%add3A_293] : memref<25690112xf32, #tpu.memory_space<hbm>> -> memref<1024xf32, #tpu.memory_space<hbm>>
    tpu.enqueue_dma source(%dma_start3A_299 : memref<1024xf32, #tpu.memory_space<hbm>>) target(%dma_start3A_298 : memref<1024xf32, #tpu.memory_space<vmem>>) target_semaphore(%arg7 : memref<!tpu.dma_semaphore, #tpu.memory_space<semaphore_mem>>)
    %add3A_300 = arith.constant 19398656 : i32
    %add3A_301 = arith.addi %add3A_300, %add3A_4 : i32
    %dma_start3A_302 = arith.constant 37888 : i32
    %dma_start3A_303 = tpu.memref_slice %arg4[%dma_start3A_302] : memref<50176xf32, #tpu.memory_space<vmem>> -> memref<1024xf32, #tpu.memory_space<vmem>>
    %dma_start3A_304 = tpu.memref_slice %arg2[%add3A_301] : memref<25690112xf32, #tpu.memory_space<hbm>> -> memref<1024xf32, #tpu.memory_space<hbm>>
    %dma_start3A_305 = arith.constant 37888 : i32
    %dma_start3A_306 = tpu.memref_slice %arg4[%dma_start3A_305] : memref<50176xf32, #tpu.memory_space<vmem>> -> memref<1024xf32, #tpu.memory_space<vmem>>
    %dma_start3A_307 = tpu.memref_slice %arg2[%add3A_301] : memref<25690112xf32, #tpu.memory_space<hbm>> -> memref<1024xf32, #tpu.memory_space<hbm>>
    tpu.enqueue_dma source(%dma_start3A_307 : memref<1024xf32, #tpu.memory_space<hbm>>) target(%dma_start3A_306 : memref<1024xf32, #tpu.memory_space<vmem>>) target_semaphore(%arg7 : memref<!tpu.dma_semaphore, #tpu.memory_space<semaphore_mem>>)
    %add3A_308 = arith.constant 19922944 : i32
    %add3A_309 = arith.addi %add3A_308, %add3A_4 : i32
    %dma_start3A_310 = arith.constant 38912 : i32
    %dma_start3A_311 = tpu.memref_slice %arg4[%dma_start3A_310] : memref<50176xf32, #tpu.memory_space<vmem>> -> memref<1024xf32, #tpu.memory_space<vmem>>
    %dma_start3A_312 = tpu.memref_slice %arg2[%add3A_309] : memref<25690112xf32, #tpu.memory_space<hbm>> -> memref<1024xf32, #tpu.memory_space<hbm>>
    %dma_start3A_313 = arith.constant 38912 : i32
    %dma_start3A_314 = tpu.memref_slice %arg4[%dma_start3A_313] : memref<50176xf32, #tpu.memory_space<vmem>> -> memref<1024xf32, #tpu.memory_space<vmem>>
    %dma_start3A_315 = tpu.memref_slice %arg2[%add3A_309] : memref<25690112xf32, #tpu.memory_space<hbm>> -> memref<1024xf32, #tpu.memory_space<hbm>>
    tpu.enqueue_dma source(%dma_start3A_315 : memref<1024xf32, #tpu.memory_space<hbm>>) target(%dma_start3A_314 : memref<1024xf32, #tpu.memory_space<vmem>>) target_semaphore(%arg7 : memref<!tpu.dma_semaphore, #tpu.memory_space<semaphore_mem>>)
    %add3A_316 = arith.constant 20447232 : i32
    %add3A_317 = arith.addi %add3A_316, %add3A_4 : i32
    %dma_start3A_318 = arith.constant 39936 : i32
    %dma_start3A_319 = tpu.memref_slice %arg4[%dma_start3A_318] : memref<50176xf32, #tpu.memory_space<vmem>> -> memref<1024xf32, #tpu.memory_space<vmem>>
    %dma_start3A_320 = tpu.memref_slice %arg2[%add3A_317] : memref<25690112xf32, #tpu.memory_space<hbm>> -> memref<1024xf32, #tpu.memory_space<hbm>>
    %dma_start3A_321 = arith.constant 39936 : i32
    %dma_start3A_322 = tpu.memref_slice %arg4[%dma_start3A_321] : memref<50176xf32, #tpu.memory_space<vmem>> -> memref<1024xf32, #tpu.memory_space<vmem>>
    %dma_start3A_323 = tpu.memref_slice %arg2[%add3A_317] : memref<25690112xf32, #tpu.memory_space<hbm>> -> memref<1024xf32, #tpu.memory_space<hbm>>
    tpu.enqueue_dma source(%dma_start3A_323 : memref<1024xf32, #tpu.memory_space<hbm>>) target(%dma_start3A_322 : memref<1024xf32, #tpu.memory_space<vmem>>) target_semaphore(%arg7 : memref<!tpu.dma_semaphore, #tpu.memory_space<semaphore_mem>>)
    %add3A_324 = arith.constant 20971520 : i32
    %add3A_325 = arith.addi %add3A_324, %add3A_4 : i32
    %dma_start3A_326 = arith.constant 40960 : i32
    %dma_start3A_327 = tpu.memref_slice %arg4[%dma_start3A_326] : memref<50176xf32, #tpu.memory_space<vmem>> -> memref<1024xf32, #tpu.memory_space<vmem>>
    %dma_start3A_328 = tpu.memref_slice %arg2[%add3A_325] : memref<25690112xf32, #tpu.memory_space<hbm>> -> memref<1024xf32, #tpu.memory_space<hbm>>
    %dma_start3A_329 = arith.constant 40960 : i32
    %dma_start3A_330 = tpu.memref_slice %arg4[%dma_start3A_329] : memref<50176xf32, #tpu.memory_space<vmem>> -> memref<1024xf32, #tpu.memory_space<vmem>>
    %dma_start3A_331 = tpu.memref_slice %arg2[%add3A_325] : memref<25690112xf32, #tpu.memory_space<hbm>> -> memref<1024xf32, #tpu.memory_space<hbm>>
    tpu.enqueue_dma source(%dma_start3A_331 : memref<1024xf32, #tpu.memory_space<hbm>>) target(%dma_start3A_330 : memref<1024xf32, #tpu.memory_space<vmem>>) target_semaphore(%arg7 : memref<!tpu.dma_semaphore, #tpu.memory_space<semaphore_mem>>)
    %add3A_332 = arith.constant 21495808 : i32
    %add3A_333 = arith.addi %add3A_332, %add3A_4 : i32
    %dma_start3A_334 = arith.constant 41984 : i32
    %dma_start3A_335 = tpu.memref_slice %arg4[%dma_start3A_334] : memref<50176xf32, #tpu.memory_space<vmem>> -> memref<1024xf32, #tpu.memory_space<vmem>>
    %dma_start3A_336 = tpu.memref_slice %arg2[%add3A_333] : memref<25690112xf32, #tpu.memory_space<hbm>> -> memref<1024xf32, #tpu.memory_space<hbm>>
    %dma_start3A_337 = arith.constant 41984 : i32
    %dma_start3A_338 = tpu.memref_slice %arg4[%dma_start3A_337] : memref<50176xf32, #tpu.memory_space<vmem>> -> memref<1024xf32, #tpu.memory_space<vmem>>
    %dma_start3A_339 = tpu.memref_slice %arg2[%add3A_333] : memref<25690112xf32, #tpu.memory_space<hbm>> -> memref<1024xf32, #tpu.memory_space<hbm>>
    tpu.enqueue_dma source(%dma_start3A_339 : memref<1024xf32, #tpu.memory_space<hbm>>) target(%dma_start3A_338 : memref<1024xf32, #tpu.memory_space<vmem>>) target_semaphore(%arg7 : memref<!tpu.dma_semaphore, #tpu.memory_space<semaphore_mem>>)
    %add3A_340 = arith.constant 22020096 : i32
    %add3A_341 = arith.addi %add3A_340, %add3A_4 : i32
    %dma_start3A_342 = arith.constant 43008 : i32
    %dma_start3A_343 = tpu.memref_slice %arg4[%dma_start3A_342] : memref<50176xf32, #tpu.memory_space<vmem>> -> memref<1024xf32, #tpu.memory_space<vmem>>
    %dma_start3A_344 = tpu.memref_slice %arg2[%add3A_341] : memref<25690112xf32, #tpu.memory_space<hbm>> -> memref<1024xf32, #tpu.memory_space<hbm>>
    %dma_start3A_345 = arith.constant 43008 : i32
    %dma_start3A_346 = tpu.memref_slice %arg4[%dma_start3A_345] : memref<50176xf32, #tpu.memory_space<vmem>> -> memref<1024xf32, #tpu.memory_space<vmem>>
    %dma_start3A_347 = tpu.memref_slice %arg2[%add3A_341] : memref<25690112xf32, #tpu.memory_space<hbm>> -> memref<1024xf32, #tpu.memory_space<hbm>>
    tpu.enqueue_dma source(%dma_start3A_347 : memref<1024xf32, #tpu.memory_space<hbm>>) target(%dma_start3A_346 : memref<1024xf32, #tpu.memory_space<vmem>>) target_semaphore(%arg7 : memref<!tpu.dma_semaphore, #tpu.memory_space<semaphore_mem>>)
    %add3A_348 = arith.constant 22544384 : i32
    %add3A_349 = arith.addi %add3A_348, %add3A_4 : i32
    %dma_start3A_350 = arith.constant 44032 : i32
    %dma_start3A_351 = tpu.memref_slice %arg4[%dma_start3A_350] : memref<50176xf32, #tpu.memory_space<vmem>> -> memref<1024xf32, #tpu.memory_space<vmem>>
    %dma_start3A_352 = tpu.memref_slice %arg2[%add3A_349] : memref<25690112xf32, #tpu.memory_space<hbm>> -> memref<1024xf32, #tpu.memory_space<hbm>>
    %dma_start3A_353 = arith.constant 44032 : i32
    %dma_start3A_354 = tpu.memref_slice %arg4[%dma_start3A_353] : memref<50176xf32, #tpu.memory_space<vmem>> -> memref<1024xf32, #tpu.memory_space<vmem>>
    %dma_start3A_355 = tpu.memref_slice %arg2[%add3A_349] : memref<25690112xf32, #tpu.memory_space<hbm>> -> memref<1024xf32, #tpu.memory_space<hbm>>
    tpu.enqueue_dma source(%dma_start3A_355 : memref<1024xf32, #tpu.memory_space<hbm>>) target(%dma_start3A_354 : memref<1024xf32, #tpu.memory_space<vmem>>) target_semaphore(%arg7 : memref<!tpu.dma_semaphore, #tpu.memory_space<semaphore_mem>>)
    %add3A_356 = arith.constant 23068672 : i32
    %add3A_357 = arith.addi %add3A_356, %add3A_4 : i32
    %dma_start3A_358 = arith.constant 45056 : i32
    %dma_start3A_359 = tpu.memref_slice %arg4[%dma_start3A_358] : memref<50176xf32, #tpu.memory_space<vmem>> -> memref<1024xf32, #tpu.memory_space<vmem>>
    %dma_start3A_360 = tpu.memref_slice %arg2[%add3A_357] : memref<25690112xf32, #tpu.memory_space<hbm>> -> memref<1024xf32, #tpu.memory_space<hbm>>
    %dma_start3A_361 = arith.constant 45056 : i32
    %dma_start3A_362 = tpu.memref_slice %arg4[%dma_start3A_361] : memref<50176xf32, #tpu.memory_space<vmem>> -> memref<1024xf32, #tpu.memory_space<vmem>>
    %dma_start3A_363 = tpu.memref_slice %arg2[%add3A_357] : memref<25690112xf32, #tpu.memory_space<hbm>> -> memref<1024xf32, #tpu.memory_space<hbm>>
    tpu.enqueue_dma source(%dma_start3A_363 : memref<1024xf32, #tpu.memory_space<hbm>>) target(%dma_start3A_362 : memref<1024xf32, #tpu.memory_space<vmem>>) target_semaphore(%arg7 : memref<!tpu.dma_semaphore, #tpu.memory_space<semaphore_mem>>)
    %add3A_364 = arith.constant 23592960 : i32
    %add3A_365 = arith.addi %add3A_364, %add3A_4 : i32
    %dma_start3A_366 = arith.constant 46080 : i32
    %dma_start3A_367 = tpu.memref_slice %arg4[%dma_start3A_366] : memref<50176xf32, #tpu.memory_space<vmem>> -> memref<1024xf32, #tpu.memory_space<vmem>>
    %dma_start3A_368 = tpu.memref_slice %arg2[%add3A_365] : memref<25690112xf32, #tpu.memory_space<hbm>> -> memref<1024xf32, #tpu.memory_space<hbm>>
    %dma_start3A_369 = arith.constant 46080 : i32
    %dma_start3A_370 = tpu.memref_slice %arg4[%dma_start3A_369] : memref<50176xf32, #tpu.memory_space<vmem>> -> memref<1024xf32, #tpu.memory_space<vmem>>
    %dma_start3A_371 = tpu.memref_slice %arg2[%add3A_365] : memref<25690112xf32, #tpu.memory_space<hbm>> -> memref<1024xf32, #tpu.memory_space<hbm>>
    tpu.enqueue_dma source(%dma_start3A_371 : memref<1024xf32, #tpu.memory_space<hbm>>) target(%dma_start3A_370 : memref<1024xf32, #tpu.memory_space<vmem>>) target_semaphore(%arg7 : memref<!tpu.dma_semaphore, #tpu.memory_space<semaphore_mem>>)
    %add3A_372 = arith.constant 24117248 : i32
    %add3A_373 = arith.addi %add3A_372, %add3A_4 : i32
    %dma_start3A_374 = arith.constant 47104 : i32
    %dma_start3A_375 = tpu.memref_slice %arg4[%dma_start3A_374] : memref<50176xf32, #tpu.memory_space<vmem>> -> memref<1024xf32, #tpu.memory_space<vmem>>
    %dma_start3A_376 = tpu.memref_slice %arg2[%add3A_373] : memref<25690112xf32, #tpu.memory_space<hbm>> -> memref<1024xf32, #tpu.memory_space<hbm>>
    %dma_start3A_377 = arith.constant 47104 : i32
    %dma_start3A_378 = tpu.memref_slice %arg4[%dma_start3A_377] : memref<50176xf32, #tpu.memory_space<vmem>> -> memref<1024xf32, #tpu.memory_space<vmem>>
    %dma_start3A_379 = tpu.memref_slice %arg2[%add3A_373] : memref<25690112xf32, #tpu.memory_space<hbm>> -> memref<1024xf32, #tpu.memory_space<hbm>>
    tpu.enqueue_dma source(%dma_start3A_379 : memref<1024xf32, #tpu.memory_space<hbm>>) target(%dma_start3A_378 : memref<1024xf32, #tpu.memory_space<vmem>>) target_semaphore(%arg7 : memref<!tpu.dma_semaphore, #tpu.memory_space<semaphore_mem>>)
    %add3A_380 = arith.constant 24641536 : i32
    %add3A_381 = arith.addi %add3A_380, %add3A_4 : i32
    %dma_start3A_382 = arith.constant 48128 : i32
    %dma_start3A_383 = tpu.memref_slice %arg4[%dma_start3A_382] : memref<50176xf32, #tpu.memory_space<vmem>> -> memref<1024xf32, #tpu.memory_space<vmem>>
    %dma_start3A_384 = tpu.memref_slice %arg2[%add3A_381] : memref<25690112xf32, #tpu.memory_space<hbm>> -> memref<1024xf32, #tpu.memory_space<hbm>>
    %dma_start3A_385 = arith.constant 48128 : i32
    %dma_start3A_386 = tpu.memref_slice %arg4[%dma_start3A_385] : memref<50176xf32, #tpu.memory_space<vmem>> -> memref<1024xf32, #tpu.memory_space<vmem>>
    %dma_start3A_387 = tpu.memref_slice %arg2[%add3A_381] : memref<25690112xf32, #tpu.memory_space<hbm>> -> memref<1024xf32, #tpu.memory_space<hbm>>
    tpu.enqueue_dma source(%dma_start3A_387 : memref<1024xf32, #tpu.memory_space<hbm>>) target(%dma_start3A_386 : memref<1024xf32, #tpu.memory_space<vmem>>) target_semaphore(%arg7 : memref<!tpu.dma_semaphore, #tpu.memory_space<semaphore_mem>>)
    %add3A_388 = arith.constant 25165824 : i32
    %add3A_389 = arith.addi %add3A_388, %add3A_4 : i32
    %dma_start3A_390 = arith.constant 49152 : i32
    %dma_start3A_391 = tpu.memref_slice %arg4[%dma_start3A_390] : memref<50176xf32, #tpu.memory_space<vmem>> -> memref<1024xf32, #tpu.memory_space<vmem>>
    %dma_start3A_392 = tpu.memref_slice %arg2[%add3A_389] : memref<25690112xf32, #tpu.memory_space<hbm>> -> memref<1024xf32, #tpu.memory_space<hbm>>
    %dma_start3A_393 = arith.constant 49152 : i32
    %dma_start3A_394 = tpu.memref_slice %arg4[%dma_start3A_393] : memref<50176xf32, #tpu.memory_space<vmem>> -> memref<1024xf32, #tpu.memory_space<vmem>>
    %dma_start3A_395 = tpu.memref_slice %arg2[%add3A_389] : memref<25690112xf32, #tpu.memory_space<hbm>> -> memref<1024xf32, #tpu.memory_space<hbm>>
    tpu.enqueue_dma source(%dma_start3A_395 : memref<1024xf32, #tpu.memory_space<hbm>>) target(%dma_start3A_394 : memref<1024xf32, #tpu.memory_space<vmem>>) target_semaphore(%arg7 : memref<!tpu.dma_semaphore, #tpu.memory_space<semaphore_mem>>)
    %scan3A = arith.constant 0 : i32
    %scan3A_396 = arith.constant 0 : i32
    %scan3A_397 = arith.constant 2 : i32
    %scan3A_398 = arith.addi %scan3A_396, %scan3A_397 : i32
    %scan3A_399 = arith.constant 1 : i32
    scf.for %scan3A_507 = %scan3A_396 to %scan3A_398 step %scan3A_399  : i32 {
      %mul3A_508 = arith.constant 2 : i32
      %mul3A_509 = arith.muli %mul3A_508, %scan3A_507 : i32
      %add3A_510 = arith.constant 1 : i32
      %add3A_511 = arith.addi %mul3A_509, %add3A_510 : i32
      %mul3A_512 = arith.constant 1024 : i32
      %mul3A_513 = arith.muli %add3A_511, %mul3A_512 : i32
      %add3A_514 = arith.addi %mul3A_2, %mul3A_513 : i32
      %add3A_515 = arith.constant 0 : i32
      %add3A_516 = arith.addi %add3A_515, %add3A_514 : i32
      %dma_start3A_517 = arith.constant 0 : i32
      %dma_start3A_518 = tpu.memref_slice %arg5[%dma_start3A_517] : memref<50176xf32, #tpu.memory_space<vmem>> -> memref<1024xf32, #tpu.memory_space<vmem>>
      %dma_start3A_519 = tpu.memref_slice %arg2[%add3A_516] : memref<25690112xf32, #tpu.memory_space<hbm>> -> memref<1024xf32, #tpu.memory_space<hbm>>
      %dma_start3A_520 = arith.constant 0 : i32
      %dma_start3A_521 = tpu.memref_slice %arg5[%dma_start3A_520] : memref<50176xf32, #tpu.memory_space<vmem>> -> memref<1024xf32, #tpu.memory_space<vmem>>
      %dma_start3A_522 = tpu.memref_slice %arg2[%add3A_516] : memref<25690112xf32, #tpu.memory_space<hbm>> -> memref<1024xf32, #tpu.memory_space<hbm>>
      tpu.enqueue_dma source(%dma_start3A_522 : memref<1024xf32, #tpu.memory_space<hbm>>) target(%dma_start3A_521 : memref<1024xf32, #tpu.memory_space<vmem>>) target_semaphore(%arg8 : memref<!tpu.dma_semaphore, #tpu.memory_space<semaphore_mem>>)
      %add3A_523 = arith.constant 524288 : i32
      %add3A_524 = arith.addi %add3A_523, %add3A_514 : i32
      %dma_start3A_525 = arith.constant 1024 : i32
      %dma_start3A_526 = tpu.memref_slice %arg5[%dma_start3A_525] : memref<50176xf32, #tpu.memory_space<vmem>> -> memref<1024xf32, #tpu.memory_space<vmem>>
      %dma_start3A_527 = tpu.memref_slice %arg2[%add3A_524] : memref<25690112xf32, #tpu.memory_space<hbm>> -> memref<1024xf32, #tpu.memory_space<hbm>>
      %dma_start3A_528 = arith.constant 1024 : i32
      %dma_start3A_529 = tpu.memref_slice %arg5[%dma_start3A_528] : memref<50176xf32, #tpu.memory_space<vmem>> -> memref<1024xf32, #tpu.memory_space<vmem>>
      %dma_start3A_530 = tpu.memref_slice %arg2[%add3A_524] : memref<25690112xf32, #tpu.memory_space<hbm>> -> memref<1024xf32, #tpu.memory_space<hbm>>
      tpu.enqueue_dma source(%dma_start3A_530 : memref<1024xf32, #tpu.memory_space<hbm>>) target(%dma_start3A_529 : memref<1024xf32, #tpu.memory_space<vmem>>) target_semaphore(%arg8 : memref<!tpu.dma_semaphore, #tpu.memory_space<semaphore_mem>>)
      %add3A_531 = arith.constant 1048576 : i32
      %add3A_532 = arith.addi %add3A_531, %add3A_514 : i32
      %dma_start3A_533 = arith.constant 2048 : i32
      %dma_start3A_534 = tpu.memref_slice %arg5[%dma_start3A_533] : memref<50176xf32, #tpu.memory_space<vmem>> -> memref<1024xf32, #tpu.memory_space<vmem>>
      %dma_start3A_535 = tpu.memref_slice %arg2[%add3A_532] : memref<25690112xf32, #tpu.memory_space<hbm>> -> memref<1024xf32, #tpu.memory_space<hbm>>
      %dma_start3A_536 = arith.constant 2048 : i32
      %dma_start3A_537 = tpu.memref_slice %arg5[%dma_start3A_536] : memref<50176xf32, #tpu.memory_space<vmem>> -> memref<1024xf32, #tpu.memory_space<vmem>>
      %dma_start3A_538 = tpu.memref_slice %arg2[%add3A_532] : memref<25690112xf32, #tpu.memory_space<hbm>> -> memref<1024xf32, #tpu.memory_space<hbm>>
      tpu.enqueue_dma source(%dma_start3A_538 : memref<1024xf32, #tpu.memory_space<hbm>>) target(%dma_start3A_537 : memref<1024xf32, #tpu.memory_space<vmem>>) target_semaphore(%arg8 : memref<!tpu.dma_semaphore, #tpu.memory_space<semaphore_mem>>)
      %add3A_539 = arith.constant 1572864 : i32
      %add3A_540 = arith.addi %add3A_539, %add3A_514 : i32
      %dma_start3A_541 = arith.constant 3072 : i32
      %dma_start3A_542 = tpu.memref_slice %arg5[%dma_start3A_541] : memref<50176xf32, #tpu.memory_space<vmem>> -> memref<1024xf32, #tpu.memory_space<vmem>>
      %dma_start3A_543 = tpu.memref_slice %arg2[%add3A_540] : memref<25690112xf32, #tpu.memory_space<hbm>> -> memref<1024xf32, #tpu.memory_space<hbm>>
      %dma_start3A_544 = arith.constant 3072 : i32
      %dma_start3A_545 = tpu.memref_slice %arg5[%dma_start3A_544] : memref<50176xf32, #tpu.memory_space<vmem>> -> memref<1024xf32, #tpu.memory_space<vmem>>
      %dma_start3A_546 = tpu.memref_slice %arg2[%add3A_540] : memref<25690112xf32, #tpu.memory_space<hbm>> -> memref<1024xf32, #tpu.memory_space<hbm>>
      tpu.enqueue_dma source(%dma_start3A_546 : memref<1024xf32, #tpu.memory_space<hbm>>) target(%dma_start3A_545 : memref<1024xf32, #tpu.memory_space<vmem>>) target_semaphore(%arg8 : memref<!tpu.dma_semaphore, #tpu.memory_space<semaphore_mem>>)
      %add3A_547 = arith.constant 2097152 : i32
      %add3A_548 = arith.addi %add3A_547, %add3A_514 : i32
      %dma_start3A_549 = arith.constant 4096 : i32
      %dma_start3A_550 = tpu.memref_slice %arg5[%dma_start3A_549] : memref<50176xf32, #tpu.memory_space<vmem>> -> memref<1024xf32, #tpu.memory_space<vmem>>
      %dma_start3A_551 = tpu.memref_slice %arg2[%add3A_548] : memref<25690112xf32, #tpu.memory_space<hbm>> -> memref<1024xf32, #tpu.memory_space<hbm>>
      %dma_start3A_552 = arith.constant 4096 : i32
      %dma_start3A_553 = tpu.memref_slice %arg5[%dma_start3A_552] : memref<50176xf32, #tpu.memory_space<vmem>> -> memref<1024xf32, #tpu.memory_space<vmem>>
      %dma_start3A_554 = tpu.memref_slice %arg2[%add3A_548] : memref<25690112xf32, #tpu.memory_space<hbm>> -> memref<1024xf32, #tpu.memory_space<hbm>>
      tpu.enqueue_dma source(%dma_start3A_554 : memref<1024xf32, #tpu.memory_space<hbm>>) target(%dma_start3A_553 : memref<1024xf32, #tpu.memory_space<vmem>>) target_semaphore(%arg8 : memref<!tpu.dma_semaphore, #tpu.memory_space<semaphore_mem>>)
      %add3A_555 = arith.constant 2621440 : i32
      %add3A_556 = arith.addi %add3A_555, %add3A_514 : i32
      %dma_start3A_557 = arith.constant 5120 : i32
      %dma_start3A_558 = tpu.memref_slice %arg5[%dma_start3A_557] : memref<50176xf32, #tpu.memory_space<vmem>> -> memref<1024xf32, #tpu.memory_space<vmem>>
      %dma_start3A_559 = tpu.memref_slice %arg2[%add3A_556] : memref<25690112xf32, #tpu.memory_space<hbm>> -> memref<1024xf32, #tpu.memory_space<hbm>>
      %dma_start3A_560 = arith.constant 5120 : i32
      %dma_start3A_561 = tpu.memref_slice %arg5[%dma_start3A_560] : memref<50176xf32, #tpu.memory_space<vmem>> -> memref<1024xf32, #tpu.memory_space<vmem>>
      %dma_start3A_562 = tpu.memref_slice %arg2[%add3A_556] : memref<25690112xf32, #tpu.memory_space<hbm>> -> memref<1024xf32, #tpu.memory_space<hbm>>
      tpu.enqueue_dma source(%dma_start3A_562 : memref<1024xf32, #tpu.memory_space<hbm>>) target(%dma_start3A_561 : memref<1024xf32, #tpu.memory_space<vmem>>) target_semaphore(%arg8 : memref<!tpu.dma_semaphore, #tpu.memory_space<semaphore_mem>>)
      %add3A_563 = arith.constant 3145728 : i32
      %add3A_564 = arith.addi %add3A_563, %add3A_514 : i32
      %dma_start3A_565 = arith.constant 6144 : i32
      %dma_start3A_566 = tpu.memref_slice %arg5[%dma_start3A_565] : memref<50176xf32, #tpu.memory_space<vmem>> -> memref<1024xf32, #tpu.memory_space<vmem>>
      %dma_start3A_567 = tpu.memref_slice %arg2[%add3A_564] : memref<25690112xf32, #tpu.memory_space<hbm>> -> memref<1024xf32, #tpu.memory_space<hbm>>
      %dma_start3A_568 = arith.constant 6144 : i32
      %dma_start3A_569 = tpu.memref_slice %arg5[%dma_start3A_568] : memref<50176xf32, #tpu.memory_space<vmem>> -> memref<1024xf32, #tpu.memory_space<vmem>>
      %dma_start3A_570 = tpu.memref_slice %arg2[%add3A_564] : memref<25690112xf32, #tpu.memory_space<hbm>> -> memref<1024xf32, #tpu.memory_space<hbm>>
      tpu.enqueue_dma source(%dma_start3A_570 : memref<1024xf32, #tpu.memory_space<hbm>>) target(%dma_start3A_569 : memref<1024xf32, #tpu.memory_space<vmem>>) target_semaphore(%arg8 : memref<!tpu.dma_semaphore, #tpu.memory_space<semaphore_mem>>)
      %add3A_571 = arith.constant 3670016 : i32
      %add3A_572 = arith.addi %add3A_571, %add3A_514 : i32
      %dma_start3A_573 = arith.constant 7168 : i32
      %dma_start3A_574 = tpu.memref_slice %arg5[%dma_start3A_573] : memref<50176xf32, #tpu.memory_space<vmem>> -> memref<1024xf32, #tpu.memory_space<vmem>>
      %dma_start3A_575 = tpu.memref_slice %arg2[%add3A_572] : memref<25690112xf32, #tpu.memory_space<hbm>> -> memref<1024xf32, #tpu.memory_space<hbm>>
      %dma_start3A_576 = arith.constant 7168 : i32
      %dma_start3A_577 = tpu.memref_slice %arg5[%dma_start3A_576] : memref<50176xf32, #tpu.memory_space<vmem>> -> memref<1024xf32, #tpu.memory_space<vmem>>
      %dma_start3A_578 = tpu.memref_slice %arg2[%add3A_572] : memref<25690112xf32, #tpu.memory_space<hbm>> -> memref<1024xf32, #tpu.memory_space<hbm>>
      tpu.enqueue_dma source(%dma_start3A_578 : memref<1024xf32, #tpu.memory_space<hbm>>) target(%dma_start3A_577 : memref<1024xf32, #tpu.memory_space<vmem>>) target_semaphore(%arg8 : memref<!tpu.dma_semaphore, #tpu.memory_space<semaphore_mem>>)
      %add3A_579 = arith.constant 4194304 : i32
      %add3A_580 = arith.addi %add3A_579, %add3A_514 : i32
      %dma_start3A_581 = arith.constant 8192 : i32
      %dma_start3A_582 = tpu.memref_slice %arg5[%dma_start3A_581] : memref<50176xf32, #tpu.memory_space<vmem>> -> memref<1024xf32, #tpu.memory_space<vmem>>
      %dma_start3A_583 = tpu.memref_slice %arg2[%add3A_580] : memref<25690112xf32, #tpu.memory_space<hbm>> -> memref<1024xf32, #tpu.memory_space<hbm>>
      %dma_start3A_584 = arith.constant 8192 : i32
      %dma_start3A_585 = tpu.memref_slice %arg5[%dma_start3A_584] : memref<50176xf32, #tpu.memory_space<vmem>> -> memref<1024xf32, #tpu.memory_space<vmem>>
      %dma_start3A_586 = tpu.memref_slice %arg2[%add3A_580] : memref<25690112xf32, #tpu.memory_space<hbm>> -> memref<1024xf32, #tpu.memory_space<hbm>>
      tpu.enqueue_dma source(%dma_start3A_586 : memref<1024xf32, #tpu.memory_space<hbm>>) target(%dma_start3A_585 : memref<1024xf32, #tpu.memory_space<vmem>>) target_semaphore(%arg8 : memref<!tpu.dma_semaphore, #tpu.memory_space<semaphore_mem>>)
      %add3A_587 = arith.constant 4718592 : i32
      %add3A_588 = arith.addi %add3A_587, %add3A_514 : i32
      %dma_start3A_589 = arith.constant 9216 : i32
      %dma_start3A_590 = tpu.memref_slice %arg5[%dma_start3A_589] : memref<50176xf32, #tpu.memory_space<vmem>> -> memref<1024xf32, #tpu.memory_space<vmem>>
      %dma_start3A_591 = tpu.memref_slice %arg2[%add3A_588] : memref<25690112xf32, #tpu.memory_space<hbm>> -> memref<1024xf32, #tpu.memory_space<hbm>>
      %dma_start3A_592 = arith.constant 9216 : i32
      %dma_start3A_593 = tpu.memref_slice %arg5[%dma_start3A_592] : memref<50176xf32, #tpu.memory_space<vmem>> -> memref<1024xf32, #tpu.memory_space<vmem>>
      %dma_start3A_594 = tpu.memref_slice %arg2[%add3A_588] : memref<25690112xf32, #tpu.memory_space<hbm>> -> memref<1024xf32, #tpu.memory_space<hbm>>
      tpu.enqueue_dma source(%dma_start3A_594 : memref<1024xf32, #tpu.memory_space<hbm>>) target(%dma_start3A_593 : memref<1024xf32, #tpu.memory_space<vmem>>) target_semaphore(%arg8 : memref<!tpu.dma_semaphore, #tpu.memory_space<semaphore_mem>>)
      %add3A_595 = arith.constant 5242880 : i32
      %add3A_596 = arith.addi %add3A_595, %add3A_514 : i32
      %dma_start3A_597 = arith.constant 10240 : i32
      %dma_start3A_598 = tpu.memref_slice %arg5[%dma_start3A_597] : memref<50176xf32, #tpu.memory_space<vmem>> -> memref<1024xf32, #tpu.memory_space<vmem>>
      %dma_start3A_599 = tpu.memref_slice %arg2[%add3A_596] : memref<25690112xf32, #tpu.memory_space<hbm>> -> memref<1024xf32, #tpu.memory_space<hbm>>
      %dma_start3A_600 = arith.constant 10240 : i32
      %dma_start3A_601 = tpu.memref_slice %arg5[%dma_start3A_600] : memref<50176xf32, #tpu.memory_space<vmem>> -> memref<1024xf32, #tpu.memory_space<vmem>>
      %dma_start3A_602 = tpu.memref_slice %arg2[%add3A_596] : memref<25690112xf32, #tpu.memory_space<hbm>> -> memref<1024xf32, #tpu.memory_space<hbm>>
      tpu.enqueue_dma source(%dma_start3A_602 : memref<1024xf32, #tpu.memory_space<hbm>>) target(%dma_start3A_601 : memref<1024xf32, #tpu.memory_space<vmem>>) target_semaphore(%arg8 : memref<!tpu.dma_semaphore, #tpu.memory_space<semaphore_mem>>)
      %add3A_603 = arith.constant 5767168 : i32
      %add3A_604 = arith.addi %add3A_603, %add3A_514 : i32
      %dma_start3A_605 = arith.constant 11264 : i32
      %dma_start3A_606 = tpu.memref_slice %arg5[%dma_start3A_605] : memref<50176xf32, #tpu.memory_space<vmem>> -> memref<1024xf32, #tpu.memory_space<vmem>>
      %dma_start3A_607 = tpu.memref_slice %arg2[%add3A_604] : memref<25690112xf32, #tpu.memory_space<hbm>> -> memref<1024xf32, #tpu.memory_space<hbm>>
      %dma_start3A_608 = arith.constant 11264 : i32
      %dma_start3A_609 = tpu.memref_slice %arg5[%dma_start3A_608] : memref<50176xf32, #tpu.memory_space<vmem>> -> memref<1024xf32, #tpu.memory_space<vmem>>
      %dma_start3A_610 = tpu.memref_slice %arg2[%add3A_604] : memref<25690112xf32, #tpu.memory_space<hbm>> -> memref<1024xf32, #tpu.memory_space<hbm>>
      tpu.enqueue_dma source(%dma_start3A_610 : memref<1024xf32, #tpu.memory_space<hbm>>) target(%dma_start3A_609 : memref<1024xf32, #tpu.memory_space<vmem>>) target_semaphore(%arg8 : memref<!tpu.dma_semaphore, #tpu.memory_space<semaphore_mem>>)
      %add3A_611 = arith.constant 6291456 : i32
      %add3A_612 = arith.addi %add3A_611, %add3A_514 : i32
      %dma_start3A_613 = arith.constant 12288 : i32
      %dma_start3A_614 = tpu.memref_slice %arg5[%dma_start3A_613] : memref<50176xf32, #tpu.memory_space<vmem>> -> memref<1024xf32, #tpu.memory_space<vmem>>
      %dma_start3A_615 = tpu.memref_slice %arg2[%add3A_612] : memref<25690112xf32, #tpu.memory_space<hbm>> -> memref<1024xf32, #tpu.memory_space<hbm>>
      %dma_start3A_616 = arith.constant 12288 : i32
      %dma_start3A_617 = tpu.memref_slice %arg5[%dma_start3A_616] : memref<50176xf32, #tpu.memory_space<vmem>> -> memref<1024xf32, #tpu.memory_space<vmem>>
      %dma_start3A_618 = tpu.memref_slice %arg2[%add3A_612] : memref<25690112xf32, #tpu.memory_space<hbm>> -> memref<1024xf32, #tpu.memory_space<hbm>>
      tpu.enqueue_dma source(%dma_start3A_618 : memref<1024xf32, #tpu.memory_space<hbm>>) target(%dma_start3A_617 : memref<1024xf32, #tpu.memory_space<vmem>>) target_semaphore(%arg8 : memref<!tpu.dma_semaphore, #tpu.memory_space<semaphore_mem>>)
      %add3A_619 = arith.constant 6815744 : i32
      %add3A_620 = arith.addi %add3A_619, %add3A_514 : i32
      %dma_start3A_621 = arith.constant 13312 : i32
      %dma_start3A_622 = tpu.memref_slice %arg5[%dma_start3A_621] : memref<50176xf32, #tpu.memory_space<vmem>> -> memref<1024xf32, #tpu.memory_space<vmem>>
      %dma_start3A_623 = tpu.memref_slice %arg2[%add3A_620] : memref<25690112xf32, #tpu.memory_space<hbm>> -> memref<1024xf32, #tpu.memory_space<hbm>>
      %dma_start3A_624 = arith.constant 13312 : i32
      %dma_start3A_625 = tpu.memref_slice %arg5[%dma_start3A_624] : memref<50176xf32, #tpu.memory_space<vmem>> -> memref<1024xf32, #tpu.memory_space<vmem>>
      %dma_start3A_626 = tpu.memref_slice %arg2[%add3A_620] : memref<25690112xf32, #tpu.memory_space<hbm>> -> memref<1024xf32, #tpu.memory_space<hbm>>
      tpu.enqueue_dma source(%dma_start3A_626 : memref<1024xf32, #tpu.memory_space<hbm>>) target(%dma_start3A_625 : memref<1024xf32, #tpu.memory_space<vmem>>) target_semaphore(%arg8 : memref<!tpu.dma_semaphore, #tpu.memory_space<semaphore_mem>>)
      %add3A_627 = arith.constant 7340032 : i32
      %add3A_628 = arith.addi %add3A_627, %add3A_514 : i32
      %dma_start3A_629 = arith.constant 14336 : i32
      %dma_start3A_630 = tpu.memref_slice %arg5[%dma_start3A_629] : memref<50176xf32, #tpu.memory_space<vmem>> -> memref<1024xf32, #tpu.memory_space<vmem>>
      %dma_start3A_631 = tpu.memref_slice %arg2[%add3A_628] : memref<25690112xf32, #tpu.memory_space<hbm>> -> memref<1024xf32, #tpu.memory_space<hbm>>
      %dma_start3A_632 = arith.constant 14336 : i32
      %dma_start3A_633 = tpu.memref_slice %arg5[%dma_start3A_632] : memref<50176xf32, #tpu.memory_space<vmem>> -> memref<1024xf32, #tpu.memory_space<vmem>>
      %dma_start3A_634 = tpu.memref_slice %arg2[%add3A_628] : memref<25690112xf32, #tpu.memory_space<hbm>> -> memref<1024xf32, #tpu.memory_space<hbm>>
      tpu.enqueue_dma source(%dma_start3A_634 : memref<1024xf32, #tpu.memory_space<hbm>>) target(%dma_start3A_633 : memref<1024xf32, #tpu.memory_space<vmem>>) target_semaphore(%arg8 : memref<!tpu.dma_semaphore, #tpu.memory_space<semaphore_mem>>)
      %add3A_635 = arith.constant 7864320 : i32
      %add3A_636 = arith.addi %add3A_635, %add3A_514 : i32
      %dma_start3A_637 = arith.constant 15360 : i32
      %dma_start3A_638 = tpu.memref_slice %arg5[%dma_start3A_637] : memref<50176xf32, #tpu.memory_space<vmem>> -> memref<1024xf32, #tpu.memory_space<vmem>>
      %dma_start3A_639 = tpu.memref_slice %arg2[%add3A_636] : memref<25690112xf32, #tpu.memory_space<hbm>> -> memref<1024xf32, #tpu.memory_space<hbm>>
      %dma_start3A_640 = arith.constant 15360 : i32
      %dma_start3A_641 = tpu.memref_slice %arg5[%dma_start3A_640] : memref<50176xf32, #tpu.memory_space<vmem>> -> memref<1024xf32, #tpu.memory_space<vmem>>
      %dma_start3A_642 = tpu.memref_slice %arg2[%add3A_636] : memref<25690112xf32, #tpu.memory_space<hbm>> -> memref<1024xf32, #tpu.memory_space<hbm>>
      tpu.enqueue_dma source(%dma_start3A_642 : memref<1024xf32, #tpu.memory_space<hbm>>) target(%dma_start3A_641 : memref<1024xf32, #tpu.memory_space<vmem>>) target_semaphore(%arg8 : memref<!tpu.dma_semaphore, #tpu.memory_space<semaphore_mem>>)
      %add3A_643 = arith.constant 8388608 : i32
      %add3A_644 = arith.addi %add3A_643, %add3A_514 : i32
      %dma_start3A_645 = arith.constant 16384 : i32
      %dma_start3A_646 = tpu.memref_slice %arg5[%dma_start3A_645] : memref<50176xf32, #tpu.memory_space<vmem>> -> memref<1024xf32, #tpu.memory_space<vmem>>
      %dma_start3A_647 = tpu.memref_slice %arg2[%add3A_644] : memref<25690112xf32, #tpu.memory_space<hbm>> -> memref<1024xf32, #tpu.memory_space<hbm>>
      %dma_start3A_648 = arith.constant 16384 : i32
      %dma_start3A_649 = tpu.memref_slice %arg5[%dma_start3A_648] : memref<50176xf32, #tpu.memory_space<vmem>> -> memref<1024xf32, #tpu.memory_space<vmem>>
      %dma_start3A_650 = tpu.memref_slice %arg2[%add3A_644] : memref<25690112xf32, #tpu.memory_space<hbm>> -> memref<1024xf32, #tpu.memory_space<hbm>>
      tpu.enqueue_dma source(%dma_start3A_650 : memref<1024xf32, #tpu.memory_space<hbm>>) target(%dma_start3A_649 : memref<1024xf32, #tpu.memory_space<vmem>>) target_semaphore(%arg8 : memref<!tpu.dma_semaphore, #tpu.memory_space<semaphore_mem>>)
      %add3A_651 = arith.constant 8912896 : i32
      %add3A_652 = arith.addi %add3A_651, %add3A_514 : i32
      %dma_start3A_653 = arith.constant 17408 : i32
      %dma_start3A_654 = tpu.memref_slice %arg5[%dma_start3A_653] : memref<50176xf32, #tpu.memory_space<vmem>> -> memref<1024xf32, #tpu.memory_space<vmem>>
      %dma_start3A_655 = tpu.memref_slice %arg2[%add3A_652] : memref<25690112xf32, #tpu.memory_space<hbm>> -> memref<1024xf32, #tpu.memory_space<hbm>>
      %dma_start3A_656 = arith.constant 17408 : i32
      %dma_start3A_657 = tpu.memref_slice %arg5[%dma_start3A_656] : memref<50176xf32, #tpu.memory_space<vmem>> -> memref<1024xf32, #tpu.memory_space<vmem>>
      %dma_start3A_658 = tpu.memref_slice %arg2[%add3A_652] : memref<25690112xf32, #tpu.memory_space<hbm>> -> memref<1024xf32, #tpu.memory_space<hbm>>
      tpu.enqueue_dma source(%dma_start3A_658 : memref<1024xf32, #tpu.memory_space<hbm>>) target(%dma_start3A_657 : memref<1024xf32, #tpu.memory_space<vmem>>) target_semaphore(%arg8 : memref<!tpu.dma_semaphore, #tpu.memory_space<semaphore_mem>>)
      %add3A_659 = arith.constant 9437184 : i32
      %add3A_660 = arith.addi %add3A_659, %add3A_514 : i32
      %dma_start3A_661 = arith.constant 18432 : i32
      %dma_start3A_662 = tpu.memref_slice %arg5[%dma_start3A_661] : memref<50176xf32, #tpu.memory_space<vmem>> -> memref<1024xf32, #tpu.memory_space<vmem>>
      %dma_start3A_663 = tpu.memref_slice %arg2[%add3A_660] : memref<25690112xf32, #tpu.memory_space<hbm>> -> memref<1024xf32, #tpu.memory_space<hbm>>
      %dma_start3A_664 = arith.constant 18432 : i32
      %dma_start3A_665 = tpu.memref_slice %arg5[%dma_start3A_664] : memref<50176xf32, #tpu.memory_space<vmem>> -> memref<1024xf32, #tpu.memory_space<vmem>>
      %dma_start3A_666 = tpu.memref_slice %arg2[%add3A_660] : memref<25690112xf32, #tpu.memory_space<hbm>> -> memref<1024xf32, #tpu.memory_space<hbm>>
      tpu.enqueue_dma source(%dma_start3A_666 : memref<1024xf32, #tpu.memory_space<hbm>>) target(%dma_start3A_665 : memref<1024xf32, #tpu.memory_space<vmem>>) target_semaphore(%arg8 : memref<!tpu.dma_semaphore, #tpu.memory_space<semaphore_mem>>)
      %add3A_667 = arith.constant 9961472 : i32
      %add3A_668 = arith.addi %add3A_667, %add3A_514 : i32
      %dma_start3A_669 = arith.constant 19456 : i32
      %dma_start3A_670 = tpu.memref_slice %arg5[%dma_start3A_669] : memref<50176xf32, #tpu.memory_space<vmem>> -> memref<1024xf32, #tpu.memory_space<vmem>>
      %dma_start3A_671 = tpu.memref_slice %arg2[%add3A_668] : memref<25690112xf32, #tpu.memory_space<hbm>> -> memref<1024xf32, #tpu.memory_space<hbm>>
      %dma_start3A_672 = arith.constant 19456 : i32
      %dma_start3A_673 = tpu.memref_slice %arg5[%dma_start3A_672] : memref<50176xf32, #tpu.memory_space<vmem>> -> memref<1024xf32, #tpu.memory_space<vmem>>
      %dma_start3A_674 = tpu.memref_slice %arg2[%add3A_668] : memref<25690112xf32, #tpu.memory_space<hbm>> -> memref<1024xf32, #tpu.memory_space<hbm>>
      tpu.enqueue_dma source(%dma_start3A_674 : memref<1024xf32, #tpu.memory_space<hbm>>) target(%dma_start3A_673 : memref<1024xf32, #tpu.memory_space<vmem>>) target_semaphore(%arg8 : memref<!tpu.dma_semaphore, #tpu.memory_space<semaphore_mem>>)
      %add3A_675 = arith.constant 10485760 : i32
      %add3A_676 = arith.addi %add3A_675, %add3A_514 : i32
      %dma_start3A_677 = arith.constant 20480 : i32
      %dma_start3A_678 = tpu.memref_slice %arg5[%dma_start3A_677] : memref<50176xf32, #tpu.memory_space<vmem>> -> memref<1024xf32, #tpu.memory_space<vmem>>
      %dma_start3A_679 = tpu.memref_slice %arg2[%add3A_676] : memref<25690112xf32, #tpu.memory_space<hbm>> -> memref<1024xf32, #tpu.memory_space<hbm>>
      %dma_start3A_680 = arith.constant 20480 : i32
      %dma_start3A_681 = tpu.memref_slice %arg5[%dma_start3A_680] : memref<50176xf32, #tpu.memory_space<vmem>> -> memref<1024xf32, #tpu.memory_space<vmem>>
      %dma_start3A_682 = tpu.memref_slice %arg2[%add3A_676] : memref<25690112xf32, #tpu.memory_space<hbm>> -> memref<1024xf32, #tpu.memory_space<hbm>>
      tpu.enqueue_dma source(%dma_start3A_682 : memref<1024xf32, #tpu.memory_space<hbm>>) target(%dma_start3A_681 : memref<1024xf32, #tpu.memory_space<vmem>>) target_semaphore(%arg8 : memref<!tpu.dma_semaphore, #tpu.memory_space<semaphore_mem>>)
      %add3A_683 = arith.constant 11010048 : i32
      %add3A_684 = arith.addi %add3A_683, %add3A_514 : i32
      %dma_start3A_685 = arith.constant 21504 : i32
      %dma_start3A_686 = tpu.memref_slice %arg5[%dma_start3A_685] : memref<50176xf32, #tpu.memory_space<vmem>> -> memref<1024xf32, #tpu.memory_space<vmem>>
      %dma_start3A_687 = tpu.memref_slice %arg2[%add3A_684] : memref<25690112xf32, #tpu.memory_space<hbm>> -> memref<1024xf32, #tpu.memory_space<hbm>>
      %dma_start3A_688 = arith.constant 21504 : i32
      %dma_start3A_689 = tpu.memref_slice %arg5[%dma_start3A_688] : memref<50176xf32, #tpu.memory_space<vmem>> -> memref<1024xf32, #tpu.memory_space<vmem>>
      %dma_start3A_690 = tpu.memref_slice %arg2[%add3A_684] : memref<25690112xf32, #tpu.memory_space<hbm>> -> memref<1024xf32, #tpu.memory_space<hbm>>
      tpu.enqueue_dma source(%dma_start3A_690 : memref<1024xf32, #tpu.memory_space<hbm>>) target(%dma_start3A_689 : memref<1024xf32, #tpu.memory_space<vmem>>) target_semaphore(%arg8 : memref<!tpu.dma_semaphore, #tpu.memory_space<semaphore_mem>>)
      %add3A_691 = arith.constant 11534336 : i32
      %add3A_692 = arith.addi %add3A_691, %add3A_514 : i32
      %dma_start3A_693 = arith.constant 22528 : i32
      %dma_start3A_694 = tpu.memref_slice %arg5[%dma_start3A_693] : memref<50176xf32, #tpu.memory_space<vmem>> -> memref<1024xf32, #tpu.memory_space<vmem>>
      %dma_start3A_695 = tpu.memref_slice %arg2[%add3A_692] : memref<25690112xf32, #tpu.memory_space<hbm>> -> memref<1024xf32, #tpu.memory_space<hbm>>
      %dma_start3A_696 = arith.constant 22528 : i32
      %dma_start3A_697 = tpu.memref_slice %arg5[%dma_start3A_696] : memref<50176xf32, #tpu.memory_space<vmem>> -> memref<1024xf32, #tpu.memory_space<vmem>>
      %dma_start3A_698 = tpu.memref_slice %arg2[%add3A_692] : memref<25690112xf32, #tpu.memory_space<hbm>> -> memref<1024xf32, #tpu.memory_space<hbm>>
      tpu.enqueue_dma source(%dma_start3A_698 : memref<1024xf32, #tpu.memory_space<hbm>>) target(%dma_start3A_697 : memref<1024xf32, #tpu.memory_space<vmem>>) target_semaphore(%arg8 : memref<!tpu.dma_semaphore, #tpu.memory_space<semaphore_mem>>)
      %add3A_699 = arith.constant 12058624 : i32
      %add3A_700 = arith.addi %add3A_699, %add3A_514 : i32
      %dma_start3A_701 = arith.constant 23552 : i32
      %dma_start3A_702 = tpu.memref_slice %arg5[%dma_start3A_701] : memref<50176xf32, #tpu.memory_space<vmem>> -> memref<1024xf32, #tpu.memory_space<vmem>>
      %dma_start3A_703 = tpu.memref_slice %arg2[%add3A_700] : memref<25690112xf32, #tpu.memory_space<hbm>> -> memref<1024xf32, #tpu.memory_space<hbm>>
      %dma_start3A_704 = arith.constant 23552 : i32
      %dma_start3A_705 = tpu.memref_slice %arg5[%dma_start3A_704] : memref<50176xf32, #tpu.memory_space<vmem>> -> memref<1024xf32, #tpu.memory_space<vmem>>
      %dma_start3A_706 = tpu.memref_slice %arg2[%add3A_700] : memref<25690112xf32, #tpu.memory_space<hbm>> -> memref<1024xf32, #tpu.memory_space<hbm>>
      tpu.enqueue_dma source(%dma_start3A_706 : memref<1024xf32, #tpu.memory_space<hbm>>) target(%dma_start3A_705 : memref<1024xf32, #tpu.memory_space<vmem>>) target_semaphore(%arg8 : memref<!tpu.dma_semaphore, #tpu.memory_space<semaphore_mem>>)
      %add3A_707 = arith.constant 12582912 : i32
      %add3A_708 = arith.addi %add3A_707, %add3A_514 : i32
      %dma_start3A_709 = arith.constant 24576 : i32
      %dma_start3A_710 = tpu.memref_slice %arg5[%dma_start3A_709] : memref<50176xf32, #tpu.memory_space<vmem>> -> memref<1024xf32, #tpu.memory_space<vmem>>
      %dma_start3A_711 = tpu.memref_slice %arg2[%add3A_708] : memref<25690112xf32, #tpu.memory_space<hbm>> -> memref<1024xf32, #tpu.memory_space<hbm>>
      %dma_start3A_712 = arith.constant 24576 : i32
      %dma_start3A_713 = tpu.memref_slice %arg5[%dma_start3A_712] : memref<50176xf32, #tpu.memory_space<vmem>> -> memref<1024xf32, #tpu.memory_space<vmem>>
      %dma_start3A_714 = tpu.memref_slice %arg2[%add3A_708] : memref<25690112xf32, #tpu.memory_space<hbm>> -> memref<1024xf32, #tpu.memory_space<hbm>>
      tpu.enqueue_dma source(%dma_start3A_714 : memref<1024xf32, #tpu.memory_space<hbm>>) target(%dma_start3A_713 : memref<1024xf32, #tpu.memory_space<vmem>>) target_semaphore(%arg8 : memref<!tpu.dma_semaphore, #tpu.memory_space<semaphore_mem>>)
      %add3A_715 = arith.constant 13107200 : i32
      %add3A_716 = arith.addi %add3A_715, %add3A_514 : i32
      %dma_start3A_717 = arith.constant 25600 : i32
      %dma_start3A_718 = tpu.memref_slice %arg5[%dma_start3A_717] : memref<50176xf32, #tpu.memory_space<vmem>> -> memref<1024xf32, #tpu.memory_space<vmem>>
      %dma_start3A_719 = tpu.memref_slice %arg2[%add3A_716] : memref<25690112xf32, #tpu.memory_space<hbm>> -> memref<1024xf32, #tpu.memory_space<hbm>>
      %dma_start3A_720 = arith.constant 25600 : i32
      %dma_start3A_721 = tpu.memref_slice %arg5[%dma_start3A_720] : memref<50176xf32, #tpu.memory_space<vmem>> -> memref<1024xf32, #tpu.memory_space<vmem>>
      %dma_start3A_722 = tpu.memref_slice %arg2[%add3A_716] : memref<25690112xf32, #tpu.memory_space<hbm>> -> memref<1024xf32, #tpu.memory_space<hbm>>
      tpu.enqueue_dma source(%dma_start3A_722 : memref<1024xf32, #tpu.memory_space<hbm>>) target(%dma_start3A_721 : memref<1024xf32, #tpu.memory_space<vmem>>) target_semaphore(%arg8 : memref<!tpu.dma_semaphore, #tpu.memory_space<semaphore_mem>>)
      %add3A_723 = arith.constant 13631488 : i32
      %add3A_724 = arith.addi %add3A_723, %add3A_514 : i32
      %dma_start3A_725 = arith.constant 26624 : i32
      %dma_start3A_726 = tpu.memref_slice %arg5[%dma_start3A_725] : memref<50176xf32, #tpu.memory_space<vmem>> -> memref<1024xf32, #tpu.memory_space<vmem>>
      %dma_start3A_727 = tpu.memref_slice %arg2[%add3A_724] : memref<25690112xf32, #tpu.memory_space<hbm>> -> memref<1024xf32, #tpu.memory_space<hbm>>
      %dma_start3A_728 = arith.constant 26624 : i32
      %dma_start3A_729 = tpu.memref_slice %arg5[%dma_start3A_728] : memref<50176xf32, #tpu.memory_space<vmem>> -> memref<1024xf32, #tpu.memory_space<vmem>>
      %dma_start3A_730 = tpu.memref_slice %arg2[%add3A_724] : memref<25690112xf32, #tpu.memory_space<hbm>> -> memref<1024xf32, #tpu.memory_space<hbm>>
      tpu.enqueue_dma source(%dma_start3A_730 : memref<1024xf32, #tpu.memory_space<hbm>>) target(%dma_start3A_729 : memref<1024xf32, #tpu.memory_space<vmem>>) target_semaphore(%arg8 : memref<!tpu.dma_semaphore, #tpu.memory_space<semaphore_mem>>)
      %add3A_731 = arith.constant 14155776 : i32
      %add3A_732 = arith.addi %add3A_731, %add3A_514 : i32
      %dma_start3A_733 = arith.constant 27648 : i32
      %dma_start3A_734 = tpu.memref_slice %arg5[%dma_start3A_733] : memref<50176xf32, #tpu.memory_space<vmem>> -> memref<1024xf32, #tpu.memory_space<vmem>>
      %dma_start3A_735 = tpu.memref_slice %arg2[%add3A_732] : memref<25690112xf32, #tpu.memory_space<hbm>> -> memref<1024xf32, #tpu.memory_space<hbm>>
      %dma_start3A_736 = arith.constant 27648 : i32
      %dma_start3A_737 = tpu.memref_slice %arg5[%dma_start3A_736] : memref<50176xf32, #tpu.memory_space<vmem>> -> memref<1024xf32, #tpu.memory_space<vmem>>
      %dma_start3A_738 = tpu.memref_slice %arg2[%add3A_732] : memref<25690112xf32, #tpu.memory_space<hbm>> -> memref<1024xf32, #tpu.memory_space<hbm>>
      tpu.enqueue_dma source(%dma_start3A_738 : memref<1024xf32, #tpu.memory_space<hbm>>) target(%dma_start3A_737 : memref<1024xf32, #tpu.memory_space<vmem>>) target_semaphore(%arg8 : memref<!tpu.dma_semaphore, #tpu.memory_space<semaphore_mem>>)
      %add3A_739 = arith.constant 14680064 : i32
      %add3A_740 = arith.addi %add3A_739, %add3A_514 : i32
      %dma_start3A_741 = arith.constant 28672 : i32
      %dma_start3A_742 = tpu.memref_slice %arg5[%dma_start3A_741] : memref<50176xf32, #tpu.memory_space<vmem>> -> memref<1024xf32, #tpu.memory_space<vmem>>
      %dma_start3A_743 = tpu.memref_slice %arg2[%add3A_740] : memref<25690112xf32, #tpu.memory_space<hbm>> -> memref<1024xf32, #tpu.memory_space<hbm>>
      %dma_start3A_744 = arith.constant 28672 : i32
      %dma_start3A_745 = tpu.memref_slice %arg5[%dma_start3A_744] : memref<50176xf32, #tpu.memory_space<vmem>> -> memref<1024xf32, #tpu.memory_space<vmem>>
      %dma_start3A_746 = tpu.memref_slice %arg2[%add3A_740] : memref<25690112xf32, #tpu.memory_space<hbm>> -> memref<1024xf32, #tpu.memory_space<hbm>>
      tpu.enqueue_dma source(%dma_start3A_746 : memref<1024xf32, #tpu.memory_space<hbm>>) target(%dma_start3A_745 : memref<1024xf32, #tpu.memory_space<vmem>>) target_semaphore(%arg8 : memref<!tpu.dma_semaphore, #tpu.memory_space<semaphore_mem>>)
      %add3A_747 = arith.constant 15204352 : i32
      %add3A_748 = arith.addi %add3A_747, %add3A_514 : i32
      %dma_start3A_749 = arith.constant 29696 : i32
      %dma_start3A_750 = tpu.memref_slice %arg5[%dma_start3A_749] : memref<50176xf32, #tpu.memory_space<vmem>> -> memref<1024xf32, #tpu.memory_space<vmem>>
      %dma_start3A_751 = tpu.memref_slice %arg2[%add3A_748] : memref<25690112xf32, #tpu.memory_space<hbm>> -> memref<1024xf32, #tpu.memory_space<hbm>>
      %dma_start3A_752 = arith.constant 29696 : i32
      %dma_start3A_753 = tpu.memref_slice %arg5[%dma_start3A_752] : memref<50176xf32, #tpu.memory_space<vmem>> -> memref<1024xf32, #tpu.memory_space<vmem>>
      %dma_start3A_754 = tpu.memref_slice %arg2[%add3A_748] : memref<25690112xf32, #tpu.memory_space<hbm>> -> memref<1024xf32, #tpu.memory_space<hbm>>
      tpu.enqueue_dma source(%dma_start3A_754 : memref<1024xf32, #tpu.memory_space<hbm>>) target(%dma_start3A_753 : memref<1024xf32, #tpu.memory_space<vmem>>) target_semaphore(%arg8 : memref<!tpu.dma_semaphore, #tpu.memory_space<semaphore_mem>>)
      %add3A_755 = arith.constant 15728640 : i32
      %add3A_756 = arith.addi %add3A_755, %add3A_514 : i32
      %dma_start3A_757 = arith.constant 30720 : i32
      %dma_start3A_758 = tpu.memref_slice %arg5[%dma_start3A_757] : memref<50176xf32, #tpu.memory_space<vmem>> -> memref<1024xf32, #tpu.memory_space<vmem>>
      %dma_start3A_759 = tpu.memref_slice %arg2[%add3A_756] : memref<25690112xf32, #tpu.memory_space<hbm>> -> memref<1024xf32, #tpu.memory_space<hbm>>
      %dma_start3A_760 = arith.constant 30720 : i32
      %dma_start3A_761 = tpu.memref_slice %arg5[%dma_start3A_760] : memref<50176xf32, #tpu.memory_space<vmem>> -> memref<1024xf32, #tpu.memory_space<vmem>>
      %dma_start3A_762 = tpu.memref_slice %arg2[%add3A_756] : memref<25690112xf32, #tpu.memory_space<hbm>> -> memref<1024xf32, #tpu.memory_space<hbm>>
      tpu.enqueue_dma source(%dma_start3A_762 : memref<1024xf32, #tpu.memory_space<hbm>>) target(%dma_start3A_761 : memref<1024xf32, #tpu.memory_space<vmem>>) target_semaphore(%arg8 : memref<!tpu.dma_semaphore, #tpu.memory_space<semaphore_mem>>)
      %add3A_763 = arith.constant 16252928 : i32
      %add3A_764 = arith.addi %add3A_763, %add3A_514 : i32
      %dma_start3A_765 = arith.constant 31744 : i32
      %dma_start3A_766 = tpu.memref_slice %arg5[%dma_start3A_765] : memref<50176xf32, #tpu.memory_space<vmem>> -> memref<1024xf32, #tpu.memory_space<vmem>>
      %dma_start3A_767 = tpu.memref_slice %arg2[%add3A_764] : memref<25690112xf32, #tpu.memory_space<hbm>> -> memref<1024xf32, #tpu.memory_space<hbm>>
      %dma_start3A_768 = arith.constant 31744 : i32
      %dma_start3A_769 = tpu.memref_slice %arg5[%dma_start3A_768] : memref<50176xf32, #tpu.memory_space<vmem>> -> memref<1024xf32, #tpu.memory_space<vmem>>
      %dma_start3A_770 = tpu.memref_slice %arg2[%add3A_764] : memref<25690112xf32, #tpu.memory_space<hbm>> -> memref<1024xf32, #tpu.memory_space<hbm>>
      tpu.enqueue_dma source(%dma_start3A_770 : memref<1024xf32, #tpu.memory_space<hbm>>) target(%dma_start3A_769 : memref<1024xf32, #tpu.memory_space<vmem>>) target_semaphore(%arg8 : memref<!tpu.dma_semaphore, #tpu.memory_space<semaphore_mem>>)
      %add3A_771 = arith.constant 16777216 : i32
      %add3A_772 = arith.addi %add3A_771, %add3A_514 : i32
      %dma_start3A_773 = arith.constant 32768 : i32
      %dma_start3A_774 = tpu.memref_slice %arg5[%dma_start3A_773] : memref<50176xf32, #tpu.memory_space<vmem>> -> memref<1024xf32, #tpu.memory_space<vmem>>
      %dma_start3A_775 = tpu.memref_slice %arg2[%add3A_772] : memref<25690112xf32, #tpu.memory_space<hbm>> -> memref<1024xf32, #tpu.memory_space<hbm>>
      %dma_start3A_776 = arith.constant 32768 : i32
      %dma_start3A_777 = tpu.memref_slice %arg5[%dma_start3A_776] : memref<50176xf32, #tpu.memory_space<vmem>> -> memref<1024xf32, #tpu.memory_space<vmem>>
      %dma_start3A_778 = tpu.memref_slice %arg2[%add3A_772] : memref<25690112xf32, #tpu.memory_space<hbm>> -> memref<1024xf32, #tpu.memory_space<hbm>>
      tpu.enqueue_dma source(%dma_start3A_778 : memref<1024xf32, #tpu.memory_space<hbm>>) target(%dma_start3A_777 : memref<1024xf32, #tpu.memory_space<vmem>>) target_semaphore(%arg8 : memref<!tpu.dma_semaphore, #tpu.memory_space<semaphore_mem>>)
      %add3A_779 = arith.constant 17301504 : i32
      %add3A_780 = arith.addi %add3A_779, %add3A_514 : i32
      %dma_start3A_781 = arith.constant 33792 : i32
      %dma_start3A_782 = tpu.memref_slice %arg5[%dma_start3A_781] : memref<50176xf32, #tpu.memory_space<vmem>> -> memref<1024xf32, #tpu.memory_space<vmem>>
      %dma_start3A_783 = tpu.memref_slice %arg2[%add3A_780] : memref<25690112xf32, #tpu.memory_space<hbm>> -> memref<1024xf32, #tpu.memory_space<hbm>>
      %dma_start3A_784 = arith.constant 33792 : i32
      %dma_start3A_785 = tpu.memref_slice %arg5[%dma_start3A_784] : memref<50176xf32, #tpu.memory_space<vmem>> -> memref<1024xf32, #tpu.memory_space<vmem>>
      %dma_start3A_786 = tpu.memref_slice %arg2[%add3A_780] : memref<25690112xf32, #tpu.memory_space<hbm>> -> memref<1024xf32, #tpu.memory_space<hbm>>
      tpu.enqueue_dma source(%dma_start3A_786 : memref<1024xf32, #tpu.memory_space<hbm>>) target(%dma_start3A_785 : memref<1024xf32, #tpu.memory_space<vmem>>) target_semaphore(%arg8 : memref<!tpu.dma_semaphore, #tpu.memory_space<semaphore_mem>>)
      %add3A_787 = arith.constant 17825792 : i32
      %add3A_788 = arith.addi %add3A_787, %add3A_514 : i32
      %dma_start3A_789 = arith.constant 34816 : i32
      %dma_start3A_790 = tpu.memref_slice %arg5[%dma_start3A_789] : memref<50176xf32, #tpu.memory_space<vmem>> -> memref<1024xf32, #tpu.memory_space<vmem>>
      %dma_start3A_791 = tpu.memref_slice %arg2[%add3A_788] : memref<25690112xf32, #tpu.memory_space<hbm>> -> memref<1024xf32, #tpu.memory_space<hbm>>
      %dma_start3A_792 = arith.constant 34816 : i32
      %dma_start3A_793 = tpu.memref_slice %arg5[%dma_start3A_792] : memref<50176xf32, #tpu.memory_space<vmem>> -> memref<1024xf32, #tpu.memory_space<vmem>>
      %dma_start3A_794 = tpu.memref_slice %arg2[%add3A_788] : memref<25690112xf32, #tpu.memory_space<hbm>> -> memref<1024xf32, #tpu.memory_space<hbm>>
      tpu.enqueue_dma source(%dma_start3A_794 : memref<1024xf32, #tpu.memory_space<hbm>>) target(%dma_start3A_793 : memref<1024xf32, #tpu.memory_space<vmem>>) target_semaphore(%arg8 : memref<!tpu.dma_semaphore, #tpu.memory_space<semaphore_mem>>)
      %add3A_795 = arith.constant 18350080 : i32
      %add3A_796 = arith.addi %add3A_795, %add3A_514 : i32
      %dma_start3A_797 = arith.constant 35840 : i32
      %dma_start3A_798 = tpu.memref_slice %arg5[%dma_start3A_797] : memref<50176xf32, #tpu.memory_space<vmem>> -> memref<1024xf32, #tpu.memory_space<vmem>>
      %dma_start3A_799 = tpu.memref_slice %arg2[%add3A_796] : memref<25690112xf32, #tpu.memory_space<hbm>> -> memref<1024xf32, #tpu.memory_space<hbm>>
      %dma_start3A_800 = arith.constant 35840 : i32
      %dma_start3A_801 = tpu.memref_slice %arg5[%dma_start3A_800] : memref<50176xf32, #tpu.memory_space<vmem>> -> memref<1024xf32, #tpu.memory_space<vmem>>
      %dma_start3A_802 = tpu.memref_slice %arg2[%add3A_796] : memref<25690112xf32, #tpu.memory_space<hbm>> -> memref<1024xf32, #tpu.memory_space<hbm>>
      tpu.enqueue_dma source(%dma_start3A_802 : memref<1024xf32, #tpu.memory_space<hbm>>) target(%dma_start3A_801 : memref<1024xf32, #tpu.memory_space<vmem>>) target_semaphore(%arg8 : memref<!tpu.dma_semaphore, #tpu.memory_space<semaphore_mem>>)
      %add3A_803 = arith.constant 18874368 : i32
      %add3A_804 = arith.addi %add3A_803, %add3A_514 : i32
      %dma_start3A_805 = arith.constant 36864 : i32
      %dma_start3A_806 = tpu.memref_slice %arg5[%dma_start3A_805] : memref<50176xf32, #tpu.memory_space<vmem>> -> memref<1024xf32, #tpu.memory_space<vmem>>
      %dma_start3A_807 = tpu.memref_slice %arg2[%add3A_804] : memref<25690112xf32, #tpu.memory_space<hbm>> -> memref<1024xf32, #tpu.memory_space<hbm>>
      %dma_start3A_808 = arith.constant 36864 : i32
      %dma_start3A_809 = tpu.memref_slice %arg5[%dma_start3A_808] : memref<50176xf32, #tpu.memory_space<vmem>> -> memref<1024xf32, #tpu.memory_space<vmem>>
      %dma_start3A_810 = tpu.memref_slice %arg2[%add3A_804] : memref<25690112xf32, #tpu.memory_space<hbm>> -> memref<1024xf32, #tpu.memory_space<hbm>>
      tpu.enqueue_dma source(%dma_start3A_810 : memref<1024xf32, #tpu.memory_space<hbm>>) target(%dma_start3A_809 : memref<1024xf32, #tpu.memory_space<vmem>>) target_semaphore(%arg8 : memref<!tpu.dma_semaphore, #tpu.memory_space<semaphore_mem>>)
      %add3A_811 = arith.constant 19398656 : i32
      %add3A_812 = arith.addi %add3A_811, %add3A_514 : i32
      %dma_start3A_813 = arith.constant 37888 : i32
      %dma_start3A_814 = tpu.memref_slice %arg5[%dma_start3A_813] : memref<50176xf32, #tpu.memory_space<vmem>> -> memref<1024xf32, #tpu.memory_space<vmem>>
      %dma_start3A_815 = tpu.memref_slice %arg2[%add3A_812] : memref<25690112xf32, #tpu.memory_space<hbm>> -> memref<1024xf32, #tpu.memory_space<hbm>>
      %dma_start3A_816 = arith.constant 37888 : i32
      %dma_start3A_817 = tpu.memref_slice %arg5[%dma_start3A_816] : memref<50176xf32, #tpu.memory_space<vmem>> -> memref<1024xf32, #tpu.memory_space<vmem>>
      %dma_start3A_818 = tpu.memref_slice %arg2[%add3A_812] : memref<25690112xf32, #tpu.memory_space<hbm>> -> memref<1024xf32, #tpu.memory_space<hbm>>
      tpu.enqueue_dma source(%dma_start3A_818 : memref<1024xf32, #tpu.memory_space<hbm>>) target(%dma_start3A_817 : memref<1024xf32, #tpu.memory_space<vmem>>) target_semaphore(%arg8 : memref<!tpu.dma_semaphore, #tpu.memory_space<semaphore_mem>>)
      %add3A_819 = arith.constant 19922944 : i32
      %add3A_820 = arith.addi %add3A_819, %add3A_514 : i32
      %dma_start3A_821 = arith.constant 38912 : i32
      %dma_start3A_822 = tpu.memref_slice %arg5[%dma_start3A_821] : memref<50176xf32, #tpu.memory_space<vmem>> -> memref<1024xf32, #tpu.memory_space<vmem>>
      %dma_start3A_823 = tpu.memref_slice %arg2[%add3A_820] : memref<25690112xf32, #tpu.memory_space<hbm>> -> memref<1024xf32, #tpu.memory_space<hbm>>
      %dma_start3A_824 = arith.constant 38912 : i32
      %dma_start3A_825 = tpu.memref_slice %arg5[%dma_start3A_824] : memref<50176xf32, #tpu.memory_space<vmem>> -> memref<1024xf32, #tpu.memory_space<vmem>>
      %dma_start3A_826 = tpu.memref_slice %arg2[%add3A_820] : memref<25690112xf32, #tpu.memory_space<hbm>> -> memref<1024xf32, #tpu.memory_space<hbm>>
      tpu.enqueue_dma source(%dma_start3A_826 : memref<1024xf32, #tpu.memory_space<hbm>>) target(%dma_start3A_825 : memref<1024xf32, #tpu.memory_space<vmem>>) target_semaphore(%arg8 : memref<!tpu.dma_semaphore, #tpu.memory_space<semaphore_mem>>)
      %add3A_827 = arith.constant 20447232 : i32
      %add3A_828 = arith.addi %add3A_827, %add3A_514 : i32
      %dma_start3A_829 = arith.constant 39936 : i32
      %dma_start3A_830 = tpu.memref_slice %arg5[%dma_start3A_829] : memref<50176xf32, #tpu.memory_space<vmem>> -> memref<1024xf32, #tpu.memory_space<vmem>>
      %dma_start3A_831 = tpu.memref_slice %arg2[%add3A_828] : memref<25690112xf32, #tpu.memory_space<hbm>> -> memref<1024xf32, #tpu.memory_space<hbm>>
      %dma_start3A_832 = arith.constant 39936 : i32
      %dma_start3A_833 = tpu.memref_slice %arg5[%dma_start3A_832] : memref<50176xf32, #tpu.memory_space<vmem>> -> memref<1024xf32, #tpu.memory_space<vmem>>
      %dma_start3A_834 = tpu.memref_slice %arg2[%add3A_828] : memref<25690112xf32, #tpu.memory_space<hbm>> -> memref<1024xf32, #tpu.memory_space<hbm>>
      tpu.enqueue_dma source(%dma_start3A_834 : memref<1024xf32, #tpu.memory_space<hbm>>) target(%dma_start3A_833 : memref<1024xf32, #tpu.memory_space<vmem>>) target_semaphore(%arg8 : memref<!tpu.dma_semaphore, #tpu.memory_space<semaphore_mem>>)
      %add3A_835 = arith.constant 20971520 : i32
      %add3A_836 = arith.addi %add3A_835, %add3A_514 : i32
      %dma_start3A_837 = arith.constant 40960 : i32
      %dma_start3A_838 = tpu.memref_slice %arg5[%dma_start3A_837] : memref<50176xf32, #tpu.memory_space<vmem>> -> memref<1024xf32, #tpu.memory_space<vmem>>
      %dma_start3A_839 = tpu.memref_slice %arg2[%add3A_836] : memref<25690112xf32, #tpu.memory_space<hbm>> -> memref<1024xf32, #tpu.memory_space<hbm>>
      %dma_start3A_840 = arith.constant 40960 : i32
      %dma_start3A_841 = tpu.memref_slice %arg5[%dma_start3A_840] : memref<50176xf32, #tpu.memory_space<vmem>> -> memref<1024xf32, #tpu.memory_space<vmem>>
      %dma_start3A_842 = tpu.memref_slice %arg2[%add3A_836] : memref<25690112xf32, #tpu.memory_space<hbm>> -> memref<1024xf32, #tpu.memory_space<hbm>>
      tpu.enqueue_dma source(%dma_start3A_842 : memref<1024xf32, #tpu.memory_space<hbm>>) target(%dma_start3A_841 : memref<1024xf32, #tpu.memory_space<vmem>>) target_semaphore(%arg8 : memref<!tpu.dma_semaphore, #tpu.memory_space<semaphore_mem>>)
      %add3A_843 = arith.constant 21495808 : i32
      %add3A_844 = arith.addi %add3A_843, %add3A_514 : i32
      %dma_start3A_845 = arith.constant 41984 : i32
      %dma_start3A_846 = tpu.memref_slice %arg5[%dma_start3A_845] : memref<50176xf32, #tpu.memory_space<vmem>> -> memref<1024xf32, #tpu.memory_space<vmem>>
      %dma_start3A_847 = tpu.memref_slice %arg2[%add3A_844] : memref<25690112xf32, #tpu.memory_space<hbm>> -> memref<1024xf32, #tpu.memory_space<hbm>>
      %dma_start3A_848 = arith.constant 41984 : i32
      %dma_start3A_849 = tpu.memref_slice %arg5[%dma_start3A_848] : memref<50176xf32, #tpu.memory_space<vmem>> -> memref<1024xf32, #tpu.memory_space<vmem>>
      %dma_start3A_850 = tpu.memref_slice %arg2[%add3A_844] : memref<25690112xf32, #tpu.memory_space<hbm>> -> memref<1024xf32, #tpu.memory_space<hbm>>
      tpu.enqueue_dma source(%dma_start3A_850 : memref<1024xf32, #tpu.memory_space<hbm>>) target(%dma_start3A_849 : memref<1024xf32, #tpu.memory_space<vmem>>) target_semaphore(%arg8 : memref<!tpu.dma_semaphore, #tpu.memory_space<semaphore_mem>>)
      %add3A_851 = arith.constant 22020096 : i32
      %add3A_852 = arith.addi %add3A_851, %add3A_514 : i32
      %dma_start3A_853 = arith.constant 43008 : i32
      %dma_start3A_854 = tpu.memref_slice %arg5[%dma_start3A_853] : memref<50176xf32, #tpu.memory_space<vmem>> -> memref<1024xf32, #tpu.memory_space<vmem>>
      %dma_start3A_855 = tpu.memref_slice %arg2[%add3A_852] : memref<25690112xf32, #tpu.memory_space<hbm>> -> memref<1024xf32, #tpu.memory_space<hbm>>
      %dma_start3A_856 = arith.constant 43008 : i32
      %dma_start3A_857 = tpu.memref_slice %arg5[%dma_start3A_856] : memref<50176xf32, #tpu.memory_space<vmem>> -> memref<1024xf32, #tpu.memory_space<vmem>>
      %dma_start3A_858 = tpu.memref_slice %arg2[%add3A_852] : memref<25690112xf32, #tpu.memory_space<hbm>> -> memref<1024xf32, #tpu.memory_space<hbm>>
      tpu.enqueue_dma source(%dma_start3A_858 : memref<1024xf32, #tpu.memory_space<hbm>>) target(%dma_start3A_857 : memref<1024xf32, #tpu.memory_space<vmem>>) target_semaphore(%arg8 : memref<!tpu.dma_semaphore, #tpu.memory_space<semaphore_mem>>)
      %add3A_859 = arith.constant 22544384 : i32
      %add3A_860 = arith.addi %add3A_859, %add3A_514 : i32
      %dma_start3A_861 = arith.constant 44032 : i32
      %dma_start3A_862 = tpu.memref_slice %arg5[%dma_start3A_861] : memref<50176xf32, #tpu.memory_space<vmem>> -> memref<1024xf32, #tpu.memory_space<vmem>>
      %dma_start3A_863 = tpu.memref_slice %arg2[%add3A_860] : memref<25690112xf32, #tpu.memory_space<hbm>> -> memref<1024xf32, #tpu.memory_space<hbm>>
      %dma_start3A_864 = arith.constant 44032 : i32
      %dma_start3A_865 = tpu.memref_slice %arg5[%dma_start3A_864] : memref<50176xf32, #tpu.memory_space<vmem>> -> memref<1024xf32, #tpu.memory_space<vmem>>
      %dma_start3A_866 = tpu.memref_slice %arg2[%add3A_860] : memref<25690112xf32, #tpu.memory_space<hbm>> -> memref<1024xf32, #tpu.memory_space<hbm>>
      tpu.enqueue_dma source(%dma_start3A_866 : memref<1024xf32, #tpu.memory_space<hbm>>) target(%dma_start3A_865 : memref<1024xf32, #tpu.memory_space<vmem>>) target_semaphore(%arg8 : memref<!tpu.dma_semaphore, #tpu.memory_space<semaphore_mem>>)
      %add3A_867 = arith.constant 23068672 : i32
      %add3A_868 = arith.addi %add3A_867, %add3A_514 : i32
      %dma_start3A_869 = arith.constant 45056 : i32
      %dma_start3A_870 = tpu.memref_slice %arg5[%dma_start3A_869] : memref<50176xf32, #tpu.memory_space<vmem>> -> memref<1024xf32, #tpu.memory_space<vmem>>
      %dma_start3A_871 = tpu.memref_slice %arg2[%add3A_868] : memref<25690112xf32, #tpu.memory_space<hbm>> -> memref<1024xf32, #tpu.memory_space<hbm>>
      %dma_start3A_872 = arith.constant 45056 : i32
      %dma_start3A_873 = tpu.memref_slice %arg5[%dma_start3A_872] : memref<50176xf32, #tpu.memory_space<vmem>> -> memref<1024xf32, #tpu.memory_space<vmem>>
      %dma_start3A_874 = tpu.memref_slice %arg2[%add3A_868] : memref<25690112xf32, #tpu.memory_space<hbm>> -> memref<1024xf32, #tpu.memory_space<hbm>>
      tpu.enqueue_dma source(%dma_start3A_874 : memref<1024xf32, #tpu.memory_space<hbm>>) target(%dma_start3A_873 : memref<1024xf32, #tpu.memory_space<vmem>>) target_semaphore(%arg8 : memref<!tpu.dma_semaphore, #tpu.memory_space<semaphore_mem>>)
      %add3A_875 = arith.constant 23592960 : i32
      %add3A_876 = arith.addi %add3A_875, %add3A_514 : i32
      %dma_start3A_877 = arith.constant 46080 : i32
      %dma_start3A_878 = tpu.memref_slice %arg5[%dma_start3A_877] : memref<50176xf32, #tpu.memory_space<vmem>> -> memref<1024xf32, #tpu.memory_space<vmem>>
      %dma_start3A_879 = tpu.memref_slice %arg2[%add3A_876] : memref<25690112xf32, #tpu.memory_space<hbm>> -> memref<1024xf32, #tpu.memory_space<hbm>>
      %dma_start3A_880 = arith.constant 46080 : i32
      %dma_start3A_881 = tpu.memref_slice %arg5[%dma_start3A_880] : memref<50176xf32, #tpu.memory_space<vmem>> -> memref<1024xf32, #tpu.memory_space<vmem>>
      %dma_start3A_882 = tpu.memref_slice %arg2[%add3A_876] : memref<25690112xf32, #tpu.memory_space<hbm>> -> memref<1024xf32, #tpu.memory_space<hbm>>
      tpu.enqueue_dma source(%dma_start3A_882 : memref<1024xf32, #tpu.memory_space<hbm>>) target(%dma_start3A_881 : memref<1024xf32, #tpu.memory_space<vmem>>) target_semaphore(%arg8 : memref<!tpu.dma_semaphore, #tpu.memory_space<semaphore_mem>>)
      %add3A_883 = arith.constant 24117248 : i32
      %add3A_884 = arith.addi %add3A_883, %add3A_514 : i32
      %dma_start3A_885 = arith.constant 47104 : i32
      %dma_start3A_886 = tpu.memref_slice %arg5[%dma_start3A_885] : memref<50176xf32, #tpu.memory_space<vmem>> -> memref<1024xf32, #tpu.memory_space<vmem>>
      %dma_start3A_887 = tpu.memref_slice %arg2[%add3A_884] : memref<25690112xf32, #tpu.memory_space<hbm>> -> memref<1024xf32, #tpu.memory_space<hbm>>
      %dma_start3A_888 = arith.constant 47104 : i32
      %dma_start3A_889 = tpu.memref_slice %arg5[%dma_start3A_888] : memref<50176xf32, #tpu.memory_space<vmem>> -> memref<1024xf32, #tpu.memory_space<vmem>>
      %dma_start3A_890 = tpu.memref_slice %arg2[%add3A_884] : memref<25690112xf32, #tpu.memory_space<hbm>> -> memref<1024xf32, #tpu.memory_space<hbm>>
      tpu.enqueue_dma source(%dma_start3A_890 : memref<1024xf32, #tpu.memory_space<hbm>>) target(%dma_start3A_889 : memref<1024xf32, #tpu.memory_space<vmem>>) target_semaphore(%arg8 : memref<!tpu.dma_semaphore, #tpu.memory_space<semaphore_mem>>)
      %add3A_891 = arith.constant 24641536 : i32
      %add3A_892 = arith.addi %add3A_891, %add3A_514 : i32
      %dma_start3A_893 = arith.constant 48128 : i32
      %dma_start3A_894 = tpu.memref_slice %arg5[%dma_start3A_893] : memref<50176xf32, #tpu.memory_space<vmem>> -> memref<1024xf32, #tpu.memory_space<vmem>>
      %dma_start3A_895 = tpu.memref_slice %arg2[%add3A_892] : memref<25690112xf32, #tpu.memory_space<hbm>> -> memref<1024xf32, #tpu.memory_space<hbm>>
      %dma_start3A_896 = arith.constant 48128 : i32
      %dma_start3A_897 = tpu.memref_slice %arg5[%dma_start3A_896] : memref<50176xf32, #tpu.memory_space<vmem>> -> memref<1024xf32, #tpu.memory_space<vmem>>
      %dma_start3A_898 = tpu.memref_slice %arg2[%add3A_892] : memref<25690112xf32, #tpu.memory_space<hbm>> -> memref<1024xf32, #tpu.memory_space<hbm>>
      tpu.enqueue_dma source(%dma_start3A_898 : memref<1024xf32, #tpu.memory_space<hbm>>) target(%dma_start3A_897 : memref<1024xf32, #tpu.memory_space<vmem>>) target_semaphore(%arg8 : memref<!tpu.dma_semaphore, #tpu.memory_space<semaphore_mem>>)
      %add3A_899 = arith.constant 25165824 : i32
      %add3A_900 = arith.addi %add3A_899, %add3A_514 : i32
      %dma_start3A_901 = arith.constant 49152 : i32
      %dma_start3A_902 = tpu.memref_slice %arg5[%dma_start3A_901] : memref<50176xf32, #tpu.memory_space<vmem>> -> memref<1024xf32, #tpu.memory_space<vmem>>
      %dma_start3A_903 = tpu.memref_slice %arg2[%add3A_900] : memref<25690112xf32, #tpu.memory_space<hbm>> -> memref<1024xf32, #tpu.memory_space<hbm>>
      %dma_start3A_904 = arith.constant 49152 : i32
      %dma_start3A_905 = tpu.memref_slice %arg5[%dma_start3A_904] : memref<50176xf32, #tpu.memory_space<vmem>> -> memref<1024xf32, #tpu.memory_space<vmem>>
      %dma_start3A_906 = tpu.memref_slice %arg2[%add3A_900] : memref<25690112xf32, #tpu.memory_space<hbm>> -> memref<1024xf32, #tpu.memory_space<hbm>>
      tpu.enqueue_dma source(%dma_start3A_906 : memref<1024xf32, #tpu.memory_space<hbm>>) target(%dma_start3A_905 : memref<1024xf32, #tpu.memory_space<vmem>>) target_semaphore(%arg8 : memref<!tpu.dma_semaphore, #tpu.memory_space<semaphore_mem>>)
      %dma_wait3A_907 = arith.constant 0 : i32
      %dma_wait3A_908 = tpu.memref_slice %arg2[%dma_wait3A_907] : memref<25690112xf32, #tpu.memory_space<hbm>> -> memref<50176xf32, #tpu.memory_space<hbm>>
      %dma_wait3A_909 = arith.constant 0 : i32
      %dma_wait3A_910 = tpu.memref_slice %arg2[%dma_wait3A_909] : memref<25690112xf32, #tpu.memory_space<hbm>> -> memref<50176xf32, #tpu.memory_space<hbm>>
      tpu.wait_dma2 semaphore(%arg7 : memref<!tpu.dma_semaphore, #tpu.memory_space<semaphore_mem>>) src(%dma_wait3A_910 : memref<50176xf32, #tpu.memory_space<hbm>>) dst(%arg4 : memref<50176xf32, #tpu.memory_space<vmem>>)
      %scan3A_911 = arith.constant 0 : i32
      %scan3A_912 = arith.constant 0 : i32
      %scan3A_913 = arith.constant 32 : i32
      %scan3A_914 = arith.addi %scan3A_912, %scan3A_913 : i32
      %scan3A_915 = arith.constant 1 : i32
      scf.for %scan3A_932 = %scan3A_912 to %scan3A_914 step %scan3A_915  : i32 {
        %mul3A_933 = arith.constant 2 : i32
        %mul3A_934 = arith.muli %mul3A_933, %scan3A_932 : i32
        %shift_right_arithmetic3A = arith.constant 3 : i32
        %shift_right_arithmetic3A_935 = arith.shrsi %mul3A_934, %shift_right_arithmetic3A : i32
        %mul3A_936 = arith.constant 4 : i32
        %mul3A_937 = arith.muli %shift_right_arithmetic3A_935, %mul3A_936 : i32
        %shift_left3A = arith.constant 7 : i32
        %shift_left3A_938 = arith.shli %mul3A_937, %shift_left3A : i32
        %shift_left3A_939 = arith.constant 7 : i32
        %shift_left3A_940 = arith.shli %mul3A_509, %shift_left3A_939 : i32
        %add3A_941 = arith.addi %shift_left3A_938, %shift_left3A_940 : i32
        %and3A_942 = arith.constant 7 : i32
        %and3A_943 = arith.andi %mul3A_934, %and3A_942 : i32
        %shift_left3A_944 = arith.constant 4 : i32
        %shift_left3A_945 = arith.shli %and3A_943, %shift_left3A_944 : i32
        %add3A_946 = arith.addi %add3A_941, %shift_left3A_945 : i32
        %mul3A_947 = arith.constant 16 : i32
        %mul3A_948 = arith.muli %mul3A_934, %mul3A_947 : i32
        %add3A_949 = arith.constant 0 : i32
        %add3A_950 = arith.addi %add3A_949, %mul3A_948 : i32
        %get3A = arith.index_cast %add3A_950 : i32 to index
        %get3A_951 = tpu.vector_load %arg4[%get3A] {strides = array<i32>} : memref<50176xf32, #tpu.memory_space<vmem>>, vector<16xf32>,
        %mul3A_952 = arith.constant 16 : i32
        %mul3A_953 = arith.muli %mul3A_934, %mul3A_952 : i32
        %add3A_954 = arith.constant 1024 : i32
        %add3A_955 = arith.addi %add3A_954, %mul3A_953 : i32
        %get3A_956 = arith.index_cast %add3A_955 : i32 to index
        %get3A_957 = tpu.vector_load %arg4[%get3A_956] {strides = array<i32>} : memref<50176xf32, #tpu.memory_space<vmem>>, vector<16xf32>,
        %mul3A_958 = arith.constant 16 : i32
        %mul3A_959 = arith.muli %mul3A_934, %mul3A_958 : i32
        %add3A_960 = arith.constant 2048 : i32
        %add3A_961 = arith.addi %add3A_960, %mul3A_959 : i32
        %get3A_962 = arith.index_cast %add3A_961 : i32 to index
        %get3A_963 = tpu.vector_load %arg4[%get3A_962] {strides = array<i32>} : memref<50176xf32, #tpu.memory_space<vmem>>, vector<16xf32>,
        %mul3A_964 = arith.constant 16 : i32
        %mul3A_965 = arith.muli %mul3A_934, %mul3A_964 : i32
        %add3A_966 = arith.constant 3072 : i32
        %add3A_967 = arith.addi %add3A_966, %mul3A_965 : i32
        %get3A_968 = arith.index_cast %add3A_967 : i32 to index
        %get3A_969 = tpu.vector_load %arg4[%get3A_968] {strides = array<i32>} : memref<50176xf32, #tpu.memory_space<vmem>>, vector<16xf32>,
        %max3A = arith.maximumf %get3A_951, %get3A_957 : vector<16xf32>
        %min3A = arith.minimumf %get3A_951, %get3A_957 : vector<16xf32>
        %max3A_970 = arith.maximumf %get3A_963, %get3A_969 : vector<16xf32>
        %min3A_971 = arith.minimumf %get3A_963, %get3A_969 : vector<16xf32>
        %max3A_972 = arith.maximumf %max3A, %max3A_970 : vector<16xf32>
        %min3A_973 = arith.minimumf %max3A, %max3A_970 : vector<16xf32>
        %max3A_974 = arith.maximumf %min3A, %min3A_971 : vector<16xf32>
        %min3A_975 = arith.minimumf %min3A, %min3A_971 : vector<16xf32>
        %max3A_976 = arith.maximumf %max3A_974, %min3A_973 : vector<16xf32>
        %min3A_977 = arith.minimumf %max3A_974, %min3A_973 : vector<16xf32>
        %mul3A_978 = arith.constant 16 : i32
        %mul3A_979 = arith.muli %mul3A_934, %mul3A_978 : i32
        %add3A_980 = arith.constant 4096 : i32
        %add3A_981 = arith.addi %add3A_980, %mul3A_979 : i32
        %get3A_982 = arith.index_cast %add3A_981 : i32 to index
        %get3A_983 = tpu.vector_load %arg4[%get3A_982] {strides = array<i32>} : memref<50176xf32, #tpu.memory_space<vmem>>, vector<16xf32>,
        %mul3A_984 = arith.constant 16 : i32
        %mul3A_985 = arith.muli %mul3A_934, %mul3A_984 : i32
        %add3A_986 = arith.constant 5120 : i32
        %add3A_987 = arith.addi %add3A_986, %mul3A_985 : i32
        %get3A_988 = arith.index_cast %add3A_987 : i32 to index
        %get3A_989 = tpu.vector_load %arg4[%get3A_988] {strides = array<i32>} : memref<50176xf32, #tpu.memory_space<vmem>>, vector<16xf32>,
        %mul3A_990 = arith.constant 16 : i32
        %mul3A_991 = arith.muli %mul3A_934, %mul3A_990 : i32
        %add3A_992 = arith.constant 6144 : i32
        %add3A_993 = arith.addi %add3A_992, %mul3A_991 : i32
        %get3A_994 = arith.index_cast %add3A_993 : i32 to index
        %get3A_995 = tpu.vector_load %arg4[%get3A_994] {strides = array<i32>} : memref<50176xf32, #tpu.memory_space<vmem>>, vector<16xf32>,
        %mul3A_996 = arith.constant 16 : i32
        %mul3A_997 = arith.muli %mul3A_934, %mul3A_996 : i32
        %add3A_998 = arith.constant 7168 : i32
        %add3A_999 = arith.addi %add3A_998, %mul3A_997 : i32
        %get3A_1000 = arith.index_cast %add3A_999 : i32 to index
        %get3A_1001 = tpu.vector_load %arg4[%get3A_1000] {strides = array<i32>} : memref<50176xf32, #tpu.memory_space<vmem>>, vector<16xf32>,
        %max3A_1002 = arith.maximumf %get3A_983, %get3A_989 : vector<16xf32>
        %min3A_1003 = arith.minimumf %get3A_983, %get3A_989 : vector<16xf32>
        %max3A_1004 = arith.maximumf %get3A_995, %get3A_1001 : vector<16xf32>
        %min3A_1005 = arith.minimumf %get3A_995, %get3A_1001 : vector<16xf32>
        %max3A_1006 = arith.maximumf %max3A_1002, %max3A_1004 : vector<16xf32>
        %min3A_1007 = arith.minimumf %max3A_1002, %max3A_1004 : vector<16xf32>
        %max3A_1008 = arith.maximumf %min3A_1003, %min3A_1005 : vector<16xf32>
        %min3A_1009 = arith.minimumf %min3A_1003, %min3A_1005 : vector<16xf32>
        %max3A_1010 = arith.maximumf %max3A_1008, %min3A_1007 : vector<16xf32>
        %min3A_1011 = arith.minimumf %max3A_1008, %min3A_1007 : vector<16xf32>
        %max3A_1012 = arith.maximumf %max3A_972, %max3A_1006 : vector<16xf32>
        %min3A_1013 = arith.minimumf %max3A_972, %max3A_1006 : vector<16xf32>
        %max3A_1014 = arith.maximumf %min3A_977, %min3A_1011 : vector<16xf32>
        %max3A_1015 = arith.maximumf %min3A_1013, %max3A_1014 : vector<16xf32>
        %min3A_1016 = arith.minimumf %min3A_1013, %max3A_1014 : vector<16xf32>
        %max3A_1017 = arith.maximumf %max3A_976, %max3A_1010 : vector<16xf32>
        %min3A_1018 = arith.minimumf %max3A_976, %max3A_1010 : vector<16xf32>
        %max3A_1019 = arith.maximumf %min3A_975, %min3A_1009 : vector<16xf32>
        %max3A_1020 = arith.maximumf %min3A_1018, %max3A_1019 : vector<16xf32>
        %max3A_1021 = arith.maximumf %max3A_1017, %max3A_1015 : vector<16xf32>
        %min3A_1022 = arith.minimumf %max3A_1017, %max3A_1015 : vector<16xf32>
        %max3A_1023 = arith.maximumf %max3A_1020, %min3A_1016 : vector<16xf32>
        %mul3A_1024 = arith.constant 16 : i32
        %mul3A_1025 = arith.muli %mul3A_934, %mul3A_1024 : i32
        %add3A_1026 = arith.constant 8192 : i32
        %add3A_1027 = arith.addi %add3A_1026, %mul3A_1025 : i32
        %get3A_1028 = arith.index_cast %add3A_1027 : i32 to index
        %get3A_1029 = tpu.vector_load %arg4[%get3A_1028] {strides = array<i32>} : memref<50176xf32, #tpu.memory_space<vmem>>, vector<16xf32>,
        %mul3A_1030 = arith.constant 16 : i32
        %mul3A_1031 = arith.muli %mul3A_934, %mul3A_1030 : i32
        %add3A_1032 = arith.constant 9216 : i32
        %add3A_1033 = arith.addi %add3A_1032, %mul3A_1031 : i32
        %get3A_1034 = arith.index_cast %add3A_1033 : i32 to index
        %get3A_1035 = tpu.vector_load %arg4[%get3A_1034] {strides = array<i32>} : memref<50176xf32, #tpu.memory_space<vmem>>, vector<16xf32>,
        %mul3A_1036 = arith.constant 16 : i32
        %mul3A_1037 = arith.muli %mul3A_934, %mul3A_1036 : i32
        %add3A_1038 = arith.constant 10240 : i32
        %add3A_1039 = arith.addi %add3A_1038, %mul3A_1037 : i32
        %get3A_1040 = arith.index_cast %add3A_1039 : i32 to index
        %get3A_1041 = tpu.vector_load %arg4[%get3A_1040] {strides = array<i32>} : memref<50176xf32, #tpu.memory_space<vmem>>, vector<16xf32>,
        %mul3A_1042 = arith.constant 16 : i32
        %mul3A_1043 = arith.muli %mul3A_934, %mul3A_1042 : i32
        %add3A_1044 = arith.constant 11264 : i32
        %add3A_1045 = arith.addi %add3A_1044, %mul3A_1043 : i32
        %get3A_1046 = arith.index_cast %add3A_1045 : i32 to index
        %get3A_1047 = tpu.vector_load %arg4[%get3A_1046] {strides = array<i32>} : memref<50176xf32, #tpu.memory_space<vmem>>, vector<16xf32>,
        %max3A_1048 = arith.maximumf %get3A_1029, %get3A_1035 : vector<16xf32>
        %min3A_1049 = arith.minimumf %get3A_1029, %get3A_1035 : vector<16xf32>
        %max3A_1050 = arith.maximumf %get3A_1041, %get3A_1047 : vector<16xf32>
        %min3A_1051 = arith.minimumf %get3A_1041, %get3A_1047 : vector<16xf32>
        %max3A_1052 = arith.maximumf %max3A_1048, %max3A_1050 : vector<16xf32>
        %min3A_1053 = arith.minimumf %max3A_1048, %max3A_1050 : vector<16xf32>
        %max3A_1054 = arith.maximumf %min3A_1049, %min3A_1051 : vector<16xf32>
        %min3A_1055 = arith.minimumf %min3A_1049, %min3A_1051 : vector<16xf32>
        %max3A_1056 = arith.maximumf %max3A_1054, %min3A_1053 : vector<16xf32>
        %min3A_1057 = arith.minimumf %max3A_1054, %min3A_1053 : vector<16xf32>
        %mul3A_1058 = arith.constant 16 : i32
        %mul3A_1059 = arith.muli %mul3A_934, %mul3A_1058 : i32
        %add3A_1060 = arith.constant 12288 : i32
        %add3A_1061 = arith.addi %add3A_1060, %mul3A_1059 : i32
        %get3A_1062 = arith.index_cast %add3A_1061 : i32 to index
        %get3A_1063 = tpu.vector_load %arg4[%get3A_1062] {strides = array<i32>} : memref<50176xf32, #tpu.memory_space<vmem>>, vector<16xf32>,
        %mul3A_1064 = arith.constant 16 : i32
        %mul3A_1065 = arith.muli %mul3A_934, %mul3A_1064 : i32
        %add3A_1066 = arith.constant 13312 : i32
        %add3A_1067 = arith.addi %add3A_1066, %mul3A_1065 : i32
        %get3A_1068 = arith.index_cast %add3A_1067 : i32 to index
        %get3A_1069 = tpu.vector_load %arg4[%get3A_1068] {strides = array<i32>} : memref<50176xf32, #tpu.memory_space<vmem>>, vector<16xf32>,
        %mul3A_1070 = arith.constant 16 : i32
        %mul3A_1071 = arith.muli %mul3A_934, %mul3A_1070 : i32
        %add3A_1072 = arith.constant 14336 : i32
        %add3A_1073 = arith.addi %add3A_1072, %mul3A_1071 : i32
        %get3A_1074 = arith.index_cast %add3A_1073 : i32 to index
        %get3A_1075 = tpu.vector_load %arg4[%get3A_1074] {strides = array<i32>} : memref<50176xf32, #tpu.memory_space<vmem>>, vector<16xf32>,
        %mul3A_1076 = arith.constant 16 : i32
        %mul3A_1077 = arith.muli %mul3A_934, %mul3A_1076 : i32
        %add3A_1078 = arith.constant 15360 : i32
        %add3A_1079 = arith.addi %add3A_1078, %mul3A_1077 : i32
        %get3A_1080 = arith.index_cast %add3A_1079 : i32 to index
        %get3A_1081 = tpu.vector_load %arg4[%get3A_1080] {strides = array<i32>} : memref<50176xf32, #tpu.memory_space<vmem>>, vector<16xf32>,
        %max3A_1082 = arith.maximumf %get3A_1063, %get3A_1069 : vector<16xf32>
        %min3A_1083 = arith.minimumf %get3A_1063, %get3A_1069 : vector<16xf32>
        %max3A_1084 = arith.maximumf %get3A_1075, %get3A_1081 : vector<16xf32>
        %min3A_1085 = arith.minimumf %get3A_1075, %get3A_1081 : vector<16xf32>
        %max3A_1086 = arith.maximumf %max3A_1082, %max3A_1084 : vector<16xf32>
        %min3A_1087 = arith.minimumf %max3A_1082, %max3A_1084 : vector<16xf32>
        %max3A_1088 = arith.maximumf %min3A_1083, %min3A_1085 : vector<16xf32>
        %min3A_1089 = arith.minimumf %min3A_1083, %min3A_1085 : vector<16xf32>
        %max3A_1090 = arith.maximumf %max3A_1088, %min3A_1087 : vector<16xf32>
        %min3A_1091 = arith.minimumf %max3A_1088, %min3A_1087 : vector<16xf32>
        %max3A_1092 = arith.maximumf %max3A_1052, %max3A_1086 : vector<16xf32>
        %min3A_1093 = arith.minimumf %max3A_1052, %max3A_1086 : vector<16xf32>
        %max3A_1094 = arith.maximumf %min3A_1057, %min3A_1091 : vector<16xf32>
        %max3A_1095 = arith.maximumf %min3A_1093, %max3A_1094 : vector<16xf32>
        %min3A_1096 = arith.minimumf %min3A_1093, %max3A_1094 : vector<16xf32>
        %max3A_1097 = arith.maximumf %max3A_1056, %max3A_1090 : vector<16xf32>
        %min3A_1098 = arith.minimumf %max3A_1056, %max3A_1090 : vector<16xf32>
        %max3A_1099 = arith.maximumf %min3A_1055, %min3A_1089 : vector<16xf32>
        %max3A_1100 = arith.maximumf %min3A_1098, %max3A_1099 : vector<16xf32>
        %max3A_1101 = arith.maximumf %max3A_1097, %max3A_1095 : vector<16xf32>
        %min3A_1102 = arith.minimumf %max3A_1097, %max3A_1095 : vector<16xf32>
        %max3A_1103 = arith.maximumf %max3A_1100, %min3A_1096 : vector<16xf32>
        %max3A_1104 = arith.maximumf %max3A_1012, %max3A_1092 : vector<16xf32>
        %min3A_1105 = arith.minimumf %max3A_1012, %max3A_1092 : vector<16xf32>
        %max3A_1106 = arith.maximumf %min3A_1022, %min3A_1102 : vector<16xf32>
        %max3A_1107 = arith.maximumf %min3A_1105, %max3A_1106 : vector<16xf32>
        %min3A_1108 = arith.minimumf %min3A_1105, %max3A_1106 : vector<16xf32>
        %max3A_1109 = arith.maximumf %max3A_1021, %max3A_1101 : vector<16xf32>
        %min3A_1110 = arith.minimumf %max3A_1021, %max3A_1101 : vector<16xf32>
        %max3A_1111 = arith.maximumf %max3A_1023, %max3A_1103 : vector<16xf32>
        %max3A_1112 = arith.maximumf %min3A_1110, %max3A_1111 : vector<16xf32>
        %max3A_1113 = arith.maximumf %max3A_1109, %max3A_1107 : vector<16xf32>
        %min3A_1114 = arith.minimumf %max3A_1109, %max3A_1107 : vector<16xf32>
        %max3A_1115 = arith.maximumf %max3A_1112, %min3A_1108 : vector<16xf32>
        %mul3A_1116 = arith.constant 16 : i32
        %mul3A_1117 = arith.muli %mul3A_934, %mul3A_1116 : i32
        %add3A_1118 = arith.constant 16384 : i32
        %add3A_1119 = arith.addi %add3A_1118, %mul3A_1117 : i32
        %get3A_1120 = arith.index_cast %add3A_1119 : i32 to index
        %get3A_1121 = tpu.vector_load %arg4[%get3A_1120] {strides = array<i32>} : memref<50176xf32, #tpu.memory_space<vmem>>, vector<16xf32>,
        %mul3A_1122 = arith.constant 16 : i32
        %mul3A_1123 = arith.muli %mul3A_934, %mul3A_1122 : i32
        %add3A_1124 = arith.constant 17408 : i32
        %add3A_1125 = arith.addi %add3A_1124, %mul3A_1123 : i32
        %get3A_1126 = arith.index_cast %add3A_1125 : i32 to index
        %get3A_1127 = tpu.vector_load %arg4[%get3A_1126] {strides = array<i32>} : memref<50176xf32, #tpu.memory_space<vmem>>, vector<16xf32>,
        %mul3A_1128 = arith.constant 16 : i32
        %mul3A_1129 = arith.muli %mul3A_934, %mul3A_1128 : i32
        %add3A_1130 = arith.constant 18432 : i32
        %add3A_1131 = arith.addi %add3A_1130, %mul3A_1129 : i32
        %get3A_1132 = arith.index_cast %add3A_1131 : i32 to index
        %get3A_1133 = tpu.vector_load %arg4[%get3A_1132] {strides = array<i32>} : memref<50176xf32, #tpu.memory_space<vmem>>, vector<16xf32>,
        %mul3A_1134 = arith.constant 16 : i32
        %mul3A_1135 = arith.muli %mul3A_934, %mul3A_1134 : i32
        %add3A_1136 = arith.constant 19456 : i32
        %add3A_1137 = arith.addi %add3A_1136, %mul3A_1135 : i32
        %get3A_1138 = arith.index_cast %add3A_1137 : i32 to index
        %get3A_1139 = tpu.vector_load %arg4[%get3A_1138] {strides = array<i32>} : memref<50176xf32, #tpu.memory_space<vmem>>, vector<16xf32>,
        %max3A_1140 = arith.maximumf %get3A_1121, %get3A_1127 : vector<16xf32>
        %min3A_1141 = arith.minimumf %get3A_1121, %get3A_1127 : vector<16xf32>
        %max3A_1142 = arith.maximumf %get3A_1133, %get3A_1139 : vector<16xf32>
        %min3A_1143 = arith.minimumf %get3A_1133, %get3A_1139 : vector<16xf32>
        %max3A_1144 = arith.maximumf %max3A_1140, %max3A_1142 : vector<16xf32>
        %min3A_1145 = arith.minimumf %max3A_1140, %max3A_1142 : vector<16xf32>
        %max3A_1146 = arith.maximumf %min3A_1141, %min3A_1143 : vector<16xf32>
        %min3A_1147 = arith.minimumf %min3A_1141, %min3A_1143 : vector<16xf32>
        %max3A_1148 = arith.maximumf %max3A_1146, %min3A_1145 : vector<16xf32>
        %min3A_1149 = arith.minimumf %max3A_1146, %min3A_1145 : vector<16xf32>
        %mul3A_1150 = arith.constant 16 : i32
        %mul3A_1151 = arith.muli %mul3A_934, %mul3A_1150 : i32
        %add3A_1152 = arith.constant 20480 : i32
        %add3A_1153 = arith.addi %add3A_1152, %mul3A_1151 : i32
        %get3A_1154 = arith.index_cast %add3A_1153 : i32 to index
        %get3A_1155 = tpu.vector_load %arg4[%get3A_1154] {strides = array<i32>} : memref<50176xf32, #tpu.memory_space<vmem>>, vector<16xf32>,
        %mul3A_1156 = arith.constant 16 : i32
        %mul3A_1157 = arith.muli %mul3A_934, %mul3A_1156 : i32
        %add3A_1158 = arith.constant 21504 : i32
        %add3A_1159 = arith.addi %add3A_1158, %mul3A_1157 : i32
        %get3A_1160 = arith.index_cast %add3A_1159 : i32 to index
        %get3A_1161 = tpu.vector_load %arg4[%get3A_1160] {strides = array<i32>} : memref<50176xf32, #tpu.memory_space<vmem>>, vector<16xf32>,
        %mul3A_1162 = arith.constant 16 : i32
        %mul3A_1163 = arith.muli %mul3A_934, %mul3A_1162 : i32
        %add3A_1164 = arith.constant 22528 : i32
        %add3A_1165 = arith.addi %add3A_1164, %mul3A_1163 : i32
        %get3A_1166 = arith.index_cast %add3A_1165 : i32 to index
        %get3A_1167 = tpu.vector_load %arg4[%get3A_1166] {strides = array<i32>} : memref<50176xf32, #tpu.memory_space<vmem>>, vector<16xf32>,
        %mul3A_1168 = arith.constant 16 : i32
        %mul3A_1169 = arith.muli %mul3A_934, %mul3A_1168 : i32
        %add3A_1170 = arith.constant 23552 : i32
        %add3A_1171 = arith.addi %add3A_1170, %mul3A_1169 : i32
        %get3A_1172 = arith.index_cast %add3A_1171 : i32 to index
        %get3A_1173 = tpu.vector_load %arg4[%get3A_1172] {strides = array<i32>} : memref<50176xf32, #tpu.memory_space<vmem>>, vector<16xf32>,
        %max3A_1174 = arith.maximumf %get3A_1155, %get3A_1161 : vector<16xf32>
        %min3A_1175 = arith.minimumf %get3A_1155, %get3A_1161 : vector<16xf32>
        %max3A_1176 = arith.maximumf %get3A_1167, %get3A_1173 : vector<16xf32>
        %min3A_1177 = arith.minimumf %get3A_1167, %get3A_1173 : vector<16xf32>
        %max3A_1178 = arith.maximumf %max3A_1174, %max3A_1176 : vector<16xf32>
        %min3A_1179 = arith.minimumf %max3A_1174, %max3A_1176 : vector<16xf32>
        %max3A_1180 = arith.maximumf %min3A_1175, %min3A_1177 : vector<16xf32>
        %min3A_1181 = arith.minimumf %min3A_1175, %min3A_1177 : vector<16xf32>
        %max3A_1182 = arith.maximumf %max3A_1180, %min3A_1179 : vector<16xf32>
        %min3A_1183 = arith.minimumf %max3A_1180, %min3A_1179 : vector<16xf32>
        %max3A_1184 = arith.maximumf %max3A_1144, %max3A_1178 : vector<16xf32>
        %min3A_1185 = arith.minimumf %max3A_1144, %max3A_1178 : vector<16xf32>
        %max3A_1186 = arith.maximumf %min3A_1149, %min3A_1183 : vector<16xf32>
        %max3A_1187 = arith.maximumf %min3A_1185, %max3A_1186 : vector<16xf32>
        %min3A_1188 = arith.minimumf %min3A_1185, %max3A_1186 : vector<16xf32>
        %max3A_1189 = arith.maximumf %max3A_1148, %max3A_1182 : vector<16xf32>
        %min3A_1190 = arith.minimumf %max3A_1148, %max3A_1182 : vector<16xf32>
        %max3A_1191 = arith.maximumf %min3A_1147, %min3A_1181 : vector<16xf32>
        %max3A_1192 = arith.maximumf %min3A_1190, %max3A_1191 : vector<16xf32>
        %max3A_1193 = arith.maximumf %max3A_1189, %max3A_1187 : vector<16xf32>
        %min3A_1194 = arith.minimumf %max3A_1189, %max3A_1187 : vector<16xf32>
        %max3A_1195 = arith.maximumf %max3A_1192, %min3A_1188 : vector<16xf32>
        %mul3A_1196 = arith.constant 16 : i32
        %mul3A_1197 = arith.muli %mul3A_934, %mul3A_1196 : i32
        %add3A_1198 = arith.constant 24576 : i32
        %add3A_1199 = arith.addi %add3A_1198, %mul3A_1197 : i32
        %get3A_1200 = arith.index_cast %add3A_1199 : i32 to index
        %get3A_1201 = tpu.vector_load %arg4[%get3A_1200] {strides = array<i32>} : memref<50176xf32, #tpu.memory_space<vmem>>, vector<16xf32>,
        %mul3A_1202 = arith.constant 16 : i32
        %mul3A_1203 = arith.muli %mul3A_934, %mul3A_1202 : i32
        %add3A_1204 = arith.constant 25600 : i32
        %add3A_1205 = arith.addi %add3A_1204, %mul3A_1203 : i32
        %get3A_1206 = arith.index_cast %add3A_1205 : i32 to index
        %get3A_1207 = tpu.vector_load %arg4[%get3A_1206] {strides = array<i32>} : memref<50176xf32, #tpu.memory_space<vmem>>, vector<16xf32>,
        %mul3A_1208 = arith.constant 16 : i32
        %mul3A_1209 = arith.muli %mul3A_934, %mul3A_1208 : i32
        %add3A_1210 = arith.constant 26624 : i32
        %add3A_1211 = arith.addi %add3A_1210, %mul3A_1209 : i32
        %get3A_1212 = arith.index_cast %add3A_1211 : i32 to index
        %get3A_1213 = tpu.vector_load %arg4[%get3A_1212] {strides = array<i32>} : memref<50176xf32, #tpu.memory_space<vmem>>, vector<16xf32>,
        %mul3A_1214 = arith.constant 16 : i32
        %mul3A_1215 = arith.muli %mul3A_934, %mul3A_1214 : i32
        %add3A_1216 = arith.constant 27648 : i32
        %add3A_1217 = arith.addi %add3A_1216, %mul3A_1215 : i32
        %get3A_1218 = arith.index_cast %add3A_1217 : i32 to index
        %get3A_1219 = tpu.vector_load %arg4[%get3A_1218] {strides = array<i32>} : memref<50176xf32, #tpu.memory_space<vmem>>, vector<16xf32>,
        %max3A_1220 = arith.maximumf %get3A_1201, %get3A_1207 : vector<16xf32>
        %min3A_1221 = arith.minimumf %get3A_1201, %get3A_1207 : vector<16xf32>
        %max3A_1222 = arith.maximumf %get3A_1213, %get3A_1219 : vector<16xf32>
        %min3A_1223 = arith.minimumf %get3A_1213, %get3A_1219 : vector<16xf32>
        %max3A_1224 = arith.maximumf %max3A_1220, %max3A_1222 : vector<16xf32>
        %min3A_1225 = arith.minimumf %max3A_1220, %max3A_1222 : vector<16xf32>
        %max3A_1226 = arith.maximumf %min3A_1221, %min3A_1223 : vector<16xf32>
        %min3A_1227 = arith.minimumf %min3A_1221, %min3A_1223 : vector<16xf32>
        %max3A_1228 = arith.maximumf %max3A_1226, %min3A_1225 : vector<16xf32>
        %min3A_1229 = arith.minimumf %max3A_1226, %min3A_1225 : vector<16xf32>
        %mul3A_1230 = arith.constant 16 : i32
        %mul3A_1231 = arith.muli %mul3A_934, %mul3A_1230 : i32
        %add3A_1232 = arith.constant 28672 : i32
        %add3A_1233 = arith.addi %add3A_1232, %mul3A_1231 : i32
        %get3A_1234 = arith.index_cast %add3A_1233 : i32 to index
        %get3A_1235 = tpu.vector_load %arg4[%get3A_1234] {strides = array<i32>} : memref<50176xf32, #tpu.memory_space<vmem>>, vector<16xf32>,
        %mul3A_1236 = arith.constant 16 : i32
        %mul3A_1237 = arith.muli %mul3A_934, %mul3A_1236 : i32
        %add3A_1238 = arith.constant 29696 : i32
        %add3A_1239 = arith.addi %add3A_1238, %mul3A_1237 : i32
        %get3A_1240 = arith.index_cast %add3A_1239 : i32 to index
        %get3A_1241 = tpu.vector_load %arg4[%get3A_1240] {strides = array<i32>} : memref<50176xf32, #tpu.memory_space<vmem>>, vector<16xf32>,
        %mul3A_1242 = arith.constant 16 : i32
        %mul3A_1243 = arith.muli %mul3A_934, %mul3A_1242 : i32
        %add3A_1244 = arith.constant 30720 : i32
        %add3A_1245 = arith.addi %add3A_1244, %mul3A_1243 : i32
        %get3A_1246 = arith.index_cast %add3A_1245 : i32 to index
        %get3A_1247 = tpu.vector_load %arg4[%get3A_1246] {strides = array<i32>} : memref<50176xf32, #tpu.memory_space<vmem>>, vector<16xf32>,
        %mul3A_1248 = arith.constant 16 : i32
        %mul3A_1249 = arith.muli %mul3A_934, %mul3A_1248 : i32
        %add3A_1250 = arith.constant 31744 : i32
        %add3A_1251 = arith.addi %add3A_1250, %mul3A_1249 : i32
        %get3A_1252 = arith.index_cast %add3A_1251 : i32 to index
        %get3A_1253 = tpu.vector_load %arg4[%get3A_1252] {strides = array<i32>} : memref<50176xf32, #tpu.memory_space<vmem>>, vector<16xf32>,
        %max3A_1254 = arith.maximumf %get3A_1235, %get3A_1241 : vector<16xf32>
        %min3A_1255 = arith.minimumf %get3A_1235, %get3A_1241 : vector<16xf32>
        %max3A_1256 = arith.maximumf %get3A_1247, %get3A_1253 : vector<16xf32>
        %min3A_1257 = arith.minimumf %get3A_1247, %get3A_1253 : vector<16xf32>
        %max3A_1258 = arith.maximumf %max3A_1254, %max3A_1256 : vector<16xf32>
        %min3A_1259 = arith.minimumf %max3A_1254, %max3A_1256 : vector<16xf32>
        %max3A_1260 = arith.maximumf %min3A_1255, %min3A_1257 : vector<16xf32>
        %min3A_1261 = arith.minimumf %min3A_1255, %min3A_1257 : vector<16xf32>
        %max3A_1262 = arith.maximumf %max3A_1260, %min3A_1259 : vector<16xf32>
        %min3A_1263 = arith.minimumf %max3A_1260, %min3A_1259 : vector<16xf32>
        %max3A_1264 = arith.maximumf %max3A_1224, %max3A_1258 : vector<16xf32>
        %min3A_1265 = arith.minimumf %max3A_1224, %max3A_1258 : vector<16xf32>
        %max3A_1266 = arith.maximumf %min3A_1229, %min3A_1263 : vector<16xf32>
        %max3A_1267 = arith.maximumf %min3A_1265, %max3A_1266 : vector<16xf32>
        %min3A_1268 = arith.minimumf %min3A_1265, %max3A_1266 : vector<16xf32>
        %max3A_1269 = arith.maximumf %max3A_1228, %max3A_1262 : vector<16xf32>
        %min3A_1270 = arith.minimumf %max3A_1228, %max3A_1262 : vector<16xf32>
        %max3A_1271 = arith.maximumf %min3A_1227, %min3A_1261 : vector<16xf32>
        %max3A_1272 = arith.maximumf %min3A_1270, %max3A_1271 : vector<16xf32>
        %max3A_1273 = arith.maximumf %max3A_1269, %max3A_1267 : vector<16xf32>
        %min3A_1274 = arith.minimumf %max3A_1269, %max3A_1267 : vector<16xf32>
        %max3A_1275 = arith.maximumf %max3A_1272, %min3A_1268 : vector<16xf32>
        %max3A_1276 = arith.maximumf %max3A_1184, %max3A_1264 : vector<16xf32>
        %min3A_1277 = arith.minimumf %max3A_1184, %max3A_1264 : vector<16xf32>
        %max3A_1278 = arith.maximumf %min3A_1194, %min3A_1274 : vector<16xf32>
        %max3A_1279 = arith.maximumf %min3A_1277, %max3A_1278 : vector<16xf32>
        %min3A_1280 = arith.minimumf %min3A_1277, %max3A_1278 : vector<16xf32>
        %max3A_1281 = arith.maximumf %max3A_1193, %max3A_1273 : vector<16xf32>
        %min3A_1282 = arith.minimumf %max3A_1193, %max3A_1273 : vector<16xf32>
        %max3A_1283 = arith.maximumf %max3A_1195, %max3A_1275 : vector<16xf32>
        %max3A_1284 = arith.maximumf %min3A_1282, %max3A_1283 : vector<16xf32>
        %max3A_1285 = arith.maximumf %max3A_1281, %max3A_1279 : vector<16xf32>
        %min3A_1286 = arith.minimumf %max3A_1281, %max3A_1279 : vector<16xf32>
        %max3A_1287 = arith.maximumf %max3A_1284, %min3A_1280 : vector<16xf32>
        %max3A_1288 = arith.maximumf %max3A_1104, %max3A_1276 : vector<16xf32>
        %min3A_1289 = arith.minimumf %max3A_1104, %max3A_1276 : vector<16xf32>
        %max3A_1290 = arith.maximumf %min3A_1114, %min3A_1286 : vector<16xf32>
        %max3A_1291 = arith.maximumf %min3A_1289, %max3A_1290 : vector<16xf32>
        %min3A_1292 = arith.minimumf %min3A_1289, %max3A_1290 : vector<16xf32>
        %max3A_1293 = arith.maximumf %max3A_1113, %max3A_1285 : vector<16xf32>
        %min3A_1294 = arith.minimumf %max3A_1113, %max3A_1285 : vector<16xf32>
        %max3A_1295 = arith.maximumf %max3A_1115, %max3A_1287 : vector<16xf32>
        %max3A_1296 = arith.maximumf %min3A_1294, %max3A_1295 : vector<16xf32>
        %max3A_1297 = arith.maximumf %max3A_1293, %max3A_1291 : vector<16xf32>
        %min3A_1298 = arith.minimumf %max3A_1293, %max3A_1291 : vector<16xf32>
        %max3A_1299 = arith.maximumf %max3A_1296, %min3A_1292 : vector<16xf32>
        %mul3A_1300 = arith.constant 16 : i32
        %mul3A_1301 = arith.muli %mul3A_934, %mul3A_1300 : i32
        %add3A_1302 = arith.constant 32768 : i32
        %add3A_1303 = arith.addi %add3A_1302, %mul3A_1301 : i32
        %get3A_1304 = arith.index_cast %add3A_1303 : i32 to index
        %get3A_1305 = tpu.vector_load %arg4[%get3A_1304] {strides = array<i32>} : memref<50176xf32, #tpu.memory_space<vmem>>, vector<16xf32>,
        %mul3A_1306 = arith.constant 16 : i32
        %mul3A_1307 = arith.muli %mul3A_934, %mul3A_1306 : i32
        %add3A_1308 = arith.constant 33792 : i32
        %add3A_1309 = arith.addi %add3A_1308, %mul3A_1307 : i32
        %get3A_1310 = arith.index_cast %add3A_1309 : i32 to index
        %get3A_1311 = tpu.vector_load %arg4[%get3A_1310] {strides = array<i32>} : memref<50176xf32, #tpu.memory_space<vmem>>, vector<16xf32>,
        %mul3A_1312 = arith.constant 16 : i32
        %mul3A_1313 = arith.muli %mul3A_934, %mul3A_1312 : i32
        %add3A_1314 = arith.constant 34816 : i32
        %add3A_1315 = arith.addi %add3A_1314, %mul3A_1313 : i32
        %get3A_1316 = arith.index_cast %add3A_1315 : i32 to index
        %get3A_1317 = tpu.vector_load %arg4[%get3A_1316] {strides = array<i32>} : memref<50176xf32, #tpu.memory_space<vmem>>, vector<16xf32>,
        %mul3A_1318 = arith.constant 16 : i32
        %mul3A_1319 = arith.muli %mul3A_934, %mul3A_1318 : i32
        %add3A_1320 = arith.constant 35840 : i32
        %add3A_1321 = arith.addi %add3A_1320, %mul3A_1319 : i32
        %get3A_1322 = arith.index_cast %add3A_1321 : i32 to index
        %get3A_1323 = tpu.vector_load %arg4[%get3A_1322] {strides = array<i32>} : memref<50176xf32, #tpu.memory_space<vmem>>, vector<16xf32>,
        %max3A_1324 = arith.maximumf %get3A_1305, %get3A_1311 : vector<16xf32>
        %min3A_1325 = arith.minimumf %get3A_1305, %get3A_1311 : vector<16xf32>
        %max3A_1326 = arith.maximumf %get3A_1317, %get3A_1323 : vector<16xf32>
        %min3A_1327 = arith.minimumf %get3A_1317, %get3A_1323 : vector<16xf32>
        %max3A_1328 = arith.maximumf %max3A_1324, %max3A_1326 : vector<16xf32>
        %min3A_1329 = arith.minimumf %max3A_1324, %max3A_1326 : vector<16xf32>
        %max3A_1330 = arith.maximumf %min3A_1325, %min3A_1327 : vector<16xf32>
        %min3A_1331 = arith.minimumf %min3A_1325, %min3A_1327 : vector<16xf32>
        %max3A_1332 = arith.maximumf %max3A_1330, %min3A_1329 : vector<16xf32>
        %min3A_1333 = arith.minimumf %max3A_1330, %min3A_1329 : vector<16xf32>
        %mul3A_1334 = arith.constant 16 : i32
        %mul3A_1335 = arith.muli %mul3A_934, %mul3A_1334 : i32
        %add3A_1336 = arith.constant 36864 : i32
        %add3A_1337 = arith.addi %add3A_1336, %mul3A_1335 : i32
        %get3A_1338 = arith.index_cast %add3A_1337 : i32 to index
        %get3A_1339 = tpu.vector_load %arg4[%get3A_1338] {strides = array<i32>} : memref<50176xf32, #tpu.memory_space<vmem>>, vector<16xf32>,
        %mul3A_1340 = arith.constant 16 : i32
        %mul3A_1341 = arith.muli %mul3A_934, %mul3A_1340 : i32
        %add3A_1342 = arith.constant 37888 : i32
        %add3A_1343 = arith.addi %add3A_1342, %mul3A_1341 : i32
        %get3A_1344 = arith.index_cast %add3A_1343 : i32 to index
        %get3A_1345 = tpu.vector_load %arg4[%get3A_1344] {strides = array<i32>} : memref<50176xf32, #tpu.memory_space<vmem>>, vector<16xf32>,
        %mul3A_1346 = arith.constant 16 : i32
        %mul3A_1347 = arith.muli %mul3A_934, %mul3A_1346 : i32
        %add3A_1348 = arith.constant 38912 : i32
        %add3A_1349 = arith.addi %add3A_1348, %mul3A_1347 : i32
        %get3A_1350 = arith.index_cast %add3A_1349 : i32 to index
        %get3A_1351 = tpu.vector_load %arg4[%get3A_1350] {strides = array<i32>} : memref<50176xf32, #tpu.memory_space<vmem>>, vector<16xf32>,
        %mul3A_1352 = arith.constant 16 : i32
        %mul3A_1353 = arith.muli %mul3A_934, %mul3A_1352 : i32
        %add3A_1354 = arith.constant 39936 : i32
        %add3A_1355 = arith.addi %add3A_1354, %mul3A_1353 : i32
        %get3A_1356 = arith.index_cast %add3A_1355 : i32 to index
        %get3A_1357 = tpu.vector_load %arg4[%get3A_1356] {strides = array<i32>} : memref<50176xf32, #tpu.memory_space<vmem>>, vector<16xf32>,
        %max3A_1358 = arith.maximumf %get3A_1339, %get3A_1345 : vector<16xf32>
        %min3A_1359 = arith.minimumf %get3A_1339, %get3A_1345 : vector<16xf32>
        %max3A_1360 = arith.maximumf %get3A_1351, %get3A_1357 : vector<16xf32>
        %min3A_1361 = arith.minimumf %get3A_1351, %get3A_1357 : vector<16xf32>
        %max3A_1362 = arith.maximumf %max3A_1358, %max3A_1360 : vector<16xf32>
        %min3A_1363 = arith.minimumf %max3A_1358, %max3A_1360 : vector<16xf32>
        %max3A_1364 = arith.maximumf %min3A_1359, %min3A_1361 : vector<16xf32>
        %min3A_1365 = arith.minimumf %min3A_1359, %min3A_1361 : vector<16xf32>
        %max3A_1366 = arith.maximumf %max3A_1364, %min3A_1363 : vector<16xf32>
        %min3A_1367 = arith.minimumf %max3A_1364, %min3A_1363 : vector<16xf32>
        %max3A_1368 = arith.maximumf %max3A_1328, %max3A_1362 : vector<16xf32>
        %min3A_1369 = arith.minimumf %max3A_1328, %max3A_1362 : vector<16xf32>
        %max3A_1370 = arith.maximumf %min3A_1333, %min3A_1367 : vector<16xf32>
        %max3A_1371 = arith.maximumf %min3A_1369, %max3A_1370 : vector<16xf32>
        %min3A_1372 = arith.minimumf %min3A_1369, %max3A_1370 : vector<16xf32>
        %max3A_1373 = arith.maximumf %max3A_1332, %max3A_1366 : vector<16xf32>
        %min3A_1374 = arith.minimumf %max3A_1332, %max3A_1366 : vector<16xf32>
        %max3A_1375 = arith.maximumf %min3A_1331, %min3A_1365 : vector<16xf32>
        %max3A_1376 = arith.maximumf %min3A_1374, %max3A_1375 : vector<16xf32>
        %max3A_1377 = arith.maximumf %max3A_1373, %max3A_1371 : vector<16xf32>
        %min3A_1378 = arith.minimumf %max3A_1373, %max3A_1371 : vector<16xf32>
        %max3A_1379 = arith.maximumf %max3A_1376, %min3A_1372 : vector<16xf32>
        %mul3A_1380 = arith.constant 16 : i32
        %mul3A_1381 = arith.muli %mul3A_934, %mul3A_1380 : i32
        %add3A_1382 = arith.constant 40960 : i32
        %add3A_1383 = arith.addi %add3A_1382, %mul3A_1381 : i32
        %get3A_1384 = arith.index_cast %add3A_1383 : i32 to index
        %get3A_1385 = tpu.vector_load %arg4[%get3A_1384] {strides = array<i32>} : memref<50176xf32, #tpu.memory_space<vmem>>, vector<16xf32>,
        %mul3A_1386 = arith.constant 16 : i32
        %mul3A_1387 = arith.muli %mul3A_934, %mul3A_1386 : i32
        %add3A_1388 = arith.constant 41984 : i32
        %add3A_1389 = arith.addi %add3A_1388, %mul3A_1387 : i32
        %get3A_1390 = arith.index_cast %add3A_1389 : i32 to index
        %get3A_1391 = tpu.vector_load %arg4[%get3A_1390] {strides = array<i32>} : memref<50176xf32, #tpu.memory_space<vmem>>, vector<16xf32>,
        %mul3A_1392 = arith.constant 16 : i32
        %mul3A_1393 = arith.muli %mul3A_934, %mul3A_1392 : i32
        %add3A_1394 = arith.constant 43008 : i32
        %add3A_1395 = arith.addi %add3A_1394, %mul3A_1393 : i32
        %get3A_1396 = arith.index_cast %add3A_1395 : i32 to index
        %get3A_1397 = tpu.vector_load %arg4[%get3A_1396] {strides = array<i32>} : memref<50176xf32, #tpu.memory_space<vmem>>, vector<16xf32>,
        %mul3A_1398 = arith.constant 16 : i32
        %mul3A_1399 = arith.muli %mul3A_934, %mul3A_1398 : i32
        %add3A_1400 = arith.constant 44032 : i32
        %add3A_1401 = arith.addi %add3A_1400, %mul3A_1399 : i32
        %get3A_1402 = arith.index_cast %add3A_1401 : i32 to index
        %get3A_1403 = tpu.vector_load %arg4[%get3A_1402] {strides = array<i32>} : memref<50176xf32, #tpu.memory_space<vmem>>, vector<16xf32>,
        %max3A_1404 = arith.maximumf %get3A_1385, %get3A_1391 : vector<16xf32>
        %min3A_1405 = arith.minimumf %get3A_1385, %get3A_1391 : vector<16xf32>
        %max3A_1406 = arith.maximumf %get3A_1397, %get3A_1403 : vector<16xf32>
        %min3A_1407 = arith.minimumf %get3A_1397, %get3A_1403 : vector<16xf32>
        %max3A_1408 = arith.maximumf %max3A_1404, %max3A_1406 : vector<16xf32>
        %min3A_1409 = arith.minimumf %max3A_1404, %max3A_1406 : vector<16xf32>
        %max3A_1410 = arith.maximumf %min3A_1405, %min3A_1407 : vector<16xf32>
        %min3A_1411 = arith.minimumf %min3A_1405, %min3A_1407 : vector<16xf32>
        %max3A_1412 = arith.maximumf %max3A_1410, %min3A_1409 : vector<16xf32>
        %min3A_1413 = arith.minimumf %max3A_1410, %min3A_1409 : vector<16xf32>
        %mul3A_1414 = arith.constant 16 : i32
        %mul3A_1415 = arith.muli %mul3A_934, %mul3A_1414 : i32
        %add3A_1416 = arith.constant 45056 : i32
        %add3A_1417 = arith.addi %add3A_1416, %mul3A_1415 : i32
        %get3A_1418 = arith.index_cast %add3A_1417 : i32 to index
        %get3A_1419 = tpu.vector_load %arg4[%get3A_1418] {strides = array<i32>} : memref<50176xf32, #tpu.memory_space<vmem>>, vector<16xf32>,
        %mul3A_1420 = arith.constant 16 : i32
        %mul3A_1421 = arith.muli %mul3A_934, %mul3A_1420 : i32
        %add3A_1422 = arith.constant 46080 : i32
        %add3A_1423 = arith.addi %add3A_1422, %mul3A_1421 : i32
        %get3A_1424 = arith.index_cast %add3A_1423 : i32 to index
        %get3A_1425 = tpu.vector_load %arg4[%get3A_1424] {strides = array<i32>} : memref<50176xf32, #tpu.memory_space<vmem>>, vector<16xf32>,
        %mul3A_1426 = arith.constant 16 : i32
        %mul3A_1427 = arith.muli %mul3A_934, %mul3A_1426 : i32
        %add3A_1428 = arith.constant 47104 : i32
        %add3A_1429 = arith.addi %add3A_1428, %mul3A_1427 : i32
        %get3A_1430 = arith.index_cast %add3A_1429 : i32 to index
        %get3A_1431 = tpu.vector_load %arg4[%get3A_1430] {strides = array<i32>} : memref<50176xf32, #tpu.memory_space<vmem>>, vector<16xf32>,
        %mul3A_1432 = arith.constant 16 : i32
        %mul3A_1433 = arith.muli %mul3A_934, %mul3A_1432 : i32
        %add3A_1434 = arith.constant 48128 : i32
        %add3A_1435 = arith.addi %add3A_1434, %mul3A_1433 : i32
        %get3A_1436 = arith.index_cast %add3A_1435 : i32 to index
        %get3A_1437 = tpu.vector_load %arg4[%get3A_1436] {strides = array<i32>} : memref<50176xf32, #tpu.memory_space<vmem>>, vector<16xf32>,
        %max3A_1438 = arith.maximumf %get3A_1419, %get3A_1425 : vector<16xf32>
        %min3A_1439 = arith.minimumf %get3A_1419, %get3A_1425 : vector<16xf32>
        %max3A_1440 = arith.maximumf %get3A_1431, %get3A_1437 : vector<16xf32>
        %min3A_1441 = arith.minimumf %get3A_1431, %get3A_1437 : vector<16xf32>
        %max3A_1442 = arith.maximumf %max3A_1438, %max3A_1440 : vector<16xf32>
        %min3A_1443 = arith.minimumf %max3A_1438, %max3A_1440 : vector<16xf32>
        %max3A_1444 = arith.maximumf %min3A_1439, %min3A_1441 : vector<16xf32>
        %min3A_1445 = arith.minimumf %min3A_1439, %min3A_1441 : vector<16xf32>
        %max3A_1446 = arith.maximumf %max3A_1444, %min3A_1443 : vector<16xf32>
        %min3A_1447 = arith.minimumf %max3A_1444, %min3A_1443 : vector<16xf32>
        %max3A_1448 = arith.maximumf %max3A_1408, %max3A_1442 : vector<16xf32>
        %min3A_1449 = arith.minimumf %max3A_1408, %max3A_1442 : vector<16xf32>
        %max3A_1450 = arith.maximumf %min3A_1413, %min3A_1447 : vector<16xf32>
        %max3A_1451 = arith.maximumf %min3A_1449, %max3A_1450 : vector<16xf32>
        %min3A_1452 = arith.minimumf %min3A_1449, %max3A_1450 : vector<16xf32>
        %max3A_1453 = arith.maximumf %max3A_1412, %max3A_1446 : vector<16xf32>
        %min3A_1454 = arith.minimumf %max3A_1412, %max3A_1446 : vector<16xf32>
        %max3A_1455 = arith.maximumf %min3A_1411, %min3A_1445 : vector<16xf32>
        %max3A_1456 = arith.maximumf %min3A_1454, %max3A_1455 : vector<16xf32>
        %max3A_1457 = arith.maximumf %max3A_1453, %max3A_1451 : vector<16xf32>
        %min3A_1458 = arith.minimumf %max3A_1453, %max3A_1451 : vector<16xf32>
        %max3A_1459 = arith.maximumf %max3A_1456, %min3A_1452 : vector<16xf32>
        %max3A_1460 = arith.maximumf %max3A_1368, %max3A_1448 : vector<16xf32>
        %min3A_1461 = arith.minimumf %max3A_1368, %max3A_1448 : vector<16xf32>
        %max3A_1462 = arith.maximumf %min3A_1378, %min3A_1458 : vector<16xf32>
        %max3A_1463 = arith.maximumf %min3A_1461, %max3A_1462 : vector<16xf32>
        %min3A_1464 = arith.minimumf %min3A_1461, %max3A_1462 : vector<16xf32>
        %max3A_1465 = arith.maximumf %max3A_1377, %max3A_1457 : vector<16xf32>
        %min3A_1466 = arith.minimumf %max3A_1377, %max3A_1457 : vector<16xf32>
        %max3A_1467 = arith.maximumf %max3A_1379, %max3A_1459 : vector<16xf32>
        %max3A_1468 = arith.maximumf %min3A_1466, %max3A_1467 : vector<16xf32>
        %max3A_1469 = arith.maximumf %max3A_1465, %max3A_1463 : vector<16xf32>
        %min3A_1470 = arith.minimumf %max3A_1465, %max3A_1463 : vector<16xf32>
        %max3A_1471 = arith.maximumf %max3A_1468, %min3A_1464 : vector<16xf32>
        %max3A_1472 = arith.maximumf %max3A_1288, %max3A_1460 : vector<16xf32>
        %min3A_1473 = arith.minimumf %max3A_1288, %max3A_1460 : vector<16xf32>
        %max3A_1474 = arith.maximumf %min3A_1298, %min3A_1470 : vector<16xf32>
        %max3A_1475 = arith.maximumf %min3A_1473, %max3A_1474 : vector<16xf32>
        %min3A_1476 = arith.minimumf %min3A_1473, %max3A_1474 : vector<16xf32>
        %max3A_1477 = arith.maximumf %max3A_1297, %max3A_1469 : vector<16xf32>
        %min3A_1478 = arith.minimumf %max3A_1297, %max3A_1469 : vector<16xf32>
        %max3A_1479 = arith.maximumf %max3A_1299, %max3A_1471 : vector<16xf32>
        %max3A_1480 = arith.maximumf %min3A_1478, %max3A_1479 : vector<16xf32>
        %max3A_1481 = arith.maximumf %max3A_1477, %max3A_1475 : vector<16xf32>
        %min3A_1482 = arith.minimumf %max3A_1477, %max3A_1475 : vector<16xf32>
        %max3A_1483 = arith.maximumf %max3A_1480, %min3A_1476 : vector<16xf32>
        %mul3A_1484 = arith.constant 16 : i32
        %mul3A_1485 = arith.muli %mul3A_934, %mul3A_1484 : i32
        %add3A_1486 = arith.constant 49152 : i32
        %add3A_1487 = arith.addi %add3A_1486, %mul3A_1485 : i32
        %get3A_1488 = arith.index_cast %add3A_1487 : i32 to index
        %get3A_1489 = tpu.vector_load %arg4[%get3A_1488] {strides = array<i32>} : memref<50176xf32, #tpu.memory_space<vmem>>, vector<16xf32>,
        %min3A_1490 = arith.minimumf %max3A_1472, %get3A_1489 : vector<16xf32>
        %max3A_1491 = arith.maximumf %max3A_1472, %get3A_1489 : vector<16xf32>
        %min3A_1492 = arith.minimumf %max3A_1481, %min3A_1490 : vector<16xf32>
        %max3A_1493 = arith.maximumf %max3A_1481, %min3A_1490 : vector<16xf32>
        %min3A_1494 = arith.minimumf %min3A_1482, %min3A_1492 : vector<16xf32>
        %max3A_1495 = arith.maximumf %min3A_1482, %min3A_1492 : vector<16xf32>
        %max3A_1496 = arith.maximumf %max3A_1483, %min3A_1494 : vector<16xf32>
        %add3A_1497 = arith.addf %max3A_1491, %max3A_1493 : vector<16xf32>
        %add3A_1498 = arith.addf %add3A_1497, %max3A_1495 : vector<16xf32>
        %add3A_1499 = arith.addf %add3A_1498, %max3A_1496 : vector<16xf32>
        %mul3A_1500 = arith.constant 2.500000e-01 : f32
        %mul3A_1501 = vector.broadcast %mul3A_1500 : f32 to vector<16xf32>
        %mul3A_1502 = arith.mulf %add3A_1499, %mul3A_1501 : vector<16xf32>
        %swap3A = arith.index_cast %add3A_946 : i32 to index
        %swap3A_1503 = tpu.vector_load %arg6[%swap3A] {strides = array<i32>} : memref<4096xf32, #tpu.memory_space<vmem>>, vector<16xf32>,
        tpu.vector_store %arg6[%swap3A], %mul3A_1502 {strides = array<i32>} : memref<4096xf32, #tpu.memory_space<vmem>>, vector<16xf32>,
        %add3A_1504 = arith.constant 1 : i32
        %add3A_1505 = arith.addi %mul3A_934, %add3A_1504 : i32
        %shift_right_arithmetic3A_1506 = arith.constant 3 : i32
        %shift_right_arithmetic3A_1507 = arith.shrsi %add3A_1505, %shift_right_arithmetic3A_1506 : i32
        %mul3A_1508 = arith.constant 4 : i32
        %mul3A_1509 = arith.muli %shift_right_arithmetic3A_1507, %mul3A_1508 : i32
        %shift_left3A_1510 = arith.constant 7 : i32
        %shift_left3A_1511 = arith.shli %mul3A_1509, %shift_left3A_1510 : i32
        %shift_left3A_1512 = arith.constant 7 : i32
        %shift_left3A_1513 = arith.shli %mul3A_509, %shift_left3A_1512 : i32
        %add3A_1514 = arith.addi %shift_left3A_1511, %shift_left3A_1513 : i32
        %and3A_1515 = arith.constant 7 : i32
        %and3A_1516 = arith.andi %add3A_1505, %and3A_1515 : i32
        %shift_left3A_1517 = arith.constant 4 : i32
        %shift_left3A_1518 = arith.shli %and3A_1516, %shift_left3A_1517 : i32
        %add3A_1519 = arith.addi %add3A_1514, %shift_left3A_1518 : i32
        %mul3A_1520 = arith.constant 16 : i32
        %mul3A_1521 = arith.muli %add3A_1505, %mul3A_1520 : i32
        %add3A_1522 = arith.constant 0 : i32
        %add3A_1523 = arith.addi %add3A_1522, %mul3A_1521 : i32
        %get3A_1524 = arith.index_cast %add3A_1523 : i32 to index
        %get3A_1525 = tpu.vector_load %arg4[%get3A_1524] {strides = array<i32>} : memref<50176xf32, #tpu.memory_space<vmem>>, vector<16xf32>,
        %mul3A_1526 = arith.constant 16 : i32
        %mul3A_1527 = arith.muli %add3A_1505, %mul3A_1526 : i32
        %add3A_1528 = arith.constant 1024 : i32
        %add3A_1529 = arith.addi %add3A_1528, %mul3A_1527 : i32
        %get3A_1530 = arith.index_cast %add3A_1529 : i32 to index
        %get3A_1531 = tpu.vector_load %arg4[%get3A_1530] {strides = array<i32>} : memref<50176xf32, #tpu.memory_space<vmem>>, vector<16xf32>,
        %mul3A_1532 = arith.constant 16 : i32
        %mul3A_1533 = arith.muli %add3A_1505, %mul3A_1532 : i32
        %add3A_1534 = arith.constant 2048 : i32
        %add3A_1535 = arith.addi %add3A_1534, %mul3A_1533 : i32
        %get3A_1536 = arith.index_cast %add3A_1535 : i32 to index
        %get3A_1537 = tpu.vector_load %arg4[%get3A_1536] {strides = array<i32>} : memref<50176xf32, #tpu.memory_space<vmem>>, vector<16xf32>,
        %mul3A_1538 = arith.constant 16 : i32
        %mul3A_1539 = arith.muli %add3A_1505, %mul3A_1538 : i32
        %add3A_1540 = arith.constant 3072 : i32
        %add3A_1541 = arith.addi %add3A_1540, %mul3A_1539 : i32
        %get3A_1542 = arith.index_cast %add3A_1541 : i32 to index
        %get3A_1543 = tpu.vector_load %arg4[%get3A_1542] {strides = array<i32>} : memref<50176xf32, #tpu.memory_space<vmem>>, vector<16xf32>,
        %max3A_1544 = arith.maximumf %get3A_1525, %get3A_1531 : vector<16xf32>
        %min3A_1545 = arith.minimumf %get3A_1525, %get3A_1531 : vector<16xf32>
        %max3A_1546 = arith.maximumf %get3A_1537, %get3A_1543 : vector<16xf32>
        %min3A_1547 = arith.minimumf %get3A_1537, %get3A_1543 : vector<16xf32>
        %max3A_1548 = arith.maximumf %max3A_1544, %max3A_1546 : vector<16xf32>
        %min3A_1549 = arith.minimumf %max3A_1544, %max3A_1546 : vector<16xf32>
        %max3A_1550 = arith.maximumf %min3A_1545, %min3A_1547 : vector<16xf32>
        %min3A_1551 = arith.minimumf %min3A_1545, %min3A_1547 : vector<16xf32>
        %max3A_1552 = arith.maximumf %max3A_1550, %min3A_1549 : vector<16xf32>
        %min3A_1553 = arith.minimumf %max3A_1550, %min3A_1549 : vector<16xf32>
        %mul3A_1554 = arith.constant 16 : i32
        %mul3A_1555 = arith.muli %add3A_1505, %mul3A_1554 : i32
        %add3A_1556 = arith.constant 4096 : i32
        %add3A_1557 = arith.addi %add3A_1556, %mul3A_1555 : i32
        %get3A_1558 = arith.index_cast %add3A_1557 : i32 to index
        %get3A_1559 = tpu.vector_load %arg4[%get3A_1558] {strides = array<i32>} : memref<50176xf32, #tpu.memory_space<vmem>>, vector<16xf32>,
        %mul3A_1560 = arith.constant 16 : i32
        %mul3A_1561 = arith.muli %add3A_1505, %mul3A_1560 : i32
        %add3A_1562 = arith.constant 5120 : i32
        %add3A_1563 = arith.addi %add3A_1562, %mul3A_1561 : i32
        %get3A_1564 = arith.index_cast %add3A_1563 : i32 to index
        %get3A_1565 = tpu.vector_load %arg4[%get3A_1564] {strides = array<i32>} : memref<50176xf32, #tpu.memory_space<vmem>>, vector<16xf32>,
        %mul3A_1566 = arith.constant 16 : i32
        %mul3A_1567 = arith.muli %add3A_1505, %mul3A_1566 : i32
        %add3A_1568 = arith.constant 6144 : i32
        %add3A_1569 = arith.addi %add3A_1568, %mul3A_1567 : i32
        %get3A_1570 = arith.index_cast %add3A_1569 : i32 to index
        %get3A_1571 = tpu.vector_load %arg4[%get3A_1570] {strides = array<i32>} : memref<50176xf32, #tpu.memory_space<vmem>>, vector<16xf32>,
        %mul3A_1572 = arith.constant 16 : i32
        %mul3A_1573 = arith.muli %add3A_1505, %mul3A_1572 : i32
        %add3A_1574 = arith.constant 7168 : i32
        %add3A_1575 = arith.addi %add3A_1574, %mul3A_1573 : i32
        %get3A_1576 = arith.index_cast %add3A_1575 : i32 to index
        %get3A_1577 = tpu.vector_load %arg4[%get3A_1576] {strides = array<i32>} : memref<50176xf32, #tpu.memory_space<vmem>>, vector<16xf32>,
        %max3A_1578 = arith.maximumf %get3A_1559, %get3A_1565 : vector<16xf32>
        %min3A_1579 = arith.minimumf %get3A_1559, %get3A_1565 : vector<16xf32>
        %max3A_1580 = arith.maximumf %get3A_1571, %get3A_1577 : vector<16xf32>
        %min3A_1581 = arith.minimumf %get3A_1571, %get3A_1577 : vector<16xf32>
        %max3A_1582 = arith.maximumf %max3A_1578, %max3A_1580 : vector<16xf32>
        %min3A_1583 = arith.minimumf %max3A_1578, %max3A_1580 : vector<16xf32>
        %max3A_1584 = arith.maximumf %min3A_1579, %min3A_1581 : vector<16xf32>
        %min3A_1585 = arith.minimumf %min3A_1579, %min3A_1581 : vector<16xf32>
        %max3A_1586 = arith.maximumf %max3A_1584, %min3A_1583 : vector<16xf32>
        %min3A_1587 = arith.minimumf %max3A_1584, %min3A_1583 : vector<16xf32>
        %max3A_1588 = arith.maximumf %max3A_1548, %max3A_1582 : vector<16xf32>
        %min3A_1589 = arith.minimumf %max3A_1548, %max3A_1582 : vector<16xf32>
        %max3A_1590 = arith.maximumf %min3A_1553, %min3A_1587 : vector<16xf32>
        %max3A_1591 = arith.maximumf %min3A_1589, %max3A_1590 : vector<16xf32>
        %min3A_1592 = arith.minimumf %min3A_1589, %max3A_1590 : vector<16xf32>
        %max3A_1593 = arith.maximumf %max3A_1552, %max3A_1586 : vector<16xf32>
        %min3A_1594 = arith.minimumf %max3A_1552, %max3A_1586 : vector<16xf32>
        %max3A_1595 = arith.maximumf %min3A_1551, %min3A_1585 : vector<16xf32>
        %max3A_1596 = arith.maximumf %min3A_1594, %max3A_1595 : vector<16xf32>
        %max3A_1597 = arith.maximumf %max3A_1593, %max3A_1591 : vector<16xf32>
        %min3A_1598 = arith.minimumf %max3A_1593, %max3A_1591 : vector<16xf32>
        %max3A_1599 = arith.maximumf %max3A_1596, %min3A_1592 : vector<16xf32>
        %mul3A_1600 = arith.constant 16 : i32
        %mul3A_1601 = arith.muli %add3A_1505, %mul3A_1600 : i32
        %add3A_1602 = arith.constant 8192 : i32
        %add3A_1603 = arith.addi %add3A_1602, %mul3A_1601 : i32
        %get3A_1604 = arith.index_cast %add3A_1603 : i32 to index
        %get3A_1605 = tpu.vector_load %arg4[%get3A_1604] {strides = array<i32>} : memref<50176xf32, #tpu.memory_space<vmem>>, vector<16xf32>,
        %mul3A_1606 = arith.constant 16 : i32
        %mul3A_1607 = arith.muli %add3A_1505, %mul3A_1606 : i32
        %add3A_1608 = arith.constant 9216 : i32
        %add3A_1609 = arith.addi %add3A_1608, %mul3A_1607 : i32
        %get3A_1610 = arith.index_cast %add3A_1609 : i32 to index
        %get3A_1611 = tpu.vector_load %arg4[%get3A_1610] {strides = array<i32>} : memref<50176xf32, #tpu.memory_space<vmem>>, vector<16xf32>,
        %mul3A_1612 = arith.constant 16 : i32
        %mul3A_1613 = arith.muli %add3A_1505, %mul3A_1612 : i32
        %add3A_1614 = arith.constant 10240 : i32
        %add3A_1615 = arith.addi %add3A_1614, %mul3A_1613 : i32
        %get3A_1616 = arith.index_cast %add3A_1615 : i32 to index
        %get3A_1617 = tpu.vector_load %arg4[%get3A_1616] {strides = array<i32>} : memref<50176xf32, #tpu.memory_space<vmem>>, vector<16xf32>,
        %mul3A_1618 = arith.constant 16 : i32
        %mul3A_1619 = arith.muli %add3A_1505, %mul3A_1618 : i32
        %add3A_1620 = arith.constant 11264 : i32
        %add3A_1621 = arith.addi %add3A_1620, %mul3A_1619 : i32
        %get3A_1622 = arith.index_cast %add3A_1621 : i32 to index
        %get3A_1623 = tpu.vector_load %arg4[%get3A_1622] {strides = array<i32>} : memref<50176xf32, #tpu.memory_space<vmem>>, vector<16xf32>,
        %max3A_1624 = arith.maximumf %get3A_1605, %get3A_1611 : vector<16xf32>
        %min3A_1625 = arith.minimumf %get3A_1605, %get3A_1611 : vector<16xf32>
        %max3A_1626 = arith.maximumf %get3A_1617, %get3A_1623 : vector<16xf32>
        %min3A_1627 = arith.minimumf %get3A_1617, %get3A_1623 : vector<16xf32>
        %max3A_1628 = arith.maximumf %max3A_1624, %max3A_1626 : vector<16xf32>
        %min3A_1629 = arith.minimumf %max3A_1624, %max3A_1626 : vector<16xf32>
        %max3A_1630 = arith.maximumf %min3A_1625, %min3A_1627 : vector<16xf32>
        %min3A_1631 = arith.minimumf %min3A_1625, %min3A_1627 : vector<16xf32>
        %max3A_1632 = arith.maximumf %max3A_1630, %min3A_1629 : vector<16xf32>
        %min3A_1633 = arith.minimumf %max3A_1630, %min3A_1629 : vector<16xf32>
        %mul3A_1634 = arith.constant 16 : i32
        %mul3A_1635 = arith.muli %add3A_1505, %mul3A_1634 : i32
        %add3A_1636 = arith.constant 12288 : i32
        %add3A_1637 = arith.addi %add3A_1636, %mul3A_1635 : i32
        %get3A_1638 = arith.index_cast %add3A_1637 : i32 to index
        %get3A_1639 = tpu.vector_load %arg4[%get3A_1638] {strides = array<i32>} : memref<50176xf32, #tpu.memory_space<vmem>>, vector<16xf32>,
        %mul3A_1640 = arith.constant 16 : i32
        %mul3A_1641 = arith.muli %add3A_1505, %mul3A_1640 : i32
        %add3A_1642 = arith.constant 13312 : i32
        %add3A_1643 = arith.addi %add3A_1642, %mul3A_1641 : i32
        %get3A_1644 = arith.index_cast %add3A_1643 : i32 to index
        %get3A_1645 = tpu.vector_load %arg4[%get3A_1644] {strides = array<i32>} : memref<50176xf32, #tpu.memory_space<vmem>>, vector<16xf32>,
        %mul3A_1646 = arith.constant 16 : i32
        %mul3A_1647 = arith.muli %add3A_1505, %mul3A_1646 : i32
        %add3A_1648 = arith.constant 14336 : i32
        %add3A_1649 = arith.addi %add3A_1648, %mul3A_1647 : i32
        %get3A_1650 = arith.index_cast %add3A_1649 : i32 to index
        %get3A_1651 = tpu.vector_load %arg4[%get3A_1650] {strides = array<i32>} : memref<50176xf32, #tpu.memory_space<vmem>>, vector<16xf32>,
        %mul3A_1652 = arith.constant 16 : i32
        %mul3A_1653 = arith.muli %add3A_1505, %mul3A_1652 : i32
        %add3A_1654 = arith.constant 15360 : i32
        %add3A_1655 = arith.addi %add3A_1654, %mul3A_1653 : i32
        %get3A_1656 = arith.index_cast %add3A_1655 : i32 to index
        %get3A_1657 = tpu.vector_load %arg4[%get3A_1656] {strides = array<i32>} : memref<50176xf32, #tpu.memory_space<vmem>>, vector<16xf32>,
        %max3A_1658 = arith.maximumf %get3A_1639, %get3A_1645 : vector<16xf32>
        %min3A_1659 = arith.minimumf %get3A_1639, %get3A_1645 : vector<16xf32>
        %max3A_1660 = arith.maximumf %get3A_1651, %get3A_1657 : vector<16xf32>
        %min3A_1661 = arith.minimumf %get3A_1651, %get3A_1657 : vector<16xf32>
        %max3A_1662 = arith.maximumf %max3A_1658, %max3A_1660 : vector<16xf32>
        %min3A_1663 = arith.minimumf %max3A_1658, %max3A_1660 : vector<16xf32>
        %max3A_1664 = arith.maximumf %min3A_1659, %min3A_1661 : vector<16xf32>
        %min3A_1665 = arith.minimumf %min3A_1659, %min3A_1661 : vector<16xf32>
        %max3A_1666 = arith.maximumf %max3A_1664, %min3A_1663 : vector<16xf32>
        %min3A_1667 = arith.minimumf %max3A_1664, %min3A_1663 : vector<16xf32>
        %max3A_1668 = arith.maximumf %max3A_1628, %max3A_1662 : vector<16xf32>
        %min3A_1669 = arith.minimumf %max3A_1628, %max3A_1662 : vector<16xf32>
        %max3A_1670 = arith.maximumf %min3A_1633, %min3A_1667 : vector<16xf32>
        %max3A_1671 = arith.maximumf %min3A_1669, %max3A_1670 : vector<16xf32>
        %min3A_1672 = arith.minimumf %min3A_1669, %max3A_1670 : vector<16xf32>
        %max3A_1673 = arith.maximumf %max3A_1632, %max3A_1666 : vector<16xf32>
        %min3A_1674 = arith.minimumf %max3A_1632, %max3A_1666 : vector<16xf32>
        %max3A_1675 = arith.maximumf %min3A_1631, %min3A_1665 : vector<16xf32>
        %max3A_1676 = arith.maximumf %min3A_1674, %max3A_1675 : vector<16xf32>
        %max3A_1677 = arith.maximumf %max3A_1673, %max3A_1671 : vector<16xf32>
        %min3A_1678 = arith.minimumf %max3A_1673, %max3A_1671 : vector<16xf32>
        %max3A_1679 = arith.maximumf %max3A_1676, %min3A_1672 : vector<16xf32>
        %max3A_1680 = arith.maximumf %max3A_1588, %max3A_1668 : vector<16xf32>
        %min3A_1681 = arith.minimumf %max3A_1588, %max3A_1668 : vector<16xf32>
        %max3A_1682 = arith.maximumf %min3A_1598, %min3A_1678 : vector<16xf32>
        %max3A_1683 = arith.maximumf %min3A_1681, %max3A_1682 : vector<16xf32>
        %min3A_1684 = arith.minimumf %min3A_1681, %max3A_1682 : vector<16xf32>
        %max3A_1685 = arith.maximumf %max3A_1597, %max3A_1677 : vector<16xf32>
        %min3A_1686 = arith.minimumf %max3A_1597, %max3A_1677 : vector<16xf32>
        %max3A_1687 = arith.maximumf %max3A_1599, %max3A_1679 : vector<16xf32>
        %max3A_1688 = arith.maximumf %min3A_1686, %max3A_1687 : vector<16xf32>
        %max3A_1689 = arith.maximumf %max3A_1685, %max3A_1683 : vector<16xf32>
        %min3A_1690 = arith.minimumf %max3A_1685, %max3A_1683 : vector<16xf32>
        %max3A_1691 = arith.maximumf %max3A_1688, %min3A_1684 : vector<16xf32>
        %mul3A_1692 = arith.constant 16 : i32
        %mul3A_1693 = arith.muli %add3A_1505, %mul3A_1692 : i32
        %add3A_1694 = arith.constant 16384 : i32
        %add3A_1695 = arith.addi %add3A_1694, %mul3A_1693 : i32
        %get3A_1696 = arith.index_cast %add3A_1695 : i32 to index
        %get3A_1697 = tpu.vector_load %arg4[%get3A_1696] {strides = array<i32>} : memref<50176xf32, #tpu.memory_space<vmem>>, vector<16xf32>,
        %mul3A_1698 = arith.constant 16 : i32
        %mul3A_1699 = arith.muli %add3A_1505, %mul3A_1698 : i32
        %add3A_1700 = arith.constant 17408 : i32
        %add3A_1701 = arith.addi %add3A_1700, %mul3A_1699 : i32
        %get3A_1702 = arith.index_cast %add3A_1701 : i32 to index
        %get3A_1703 = tpu.vector_load %arg4[%get3A_1702] {strides = array<i32>} : memref<50176xf32, #tpu.memory_space<vmem>>, vector<16xf32>,
        %mul3A_1704 = arith.constant 16 : i32
        %mul3A_1705 = arith.muli %add3A_1505, %mul3A_1704 : i32
        %add3A_1706 = arith.constant 18432 : i32
        %add3A_1707 = arith.addi %add3A_1706, %mul3A_1705 : i32
        %get3A_1708 = arith.index_cast %add3A_1707 : i32 to index
        %get3A_1709 = tpu.vector_load %arg4[%get3A_1708] {strides = array<i32>} : memref<50176xf32, #tpu.memory_space<vmem>>, vector<16xf32>,
        %mul3A_1710 = arith.constant 16 : i32
        %mul3A_1711 = arith.muli %add3A_1505, %mul3A_1710 : i32
        %add3A_1712 = arith.constant 19456 : i32
        %add3A_1713 = arith.addi %add3A_1712, %mul3A_1711 : i32
        %get3A_1714 = arith.index_cast %add3A_1713 : i32 to index
        %get3A_1715 = tpu.vector_load %arg4[%get3A_1714] {strides = array<i32>} : memref<50176xf32, #tpu.memory_space<vmem>>, vector<16xf32>,
        %max3A_1716 = arith.maximumf %get3A_1697, %get3A_1703 : vector<16xf32>
        %min3A_1717 = arith.minimumf %get3A_1697, %get3A_1703 : vector<16xf32>
        %max3A_1718 = arith.maximumf %get3A_1709, %get3A_1715 : vector<16xf32>
        %min3A_1719 = arith.minimumf %get3A_1709, %get3A_1715 : vector<16xf32>
        %max3A_1720 = arith.maximumf %max3A_1716, %max3A_1718 : vector<16xf32>
        %min3A_1721 = arith.minimumf %max3A_1716, %max3A_1718 : vector<16xf32>
        %max3A_1722 = arith.maximumf %min3A_1717, %min3A_1719 : vector<16xf32>
        %min3A_1723 = arith.minimumf %min3A_1717, %min3A_1719 : vector<16xf32>
        %max3A_1724 = arith.maximumf %max3A_1722, %min3A_1721 : vector<16xf32>
        %min3A_1725 = arith.minimumf %max3A_1722, %min3A_1721 : vector<16xf32>
        %mul3A_1726 = arith.constant 16 : i32
        %mul3A_1727 = arith.muli %add3A_1505, %mul3A_1726 : i32
        %add3A_1728 = arith.constant 20480 : i32
        %add3A_1729 = arith.addi %add3A_1728, %mul3A_1727 : i32
        %get3A_1730 = arith.index_cast %add3A_1729 : i32 to index
        %get3A_1731 = tpu.vector_load %arg4[%get3A_1730] {strides = array<i32>} : memref<50176xf32, #tpu.memory_space<vmem>>, vector<16xf32>,
        %mul3A_1732 = arith.constant 16 : i32
        %mul3A_1733 = arith.muli %add3A_1505, %mul3A_1732 : i32
        %add3A_1734 = arith.constant 21504 : i32
        %add3A_1735 = arith.addi %add3A_1734, %mul3A_1733 : i32
        %get3A_1736 = arith.index_cast %add3A_1735 : i32 to index
        %get3A_1737 = tpu.vector_load %arg4[%get3A_1736] {strides = array<i32>} : memref<50176xf32, #tpu.memory_space<vmem>>, vector<16xf32>,
        %mul3A_1738 = arith.constant 16 : i32
        %mul3A_1739 = arith.muli %add3A_1505, %mul3A_1738 : i32
        %add3A_1740 = arith.constant 22528 : i32
        %add3A_1741 = arith.addi %add3A_1740, %mul3A_1739 : i32
        %get3A_1742 = arith.index_cast %add3A_1741 : i32 to index
        %get3A_1743 = tpu.vector_load %arg4[%get3A_1742] {strides = array<i32>} : memref<50176xf32, #tpu.memory_space<vmem>>, vector<16xf32>,
        %mul3A_1744 = arith.constant 16 : i32
        %mul3A_1745 = arith.muli %add3A_1505, %mul3A_1744 : i32
        %add3A_1746 = arith.constant 23552 : i32
        %add3A_1747 = arith.addi %add3A_1746, %mul3A_1745 : i32
        %get3A_1748 = arith.index_cast %add3A_1747 : i32 to index
        %get3A_1749 = tpu.vector_load %arg4[%get3A_1748] {strides = array<i32>} : memref<50176xf32, #tpu.memory_space<vmem>>, vector<16xf32>,
        %max3A_1750 = arith.maximumf %get3A_1731, %get3A_1737 : vector<16xf32>
        %min3A_1751 = arith.minimumf %get3A_1731, %get3A_1737 : vector<16xf32>
        %max3A_1752 = arith.maximumf %get3A_1743, %get3A_1749 : vector<16xf32>
        %min3A_1753 = arith.minimumf %get3A_1743, %get3A_1749 : vector<16xf32>
        %max3A_1754 = arith.maximumf %max3A_1750, %max3A_1752 : vector<16xf32>
        %min3A_1755 = arith.minimumf %max3A_1750, %max3A_1752 : vector<16xf32>
        %max3A_1756 = arith.maximumf %min3A_1751, %min3A_1753 : vector<16xf32>
        %min3A_1757 = arith.minimumf %min3A_1751, %min3A_1753 : vector<16xf32>
        %max3A_1758 = arith.maximumf %max3A_1756, %min3A_1755 : vector<16xf32>
        %min3A_1759 = arith.minimumf %max3A_1756, %min3A_1755 : vector<16xf32>
        %max3A_1760 = arith.maximumf %max3A_1720, %max3A_1754 : vector<16xf32>
        %min3A_1761 = arith.minimumf %max3A_1720, %max3A_1754 : vector<16xf32>
        %max3A_1762 = arith.maximumf %min3A_1725, %min3A_1759 : vector<16xf32>
        %max3A_1763 = arith.maximumf %min3A_1761, %max3A_1762 : vector<16xf32>
        %min3A_1764 = arith.minimumf %min3A_1761, %max3A_1762 : vector<16xf32>
        %max3A_1765 = arith.maximumf %max3A_1724, %max3A_1758 : vector<16xf32>
        %min3A_1766 = arith.minimumf %max3A_1724, %max3A_1758 : vector<16xf32>
        %max3A_1767 = arith.maximumf %min3A_1723, %min3A_1757 : vector<16xf32>
        %max3A_1768 = arith.maximumf %min3A_1766, %max3A_1767 : vector<16xf32>
        %max3A_1769 = arith.maximumf %max3A_1765, %max3A_1763 : vector<16xf32>
        %min3A_1770 = arith.minimumf %max3A_1765, %max3A_1763 : vector<16xf32>
        %max3A_1771 = arith.maximumf %max3A_1768, %min3A_1764 : vector<16xf32>
        %mul3A_1772 = arith.constant 16 : i32
        %mul3A_1773 = arith.muli %add3A_1505, %mul3A_1772 : i32
        %add3A_1774 = arith.constant 24576 : i32
        %add3A_1775 = arith.addi %add3A_1774, %mul3A_1773 : i32
        %get3A_1776 = arith.index_cast %add3A_1775 : i32 to index
        %get3A_1777 = tpu.vector_load %arg4[%get3A_1776] {strides = array<i32>} : memref<50176xf32, #tpu.memory_space<vmem>>, vector<16xf32>,
        %mul3A_1778 = arith.constant 16 : i32
        %mul3A_1779 = arith.muli %add3A_1505, %mul3A_1778 : i32
        %add3A_1780 = arith.constant 25600 : i32
        %add3A_1781 = arith.addi %add3A_1780, %mul3A_1779 : i32
        %get3A_1782 = arith.index_cast %add3A_1781 : i32 to index
        %get3A_1783 = tpu.vector_load %arg4[%get3A_1782] {strides = array<i32>} : memref<50176xf32, #tpu.memory_space<vmem>>, vector<16xf32>,
        %mul3A_1784 = arith.constant 16 : i32
        %mul3A_1785 = arith.muli %add3A_1505, %mul3A_1784 : i32
        %add3A_1786 = arith.constant 26624 : i32
        %add3A_1787 = arith.addi %add3A_1786, %mul3A_1785 : i32
        %get3A_1788 = arith.index_cast %add3A_1787 : i32 to index
        %get3A_1789 = tpu.vector_load %arg4[%get3A_1788] {strides = array<i32>} : memref<50176xf32, #tpu.memory_space<vmem>>, vector<16xf32>,
        %mul3A_1790 = arith.constant 16 : i32
        %mul3A_1791 = arith.muli %add3A_1505, %mul3A_1790 : i32
        %add3A_1792 = arith.constant 27648 : i32
        %add3A_1793 = arith.addi %add3A_1792, %mul3A_1791 : i32
        %get3A_1794 = arith.index_cast %add3A_1793 : i32 to index
        %get3A_1795 = tpu.vector_load %arg4[%get3A_1794] {strides = array<i32>} : memref<50176xf32, #tpu.memory_space<vmem>>, vector<16xf32>,
        %max3A_1796 = arith.maximumf %get3A_1777, %get3A_1783 : vector<16xf32>
        %min3A_1797 = arith.minimumf %get3A_1777, %get3A_1783 : vector<16xf32>
        %max3A_1798 = arith.maximumf %get3A_1789, %get3A_1795 : vector<16xf32>
        %min3A_1799 = arith.minimumf %get3A_1789, %get3A_1795 : vector<16xf32>
        %max3A_1800 = arith.maximumf %max3A_1796, %max3A_1798 : vector<16xf32>
        %min3A_1801 = arith.minimumf %max3A_1796, %max3A_1798 : vector<16xf32>
        %max3A_1802 = arith.maximumf %min3A_1797, %min3A_1799 : vector<16xf32>
        %min3A_1803 = arith.minimumf %min3A_1797, %min3A_1799 : vector<16xf32>
        %max3A_1804 = arith.maximumf %max3A_1802, %min3A_1801 : vector<16xf32>
        %min3A_1805 = arith.minimumf %max3A_1802, %min3A_1801 : vector<16xf32>
        %mul3A_1806 = arith.constant 16 : i32
        %mul3A_1807 = arith.muli %add3A_1505, %mul3A_1806 : i32
        %add3A_1808 = arith.constant 28672 : i32
        %add3A_1809 = arith.addi %add3A_1808, %mul3A_1807 : i32
        %get3A_1810 = arith.index_cast %add3A_1809 : i32 to index
        %get3A_1811 = tpu.vector_load %arg4[%get3A_1810] {strides = array<i32>} : memref<50176xf32, #tpu.memory_space<vmem>>, vector<16xf32>,
        %mul3A_1812 = arith.constant 16 : i32
        %mul3A_1813 = arith.muli %add3A_1505, %mul3A_1812 : i32
        %add3A_1814 = arith.constant 29696 : i32
        %add3A_1815 = arith.addi %add3A_1814, %mul3A_1813 : i32
        %get3A_1816 = arith.index_cast %add3A_1815 : i32 to index
        %get3A_1817 = tpu.vector_load %arg4[%get3A_1816] {strides = array<i32>} : memref<50176xf32, #tpu.memory_space<vmem>>, vector<16xf32>,
        %mul3A_1818 = arith.constant 16 : i32
        %mul3A_1819 = arith.muli %add3A_1505, %mul3A_1818 : i32
        %add3A_1820 = arith.constant 30720 : i32
        %add3A_1821 = arith.addi %add3A_1820, %mul3A_1819 : i32
        %get3A_1822 = arith.index_cast %add3A_1821 : i32 to index
        %get3A_1823 = tpu.vector_load %arg4[%get3A_1822] {strides = array<i32>} : memref<50176xf32, #tpu.memory_space<vmem>>, vector<16xf32>,
        %mul3A_1824 = arith.constant 16 : i32
        %mul3A_1825 = arith.muli %add3A_1505, %mul3A_1824 : i32
        %add3A_1826 = arith.constant 31744 : i32
        %add3A_1827 = arith.addi %add3A_1826, %mul3A_1825 : i32
        %get3A_1828 = arith.index_cast %add3A_1827 : i32 to index
        %get3A_1829 = tpu.vector_load %arg4[%get3A_1828] {strides = array<i32>} : memref<50176xf32, #tpu.memory_space<vmem>>, vector<16xf32>,
        %max3A_1830 = arith.maximumf %get3A_1811, %get3A_1817 : vector<16xf32>
        %min3A_1831 = arith.minimumf %get3A_1811, %get3A_1817 : vector<16xf32>
        %max3A_1832 = arith.maximumf %get3A_1823, %get3A_1829 : vector<16xf32>
        %min3A_1833 = arith.minimumf %get3A_1823, %get3A_1829 : vector<16xf32>
        %max3A_1834 = arith.maximumf %max3A_1830, %max3A_1832 : vector<16xf32>
        %min3A_1835 = arith.minimumf %max3A_1830, %max3A_1832 : vector<16xf32>
        %max3A_1836 = arith.maximumf %min3A_1831, %min3A_1833 : vector<16xf32>
        %min3A_1837 = arith.minimumf %min3A_1831, %min3A_1833 : vector<16xf32>
        %max3A_1838 = arith.maximumf %max3A_1836, %min3A_1835 : vector<16xf32>
        %min3A_1839 = arith.minimumf %max3A_1836, %min3A_1835 : vector<16xf32>
        %max3A_1840 = arith.maximumf %max3A_1800, %max3A_1834 : vector<16xf32>
        %min3A_1841 = arith.minimumf %max3A_1800, %max3A_1834 : vector<16xf32>
        %max3A_1842 = arith.maximumf %min3A_1805, %min3A_1839 : vector<16xf32>
        %max3A_1843 = arith.maximumf %min3A_1841, %max3A_1842 : vector<16xf32>
        %min3A_1844 = arith.minimumf %min3A_1841, %max3A_1842 : vector<16xf32>
        %max3A_1845 = arith.maximumf %max3A_1804, %max3A_1838 : vector<16xf32>
        %min3A_1846 = arith.minimumf %max3A_1804, %max3A_1838 : vector<16xf32>
        %max3A_1847 = arith.maximumf %min3A_1803, %min3A_1837 : vector<16xf32>
        %max3A_1848 = arith.maximumf %min3A_1846, %max3A_1847 : vector<16xf32>
        %max3A_1849 = arith.maximumf %max3A_1845, %max3A_1843 : vector<16xf32>
        %min3A_1850 = arith.minimumf %max3A_1845, %max3A_1843 : vector<16xf32>
        %max3A_1851 = arith.maximumf %max3A_1848, %min3A_1844 : vector<16xf32>
        %max3A_1852 = arith.maximumf %max3A_1760, %max3A_1840 : vector<16xf32>
        %min3A_1853 = arith.minimumf %max3A_1760, %max3A_1840 : vector<16xf32>
        %max3A_1854 = arith.maximumf %min3A_1770, %min3A_1850 : vector<16xf32>
        %max3A_1855 = arith.maximumf %min3A_1853, %max3A_1854 : vector<16xf32>
        %min3A_1856 = arith.minimumf %min3A_1853, %max3A_1854 : vector<16xf32>
        %max3A_1857 = arith.maximumf %max3A_1769, %max3A_1849 : vector<16xf32>
        %min3A_1858 = arith.minimumf %max3A_1769, %max3A_1849 : vector<16xf32>
        %max3A_1859 = arith.maximumf %max3A_1771, %max3A_1851 : vector<16xf32>
        %max3A_1860 = arith.maximumf %min3A_1858, %max3A_1859 : vector<16xf32>
        %max3A_1861 = arith.maximumf %max3A_1857, %max3A_1855 : vector<16xf32>
        %min3A_1862 = arith.minimumf %max3A_1857, %max3A_1855 : vector<16xf32>
        %max3A_1863 = arith.maximumf %max3A_1860, %min3A_1856 : vector<16xf32>
        %max3A_1864 = arith.maximumf %max3A_1680, %max3A_1852 : vector<16xf32>
        %min3A_1865 = arith.minimumf %max3A_1680, %max3A_1852 : vector<16xf32>
        %max3A_1866 = arith.maximumf %min3A_1690, %min3A_1862 : vector<16xf32>
        %max3A_1867 = arith.maximumf %min3A_1865, %max3A_1866 : vector<16xf32>
        %min3A_1868 = arith.minimumf %min3A_1865, %max3A_1866 : vector<16xf32>
        %max3A_1869 = arith.maximumf %max3A_1689, %max3A_1861 : vector<16xf32>
        %min3A_1870 = arith.minimumf %max3A_1689, %max3A_1861 : vector<16xf32>
        %max3A_1871 = arith.maximumf %max3A_1691, %max3A_1863 : vector<16xf32>
        %max3A_1872 = arith.maximumf %min3A_1870, %max3A_1871 : vector<16xf32>
        %max3A_1873 = arith.maximumf %max3A_1869, %max3A_1867 : vector<16xf32>
        %min3A_1874 = arith.minimumf %max3A_1869, %max3A_1867 : vector<16xf32>
        %max3A_1875 = arith.maximumf %max3A_1872, %min3A_1868 : vector<16xf32>
        %mul3A_1876 = arith.constant 16 : i32
        %mul3A_1877 = arith.muli %add3A_1505, %mul3A_1876 : i32
        %add3A_1878 = arith.constant 32768 : i32
        %add3A_1879 = arith.addi %add3A_1878, %mul3A_1877 : i32
        %get3A_1880 = arith.index_cast %add3A_1879 : i32 to index
        %get3A_1881 = tpu.vector_load %arg4[%get3A_1880] {strides = array<i32>} : memref<50176xf32, #tpu.memory_space<vmem>>, vector<16xf32>,
        %mul3A_1882 = arith.constant 16 : i32
        %mul3A_1883 = arith.muli %add3A_1505, %mul3A_1882 : i32
        %add3A_1884 = arith.constant 33792 : i32
        %add3A_1885 = arith.addi %add3A_1884, %mul3A_1883 : i32
        %get3A_1886 = arith.index_cast %add3A_1885 : i32 to index
        %get3A_1887 = tpu.vector_load %arg4[%get3A_1886] {strides = array<i32>} : memref<50176xf32, #tpu.memory_space<vmem>>, vector<16xf32>,
        %mul3A_1888 = arith.constant 16 : i32
        %mul3A_1889 = arith.muli %add3A_1505, %mul3A_1888 : i32
        %add3A_1890 = arith.constant 34816 : i32
        %add3A_1891 = arith.addi %add3A_1890, %mul3A_1889 : i32
        %get3A_1892 = arith.index_cast %add3A_1891 : i32 to index
        %get3A_1893 = tpu.vector_load %arg4[%get3A_1892] {strides = array<i32>} : memref<50176xf32, #tpu.memory_space<vmem>>, vector<16xf32>,
        %mul3A_1894 = arith.constant 16 : i32
        %mul3A_1895 = arith.muli %add3A_1505, %mul3A_1894 : i32
        %add3A_1896 = arith.constant 35840 : i32
        %add3A_1897 = arith.addi %add3A_1896, %mul3A_1895 : i32
        %get3A_1898 = arith.index_cast %add3A_1897 : i32 to index
        %get3A_1899 = tpu.vector_load %arg4[%get3A_1898] {strides = array<i32>} : memref<50176xf32, #tpu.memory_space<vmem>>, vector<16xf32>,
        %max3A_1900 = arith.maximumf %get3A_1881, %get3A_1887 : vector<16xf32>
        %min3A_1901 = arith.minimumf %get3A_1881, %get3A_1887 : vector<16xf32>
        %max3A_1902 = arith.maximumf %get3A_1893, %get3A_1899 : vector<16xf32>
        %min3A_1903 = arith.minimumf %get3A_1893, %get3A_1899 : vector<16xf32>
        %max3A_1904 = arith.maximumf %max3A_1900, %max3A_1902 : vector<16xf32>
        %min3A_1905 = arith.minimumf %max3A_1900, %max3A_1902 : vector<16xf32>
        %max3A_1906 = arith.maximumf %min3A_1901, %min3A_1903 : vector<16xf32>
        %min3A_1907 = arith.minimumf %min3A_1901, %min3A_1903 : vector<16xf32>
        %max3A_1908 = arith.maximumf %max3A_1906, %min3A_1905 : vector<16xf32>
        %min3A_1909 = arith.minimumf %max3A_1906, %min3A_1905 : vector<16xf32>
        %mul3A_1910 = arith.constant 16 : i32
        %mul3A_1911 = arith.muli %add3A_1505, %mul3A_1910 : i32
        %add3A_1912 = arith.constant 36864 : i32
        %add3A_1913 = arith.addi %add3A_1912, %mul3A_1911 : i32
        %get3A_1914 = arith.index_cast %add3A_1913 : i32 to index
        %get3A_1915 = tpu.vector_load %arg4[%get3A_1914] {strides = array<i32>} : memref<50176xf32, #tpu.memory_space<vmem>>, vector<16xf32>,
        %mul3A_1916 = arith.constant 16 : i32
        %mul3A_1917 = arith.muli %add3A_1505, %mul3A_1916 : i32
        %add3A_1918 = arith.constant 37888 : i32
        %add3A_1919 = arith.addi %add3A_1918, %mul3A_1917 : i32
        %get3A_1920 = arith.index_cast %add3A_1919 : i32 to index
        %get3A_1921 = tpu.vector_load %arg4[%get3A_1920] {strides = array<i32>} : memref<50176xf32, #tpu.memory_space<vmem>>, vector<16xf32>,
        %mul3A_1922 = arith.constant 16 : i32
        %mul3A_1923 = arith.muli %add3A_1505, %mul3A_1922 : i32
        %add3A_1924 = arith.constant 38912 : i32
        %add3A_1925 = arith.addi %add3A_1924, %mul3A_1923 : i32
        %get3A_1926 = arith.index_cast %add3A_1925 : i32 to index
        %get3A_1927 = tpu.vector_load %arg4[%get3A_1926] {strides = array<i32>} : memref<50176xf32, #tpu.memory_space<vmem>>, vector<16xf32>,
        %mul3A_1928 = arith.constant 16 : i32
        %mul3A_1929 = arith.muli %add3A_1505, %mul3A_1928 : i32
        %add3A_1930 = arith.constant 39936 : i32
        %add3A_1931 = arith.addi %add3A_1930, %mul3A_1929 : i32
        %get3A_1932 = arith.index_cast %add3A_1931 : i32 to index
        %get3A_1933 = tpu.vector_load %arg4[%get3A_1932] {strides = array<i32>} : memref<50176xf32, #tpu.memory_space<vmem>>, vector<16xf32>,
        %max3A_1934 = arith.maximumf %get3A_1915, %get3A_1921 : vector<16xf32>
        %min3A_1935 = arith.minimumf %get3A_1915, %get3A_1921 : vector<16xf32>
        %max3A_1936 = arith.maximumf %get3A_1927, %get3A_1933 : vector<16xf32>
        %min3A_1937 = arith.minimumf %get3A_1927, %get3A_1933 : vector<16xf32>
        %max3A_1938 = arith.maximumf %max3A_1934, %max3A_1936 : vector<16xf32>
        %min3A_1939 = arith.minimumf %max3A_1934, %max3A_1936 : vector<16xf32>
        %max3A_1940 = arith.maximumf %min3A_1935, %min3A_1937 : vector<16xf32>
        %min3A_1941 = arith.minimumf %min3A_1935, %min3A_1937 : vector<16xf32>
        %max3A_1942 = arith.maximumf %max3A_1940, %min3A_1939 : vector<16xf32>
        %min3A_1943 = arith.minimumf %max3A_1940, %min3A_1939 : vector<16xf32>
        %max3A_1944 = arith.maximumf %max3A_1904, %max3A_1938 : vector<16xf32>
        %min3A_1945 = arith.minimumf %max3A_1904, %max3A_1938 : vector<16xf32>
        %max3A_1946 = arith.maximumf %min3A_1909, %min3A_1943 : vector<16xf32>
        %max3A_1947 = arith.maximumf %min3A_1945, %max3A_1946 : vector<16xf32>
        %min3A_1948 = arith.minimumf %min3A_1945, %max3A_1946 : vector<16xf32>
        %max3A_1949 = arith.maximumf %max3A_1908, %max3A_1942 : vector<16xf32>
        %min3A_1950 = arith.minimumf %max3A_1908, %max3A_1942 : vector<16xf32>
        %max3A_1951 = arith.maximumf %min3A_1907, %min3A_1941 : vector<16xf32>
        %max3A_1952 = arith.maximumf %min3A_1950, %max3A_1951 : vector<16xf32>
        %max3A_1953 = arith.maximumf %max3A_1949, %max3A_1947 : vector<16xf32>
        %min3A_1954 = arith.minimumf %max3A_1949, %max3A_1947 : vector<16xf32>
        %max3A_1955 = arith.maximumf %max3A_1952, %min3A_1948 : vector<16xf32>
        %mul3A_1956 = arith.constant 16 : i32
        %mul3A_1957 = arith.muli %add3A_1505, %mul3A_1956 : i32
        %add3A_1958 = arith.constant 40960 : i32
        %add3A_1959 = arith.addi %add3A_1958, %mul3A_1957 : i32
        %get3A_1960 = arith.index_cast %add3A_1959 : i32 to index
        %get3A_1961 = tpu.vector_load %arg4[%get3A_1960] {strides = array<i32>} : memref<50176xf32, #tpu.memory_space<vmem>>, vector<16xf32>,
        %mul3A_1962 = arith.constant 16 : i32
        %mul3A_1963 = arith.muli %add3A_1505, %mul3A_1962 : i32
        %add3A_1964 = arith.constant 41984 : i32
        %add3A_1965 = arith.addi %add3A_1964, %mul3A_1963 : i32
        %get3A_1966 = arith.index_cast %add3A_1965 : i32 to index
        %get3A_1967 = tpu.vector_load %arg4[%get3A_1966] {strides = array<i32>} : memref<50176xf32, #tpu.memory_space<vmem>>, vector<16xf32>,
        %mul3A_1968 = arith.constant 16 : i32
        %mul3A_1969 = arith.muli %add3A_1505, %mul3A_1968 : i32
        %add3A_1970 = arith.constant 43008 : i32
        %add3A_1971 = arith.addi %add3A_1970, %mul3A_1969 : i32
        %get3A_1972 = arith.index_cast %add3A_1971 : i32 to index
        %get3A_1973 = tpu.vector_load %arg4[%get3A_1972] {strides = array<i32>} : memref<50176xf32, #tpu.memory_space<vmem>>, vector<16xf32>,
        %mul3A_1974 = arith.constant 16 : i32
        %mul3A_1975 = arith.muli %add3A_1505, %mul3A_1974 : i32
        %add3A_1976 = arith.constant 44032 : i32
        %add3A_1977 = arith.addi %add3A_1976, %mul3A_1975 : i32
        %get3A_1978 = arith.index_cast %add3A_1977 : i32 to index
        %get3A_1979 = tpu.vector_load %arg4[%get3A_1978] {strides = array<i32>} : memref<50176xf32, #tpu.memory_space<vmem>>, vector<16xf32>,
        %max3A_1980 = arith.maximumf %get3A_1961, %get3A_1967 : vector<16xf32>
        %min3A_1981 = arith.minimumf %get3A_1961, %get3A_1967 : vector<16xf32>
        %max3A_1982 = arith.maximumf %get3A_1973, %get3A_1979 : vector<16xf32>
        %min3A_1983 = arith.minimumf %get3A_1973, %get3A_1979 : vector<16xf32>
        %max3A_1984 = arith.maximumf %max3A_1980, %max3A_1982 : vector<16xf32>
        %min3A_1985 = arith.minimumf %max3A_1980, %max3A_1982 : vector<16xf32>
        %max3A_1986 = arith.maximumf %min3A_1981, %min3A_1983 : vector<16xf32>
        %min3A_1987 = arith.minimumf %min3A_1981, %min3A_1983 : vector<16xf32>
        %max3A_1988 = arith.maximumf %max3A_1986, %min3A_1985 : vector<16xf32>
        %min3A_1989 = arith.minimumf %max3A_1986, %min3A_1985 : vector<16xf32>
        %mul3A_1990 = arith.constant 16 : i32
        %mul3A_1991 = arith.muli %add3A_1505, %mul3A_1990 : i32
        %add3A_1992 = arith.constant 45056 : i32
        %add3A_1993 = arith.addi %add3A_1992, %mul3A_1991 : i32
        %get3A_1994 = arith.index_cast %add3A_1993 : i32 to index
        %get3A_1995 = tpu.vector_load %arg4[%get3A_1994] {strides = array<i32>} : memref<50176xf32, #tpu.memory_space<vmem>>, vector<16xf32>,
        %mul3A_1996 = arith.constant 16 : i32
        %mul3A_1997 = arith.muli %add3A_1505, %mul3A_1996 : i32
        %add3A_1998 = arith.constant 46080 : i32
        %add3A_1999 = arith.addi %add3A_1998, %mul3A_1997 : i32
        %get3A_2000 = arith.index_cast %add3A_1999 : i32 to index
        %get3A_2001 = tpu.vector_load %arg4[%get3A_2000] {strides = array<i32>} : memref<50176xf32, #tpu.memory_space<vmem>>, vector<16xf32>,
        %mul3A_2002 = arith.constant 16 : i32
        %mul3A_2003 = arith.muli %add3A_1505, %mul3A_2002 : i32
        %add3A_2004 = arith.constant 47104 : i32
        %add3A_2005 = arith.addi %add3A_2004, %mul3A_2003 : i32
        %get3A_2006 = arith.index_cast %add3A_2005 : i32 to index
        %get3A_2007 = tpu.vector_load %arg4[%get3A_2006] {strides = array<i32>} : memref<50176xf32, #tpu.memory_space<vmem>>, vector<16xf32>,
        %mul3A_2008 = arith.constant 16 : i32
        %mul3A_2009 = arith.muli %add3A_1505, %mul3A_2008 : i32
        %add3A_2010 = arith.constant 48128 : i32
        %add3A_2011 = arith.addi %add3A_2010, %mul3A_2009 : i32
        %get3A_2012 = arith.index_cast %add3A_2011 : i32 to index
        %get3A_2013 = tpu.vector_load %arg4[%get3A_2012] {strides = array<i32>} : memref<50176xf32, #tpu.memory_space<vmem>>, vector<16xf32>,
        %max3A_2014 = arith.maximumf %get3A_1995, %get3A_2001 : vector<16xf32>
        %min3A_2015 = arith.minimumf %get3A_1995, %get3A_2001 : vector<16xf32>
        %max3A_2016 = arith.maximumf %get3A_2007, %get3A_2013 : vector<16xf32>
        %min3A_2017 = arith.minimumf %get3A_2007, %get3A_2013 : vector<16xf32>
        %max3A_2018 = arith.maximumf %max3A_2014, %max3A_2016 : vector<16xf32>
        %min3A_2019 = arith.minimumf %max3A_2014, %max3A_2016 : vector<16xf32>
        %max3A_2020 = arith.maximumf %min3A_2015, %min3A_2017 : vector<16xf32>
        %min3A_2021 = arith.minimumf %min3A_2015, %min3A_2017 : vector<16xf32>
        %max3A_2022 = arith.maximumf %max3A_2020, %min3A_2019 : vector<16xf32>
        %min3A_2023 = arith.minimumf %max3A_2020, %min3A_2019 : vector<16xf32>
        %max3A_2024 = arith.maximumf %max3A_1984, %max3A_2018 : vector<16xf32>
        %min3A_2025 = arith.minimumf %max3A_1984, %max3A_2018 : vector<16xf32>
        %max3A_2026 = arith.maximumf %min3A_1989, %min3A_2023 : vector<16xf32>
        %max3A_2027 = arith.maximumf %min3A_2025, %max3A_2026 : vector<16xf32>
        %min3A_2028 = arith.minimumf %min3A_2025, %max3A_2026 : vector<16xf32>
        %max3A_2029 = arith.maximumf %max3A_1988, %max3A_2022 : vector<16xf32>
        %min3A_2030 = arith.minimumf %max3A_1988, %max3A_2022 : vector<16xf32>
        %max3A_2031 = arith.maximumf %min3A_1987, %min3A_2021 : vector<16xf32>
        %max3A_2032 = arith.maximumf %min3A_2030, %max3A_2031 : vector<16xf32>
        %max3A_2033 = arith.maximumf %max3A_2029, %max3A_2027 : vector<16xf32>
        %min3A_2034 = arith.minimumf %max3A_2029, %max3A_2027 : vector<16xf32>
        %max3A_2035 = arith.maximumf %max3A_2032, %min3A_2028 : vector<16xf32>
        %max3A_2036 = arith.maximumf %max3A_1944, %max3A_2024 : vector<16xf32>
        %min3A_2037 = arith.minimumf %max3A_1944, %max3A_2024 : vector<16xf32>
        %max3A_2038 = arith.maximumf %min3A_1954, %min3A_2034 : vector<16xf32>
        %max3A_2039 = arith.maximumf %min3A_2037, %max3A_2038 : vector<16xf32>
        %min3A_2040 = arith.minimumf %min3A_2037, %max3A_2038 : vector<16xf32>
        %max3A_2041 = arith.maximumf %max3A_1953, %max3A_2033 : vector<16xf32>
        %min3A_2042 = arith.minimumf %max3A_1953, %max3A_2033 : vector<16xf32>
        %max3A_2043 = arith.maximumf %max3A_1955, %max3A_2035 : vector<16xf32>
        %max3A_2044 = arith.maximumf %min3A_2042, %max3A_2043 : vector<16xf32>
        %max3A_2045 = arith.maximumf %max3A_2041, %max3A_2039 : vector<16xf32>
        %min3A_2046 = arith.minimumf %max3A_2041, %max3A_2039 : vector<16xf32>
        %max3A_2047 = arith.maximumf %max3A_2044, %min3A_2040 : vector<16xf32>
        %max3A_2048 = arith.maximumf %max3A_1864, %max3A_2036 : vector<16xf32>
        %min3A_2049 = arith.minimumf %max3A_1864, %max3A_2036 : vector<16xf32>
        %max3A_2050 = arith.maximumf %min3A_1874, %min3A_2046 : vector<16xf32>
        %max3A_2051 = arith.maximumf %min3A_2049, %max3A_2050 : vector<16xf32>
        %min3A_2052 = arith.minimumf %min3A_2049, %max3A_2050 : vector<16xf32>
        %max3A_2053 = arith.maximumf %max3A_1873, %max3A_2045 : vector<16xf32>
        %min3A_2054 = arith.minimumf %max3A_1873, %max3A_2045 : vector<16xf32>
        %max3A_2055 = arith.maximumf %max3A_1875, %max3A_2047 : vector<16xf32>
        %max3A_2056 = arith.maximumf %min3A_2054, %max3A_2055 : vector<16xf32>
        %max3A_2057 = arith.maximumf %max3A_2053, %max3A_2051 : vector<16xf32>
        %min3A_2058 = arith.minimumf %max3A_2053, %max3A_2051 : vector<16xf32>
        %max3A_2059 = arith.maximumf %max3A_2056, %min3A_2052 : vector<16xf32>
        %mul3A_2060 = arith.constant 16 : i32
        %mul3A_2061 = arith.muli %add3A_1505, %mul3A_2060 : i32
        %add3A_2062 = arith.constant 49152 : i32
        %add3A_2063 = arith.addi %add3A_2062, %mul3A_2061 : i32
        %get3A_2064 = arith.index_cast %add3A_2063 : i32 to index
        %get3A_2065 = tpu.vector_load %arg4[%get3A_2064] {strides = array<i32>} : memref<50176xf32, #tpu.memory_space<vmem>>, vector<16xf32>,
        %min3A_2066 = arith.minimumf %max3A_2048, %get3A_2065 : vector<16xf32>
        %max3A_2067 = arith.maximumf %max3A_2048, %get3A_2065 : vector<16xf32>
        %min3A_2068 = arith.minimumf %max3A_2057, %min3A_2066 : vector<16xf32>
        %max3A_2069 = arith.maximumf %max3A_2057, %min3A_2066 : vector<16xf32>
        %min3A_2070 = arith.minimumf %min3A_2058, %min3A_2068 : vector<16xf32>
        %max3A_2071 = arith.maximumf %min3A_2058, %min3A_2068 : vector<16xf32>
        %max3A_2072 = arith.maximumf %max3A_2059, %min3A_2070 : vector<16xf32>
        %add3A_2073 = arith.addf %max3A_2067, %max3A_2069 : vector<16xf32>
        %add3A_2074 = arith.addf %add3A_2073, %max3A_2071 : vector<16xf32>
        %add3A_2075 = arith.addf %add3A_2074, %max3A_2072 : vector<16xf32>
        %mul3A_2076 = arith.constant 2.500000e-01 : f32
        %mul3A_2077 = vector.broadcast %mul3A_2076 : f32 to vector<16xf32>
        %mul3A_2078 = arith.mulf %add3A_2075, %mul3A_2077 : vector<16xf32>
        %swap3A_2079 = arith.index_cast %add3A_1519 : i32 to index
        %swap3A_2080 = tpu.vector_load %arg6[%swap3A_2079] {strides = array<i32>} : memref<4096xf32, #tpu.memory_space<vmem>>, vector<16xf32>,
        tpu.vector_store %arg6[%swap3A_2079], %mul3A_2078 {strides = array<i32>} : memref<4096xf32, #tpu.memory_space<vmem>>, vector<16xf32>,
      }
      %scan3A_916 = arith.constant 32 : i32
      %lt3A_917 = arith.constant 1 : i32
      %lt3A_918 = arith.cmpi slt, %scan3A_507, %lt3A_917 : i32
      %convert_element_type3A = arith.extui %lt3A_918 : i1 to i32
      %cond3A = arith.constant 0 : i32
      %cond3A_919 = arith.cmpi ne, %convert_element_type3A, %cond3A : i32
      scf.if %cond3A_919 {
        %add3A_932 = arith.constant 2 : i32
        %add3A_933 = arith.addi %mul3A_509, %add3A_932 : i32
        %mul3A_934 = arith.constant 1024 : i32
        %mul3A_935 = arith.muli %add3A_933, %mul3A_934 : i32
        %add3A_936 = arith.addi %mul3A_2, %mul3A_935 : i32
        %add3A_937 = arith.constant 0 : i32
        %add3A_938 = arith.addi %add3A_937, %add3A_936 : i32
        %dma_start3A_939 = arith.constant 0 : i32
        %dma_start3A_940 = tpu.memref_slice %arg4[%dma_start3A_939] : memref<50176xf32, #tpu.memory_space<vmem>> -> memref<1024xf32, #tpu.memory_space<vmem>>
        %dma_start3A_941 = tpu.memref_slice %arg2[%add3A_938] : memref<25690112xf32, #tpu.memory_space<hbm>> -> memref<1024xf32, #tpu.memory_space<hbm>>
        %dma_start3A_942 = arith.constant 0 : i32
        %dma_start3A_943 = tpu.memref_slice %arg4[%dma_start3A_942] : memref<50176xf32, #tpu.memory_space<vmem>> -> memref<1024xf32, #tpu.memory_space<vmem>>
        %dma_start3A_944 = tpu.memref_slice %arg2[%add3A_938] : memref<25690112xf32, #tpu.memory_space<hbm>> -> memref<1024xf32, #tpu.memory_space<hbm>>
        tpu.enqueue_dma source(%dma_start3A_944 : memref<1024xf32, #tpu.memory_space<hbm>>) target(%dma_start3A_943 : memref<1024xf32, #tpu.memory_space<vmem>>) target_semaphore(%arg7 : memref<!tpu.dma_semaphore, #tpu.memory_space<semaphore_mem>>)
        %add3A_945 = arith.constant 524288 : i32
        %add3A_946 = arith.addi %add3A_945, %add3A_936 : i32
        %dma_start3A_947 = arith.constant 1024 : i32
        %dma_start3A_948 = tpu.memref_slice %arg4[%dma_start3A_947] : memref<50176xf32, #tpu.memory_space<vmem>> -> memref<1024xf32, #tpu.memory_space<vmem>>
        %dma_start3A_949 = tpu.memref_slice %arg2[%add3A_946] : memref<25690112xf32, #tpu.memory_space<hbm>> -> memref<1024xf32, #tpu.memory_space<hbm>>
        %dma_start3A_950 = arith.constant 1024 : i32
        %dma_start3A_951 = tpu.memref_slice %arg4[%dma_start3A_950] : memref<50176xf32, #tpu.memory_space<vmem>> -> memref<1024xf32, #tpu.memory_space<vmem>>
        %dma_start3A_952 = tpu.memref_slice %arg2[%add3A_946] : memref<25690112xf32, #tpu.memory_space<hbm>> -> memref<1024xf32, #tpu.memory_space<hbm>>
        tpu.enqueue_dma source(%dma_start3A_952 : memref<1024xf32, #tpu.memory_space<hbm>>) target(%dma_start3A_951 : memref<1024xf32, #tpu.memory_space<vmem>>) target_semaphore(%arg7 : memref<!tpu.dma_semaphore, #tpu.memory_space<semaphore_mem>>)
        %add3A_953 = arith.constant 1048576 : i32
        %add3A_954 = arith.addi %add3A_953, %add3A_936 : i32
        %dma_start3A_955 = arith.constant 2048 : i32
        %dma_start3A_956 = tpu.memref_slice %arg4[%dma_start3A_955] : memref<50176xf32, #tpu.memory_space<vmem>> -> memref<1024xf32, #tpu.memory_space<vmem>>
        %dma_start3A_957 = tpu.memref_slice %arg2[%add3A_954] : memref<25690112xf32, #tpu.memory_space<hbm>> -> memref<1024xf32, #tpu.memory_space<hbm>>
        %dma_start3A_958 = arith.constant 2048 : i32
        %dma_start3A_959 = tpu.memref_slice %arg4[%dma_start3A_958] : memref<50176xf32, #tpu.memory_space<vmem>> -> memref<1024xf32, #tpu.memory_space<vmem>>
        %dma_start3A_960 = tpu.memref_slice %arg2[%add3A_954] : memref<25690112xf32, #tpu.memory_space<hbm>> -> memref<1024xf32, #tpu.memory_space<hbm>>
        tpu.enqueue_dma source(%dma_start3A_960 : memref<1024xf32, #tpu.memory_space<hbm>>) target(%dma_start3A_959 : memref<1024xf32, #tpu.memory_space<vmem>>) target_semaphore(%arg7 : memref<!tpu.dma_semaphore, #tpu.memory_space<semaphore_mem>>)
        %add3A_961 = arith.constant 1572864 : i32
        %add3A_962 = arith.addi %add3A_961, %add3A_936 : i32
        %dma_start3A_963 = arith.constant 3072 : i32
        %dma_start3A_964 = tpu.memref_slice %arg4[%dma_start3A_963] : memref<50176xf32, #tpu.memory_space<vmem>> -> memref<1024xf32, #tpu.memory_space<vmem>>
        %dma_start3A_965 = tpu.memref_slice %arg2[%add3A_962] : memref<25690112xf32, #tpu.memory_space<hbm>> -> memref<1024xf32, #tpu.memory_space<hbm>>
        %dma_start3A_966 = arith.constant 3072 : i32
        %dma_start3A_967 = tpu.memref_slice %arg4[%dma_start3A_966] : memref<50176xf32, #tpu.memory_space<vmem>> -> memref<1024xf32, #tpu.memory_space<vmem>>
        %dma_start3A_968 = tpu.memref_slice %arg2[%add3A_962] : memref<25690112xf32, #tpu.memory_space<hbm>> -> memref<1024xf32, #tpu.memory_space<hbm>>
        tpu.enqueue_dma source(%dma_start3A_968 : memref<1024xf32, #tpu.memory_space<hbm>>) target(%dma_start3A_967 : memref<1024xf32, #tpu.memory_space<vmem>>) target_semaphore(%arg7 : memref<!tpu.dma_semaphore, #tpu.memory_space<semaphore_mem>>)
        %add3A_969 = arith.constant 2097152 : i32
        %add3A_970 = arith.addi %add3A_969, %add3A_936 : i32
        %dma_start3A_971 = arith.constant 4096 : i32
        %dma_start3A_972 = tpu.memref_slice %arg4[%dma_start3A_971] : memref<50176xf32, #tpu.memory_space<vmem>> -> memref<1024xf32, #tpu.memory_space<vmem>>
        %dma_start3A_973 = tpu.memref_slice %arg2[%add3A_970] : memref<25690112xf32, #tpu.memory_space<hbm>> -> memref<1024xf32, #tpu.memory_space<hbm>>
        %dma_start3A_974 = arith.constant 4096 : i32
        %dma_start3A_975 = tpu.memref_slice %arg4[%dma_start3A_974] : memref<50176xf32, #tpu.memory_space<vmem>> -> memref<1024xf32, #tpu.memory_space<vmem>>
        %dma_start3A_976 = tpu.memref_slice %arg2[%add3A_970] : memref<25690112xf32, #tpu.memory_space<hbm>> -> memref<1024xf32, #tpu.memory_space<hbm>>
        tpu.enqueue_dma source(%dma_start3A_976 : memref<1024xf32, #tpu.memory_space<hbm>>) target(%dma_start3A_975 : memref<1024xf32, #tpu.memory_space<vmem>>) target_semaphore(%arg7 : memref<!tpu.dma_semaphore, #tpu.memory_space<semaphore_mem>>)
        %add3A_977 = arith.constant 2621440 : i32
        %add3A_978 = arith.addi %add3A_977, %add3A_936 : i32
        %dma_start3A_979 = arith.constant 5120 : i32
        %dma_start3A_980 = tpu.memref_slice %arg4[%dma_start3A_979] : memref<50176xf32, #tpu.memory_space<vmem>> -> memref<1024xf32, #tpu.memory_space<vmem>>
        %dma_start3A_981 = tpu.memref_slice %arg2[%add3A_978] : memref<25690112xf32, #tpu.memory_space<hbm>> -> memref<1024xf32, #tpu.memory_space<hbm>>
        %dma_start3A_982 = arith.constant 5120 : i32
        %dma_start3A_983 = tpu.memref_slice %arg4[%dma_start3A_982] : memref<50176xf32, #tpu.memory_space<vmem>> -> memref<1024xf32, #tpu.memory_space<vmem>>
        %dma_start3A_984 = tpu.memref_slice %arg2[%add3A_978] : memref<25690112xf32, #tpu.memory_space<hbm>> -> memref<1024xf32, #tpu.memory_space<hbm>>
        tpu.enqueue_dma source(%dma_start3A_984 : memref<1024xf32, #tpu.memory_space<hbm>>) target(%dma_start3A_983 : memref<1024xf32, #tpu.memory_space<vmem>>) target_semaphore(%arg7 : memref<!tpu.dma_semaphore, #tpu.memory_space<semaphore_mem>>)
        %add3A_985 = arith.constant 3145728 : i32
        %add3A_986 = arith.addi %add3A_985, %add3A_936 : i32
        %dma_start3A_987 = arith.constant 6144 : i32
        %dma_start3A_988 = tpu.memref_slice %arg4[%dma_start3A_987] : memref<50176xf32, #tpu.memory_space<vmem>> -> memref<1024xf32, #tpu.memory_space<vmem>>
        %dma_start3A_989 = tpu.memref_slice %arg2[%add3A_986] : memref<25690112xf32, #tpu.memory_space<hbm>> -> memref<1024xf32, #tpu.memory_space<hbm>>
        %dma_start3A_990 = arith.constant 6144 : i32
        %dma_start3A_991 = tpu.memref_slice %arg4[%dma_start3A_990] : memref<50176xf32, #tpu.memory_space<vmem>> -> memref<1024xf32, #tpu.memory_space<vmem>>
        %dma_start3A_992 = tpu.memref_slice %arg2[%add3A_986] : memref<25690112xf32, #tpu.memory_space<hbm>> -> memref<1024xf32, #tpu.memory_space<hbm>>
        tpu.enqueue_dma source(%dma_start3A_992 : memref<1024xf32, #tpu.memory_space<hbm>>) target(%dma_start3A_991 : memref<1024xf32, #tpu.memory_space<vmem>>) target_semaphore(%arg7 : memref<!tpu.dma_semaphore, #tpu.memory_space<semaphore_mem>>)
        %add3A_993 = arith.constant 3670016 : i32
        %add3A_994 = arith.addi %add3A_993, %add3A_936 : i32
        %dma_start3A_995 = arith.constant 7168 : i32
        %dma_start3A_996 = tpu.memref_slice %arg4[%dma_start3A_995] : memref<50176xf32, #tpu.memory_space<vmem>> -> memref<1024xf32, #tpu.memory_space<vmem>>
        %dma_start3A_997 = tpu.memref_slice %arg2[%add3A_994] : memref<25690112xf32, #tpu.memory_space<hbm>> -> memref<1024xf32, #tpu.memory_space<hbm>>
        %dma_start3A_998 = arith.constant 7168 : i32
        %dma_start3A_999 = tpu.memref_slice %arg4[%dma_start3A_998] : memref<50176xf32, #tpu.memory_space<vmem>> -> memref<1024xf32, #tpu.memory_space<vmem>>
        %dma_start3A_1000 = tpu.memref_slice %arg2[%add3A_994] : memref<25690112xf32, #tpu.memory_space<hbm>> -> memref<1024xf32, #tpu.memory_space<hbm>>
        tpu.enqueue_dma source(%dma_start3A_1000 : memref<1024xf32, #tpu.memory_space<hbm>>) target(%dma_start3A_999 : memref<1024xf32, #tpu.memory_space<vmem>>) target_semaphore(%arg7 : memref<!tpu.dma_semaphore, #tpu.memory_space<semaphore_mem>>)
        %add3A_1001 = arith.constant 4194304 : i32
        %add3A_1002 = arith.addi %add3A_1001, %add3A_936 : i32
        %dma_start3A_1003 = arith.constant 8192 : i32
        %dma_start3A_1004 = tpu.memref_slice %arg4[%dma_start3A_1003] : memref<50176xf32, #tpu.memory_space<vmem>> -> memref<1024xf32, #tpu.memory_space<vmem>>
        %dma_start3A_1005 = tpu.memref_slice %arg2[%add3A_1002] : memref<25690112xf32, #tpu.memory_space<hbm>> -> memref<1024xf32, #tpu.memory_space<hbm>>
        %dma_start3A_1006 = arith.constant 8192 : i32
        %dma_start3A_1007 = tpu.memref_slice %arg4[%dma_start3A_1006] : memref<50176xf32, #tpu.memory_space<vmem>> -> memref<1024xf32, #tpu.memory_space<vmem>>
        %dma_start3A_1008 = tpu.memref_slice %arg2[%add3A_1002] : memref<25690112xf32, #tpu.memory_space<hbm>> -> memref<1024xf32, #tpu.memory_space<hbm>>
        tpu.enqueue_dma source(%dma_start3A_1008 : memref<1024xf32, #tpu.memory_space<hbm>>) target(%dma_start3A_1007 : memref<1024xf32, #tpu.memory_space<vmem>>) target_semaphore(%arg7 : memref<!tpu.dma_semaphore, #tpu.memory_space<semaphore_mem>>)
        %add3A_1009 = arith.constant 4718592 : i32
        %add3A_1010 = arith.addi %add3A_1009, %add3A_936 : i32
        %dma_start3A_1011 = arith.constant 9216 : i32
        %dma_start3A_1012 = tpu.memref_slice %arg4[%dma_start3A_1011] : memref<50176xf32, #tpu.memory_space<vmem>> -> memref<1024xf32, #tpu.memory_space<vmem>>
        %dma_start3A_1013 = tpu.memref_slice %arg2[%add3A_1010] : memref<25690112xf32, #tpu.memory_space<hbm>> -> memref<1024xf32, #tpu.memory_space<hbm>>
        %dma_start3A_1014 = arith.constant 9216 : i32
        %dma_start3A_1015 = tpu.memref_slice %arg4[%dma_start3A_1014] : memref<50176xf32, #tpu.memory_space<vmem>> -> memref<1024xf32, #tpu.memory_space<vmem>>
        %dma_start3A_1016 = tpu.memref_slice %arg2[%add3A_1010] : memref<25690112xf32, #tpu.memory_space<hbm>> -> memref<1024xf32, #tpu.memory_space<hbm>>
        tpu.enqueue_dma source(%dma_start3A_1016 : memref<1024xf32, #tpu.memory_space<hbm>>) target(%dma_start3A_1015 : memref<1024xf32, #tpu.memory_space<vmem>>) target_semaphore(%arg7 : memref<!tpu.dma_semaphore, #tpu.memory_space<semaphore_mem>>)
        %add3A_1017 = arith.constant 5242880 : i32
        %add3A_1018 = arith.addi %add3A_1017, %add3A_936 : i32
        %dma_start3A_1019 = arith.constant 10240 : i32
        %dma_start3A_1020 = tpu.memref_slice %arg4[%dma_start3A_1019] : memref<50176xf32, #tpu.memory_space<vmem>> -> memref<1024xf32, #tpu.memory_space<vmem>>
        %dma_start3A_1021 = tpu.memref_slice %arg2[%add3A_1018] : memref<25690112xf32, #tpu.memory_space<hbm>> -> memref<1024xf32, #tpu.memory_space<hbm>>
        %dma_start3A_1022 = arith.constant 10240 : i32
        %dma_start3A_1023 = tpu.memref_slice %arg4[%dma_start3A_1022] : memref<50176xf32, #tpu.memory_space<vmem>> -> memref<1024xf32, #tpu.memory_space<vmem>>
        %dma_start3A_1024 = tpu.memref_slice %arg2[%add3A_1018] : memref<25690112xf32, #tpu.memory_space<hbm>> -> memref<1024xf32, #tpu.memory_space<hbm>>
        tpu.enqueue_dma source(%dma_start3A_1024 : memref<1024xf32, #tpu.memory_space<hbm>>) target(%dma_start3A_1023 : memref<1024xf32, #tpu.memory_space<vmem>>) target_semaphore(%arg7 : memref<!tpu.dma_semaphore, #tpu.memory_space<semaphore_mem>>)
        %add3A_1025 = arith.constant 5767168 : i32
        %add3A_1026 = arith.addi %add3A_1025, %add3A_936 : i32
        %dma_start3A_1027 = arith.constant 11264 : i32
        %dma_start3A_1028 = tpu.memref_slice %arg4[%dma_start3A_1027] : memref<50176xf32, #tpu.memory_space<vmem>> -> memref<1024xf32, #tpu.memory_space<vmem>>
        %dma_start3A_1029 = tpu.memref_slice %arg2[%add3A_1026] : memref<25690112xf32, #tpu.memory_space<hbm>> -> memref<1024xf32, #tpu.memory_space<hbm>>
        %dma_start3A_1030 = arith.constant 11264 : i32
        %dma_start3A_1031 = tpu.memref_slice %arg4[%dma_start3A_1030] : memref<50176xf32, #tpu.memory_space<vmem>> -> memref<1024xf32, #tpu.memory_space<vmem>>
        %dma_start3A_1032 = tpu.memref_slice %arg2[%add3A_1026] : memref<25690112xf32, #tpu.memory_space<hbm>> -> memref<1024xf32, #tpu.memory_space<hbm>>
        tpu.enqueue_dma source(%dma_start3A_1032 : memref<1024xf32, #tpu.memory_space<hbm>>) target(%dma_start3A_1031 : memref<1024xf32, #tpu.memory_space<vmem>>) target_semaphore(%arg7 : memref<!tpu.dma_semaphore, #tpu.memory_space<semaphore_mem>>)
        %add3A_1033 = arith.constant 6291456 : i32
        %add3A_1034 = arith.addi %add3A_1033, %add3A_936 : i32
        %dma_start3A_1035 = arith.constant 12288 : i32
        %dma_start3A_1036 = tpu.memref_slice %arg4[%dma_start3A_1035] : memref<50176xf32, #tpu.memory_space<vmem>> -> memref<1024xf32, #tpu.memory_space<vmem>>
        %dma_start3A_1037 = tpu.memref_slice %arg2[%add3A_1034] : memref<25690112xf32, #tpu.memory_space<hbm>> -> memref<1024xf32, #tpu.memory_space<hbm>>
        %dma_start3A_1038 = arith.constant 12288 : i32
        %dma_start3A_1039 = tpu.memref_slice %arg4[%dma_start3A_1038] : memref<50176xf32, #tpu.memory_space<vmem>> -> memref<1024xf32, #tpu.memory_space<vmem>>
        %dma_start3A_1040 = tpu.memref_slice %arg2[%add3A_1034] : memref<25690112xf32, #tpu.memory_space<hbm>> -> memref<1024xf32, #tpu.memory_space<hbm>>
        tpu.enqueue_dma source(%dma_start3A_1040 : memref<1024xf32, #tpu.memory_space<hbm>>) target(%dma_start3A_1039 : memref<1024xf32, #tpu.memory_space<vmem>>) target_semaphore(%arg7 : memref<!tpu.dma_semaphore, #tpu.memory_space<semaphore_mem>>)
        %add3A_1041 = arith.constant 6815744 : i32
        %add3A_1042 = arith.addi %add3A_1041, %add3A_936 : i32
        %dma_start3A_1043 = arith.constant 13312 : i32
        %dma_start3A_1044 = tpu.memref_slice %arg4[%dma_start3A_1043] : memref<50176xf32, #tpu.memory_space<vmem>> -> memref<1024xf32, #tpu.memory_space<vmem>>
        %dma_start3A_1045 = tpu.memref_slice %arg2[%add3A_1042] : memref<25690112xf32, #tpu.memory_space<hbm>> -> memref<1024xf32, #tpu.memory_space<hbm>>
        %dma_start3A_1046 = arith.constant 13312 : i32
        %dma_start3A_1047 = tpu.memref_slice %arg4[%dma_start3A_1046] : memref<50176xf32, #tpu.memory_space<vmem>> -> memref<1024xf32, #tpu.memory_space<vmem>>
        %dma_start3A_1048 = tpu.memref_slice %arg2[%add3A_1042] : memref<25690112xf32, #tpu.memory_space<hbm>> -> memref<1024xf32, #tpu.memory_space<hbm>>
        tpu.enqueue_dma source(%dma_start3A_1048 : memref<1024xf32, #tpu.memory_space<hbm>>) target(%dma_start3A_1047 : memref<1024xf32, #tpu.memory_space<vmem>>) target_semaphore(%arg7 : memref<!tpu.dma_semaphore, #tpu.memory_space<semaphore_mem>>)
        %add3A_1049 = arith.constant 7340032 : i32
        %add3A_1050 = arith.addi %add3A_1049, %add3A_936 : i32
        %dma_start3A_1051 = arith.constant 14336 : i32
        %dma_start3A_1052 = tpu.memref_slice %arg4[%dma_start3A_1051] : memref<50176xf32, #tpu.memory_space<vmem>> -> memref<1024xf32, #tpu.memory_space<vmem>>
        %dma_start3A_1053 = tpu.memref_slice %arg2[%add3A_1050] : memref<25690112xf32, #tpu.memory_space<hbm>> -> memref<1024xf32, #tpu.memory_space<hbm>>
        %dma_start3A_1054 = arith.constant 14336 : i32
        %dma_start3A_1055 = tpu.memref_slice %arg4[%dma_start3A_1054] : memref<50176xf32, #tpu.memory_space<vmem>> -> memref<1024xf32, #tpu.memory_space<vmem>>
        %dma_start3A_1056 = tpu.memref_slice %arg2[%add3A_1050] : memref<25690112xf32, #tpu.memory_space<hbm>> -> memref<1024xf32, #tpu.memory_space<hbm>>
        tpu.enqueue_dma source(%dma_start3A_1056 : memref<1024xf32, #tpu.memory_space<hbm>>) target(%dma_start3A_1055 : memref<1024xf32, #tpu.memory_space<vmem>>) target_semaphore(%arg7 : memref<!tpu.dma_semaphore, #tpu.memory_space<semaphore_mem>>)
        %add3A_1057 = arith.constant 7864320 : i32
        %add3A_1058 = arith.addi %add3A_1057, %add3A_936 : i32
        %dma_start3A_1059 = arith.constant 15360 : i32
        %dma_start3A_1060 = tpu.memref_slice %arg4[%dma_start3A_1059] : memref<50176xf32, #tpu.memory_space<vmem>> -> memref<1024xf32, #tpu.memory_space<vmem>>
        %dma_start3A_1061 = tpu.memref_slice %arg2[%add3A_1058] : memref<25690112xf32, #tpu.memory_space<hbm>> -> memref<1024xf32, #tpu.memory_space<hbm>>
        %dma_start3A_1062 = arith.constant 15360 : i32
        %dma_start3A_1063 = tpu.memref_slice %arg4[%dma_start3A_1062] : memref<50176xf32, #tpu.memory_space<vmem>> -> memref<1024xf32, #tpu.memory_space<vmem>>
        %dma_start3A_1064 = tpu.memref_slice %arg2[%add3A_1058] : memref<25690112xf32, #tpu.memory_space<hbm>> -> memref<1024xf32, #tpu.memory_space<hbm>>
        tpu.enqueue_dma source(%dma_start3A_1064 : memref<1024xf32, #tpu.memory_space<hbm>>) target(%dma_start3A_1063 : memref<1024xf32, #tpu.memory_space<vmem>>) target_semaphore(%arg7 : memref<!tpu.dma_semaphore, #tpu.memory_space<semaphore_mem>>)
        %add3A_1065 = arith.constant 8388608 : i32
        %add3A_1066 = arith.addi %add3A_1065, %add3A_936 : i32
        %dma_start3A_1067 = arith.constant 16384 : i32
        %dma_start3A_1068 = tpu.memref_slice %arg4[%dma_start3A_1067] : memref<50176xf32, #tpu.memory_space<vmem>> -> memref<1024xf32, #tpu.memory_space<vmem>>
        %dma_start3A_1069 = tpu.memref_slice %arg2[%add3A_1066] : memref<25690112xf32, #tpu.memory_space<hbm>> -> memref<1024xf32, #tpu.memory_space<hbm>>
        %dma_start3A_1070 = arith.constant 16384 : i32
        %dma_start3A_1071 = tpu.memref_slice %arg4[%dma_start3A_1070] : memref<50176xf32, #tpu.memory_space<vmem>> -> memref<1024xf32, #tpu.memory_space<vmem>>
        %dma_start3A_1072 = tpu.memref_slice %arg2[%add3A_1066] : memref<25690112xf32, #tpu.memory_space<hbm>> -> memref<1024xf32, #tpu.memory_space<hbm>>
        tpu.enqueue_dma source(%dma_start3A_1072 : memref<1024xf32, #tpu.memory_space<hbm>>) target(%dma_start3A_1071 : memref<1024xf32, #tpu.memory_space<vmem>>) target_semaphore(%arg7 : memref<!tpu.dma_semaphore, #tpu.memory_space<semaphore_mem>>)
        %add3A_1073 = arith.constant 8912896 : i32
        %add3A_1074 = arith.addi %add3A_1073, %add3A_936 : i32
        %dma_start3A_1075 = arith.constant 17408 : i32
        %dma_start3A_1076 = tpu.memref_slice %arg4[%dma_start3A_1075] : memref<50176xf32, #tpu.memory_space<vmem>> -> memref<1024xf32, #tpu.memory_space<vmem>>
        %dma_start3A_1077 = tpu.memref_slice %arg2[%add3A_1074] : memref<25690112xf32, #tpu.memory_space<hbm>> -> memref<1024xf32, #tpu.memory_space<hbm>>
        %dma_start3A_1078 = arith.constant 17408 : i32
        %dma_start3A_1079 = tpu.memref_slice %arg4[%dma_start3A_1078] : memref<50176xf32, #tpu.memory_space<vmem>> -> memref<1024xf32, #tpu.memory_space<vmem>>
        %dma_start3A_1080 = tpu.memref_slice %arg2[%add3A_1074] : memref<25690112xf32, #tpu.memory_space<hbm>> -> memref<1024xf32, #tpu.memory_space<hbm>>
        tpu.enqueue_dma source(%dma_start3A_1080 : memref<1024xf32, #tpu.memory_space<hbm>>) target(%dma_start3A_1079 : memref<1024xf32, #tpu.memory_space<vmem>>) target_semaphore(%arg7 : memref<!tpu.dma_semaphore, #tpu.memory_space<semaphore_mem>>)
        %add3A_1081 = arith.constant 9437184 : i32
        %add3A_1082 = arith.addi %add3A_1081, %add3A_936 : i32
        %dma_start3A_1083 = arith.constant 18432 : i32
        %dma_start3A_1084 = tpu.memref_slice %arg4[%dma_start3A_1083] : memref<50176xf32, #tpu.memory_space<vmem>> -> memref<1024xf32, #tpu.memory_space<vmem>>
        %dma_start3A_1085 = tpu.memref_slice %arg2[%add3A_1082] : memref<25690112xf32, #tpu.memory_space<hbm>> -> memref<1024xf32, #tpu.memory_space<hbm>>
        %dma_start3A_1086 = arith.constant 18432 : i32
        %dma_start3A_1087 = tpu.memref_slice %arg4[%dma_start3A_1086] : memref<50176xf32, #tpu.memory_space<vmem>> -> memref<1024xf32, #tpu.memory_space<vmem>>
        %dma_start3A_1088 = tpu.memref_slice %arg2[%add3A_1082] : memref<25690112xf32, #tpu.memory_space<hbm>> -> memref<1024xf32, #tpu.memory_space<hbm>>
        tpu.enqueue_dma source(%dma_start3A_1088 : memref<1024xf32, #tpu.memory_space<hbm>>) target(%dma_start3A_1087 : memref<1024xf32, #tpu.memory_space<vmem>>) target_semaphore(%arg7 : memref<!tpu.dma_semaphore, #tpu.memory_space<semaphore_mem>>)
        %add3A_1089 = arith.constant 9961472 : i32
        %add3A_1090 = arith.addi %add3A_1089, %add3A_936 : i32
        %dma_start3A_1091 = arith.constant 19456 : i32
        %dma_start3A_1092 = tpu.memref_slice %arg4[%dma_start3A_1091] : memref<50176xf32, #tpu.memory_space<vmem>> -> memref<1024xf32, #tpu.memory_space<vmem>>
        %dma_start3A_1093 = tpu.memref_slice %arg2[%add3A_1090] : memref<25690112xf32, #tpu.memory_space<hbm>> -> memref<1024xf32, #tpu.memory_space<hbm>>
        %dma_start3A_1094 = arith.constant 19456 : i32
        %dma_start3A_1095 = tpu.memref_slice %arg4[%dma_start3A_1094] : memref<50176xf32, #tpu.memory_space<vmem>> -> memref<1024xf32, #tpu.memory_space<vmem>>
        %dma_start3A_1096 = tpu.memref_slice %arg2[%add3A_1090] : memref<25690112xf32, #tpu.memory_space<hbm>> -> memref<1024xf32, #tpu.memory_space<hbm>>
        tpu.enqueue_dma source(%dma_start3A_1096 : memref<1024xf32, #tpu.memory_space<hbm>>) target(%dma_start3A_1095 : memref<1024xf32, #tpu.memory_space<vmem>>) target_semaphore(%arg7 : memref<!tpu.dma_semaphore, #tpu.memory_space<semaphore_mem>>)
        %add3A_1097 = arith.constant 10485760 : i32
        %add3A_1098 = arith.addi %add3A_1097, %add3A_936 : i32
        %dma_start3A_1099 = arith.constant 20480 : i32
        %dma_start3A_1100 = tpu.memref_slice %arg4[%dma_start3A_1099] : memref<50176xf32, #tpu.memory_space<vmem>> -> memref<1024xf32, #tpu.memory_space<vmem>>
        %dma_start3A_1101 = tpu.memref_slice %arg2[%add3A_1098] : memref<25690112xf32, #tpu.memory_space<hbm>> -> memref<1024xf32, #tpu.memory_space<hbm>>
        %dma_start3A_1102 = arith.constant 20480 : i32
        %dma_start3A_1103 = tpu.memref_slice %arg4[%dma_start3A_1102] : memref<50176xf32, #tpu.memory_space<vmem>> -> memref<1024xf32, #tpu.memory_space<vmem>>
        %dma_start3A_1104 = tpu.memref_slice %arg2[%add3A_1098] : memref<25690112xf32, #tpu.memory_space<hbm>> -> memref<1024xf32, #tpu.memory_space<hbm>>
        tpu.enqueue_dma source(%dma_start3A_1104 : memref<1024xf32, #tpu.memory_space<hbm>>) target(%dma_start3A_1103 : memref<1024xf32, #tpu.memory_space<vmem>>) target_semaphore(%arg7 : memref<!tpu.dma_semaphore, #tpu.memory_space<semaphore_mem>>)
        %add3A_1105 = arith.constant 11010048 : i32
        %add3A_1106 = arith.addi %add3A_1105, %add3A_936 : i32
        %dma_start3A_1107 = arith.constant 21504 : i32
        %dma_start3A_1108 = tpu.memref_slice %arg4[%dma_start3A_1107] : memref<50176xf32, #tpu.memory_space<vmem>> -> memref<1024xf32, #tpu.memory_space<vmem>>
        %dma_start3A_1109 = tpu.memref_slice %arg2[%add3A_1106] : memref<25690112xf32, #tpu.memory_space<hbm>> -> memref<1024xf32, #tpu.memory_space<hbm>>
        %dma_start3A_1110 = arith.constant 21504 : i32
        %dma_start3A_1111 = tpu.memref_slice %arg4[%dma_start3A_1110] : memref<50176xf32, #tpu.memory_space<vmem>> -> memref<1024xf32, #tpu.memory_space<vmem>>
        %dma_start3A_1112 = tpu.memref_slice %arg2[%add3A_1106] : memref<25690112xf32, #tpu.memory_space<hbm>> -> memref<1024xf32, #tpu.memory_space<hbm>>
        tpu.enqueue_dma source(%dma_start3A_1112 : memref<1024xf32, #tpu.memory_space<hbm>>) target(%dma_start3A_1111 : memref<1024xf32, #tpu.memory_space<vmem>>) target_semaphore(%arg7 : memref<!tpu.dma_semaphore, #tpu.memory_space<semaphore_mem>>)
        %add3A_1113 = arith.constant 11534336 : i32
        %add3A_1114 = arith.addi %add3A_1113, %add3A_936 : i32
        %dma_start3A_1115 = arith.constant 22528 : i32
        %dma_start3A_1116 = tpu.memref_slice %arg4[%dma_start3A_1115] : memref<50176xf32, #tpu.memory_space<vmem>> -> memref<1024xf32, #tpu.memory_space<vmem>>
        %dma_start3A_1117 = tpu.memref_slice %arg2[%add3A_1114] : memref<25690112xf32, #tpu.memory_space<hbm>> -> memref<1024xf32, #tpu.memory_space<hbm>>
        %dma_start3A_1118 = arith.constant 22528 : i32
        %dma_start3A_1119 = tpu.memref_slice %arg4[%dma_start3A_1118] : memref<50176xf32, #tpu.memory_space<vmem>> -> memref<1024xf32, #tpu.memory_space<vmem>>
        %dma_start3A_1120 = tpu.memref_slice %arg2[%add3A_1114] : memref<25690112xf32, #tpu.memory_space<hbm>> -> memref<1024xf32, #tpu.memory_space<hbm>>
        tpu.enqueue_dma source(%dma_start3A_1120 : memref<1024xf32, #tpu.memory_space<hbm>>) target(%dma_start3A_1119 : memref<1024xf32, #tpu.memory_space<vmem>>) target_semaphore(%arg7 : memref<!tpu.dma_semaphore, #tpu.memory_space<semaphore_mem>>)
        %add3A_1121 = arith.constant 12058624 : i32
        %add3A_1122 = arith.addi %add3A_1121, %add3A_936 : i32
        %dma_start3A_1123 = arith.constant 23552 : i32
        %dma_start3A_1124 = tpu.memref_slice %arg4[%dma_start3A_1123] : memref<50176xf32, #tpu.memory_space<vmem>> -> memref<1024xf32, #tpu.memory_space<vmem>>
        %dma_start3A_1125 = tpu.memref_slice %arg2[%add3A_1122] : memref<25690112xf32, #tpu.memory_space<hbm>> -> memref<1024xf32, #tpu.memory_space<hbm>>
        %dma_start3A_1126 = arith.constant 23552 : i32
        %dma_start3A_1127 = tpu.memref_slice %arg4[%dma_start3A_1126] : memref<50176xf32, #tpu.memory_space<vmem>> -> memref<1024xf32, #tpu.memory_space<vmem>>
        %dma_start3A_1128 = tpu.memref_slice %arg2[%add3A_1122] : memref<25690112xf32, #tpu.memory_space<hbm>> -> memref<1024xf32, #tpu.memory_space<hbm>>
        tpu.enqueue_dma source(%dma_start3A_1128 : memref<1024xf32, #tpu.memory_space<hbm>>) target(%dma_start3A_1127 : memref<1024xf32, #tpu.memory_space<vmem>>) target_semaphore(%arg7 : memref<!tpu.dma_semaphore, #tpu.memory_space<semaphore_mem>>)
        %add3A_1129 = arith.constant 12582912 : i32
        %add3A_1130 = arith.addi %add3A_1129, %add3A_936 : i32
        %dma_start3A_1131 = arith.constant 24576 : i32
        %dma_start3A_1132 = tpu.memref_slice %arg4[%dma_start3A_1131] : memref<50176xf32, #tpu.memory_space<vmem>> -> memref<1024xf32, #tpu.memory_space<vmem>>
        %dma_start3A_1133 = tpu.memref_slice %arg2[%add3A_1130] : memref<25690112xf32, #tpu.memory_space<hbm>> -> memref<1024xf32, #tpu.memory_space<hbm>>
        %dma_start3A_1134 = arith.constant 24576 : i32
        %dma_start3A_1135 = tpu.memref_slice %arg4[%dma_start3A_1134] : memref<50176xf32, #tpu.memory_space<vmem>> -> memref<1024xf32, #tpu.memory_space<vmem>>
        %dma_start3A_1136 = tpu.memref_slice %arg2[%add3A_1130] : memref<25690112xf32, #tpu.memory_space<hbm>> -> memref<1024xf32, #tpu.memory_space<hbm>>
        tpu.enqueue_dma source(%dma_start3A_1136 : memref<1024xf32, #tpu.memory_space<hbm>>) target(%dma_start3A_1135 : memref<1024xf32, #tpu.memory_space<vmem>>) target_semaphore(%arg7 : memref<!tpu.dma_semaphore, #tpu.memory_space<semaphore_mem>>)
        %add3A_1137 = arith.constant 13107200 : i32
        %add3A_1138 = arith.addi %add3A_1137, %add3A_936 : i32
        %dma_start3A_1139 = arith.constant 25600 : i32
        %dma_start3A_1140 = tpu.memref_slice %arg4[%dma_start3A_1139] : memref<50176xf32, #tpu.memory_space<vmem>> -> memref<1024xf32, #tpu.memory_space<vmem>>
        %dma_start3A_1141 = tpu.memref_slice %arg2[%add3A_1138] : memref<25690112xf32, #tpu.memory_space<hbm>> -> memref<1024xf32, #tpu.memory_space<hbm>>
        %dma_start3A_1142 = arith.constant 25600 : i32
        %dma_start3A_1143 = tpu.memref_slice %arg4[%dma_start3A_1142] : memref<50176xf32, #tpu.memory_space<vmem>> -> memref<1024xf32, #tpu.memory_space<vmem>>
        %dma_start3A_1144 = tpu.memref_slice %arg2[%add3A_1138] : memref<25690112xf32, #tpu.memory_space<hbm>> -> memref<1024xf32, #tpu.memory_space<hbm>>
        tpu.enqueue_dma source(%dma_start3A_1144 : memref<1024xf32, #tpu.memory_space<hbm>>) target(%dma_start3A_1143 : memref<1024xf32, #tpu.memory_space<vmem>>) target_semaphore(%arg7 : memref<!tpu.dma_semaphore, #tpu.memory_space<semaphore_mem>>)
        %add3A_1145 = arith.constant 13631488 : i32
        %add3A_1146 = arith.addi %add3A_1145, %add3A_936 : i32
        %dma_start3A_1147 = arith.constant 26624 : i32
        %dma_start3A_1148 = tpu.memref_slice %arg4[%dma_start3A_1147] : memref<50176xf32, #tpu.memory_space<vmem>> -> memref<1024xf32, #tpu.memory_space<vmem>>
        %dma_start3A_1149 = tpu.memref_slice %arg2[%add3A_1146] : memref<25690112xf32, #tpu.memory_space<hbm>> -> memref<1024xf32, #tpu.memory_space<hbm>>
        %dma_start3A_1150 = arith.constant 26624 : i32
        %dma_start3A_1151 = tpu.memref_slice %arg4[%dma_start3A_1150] : memref<50176xf32, #tpu.memory_space<vmem>> -> memref<1024xf32, #tpu.memory_space<vmem>>
        %dma_start3A_1152 = tpu.memref_slice %arg2[%add3A_1146] : memref<25690112xf32, #tpu.memory_space<hbm>> -> memref<1024xf32, #tpu.memory_space<hbm>>
        tpu.enqueue_dma source(%dma_start3A_1152 : memref<1024xf32, #tpu.memory_space<hbm>>) target(%dma_start3A_1151 : memref<1024xf32, #tpu.memory_space<vmem>>) target_semaphore(%arg7 : memref<!tpu.dma_semaphore, #tpu.memory_space<semaphore_mem>>)
        %add3A_1153 = arith.constant 14155776 : i32
        %add3A_1154 = arith.addi %add3A_1153, %add3A_936 : i32
        %dma_start3A_1155 = arith.constant 27648 : i32
        %dma_start3A_1156 = tpu.memref_slice %arg4[%dma_start3A_1155] : memref<50176xf32, #tpu.memory_space<vmem>> -> memref<1024xf32, #tpu.memory_space<vmem>>
        %dma_start3A_1157 = tpu.memref_slice %arg2[%add3A_1154] : memref<25690112xf32, #tpu.memory_space<hbm>> -> memref<1024xf32, #tpu.memory_space<hbm>>
        %dma_start3A_1158 = arith.constant 27648 : i32
        %dma_start3A_1159 = tpu.memref_slice %arg4[%dma_start3A_1158] : memref<50176xf32, #tpu.memory_space<vmem>> -> memref<1024xf32, #tpu.memory_space<vmem>>
        %dma_start3A_1160 = tpu.memref_slice %arg2[%add3A_1154] : memref<25690112xf32, #tpu.memory_space<hbm>> -> memref<1024xf32, #tpu.memory_space<hbm>>
        tpu.enqueue_dma source(%dma_start3A_1160 : memref<1024xf32, #tpu.memory_space<hbm>>) target(%dma_start3A_1159 : memref<1024xf32, #tpu.memory_space<vmem>>) target_semaphore(%arg7 : memref<!tpu.dma_semaphore, #tpu.memory_space<semaphore_mem>>)
        %add3A_1161 = arith.constant 14680064 : i32
        %add3A_1162 = arith.addi %add3A_1161, %add3A_936 : i32
        %dma_start3A_1163 = arith.constant 28672 : i32
        %dma_start3A_1164 = tpu.memref_slice %arg4[%dma_start3A_1163] : memref<50176xf32, #tpu.memory_space<vmem>> -> memref<1024xf32, #tpu.memory_space<vmem>>
        %dma_start3A_1165 = tpu.memref_slice %arg2[%add3A_1162] : memref<25690112xf32, #tpu.memory_space<hbm>> -> memref<1024xf32, #tpu.memory_space<hbm>>
        %dma_start3A_1166 = arith.constant 28672 : i32
        %dma_start3A_1167 = tpu.memref_slice %arg4[%dma_start3A_1166] : memref<50176xf32, #tpu.memory_space<vmem>> -> memref<1024xf32, #tpu.memory_space<vmem>>
        %dma_start3A_1168 = tpu.memref_slice %arg2[%add3A_1162] : memref<25690112xf32, #tpu.memory_space<hbm>> -> memref<1024xf32, #tpu.memory_space<hbm>>
        tpu.enqueue_dma source(%dma_start3A_1168 : memref<1024xf32, #tpu.memory_space<hbm>>) target(%dma_start3A_1167 : memref<1024xf32, #tpu.memory_space<vmem>>) target_semaphore(%arg7 : memref<!tpu.dma_semaphore, #tpu.memory_space<semaphore_mem>>)
        %add3A_1169 = arith.constant 15204352 : i32
        %add3A_1170 = arith.addi %add3A_1169, %add3A_936 : i32
        %dma_start3A_1171 = arith.constant 29696 : i32
        %dma_start3A_1172 = tpu.memref_slice %arg4[%dma_start3A_1171] : memref<50176xf32, #tpu.memory_space<vmem>> -> memref<1024xf32, #tpu.memory_space<vmem>>
        %dma_start3A_1173 = tpu.memref_slice %arg2[%add3A_1170] : memref<25690112xf32, #tpu.memory_space<hbm>> -> memref<1024xf32, #tpu.memory_space<hbm>>
        %dma_start3A_1174 = arith.constant 29696 : i32
        %dma_start3A_1175 = tpu.memref_slice %arg4[%dma_start3A_1174] : memref<50176xf32, #tpu.memory_space<vmem>> -> memref<1024xf32, #tpu.memory_space<vmem>>
        %dma_start3A_1176 = tpu.memref_slice %arg2[%add3A_1170] : memref<25690112xf32, #tpu.memory_space<hbm>> -> memref<1024xf32, #tpu.memory_space<hbm>>
        tpu.enqueue_dma source(%dma_start3A_1176 : memref<1024xf32, #tpu.memory_space<hbm>>) target(%dma_start3A_1175 : memref<1024xf32, #tpu.memory_space<vmem>>) target_semaphore(%arg7 : memref<!tpu.dma_semaphore, #tpu.memory_space<semaphore_mem>>)
        %add3A_1177 = arith.constant 15728640 : i32
        %add3A_1178 = arith.addi %add3A_1177, %add3A_936 : i32
        %dma_start3A_1179 = arith.constant 30720 : i32
        %dma_start3A_1180 = tpu.memref_slice %arg4[%dma_start3A_1179] : memref<50176xf32, #tpu.memory_space<vmem>> -> memref<1024xf32, #tpu.memory_space<vmem>>
        %dma_start3A_1181 = tpu.memref_slice %arg2[%add3A_1178] : memref<25690112xf32, #tpu.memory_space<hbm>> -> memref<1024xf32, #tpu.memory_space<hbm>>
        %dma_start3A_1182 = arith.constant 30720 : i32
        %dma_start3A_1183 = tpu.memref_slice %arg4[%dma_start3A_1182] : memref<50176xf32, #tpu.memory_space<vmem>> -> memref<1024xf32, #tpu.memory_space<vmem>>
        %dma_start3A_1184 = tpu.memref_slice %arg2[%add3A_1178] : memref<25690112xf32, #tpu.memory_space<hbm>> -> memref<1024xf32, #tpu.memory_space<hbm>>
        tpu.enqueue_dma source(%dma_start3A_1184 : memref<1024xf32, #tpu.memory_space<hbm>>) target(%dma_start3A_1183 : memref<1024xf32, #tpu.memory_space<vmem>>) target_semaphore(%arg7 : memref<!tpu.dma_semaphore, #tpu.memory_space<semaphore_mem>>)
        %add3A_1185 = arith.constant 16252928 : i32
        %add3A_1186 = arith.addi %add3A_1185, %add3A_936 : i32
        %dma_start3A_1187 = arith.constant 31744 : i32
        %dma_start3A_1188 = tpu.memref_slice %arg4[%dma_start3A_1187] : memref<50176xf32, #tpu.memory_space<vmem>> -> memref<1024xf32, #tpu.memory_space<vmem>>
        %dma_start3A_1189 = tpu.memref_slice %arg2[%add3A_1186] : memref<25690112xf32, #tpu.memory_space<hbm>> -> memref<1024xf32, #tpu.memory_space<hbm>>
        %dma_start3A_1190 = arith.constant 31744 : i32
        %dma_start3A_1191 = tpu.memref_slice %arg4[%dma_start3A_1190] : memref<50176xf32, #tpu.memory_space<vmem>> -> memref<1024xf32, #tpu.memory_space<vmem>>
        %dma_start3A_1192 = tpu.memref_slice %arg2[%add3A_1186] : memref<25690112xf32, #tpu.memory_space<hbm>> -> memref<1024xf32, #tpu.memory_space<hbm>>
        tpu.enqueue_dma source(%dma_start3A_1192 : memref<1024xf32, #tpu.memory_space<hbm>>) target(%dma_start3A_1191 : memref<1024xf32, #tpu.memory_space<vmem>>) target_semaphore(%arg7 : memref<!tpu.dma_semaphore, #tpu.memory_space<semaphore_mem>>)
        %add3A_1193 = arith.constant 16777216 : i32
        %add3A_1194 = arith.addi %add3A_1193, %add3A_936 : i32
        %dma_start3A_1195 = arith.constant 32768 : i32
        %dma_start3A_1196 = tpu.memref_slice %arg4[%dma_start3A_1195] : memref<50176xf32, #tpu.memory_space<vmem>> -> memref<1024xf32, #tpu.memory_space<vmem>>
        %dma_start3A_1197 = tpu.memref_slice %arg2[%add3A_1194] : memref<25690112xf32, #tpu.memory_space<hbm>> -> memref<1024xf32, #tpu.memory_space<hbm>>
        %dma_start3A_1198 = arith.constant 32768 : i32
        %dma_start3A_1199 = tpu.memref_slice %arg4[%dma_start3A_1198] : memref<50176xf32, #tpu.memory_space<vmem>> -> memref<1024xf32, #tpu.memory_space<vmem>>
        %dma_start3A_1200 = tpu.memref_slice %arg2[%add3A_1194] : memref<25690112xf32, #tpu.memory_space<hbm>> -> memref<1024xf32, #tpu.memory_space<hbm>>
        tpu.enqueue_dma source(%dma_start3A_1200 : memref<1024xf32, #tpu.memory_space<hbm>>) target(%dma_start3A_1199 : memref<1024xf32, #tpu.memory_space<vmem>>) target_semaphore(%arg7 : memref<!tpu.dma_semaphore, #tpu.memory_space<semaphore_mem>>)
        %add3A_1201 = arith.constant 17301504 : i32
        %add3A_1202 = arith.addi %add3A_1201, %add3A_936 : i32
        %dma_start3A_1203 = arith.constant 33792 : i32
        %dma_start3A_1204 = tpu.memref_slice %arg4[%dma_start3A_1203] : memref<50176xf32, #tpu.memory_space<vmem>> -> memref<1024xf32, #tpu.memory_space<vmem>>
        %dma_start3A_1205 = tpu.memref_slice %arg2[%add3A_1202] : memref<25690112xf32, #tpu.memory_space<hbm>> -> memref<1024xf32, #tpu.memory_space<hbm>>
        %dma_start3A_1206 = arith.constant 33792 : i32
        %dma_start3A_1207 = tpu.memref_slice %arg4[%dma_start3A_1206] : memref<50176xf32, #tpu.memory_space<vmem>> -> memref<1024xf32, #tpu.memory_space<vmem>>
        %dma_start3A_1208 = tpu.memref_slice %arg2[%add3A_1202] : memref<25690112xf32, #tpu.memory_space<hbm>> -> memref<1024xf32, #tpu.memory_space<hbm>>
        tpu.enqueue_dma source(%dma_start3A_1208 : memref<1024xf32, #tpu.memory_space<hbm>>) target(%dma_start3A_1207 : memref<1024xf32, #tpu.memory_space<vmem>>) target_semaphore(%arg7 : memref<!tpu.dma_semaphore, #tpu.memory_space<semaphore_mem>>)
        %add3A_1209 = arith.constant 17825792 : i32
        %add3A_1210 = arith.addi %add3A_1209, %add3A_936 : i32
        %dma_start3A_1211 = arith.constant 34816 : i32
        %dma_start3A_1212 = tpu.memref_slice %arg4[%dma_start3A_1211] : memref<50176xf32, #tpu.memory_space<vmem>> -> memref<1024xf32, #tpu.memory_space<vmem>>
        %dma_start3A_1213 = tpu.memref_slice %arg2[%add3A_1210] : memref<25690112xf32, #tpu.memory_space<hbm>> -> memref<1024xf32, #tpu.memory_space<hbm>>
        %dma_start3A_1214 = arith.constant 34816 : i32
        %dma_start3A_1215 = tpu.memref_slice %arg4[%dma_start3A_1214] : memref<50176xf32, #tpu.memory_space<vmem>> -> memref<1024xf32, #tpu.memory_space<vmem>>
        %dma_start3A_1216 = tpu.memref_slice %arg2[%add3A_1210] : memref<25690112xf32, #tpu.memory_space<hbm>> -> memref<1024xf32, #tpu.memory_space<hbm>>
        tpu.enqueue_dma source(%dma_start3A_1216 : memref<1024xf32, #tpu.memory_space<hbm>>) target(%dma_start3A_1215 : memref<1024xf32, #tpu.memory_space<vmem>>) target_semaphore(%arg7 : memref<!tpu.dma_semaphore, #tpu.memory_space<semaphore_mem>>)
        %add3A_1217 = arith.constant 18350080 : i32
        %add3A_1218 = arith.addi %add3A_1217, %add3A_936 : i32
        %dma_start3A_1219 = arith.constant 35840 : i32
        %dma_start3A_1220 = tpu.memref_slice %arg4[%dma_start3A_1219] : memref<50176xf32, #tpu.memory_space<vmem>> -> memref<1024xf32, #tpu.memory_space<vmem>>
        %dma_start3A_1221 = tpu.memref_slice %arg2[%add3A_1218] : memref<25690112xf32, #tpu.memory_space<hbm>> -> memref<1024xf32, #tpu.memory_space<hbm>>
        %dma_start3A_1222 = arith.constant 35840 : i32
        %dma_start3A_1223 = tpu.memref_slice %arg4[%dma_start3A_1222] : memref<50176xf32, #tpu.memory_space<vmem>> -> memref<1024xf32, #tpu.memory_space<vmem>>
        %dma_start3A_1224 = tpu.memref_slice %arg2[%add3A_1218] : memref<25690112xf32, #tpu.memory_space<hbm>> -> memref<1024xf32, #tpu.memory_space<hbm>>
        tpu.enqueue_dma source(%dma_start3A_1224 : memref<1024xf32, #tpu.memory_space<hbm>>) target(%dma_start3A_1223 : memref<1024xf32, #tpu.memory_space<vmem>>) target_semaphore(%arg7 : memref<!tpu.dma_semaphore, #tpu.memory_space<semaphore_mem>>)
        %add3A_1225 = arith.constant 18874368 : i32
        %add3A_1226 = arith.addi %add3A_1225, %add3A_936 : i32
        %dma_start3A_1227 = arith.constant 36864 : i32
        %dma_start3A_1228 = tpu.memref_slice %arg4[%dma_start3A_1227] : memref<50176xf32, #tpu.memory_space<vmem>> -> memref<1024xf32, #tpu.memory_space<vmem>>
        %dma_start3A_1229 = tpu.memref_slice %arg2[%add3A_1226] : memref<25690112xf32, #tpu.memory_space<hbm>> -> memref<1024xf32, #tpu.memory_space<hbm>>
        %dma_start3A_1230 = arith.constant 36864 : i32
        %dma_start3A_1231 = tpu.memref_slice %arg4[%dma_start3A_1230] : memref<50176xf32, #tpu.memory_space<vmem>> -> memref<1024xf32, #tpu.memory_space<vmem>>
        %dma_start3A_1232 = tpu.memref_slice %arg2[%add3A_1226] : memref<25690112xf32, #tpu.memory_space<hbm>> -> memref<1024xf32, #tpu.memory_space<hbm>>
        tpu.enqueue_dma source(%dma_start3A_1232 : memref<1024xf32, #tpu.memory_space<hbm>>) target(%dma_start3A_1231 : memref<1024xf32, #tpu.memory_space<vmem>>) target_semaphore(%arg7 : memref<!tpu.dma_semaphore, #tpu.memory_space<semaphore_mem>>)
        %add3A_1233 = arith.constant 19398656 : i32
        %add3A_1234 = arith.addi %add3A_1233, %add3A_936 : i32
        %dma_start3A_1235 = arith.constant 37888 : i32
        %dma_start3A_1236 = tpu.memref_slice %arg4[%dma_start3A_1235] : memref<50176xf32, #tpu.memory_space<vmem>> -> memref<1024xf32, #tpu.memory_space<vmem>>
        %dma_start3A_1237 = tpu.memref_slice %arg2[%add3A_1234] : memref<25690112xf32, #tpu.memory_space<hbm>> -> memref<1024xf32, #tpu.memory_space<hbm>>
        %dma_start3A_1238 = arith.constant 37888 : i32
        %dma_start3A_1239 = tpu.memref_slice %arg4[%dma_start3A_1238] : memref<50176xf32, #tpu.memory_space<vmem>> -> memref<1024xf32, #tpu.memory_space<vmem>>
        %dma_start3A_1240 = tpu.memref_slice %arg2[%add3A_1234] : memref<25690112xf32, #tpu.memory_space<hbm>> -> memref<1024xf32, #tpu.memory_space<hbm>>
        tpu.enqueue_dma source(%dma_start3A_1240 : memref<1024xf32, #tpu.memory_space<hbm>>) target(%dma_start3A_1239 : memref<1024xf32, #tpu.memory_space<vmem>>) target_semaphore(%arg7 : memref<!tpu.dma_semaphore, #tpu.memory_space<semaphore_mem>>)
        %add3A_1241 = arith.constant 19922944 : i32
        %add3A_1242 = arith.addi %add3A_1241, %add3A_936 : i32
        %dma_start3A_1243 = arith.constant 38912 : i32
        %dma_start3A_1244 = tpu.memref_slice %arg4[%dma_start3A_1243] : memref<50176xf32, #tpu.memory_space<vmem>> -> memref<1024xf32, #tpu.memory_space<vmem>>
        %dma_start3A_1245 = tpu.memref_slice %arg2[%add3A_1242] : memref<25690112xf32, #tpu.memory_space<hbm>> -> memref<1024xf32, #tpu.memory_space<hbm>>
        %dma_start3A_1246 = arith.constant 38912 : i32
        %dma_start3A_1247 = tpu.memref_slice %arg4[%dma_start3A_1246] : memref<50176xf32, #tpu.memory_space<vmem>> -> memref<1024xf32, #tpu.memory_space<vmem>>
        %dma_start3A_1248 = tpu.memref_slice %arg2[%add3A_1242] : memref<25690112xf32, #tpu.memory_space<hbm>> -> memref<1024xf32, #tpu.memory_space<hbm>>
        tpu.enqueue_dma source(%dma_start3A_1248 : memref<1024xf32, #tpu.memory_space<hbm>>) target(%dma_start3A_1247 : memref<1024xf32, #tpu.memory_space<vmem>>) target_semaphore(%arg7 : memref<!tpu.dma_semaphore, #tpu.memory_space<semaphore_mem>>)
        %add3A_1249 = arith.constant 20447232 : i32
        %add3A_1250 = arith.addi %add3A_1249, %add3A_936 : i32
        %dma_start3A_1251 = arith.constant 39936 : i32
        %dma_start3A_1252 = tpu.memref_slice %arg4[%dma_start3A_1251] : memref<50176xf32, #tpu.memory_space<vmem>> -> memref<1024xf32, #tpu.memory_space<vmem>>
        %dma_start3A_1253 = tpu.memref_slice %arg2[%add3A_1250] : memref<25690112xf32, #tpu.memory_space<hbm>> -> memref<1024xf32, #tpu.memory_space<hbm>>
        %dma_start3A_1254 = arith.constant 39936 : i32
        %dma_start3A_1255 = tpu.memref_slice %arg4[%dma_start3A_1254] : memref<50176xf32, #tpu.memory_space<vmem>> -> memref<1024xf32, #tpu.memory_space<vmem>>
        %dma_start3A_1256 = tpu.memref_slice %arg2[%add3A_1250] : memref<25690112xf32, #tpu.memory_space<hbm>> -> memref<1024xf32, #tpu.memory_space<hbm>>
        tpu.enqueue_dma source(%dma_start3A_1256 : memref<1024xf32, #tpu.memory_space<hbm>>) target(%dma_start3A_1255 : memref<1024xf32, #tpu.memory_space<vmem>>) target_semaphore(%arg7 : memref<!tpu.dma_semaphore, #tpu.memory_space<semaphore_mem>>)
        %add3A_1257 = arith.constant 20971520 : i32
        %add3A_1258 = arith.addi %add3A_1257, %add3A_936 : i32
        %dma_start3A_1259 = arith.constant 40960 : i32
        %dma_start3A_1260 = tpu.memref_slice %arg4[%dma_start3A_1259] : memref<50176xf32, #tpu.memory_space<vmem>> -> memref<1024xf32, #tpu.memory_space<vmem>>
        %dma_start3A_1261 = tpu.memref_slice %arg2[%add3A_1258] : memref<25690112xf32, #tpu.memory_space<hbm>> -> memref<1024xf32, #tpu.memory_space<hbm>>
        %dma_start3A_1262 = arith.constant 40960 : i32
        %dma_start3A_1263 = tpu.memref_slice %arg4[%dma_start3A_1262] : memref<50176xf32, #tpu.memory_space<vmem>> -> memref<1024xf32, #tpu.memory_space<vmem>>
        %dma_start3A_1264 = tpu.memref_slice %arg2[%add3A_1258] : memref<25690112xf32, #tpu.memory_space<hbm>> -> memref<1024xf32, #tpu.memory_space<hbm>>
        tpu.enqueue_dma source(%dma_start3A_1264 : memref<1024xf32, #tpu.memory_space<hbm>>) target(%dma_start3A_1263 : memref<1024xf32, #tpu.memory_space<vmem>>) target_semaphore(%arg7 : memref<!tpu.dma_semaphore, #tpu.memory_space<semaphore_mem>>)
        %add3A_1265 = arith.constant 21495808 : i32
        %add3A_1266 = arith.addi %add3A_1265, %add3A_936 : i32
        %dma_start3A_1267 = arith.constant 41984 : i32
        %dma_start3A_1268 = tpu.memref_slice %arg4[%dma_start3A_1267] : memref<50176xf32, #tpu.memory_space<vmem>> -> memref<1024xf32, #tpu.memory_space<vmem>>
        %dma_start3A_1269 = tpu.memref_slice %arg2[%add3A_1266] : memref<25690112xf32, #tpu.memory_space<hbm>> -> memref<1024xf32, #tpu.memory_space<hbm>>
        %dma_start3A_1270 = arith.constant 41984 : i32
        %dma_start3A_1271 = tpu.memref_slice %arg4[%dma_start3A_1270] : memref<50176xf32, #tpu.memory_space<vmem>> -> memref<1024xf32, #tpu.memory_space<vmem>>
        %dma_start3A_1272 = tpu.memref_slice %arg2[%add3A_1266] : memref<25690112xf32, #tpu.memory_space<hbm>> -> memref<1024xf32, #tpu.memory_space<hbm>>
        tpu.enqueue_dma source(%dma_start3A_1272 : memref<1024xf32, #tpu.memory_space<hbm>>) target(%dma_start3A_1271 : memref<1024xf32, #tpu.memory_space<vmem>>) target_semaphore(%arg7 : memref<!tpu.dma_semaphore, #tpu.memory_space<semaphore_mem>>)
        %add3A_1273 = arith.constant 22020096 : i32
        %add3A_1274 = arith.addi %add3A_1273, %add3A_936 : i32
        %dma_start3A_1275 = arith.constant 43008 : i32
        %dma_start3A_1276 = tpu.memref_slice %arg4[%dma_start3A_1275] : memref<50176xf32, #tpu.memory_space<vmem>> -> memref<1024xf32, #tpu.memory_space<vmem>>
        %dma_start3A_1277 = tpu.memref_slice %arg2[%add3A_1274] : memref<25690112xf32, #tpu.memory_space<hbm>> -> memref<1024xf32, #tpu.memory_space<hbm>>
        %dma_start3A_1278 = arith.constant 43008 : i32
        %dma_start3A_1279 = tpu.memref_slice %arg4[%dma_start3A_1278] : memref<50176xf32, #tpu.memory_space<vmem>> -> memref<1024xf32, #tpu.memory_space<vmem>>
        %dma_start3A_1280 = tpu.memref_slice %arg2[%add3A_1274] : memref<25690112xf32, #tpu.memory_space<hbm>> -> memref<1024xf32, #tpu.memory_space<hbm>>
        tpu.enqueue_dma source(%dma_start3A_1280 : memref<1024xf32, #tpu.memory_space<hbm>>) target(%dma_start3A_1279 : memref<1024xf32, #tpu.memory_space<vmem>>) target_semaphore(%arg7 : memref<!tpu.dma_semaphore, #tpu.memory_space<semaphore_mem>>)
        %add3A_1281 = arith.constant 22544384 : i32
        %add3A_1282 = arith.addi %add3A_1281, %add3A_936 : i32
        %dma_start3A_1283 = arith.constant 44032 : i32
        %dma_start3A_1284 = tpu.memref_slice %arg4[%dma_start3A_1283] : memref<50176xf32, #tpu.memory_space<vmem>> -> memref<1024xf32, #tpu.memory_space<vmem>>
        %dma_start3A_1285 = tpu.memref_slice %arg2[%add3A_1282] : memref<25690112xf32, #tpu.memory_space<hbm>> -> memref<1024xf32, #tpu.memory_space<hbm>>
        %dma_start3A_1286 = arith.constant 44032 : i32
        %dma_start3A_1287 = tpu.memref_slice %arg4[%dma_start3A_1286] : memref<50176xf32, #tpu.memory_space<vmem>> -> memref<1024xf32, #tpu.memory_space<vmem>>
        %dma_start3A_1288 = tpu.memref_slice %arg2[%add3A_1282] : memref<25690112xf32, #tpu.memory_space<hbm>> -> memref<1024xf32, #tpu.memory_space<hbm>>
        tpu.enqueue_dma source(%dma_start3A_1288 : memref<1024xf32, #tpu.memory_space<hbm>>) target(%dma_start3A_1287 : memref<1024xf32, #tpu.memory_space<vmem>>) target_semaphore(%arg7 : memref<!tpu.dma_semaphore, #tpu.memory_space<semaphore_mem>>)
        %add3A_1289 = arith.constant 23068672 : i32
        %add3A_1290 = arith.addi %add3A_1289, %add3A_936 : i32
        %dma_start3A_1291 = arith.constant 45056 : i32
        %dma_start3A_1292 = tpu.memref_slice %arg4[%dma_start3A_1291] : memref<50176xf32, #tpu.memory_space<vmem>> -> memref<1024xf32, #tpu.memory_space<vmem>>
        %dma_start3A_1293 = tpu.memref_slice %arg2[%add3A_1290] : memref<25690112xf32, #tpu.memory_space<hbm>> -> memref<1024xf32, #tpu.memory_space<hbm>>
        %dma_start3A_1294 = arith.constant 45056 : i32
        %dma_start3A_1295 = tpu.memref_slice %arg4[%dma_start3A_1294] : memref<50176xf32, #tpu.memory_space<vmem>> -> memref<1024xf32, #tpu.memory_space<vmem>>
        %dma_start3A_1296 = tpu.memref_slice %arg2[%add3A_1290] : memref<25690112xf32, #tpu.memory_space<hbm>> -> memref<1024xf32, #tpu.memory_space<hbm>>
        tpu.enqueue_dma source(%dma_start3A_1296 : memref<1024xf32, #tpu.memory_space<hbm>>) target(%dma_start3A_1295 : memref<1024xf32, #tpu.memory_space<vmem>>) target_semaphore(%arg7 : memref<!tpu.dma_semaphore, #tpu.memory_space<semaphore_mem>>)
        %add3A_1297 = arith.constant 23592960 : i32
        %add3A_1298 = arith.addi %add3A_1297, %add3A_936 : i32
        %dma_start3A_1299 = arith.constant 46080 : i32
        %dma_start3A_1300 = tpu.memref_slice %arg4[%dma_start3A_1299] : memref<50176xf32, #tpu.memory_space<vmem>> -> memref<1024xf32, #tpu.memory_space<vmem>>
        %dma_start3A_1301 = tpu.memref_slice %arg2[%add3A_1298] : memref<25690112xf32, #tpu.memory_space<hbm>> -> memref<1024xf32, #tpu.memory_space<hbm>>
        %dma_start3A_1302 = arith.constant 46080 : i32
        %dma_start3A_1303 = tpu.memref_slice %arg4[%dma_start3A_1302] : memref<50176xf32, #tpu.memory_space<vmem>> -> memref<1024xf32, #tpu.memory_space<vmem>>
        %dma_start3A_1304 = tpu.memref_slice %arg2[%add3A_1298] : memref<25690112xf32, #tpu.memory_space<hbm>> -> memref<1024xf32, #tpu.memory_space<hbm>>
        tpu.enqueue_dma source(%dma_start3A_1304 : memref<1024xf32, #tpu.memory_space<hbm>>) target(%dma_start3A_1303 : memref<1024xf32, #tpu.memory_space<vmem>>) target_semaphore(%arg7 : memref<!tpu.dma_semaphore, #tpu.memory_space<semaphore_mem>>)
        %add3A_1305 = arith.constant 24117248 : i32
        %add3A_1306 = arith.addi %add3A_1305, %add3A_936 : i32
        %dma_start3A_1307 = arith.constant 47104 : i32
        %dma_start3A_1308 = tpu.memref_slice %arg4[%dma_start3A_1307] : memref<50176xf32, #tpu.memory_space<vmem>> -> memref<1024xf32, #tpu.memory_space<vmem>>
        %dma_start3A_1309 = tpu.memref_slice %arg2[%add3A_1306] : memref<25690112xf32, #tpu.memory_space<hbm>> -> memref<1024xf32, #tpu.memory_space<hbm>>
        %dma_start3A_1310 = arith.constant 47104 : i32
        %dma_start3A_1311 = tpu.memref_slice %arg4[%dma_start3A_1310] : memref<50176xf32, #tpu.memory_space<vmem>> -> memref<1024xf32, #tpu.memory_space<vmem>>
        %dma_start3A_1312 = tpu.memref_slice %arg2[%add3A_1306] : memref<25690112xf32, #tpu.memory_space<hbm>> -> memref<1024xf32, #tpu.memory_space<hbm>>
        tpu.enqueue_dma source(%dma_start3A_1312 : memref<1024xf32, #tpu.memory_space<hbm>>) target(%dma_start3A_1311 : memref<1024xf32, #tpu.memory_space<vmem>>) target_semaphore(%arg7 : memref<!tpu.dma_semaphore, #tpu.memory_space<semaphore_mem>>)
        %add3A_1313 = arith.constant 24641536 : i32
        %add3A_1314 = arith.addi %add3A_1313, %add3A_936 : i32
        %dma_start3A_1315 = arith.constant 48128 : i32
        %dma_start3A_1316 = tpu.memref_slice %arg4[%dma_start3A_1315] : memref<50176xf32, #tpu.memory_space<vmem>> -> memref<1024xf32, #tpu.memory_space<vmem>>
        %dma_start3A_1317 = tpu.memref_slice %arg2[%add3A_1314] : memref<25690112xf32, #tpu.memory_space<hbm>> -> memref<1024xf32, #tpu.memory_space<hbm>>
        %dma_start3A_1318 = arith.constant 48128 : i32
        %dma_start3A_1319 = tpu.memref_slice %arg4[%dma_start3A_1318] : memref<50176xf32, #tpu.memory_space<vmem>> -> memref<1024xf32, #tpu.memory_space<vmem>>
        %dma_start3A_1320 = tpu.memref_slice %arg2[%add3A_1314] : memref<25690112xf32, #tpu.memory_space<hbm>> -> memref<1024xf32, #tpu.memory_space<hbm>>
        tpu.enqueue_dma source(%dma_start3A_1320 : memref<1024xf32, #tpu.memory_space<hbm>>) target(%dma_start3A_1319 : memref<1024xf32, #tpu.memory_space<vmem>>) target_semaphore(%arg7 : memref<!tpu.dma_semaphore, #tpu.memory_space<semaphore_mem>>)
        %add3A_1321 = arith.constant 25165824 : i32
        %add3A_1322 = arith.addi %add3A_1321, %add3A_936 : i32
        %dma_start3A_1323 = arith.constant 49152 : i32
        %dma_start3A_1324 = tpu.memref_slice %arg4[%dma_start3A_1323] : memref<50176xf32, #tpu.memory_space<vmem>> -> memref<1024xf32, #tpu.memory_space<vmem>>
        %dma_start3A_1325 = tpu.memref_slice %arg2[%add3A_1322] : memref<25690112xf32, #tpu.memory_space<hbm>> -> memref<1024xf32, #tpu.memory_space<hbm>>
        %dma_start3A_1326 = arith.constant 49152 : i32
        %dma_start3A_1327 = tpu.memref_slice %arg4[%dma_start3A_1326] : memref<50176xf32, #tpu.memory_space<vmem>> -> memref<1024xf32, #tpu.memory_space<vmem>>
        %dma_start3A_1328 = tpu.memref_slice %arg2[%add3A_1322] : memref<25690112xf32, #tpu.memory_space<hbm>> -> memref<1024xf32, #tpu.memory_space<hbm>>
        tpu.enqueue_dma source(%dma_start3A_1328 : memref<1024xf32, #tpu.memory_space<hbm>>) target(%dma_start3A_1327 : memref<1024xf32, #tpu.memory_space<vmem>>) target_semaphore(%arg7 : memref<!tpu.dma_semaphore, #tpu.memory_space<semaphore_mem>>)
      } else {
      }
      %dma_wait3A_920 = arith.constant 0 : i32
      %dma_wait3A_921 = tpu.memref_slice %arg2[%dma_wait3A_920] : memref<25690112xf32, #tpu.memory_space<hbm>> -> memref<50176xf32, #tpu.memory_space<hbm>>
      %dma_wait3A_922 = arith.constant 0 : i32
      %dma_wait3A_923 = tpu.memref_slice %arg2[%dma_wait3A_922] : memref<25690112xf32, #tpu.memory_space<hbm>> -> memref<50176xf32, #tpu.memory_space<hbm>>
      tpu.wait_dma2 semaphore(%arg8 : memref<!tpu.dma_semaphore, #tpu.memory_space<semaphore_mem>>) src(%dma_wait3A_923 : memref<50176xf32, #tpu.memory_space<hbm>>) dst(%arg5 : memref<50176xf32, #tpu.memory_space<vmem>>)
      %add3A_924 = arith.constant 1 : i32
      %add3A_925 = arith.addi %mul3A_509, %add3A_924 : i32
      %scan3A_926 = arith.constant 0 : i32
      %scan3A_927 = arith.constant 0 : i32
      %scan3A_928 = arith.constant 32 : i32
      %scan3A_929 = arith.addi %scan3A_927, %scan3A_928 : i32
      %scan3A_930 = arith.constant 1 : i32
      scf.for %scan3A_932 = %scan3A_927 to %scan3A_929 step %scan3A_930  : i32 {
        %mul3A_933 = arith.constant 2 : i32
        %mul3A_934 = arith.muli %mul3A_933, %scan3A_932 : i32
        %shift_right_arithmetic3A = arith.constant 3 : i32
        %shift_right_arithmetic3A_935 = arith.shrsi %mul3A_934, %shift_right_arithmetic3A : i32
        %mul3A_936 = arith.constant 4 : i32
        %mul3A_937 = arith.muli %shift_right_arithmetic3A_935, %mul3A_936 : i32
        %shift_left3A = arith.constant 7 : i32
        %shift_left3A_938 = arith.shli %mul3A_937, %shift_left3A : i32
        %shift_left3A_939 = arith.constant 7 : i32
        %shift_left3A_940 = arith.shli %add3A_925, %shift_left3A_939 : i32
        %add3A_941 = arith.addi %shift_left3A_938, %shift_left3A_940 : i32
        %and3A_942 = arith.constant 7 : i32
        %and3A_943 = arith.andi %mul3A_934, %and3A_942 : i32
        %shift_left3A_944 = arith.constant 4 : i32
        %shift_left3A_945 = arith.shli %and3A_943, %shift_left3A_944 : i32
        %add3A_946 = arith.addi %add3A_941, %shift_left3A_945 : i32
        %mul3A_947 = arith.constant 16 : i32
        %mul3A_948 = arith.muli %mul3A_934, %mul3A_947 : i32
        %add3A_949 = arith.constant 0 : i32
        %add3A_950 = arith.addi %add3A_949, %mul3A_948 : i32
        %get3A = arith.index_cast %add3A_950 : i32 to index
        %get3A_951 = tpu.vector_load %arg5[%get3A] {strides = array<i32>} : memref<50176xf32, #tpu.memory_space<vmem>>, vector<16xf32>,
        %mul3A_952 = arith.constant 16 : i32
        %mul3A_953 = arith.muli %mul3A_934, %mul3A_952 : i32
        %add3A_954 = arith.constant 1024 : i32
        %add3A_955 = arith.addi %add3A_954, %mul3A_953 : i32
        %get3A_956 = arith.index_cast %add3A_955 : i32 to index
        %get3A_957 = tpu.vector_load %arg5[%get3A_956] {strides = array<i32>} : memref<50176xf32, #tpu.memory_space<vmem>>, vector<16xf32>,
        %mul3A_958 = arith.constant 16 : i32
        %mul3A_959 = arith.muli %mul3A_934, %mul3A_958 : i32
        %add3A_960 = arith.constant 2048 : i32
        %add3A_961 = arith.addi %add3A_960, %mul3A_959 : i32
        %get3A_962 = arith.index_cast %add3A_961 : i32 to index
        %get3A_963 = tpu.vector_load %arg5[%get3A_962] {strides = array<i32>} : memref<50176xf32, #tpu.memory_space<vmem>>, vector<16xf32>,
        %mul3A_964 = arith.constant 16 : i32
        %mul3A_965 = arith.muli %mul3A_934, %mul3A_964 : i32
        %add3A_966 = arith.constant 3072 : i32
        %add3A_967 = arith.addi %add3A_966, %mul3A_965 : i32
        %get3A_968 = arith.index_cast %add3A_967 : i32 to index
        %get3A_969 = tpu.vector_load %arg5[%get3A_968] {strides = array<i32>} : memref<50176xf32, #tpu.memory_space<vmem>>, vector<16xf32>,
        %max3A = arith.maximumf %get3A_951, %get3A_957 : vector<16xf32>
        %min3A = arith.minimumf %get3A_951, %get3A_957 : vector<16xf32>
        %max3A_970 = arith.maximumf %get3A_963, %get3A_969 : vector<16xf32>
        %min3A_971 = arith.minimumf %get3A_963, %get3A_969 : vector<16xf32>
        %max3A_972 = arith.maximumf %max3A, %max3A_970 : vector<16xf32>
        %min3A_973 = arith.minimumf %max3A, %max3A_970 : vector<16xf32>
        %max3A_974 = arith.maximumf %min3A, %min3A_971 : vector<16xf32>
        %min3A_975 = arith.minimumf %min3A, %min3A_971 : vector<16xf32>
        %max3A_976 = arith.maximumf %max3A_974, %min3A_973 : vector<16xf32>
        %min3A_977 = arith.minimumf %max3A_974, %min3A_973 : vector<16xf32>
        %mul3A_978 = arith.constant 16 : i32
        %mul3A_979 = arith.muli %mul3A_934, %mul3A_978 : i32
        %add3A_980 = arith.constant 4096 : i32
        %add3A_981 = arith.addi %add3A_980, %mul3A_979 : i32
        %get3A_982 = arith.index_cast %add3A_981 : i32 to index
        %get3A_983 = tpu.vector_load %arg5[%get3A_982] {strides = array<i32>} : memref<50176xf32, #tpu.memory_space<vmem>>, vector<16xf32>,
        %mul3A_984 = arith.constant 16 : i32
        %mul3A_985 = arith.muli %mul3A_934, %mul3A_984 : i32
        %add3A_986 = arith.constant 5120 : i32
        %add3A_987 = arith.addi %add3A_986, %mul3A_985 : i32
        %get3A_988 = arith.index_cast %add3A_987 : i32 to index
        %get3A_989 = tpu.vector_load %arg5[%get3A_988] {strides = array<i32>} : memref<50176xf32, #tpu.memory_space<vmem>>, vector<16xf32>,
        %mul3A_990 = arith.constant 16 : i32
        %mul3A_991 = arith.muli %mul3A_934, %mul3A_990 : i32
        %add3A_992 = arith.constant 6144 : i32
        %add3A_993 = arith.addi %add3A_992, %mul3A_991 : i32
        %get3A_994 = arith.index_cast %add3A_993 : i32 to index
        %get3A_995 = tpu.vector_load %arg5[%get3A_994] {strides = array<i32>} : memref<50176xf32, #tpu.memory_space<vmem>>, vector<16xf32>,
        %mul3A_996 = arith.constant 16 : i32
        %mul3A_997 = arith.muli %mul3A_934, %mul3A_996 : i32
        %add3A_998 = arith.constant 7168 : i32
        %add3A_999 = arith.addi %add3A_998, %mul3A_997 : i32
        %get3A_1000 = arith.index_cast %add3A_999 : i32 to index
        %get3A_1001 = tpu.vector_load %arg5[%get3A_1000] {strides = array<i32>} : memref<50176xf32, #tpu.memory_space<vmem>>, vector<16xf32>,
        %max3A_1002 = arith.maximumf %get3A_983, %get3A_989 : vector<16xf32>
        %min3A_1003 = arith.minimumf %get3A_983, %get3A_989 : vector<16xf32>
        %max3A_1004 = arith.maximumf %get3A_995, %get3A_1001 : vector<16xf32>
        %min3A_1005 = arith.minimumf %get3A_995, %get3A_1001 : vector<16xf32>
        %max3A_1006 = arith.maximumf %max3A_1002, %max3A_1004 : vector<16xf32>
        %min3A_1007 = arith.minimumf %max3A_1002, %max3A_1004 : vector<16xf32>
        %max3A_1008 = arith.maximumf %min3A_1003, %min3A_1005 : vector<16xf32>
        %min3A_1009 = arith.minimumf %min3A_1003, %min3A_1005 : vector<16xf32>
        %max3A_1010 = arith.maximumf %max3A_1008, %min3A_1007 : vector<16xf32>
        %min3A_1011 = arith.minimumf %max3A_1008, %min3A_1007 : vector<16xf32>
        %max3A_1012 = arith.maximumf %max3A_972, %max3A_1006 : vector<16xf32>
        %min3A_1013 = arith.minimumf %max3A_972, %max3A_1006 : vector<16xf32>
        %max3A_1014 = arith.maximumf %min3A_977, %min3A_1011 : vector<16xf32>
        %max3A_1015 = arith.maximumf %min3A_1013, %max3A_1014 : vector<16xf32>
        %min3A_1016 = arith.minimumf %min3A_1013, %max3A_1014 : vector<16xf32>
        %max3A_1017 = arith.maximumf %max3A_976, %max3A_1010 : vector<16xf32>
        %min3A_1018 = arith.minimumf %max3A_976, %max3A_1010 : vector<16xf32>
        %max3A_1019 = arith.maximumf %min3A_975, %min3A_1009 : vector<16xf32>
        %max3A_1020 = arith.maximumf %min3A_1018, %max3A_1019 : vector<16xf32>
        %max3A_1021 = arith.maximumf %max3A_1017, %max3A_1015 : vector<16xf32>
        %min3A_1022 = arith.minimumf %max3A_1017, %max3A_1015 : vector<16xf32>
        %max3A_1023 = arith.maximumf %max3A_1020, %min3A_1016 : vector<16xf32>
        %mul3A_1024 = arith.constant 16 : i32
        %mul3A_1025 = arith.muli %mul3A_934, %mul3A_1024 : i32
        %add3A_1026 = arith.constant 8192 : i32
        %add3A_1027 = arith.addi %add3A_1026, %mul3A_1025 : i32
        %get3A_1028 = arith.index_cast %add3A_1027 : i32 to index
        %get3A_1029 = tpu.vector_load %arg5[%get3A_1028] {strides = array<i32>} : memref<50176xf32, #tpu.memory_space<vmem>>, vector<16xf32>,
        %mul3A_1030 = arith.constant 16 : i32
        %mul3A_1031 = arith.muli %mul3A_934, %mul3A_1030 : i32
        %add3A_1032 = arith.constant 9216 : i32
        %add3A_1033 = arith.addi %add3A_1032, %mul3A_1031 : i32
        %get3A_1034 = arith.index_cast %add3A_1033 : i32 to index
        %get3A_1035 = tpu.vector_load %arg5[%get3A_1034] {strides = array<i32>} : memref<50176xf32, #tpu.memory_space<vmem>>, vector<16xf32>,
        %mul3A_1036 = arith.constant 16 : i32
        %mul3A_1037 = arith.muli %mul3A_934, %mul3A_1036 : i32
        %add3A_1038 = arith.constant 10240 : i32
        %add3A_1039 = arith.addi %add3A_1038, %mul3A_1037 : i32
        %get3A_1040 = arith.index_cast %add3A_1039 : i32 to index
        %get3A_1041 = tpu.vector_load %arg5[%get3A_1040] {strides = array<i32>} : memref<50176xf32, #tpu.memory_space<vmem>>, vector<16xf32>,
        %mul3A_1042 = arith.constant 16 : i32
        %mul3A_1043 = arith.muli %mul3A_934, %mul3A_1042 : i32
        %add3A_1044 = arith.constant 11264 : i32
        %add3A_1045 = arith.addi %add3A_1044, %mul3A_1043 : i32
        %get3A_1046 = arith.index_cast %add3A_1045 : i32 to index
        %get3A_1047 = tpu.vector_load %arg5[%get3A_1046] {strides = array<i32>} : memref<50176xf32, #tpu.memory_space<vmem>>, vector<16xf32>,
        %max3A_1048 = arith.maximumf %get3A_1029, %get3A_1035 : vector<16xf32>
        %min3A_1049 = arith.minimumf %get3A_1029, %get3A_1035 : vector<16xf32>
        %max3A_1050 = arith.maximumf %get3A_1041, %get3A_1047 : vector<16xf32>
        %min3A_1051 = arith.minimumf %get3A_1041, %get3A_1047 : vector<16xf32>
        %max3A_1052 = arith.maximumf %max3A_1048, %max3A_1050 : vector<16xf32>
        %min3A_1053 = arith.minimumf %max3A_1048, %max3A_1050 : vector<16xf32>
        %max3A_1054 = arith.maximumf %min3A_1049, %min3A_1051 : vector<16xf32>
        %min3A_1055 = arith.minimumf %min3A_1049, %min3A_1051 : vector<16xf32>
        %max3A_1056 = arith.maximumf %max3A_1054, %min3A_1053 : vector<16xf32>
        %min3A_1057 = arith.minimumf %max3A_1054, %min3A_1053 : vector<16xf32>
        %mul3A_1058 = arith.constant 16 : i32
        %mul3A_1059 = arith.muli %mul3A_934, %mul3A_1058 : i32
        %add3A_1060 = arith.constant 12288 : i32
        %add3A_1061 = arith.addi %add3A_1060, %mul3A_1059 : i32
        %get3A_1062 = arith.index_cast %add3A_1061 : i32 to index
        %get3A_1063 = tpu.vector_load %arg5[%get3A_1062] {strides = array<i32>} : memref<50176xf32, #tpu.memory_space<vmem>>, vector<16xf32>,
        %mul3A_1064 = arith.constant 16 : i32
        %mul3A_1065 = arith.muli %mul3A_934, %mul3A_1064 : i32
        %add3A_1066 = arith.constant 13312 : i32
        %add3A_1067 = arith.addi %add3A_1066, %mul3A_1065 : i32
        %get3A_1068 = arith.index_cast %add3A_1067 : i32 to index
        %get3A_1069 = tpu.vector_load %arg5[%get3A_1068] {strides = array<i32>} : memref<50176xf32, #tpu.memory_space<vmem>>, vector<16xf32>,
        %mul3A_1070 = arith.constant 16 : i32
        %mul3A_1071 = arith.muli %mul3A_934, %mul3A_1070 : i32
        %add3A_1072 = arith.constant 14336 : i32
        %add3A_1073 = arith.addi %add3A_1072, %mul3A_1071 : i32
        %get3A_1074 = arith.index_cast %add3A_1073 : i32 to index
        %get3A_1075 = tpu.vector_load %arg5[%get3A_1074] {strides = array<i32>} : memref<50176xf32, #tpu.memory_space<vmem>>, vector<16xf32>,
        %mul3A_1076 = arith.constant 16 : i32
        %mul3A_1077 = arith.muli %mul3A_934, %mul3A_1076 : i32
        %add3A_1078 = arith.constant 15360 : i32
        %add3A_1079 = arith.addi %add3A_1078, %mul3A_1077 : i32
        %get3A_1080 = arith.index_cast %add3A_1079 : i32 to index
        %get3A_1081 = tpu.vector_load %arg5[%get3A_1080] {strides = array<i32>} : memref<50176xf32, #tpu.memory_space<vmem>>, vector<16xf32>,
        %max3A_1082 = arith.maximumf %get3A_1063, %get3A_1069 : vector<16xf32>
        %min3A_1083 = arith.minimumf %get3A_1063, %get3A_1069 : vector<16xf32>
        %max3A_1084 = arith.maximumf %get3A_1075, %get3A_1081 : vector<16xf32>
        %min3A_1085 = arith.minimumf %get3A_1075, %get3A_1081 : vector<16xf32>
        %max3A_1086 = arith.maximumf %max3A_1082, %max3A_1084 : vector<16xf32>
        %min3A_1087 = arith.minimumf %max3A_1082, %max3A_1084 : vector<16xf32>
        %max3A_1088 = arith.maximumf %min3A_1083, %min3A_1085 : vector<16xf32>
        %min3A_1089 = arith.minimumf %min3A_1083, %min3A_1085 : vector<16xf32>
        %max3A_1090 = arith.maximumf %max3A_1088, %min3A_1087 : vector<16xf32>
        %min3A_1091 = arith.minimumf %max3A_1088, %min3A_1087 : vector<16xf32>
        %max3A_1092 = arith.maximumf %max3A_1052, %max3A_1086 : vector<16xf32>
        %min3A_1093 = arith.minimumf %max3A_1052, %max3A_1086 : vector<16xf32>
        %max3A_1094 = arith.maximumf %min3A_1057, %min3A_1091 : vector<16xf32>
        %max3A_1095 = arith.maximumf %min3A_1093, %max3A_1094 : vector<16xf32>
        %min3A_1096 = arith.minimumf %min3A_1093, %max3A_1094 : vector<16xf32>
        %max3A_1097 = arith.maximumf %max3A_1056, %max3A_1090 : vector<16xf32>
        %min3A_1098 = arith.minimumf %max3A_1056, %max3A_1090 : vector<16xf32>
        %max3A_1099 = arith.maximumf %min3A_1055, %min3A_1089 : vector<16xf32>
        %max3A_1100 = arith.maximumf %min3A_1098, %max3A_1099 : vector<16xf32>
        %max3A_1101 = arith.maximumf %max3A_1097, %max3A_1095 : vector<16xf32>
        %min3A_1102 = arith.minimumf %max3A_1097, %max3A_1095 : vector<16xf32>
        %max3A_1103 = arith.maximumf %max3A_1100, %min3A_1096 : vector<16xf32>
        %max3A_1104 = arith.maximumf %max3A_1012, %max3A_1092 : vector<16xf32>
        %min3A_1105 = arith.minimumf %max3A_1012, %max3A_1092 : vector<16xf32>
        %max3A_1106 = arith.maximumf %min3A_1022, %min3A_1102 : vector<16xf32>
        %max3A_1107 = arith.maximumf %min3A_1105, %max3A_1106 : vector<16xf32>
        %min3A_1108 = arith.minimumf %min3A_1105, %max3A_1106 : vector<16xf32>
        %max3A_1109 = arith.maximumf %max3A_1021, %max3A_1101 : vector<16xf32>
        %min3A_1110 = arith.minimumf %max3A_1021, %max3A_1101 : vector<16xf32>
        %max3A_1111 = arith.maximumf %max3A_1023, %max3A_1103 : vector<16xf32>
        %max3A_1112 = arith.maximumf %min3A_1110, %max3A_1111 : vector<16xf32>
        %max3A_1113 = arith.maximumf %max3A_1109, %max3A_1107 : vector<16xf32>
        %min3A_1114 = arith.minimumf %max3A_1109, %max3A_1107 : vector<16xf32>
        %max3A_1115 = arith.maximumf %max3A_1112, %min3A_1108 : vector<16xf32>
        %mul3A_1116 = arith.constant 16 : i32
        %mul3A_1117 = arith.muli %mul3A_934, %mul3A_1116 : i32
        %add3A_1118 = arith.constant 16384 : i32
        %add3A_1119 = arith.addi %add3A_1118, %mul3A_1117 : i32
        %get3A_1120 = arith.index_cast %add3A_1119 : i32 to index
        %get3A_1121 = tpu.vector_load %arg5[%get3A_1120] {strides = array<i32>} : memref<50176xf32, #tpu.memory_space<vmem>>, vector<16xf32>,
        %mul3A_1122 = arith.constant 16 : i32
        %mul3A_1123 = arith.muli %mul3A_934, %mul3A_1122 : i32
        %add3A_1124 = arith.constant 17408 : i32
        %add3A_1125 = arith.addi %add3A_1124, %mul3A_1123 : i32
        %get3A_1126 = arith.index_cast %add3A_1125 : i32 to index
        %get3A_1127 = tpu.vector_load %arg5[%get3A_1126] {strides = array<i32>} : memref<50176xf32, #tpu.memory_space<vmem>>, vector<16xf32>,
        %mul3A_1128 = arith.constant 16 : i32
        %mul3A_1129 = arith.muli %mul3A_934, %mul3A_1128 : i32
        %add3A_1130 = arith.constant 18432 : i32
        %add3A_1131 = arith.addi %add3A_1130, %mul3A_1129 : i32
        %get3A_1132 = arith.index_cast %add3A_1131 : i32 to index
        %get3A_1133 = tpu.vector_load %arg5[%get3A_1132] {strides = array<i32>} : memref<50176xf32, #tpu.memory_space<vmem>>, vector<16xf32>,
        %mul3A_1134 = arith.constant 16 : i32
        %mul3A_1135 = arith.muli %mul3A_934, %mul3A_1134 : i32
        %add3A_1136 = arith.constant 19456 : i32
        %add3A_1137 = arith.addi %add3A_1136, %mul3A_1135 : i32
        %get3A_1138 = arith.index_cast %add3A_1137 : i32 to index
        %get3A_1139 = tpu.vector_load %arg5[%get3A_1138] {strides = array<i32>} : memref<50176xf32, #tpu.memory_space<vmem>>, vector<16xf32>,
        %max3A_1140 = arith.maximumf %get3A_1121, %get3A_1127 : vector<16xf32>
        %min3A_1141 = arith.minimumf %get3A_1121, %get3A_1127 : vector<16xf32>
        %max3A_1142 = arith.maximumf %get3A_1133, %get3A_1139 : vector<16xf32>
        %min3A_1143 = arith.minimumf %get3A_1133, %get3A_1139 : vector<16xf32>
        %max3A_1144 = arith.maximumf %max3A_1140, %max3A_1142 : vector<16xf32>
        %min3A_1145 = arith.minimumf %max3A_1140, %max3A_1142 : vector<16xf32>
        %max3A_1146 = arith.maximumf %min3A_1141, %min3A_1143 : vector<16xf32>
        %min3A_1147 = arith.minimumf %min3A_1141, %min3A_1143 : vector<16xf32>
        %max3A_1148 = arith.maximumf %max3A_1146, %min3A_1145 : vector<16xf32>
        %min3A_1149 = arith.minimumf %max3A_1146, %min3A_1145 : vector<16xf32>
        %mul3A_1150 = arith.constant 16 : i32
        %mul3A_1151 = arith.muli %mul3A_934, %mul3A_1150 : i32
        %add3A_1152 = arith.constant 20480 : i32
        %add3A_1153 = arith.addi %add3A_1152, %mul3A_1151 : i32
        %get3A_1154 = arith.index_cast %add3A_1153 : i32 to index
        %get3A_1155 = tpu.vector_load %arg5[%get3A_1154] {strides = array<i32>} : memref<50176xf32, #tpu.memory_space<vmem>>, vector<16xf32>,
        %mul3A_1156 = arith.constant 16 : i32
        %mul3A_1157 = arith.muli %mul3A_934, %mul3A_1156 : i32
        %add3A_1158 = arith.constant 21504 : i32
        %add3A_1159 = arith.addi %add3A_1158, %mul3A_1157 : i32
        %get3A_1160 = arith.index_cast %add3A_1159 : i32 to index
        %get3A_1161 = tpu.vector_load %arg5[%get3A_1160] {strides = array<i32>} : memref<50176xf32, #tpu.memory_space<vmem>>, vector<16xf32>,
        %mul3A_1162 = arith.constant 16 : i32
        %mul3A_1163 = arith.muli %mul3A_934, %mul3A_1162 : i32
        %add3A_1164 = arith.constant 22528 : i32
        %add3A_1165 = arith.addi %add3A_1164, %mul3A_1163 : i32
        %get3A_1166 = arith.index_cast %add3A_1165 : i32 to index
        %get3A_1167 = tpu.vector_load %arg5[%get3A_1166] {strides = array<i32>} : memref<50176xf32, #tpu.memory_space<vmem>>, vector<16xf32>,
        %mul3A_1168 = arith.constant 16 : i32
        %mul3A_1169 = arith.muli %mul3A_934, %mul3A_1168 : i32
        %add3A_1170 = arith.constant 23552 : i32
        %add3A_1171 = arith.addi %add3A_1170, %mul3A_1169 : i32
        %get3A_1172 = arith.index_cast %add3A_1171 : i32 to index
        %get3A_1173 = tpu.vector_load %arg5[%get3A_1172] {strides = array<i32>} : memref<50176xf32, #tpu.memory_space<vmem>>, vector<16xf32>,
        %max3A_1174 = arith.maximumf %get3A_1155, %get3A_1161 : vector<16xf32>
        %min3A_1175 = arith.minimumf %get3A_1155, %get3A_1161 : vector<16xf32>
        %max3A_1176 = arith.maximumf %get3A_1167, %get3A_1173 : vector<16xf32>
        %min3A_1177 = arith.minimumf %get3A_1167, %get3A_1173 : vector<16xf32>
        %max3A_1178 = arith.maximumf %max3A_1174, %max3A_1176 : vector<16xf32>
        %min3A_1179 = arith.minimumf %max3A_1174, %max3A_1176 : vector<16xf32>
        %max3A_1180 = arith.maximumf %min3A_1175, %min3A_1177 : vector<16xf32>
        %min3A_1181 = arith.minimumf %min3A_1175, %min3A_1177 : vector<16xf32>
        %max3A_1182 = arith.maximumf %max3A_1180, %min3A_1179 : vector<16xf32>
        %min3A_1183 = arith.minimumf %max3A_1180, %min3A_1179 : vector<16xf32>
        %max3A_1184 = arith.maximumf %max3A_1144, %max3A_1178 : vector<16xf32>
        %min3A_1185 = arith.minimumf %max3A_1144, %max3A_1178 : vector<16xf32>
        %max3A_1186 = arith.maximumf %min3A_1149, %min3A_1183 : vector<16xf32>
        %max3A_1187 = arith.maximumf %min3A_1185, %max3A_1186 : vector<16xf32>
        %min3A_1188 = arith.minimumf %min3A_1185, %max3A_1186 : vector<16xf32>
        %max3A_1189 = arith.maximumf %max3A_1148, %max3A_1182 : vector<16xf32>
        %min3A_1190 = arith.minimumf %max3A_1148, %max3A_1182 : vector<16xf32>
        %max3A_1191 = arith.maximumf %min3A_1147, %min3A_1181 : vector<16xf32>
        %max3A_1192 = arith.maximumf %min3A_1190, %max3A_1191 : vector<16xf32>
        %max3A_1193 = arith.maximumf %max3A_1189, %max3A_1187 : vector<16xf32>
        %min3A_1194 = arith.minimumf %max3A_1189, %max3A_1187 : vector<16xf32>
        %max3A_1195 = arith.maximumf %max3A_1192, %min3A_1188 : vector<16xf32>
        %mul3A_1196 = arith.constant 16 : i32
        %mul3A_1197 = arith.muli %mul3A_934, %mul3A_1196 : i32
        %add3A_1198 = arith.constant 24576 : i32
        %add3A_1199 = arith.addi %add3A_1198, %mul3A_1197 : i32
        %get3A_1200 = arith.index_cast %add3A_1199 : i32 to index
        %get3A_1201 = tpu.vector_load %arg5[%get3A_1200] {strides = array<i32>} : memref<50176xf32, #tpu.memory_space<vmem>>, vector<16xf32>,
        %mul3A_1202 = arith.constant 16 : i32
        %mul3A_1203 = arith.muli %mul3A_934, %mul3A_1202 : i32
        %add3A_1204 = arith.constant 25600 : i32
        %add3A_1205 = arith.addi %add3A_1204, %mul3A_1203 : i32
        %get3A_1206 = arith.index_cast %add3A_1205 : i32 to index
        %get3A_1207 = tpu.vector_load %arg5[%get3A_1206] {strides = array<i32>} : memref<50176xf32, #tpu.memory_space<vmem>>, vector<16xf32>,
        %mul3A_1208 = arith.constant 16 : i32
        %mul3A_1209 = arith.muli %mul3A_934, %mul3A_1208 : i32
        %add3A_1210 = arith.constant 26624 : i32
        %add3A_1211 = arith.addi %add3A_1210, %mul3A_1209 : i32
        %get3A_1212 = arith.index_cast %add3A_1211 : i32 to index
        %get3A_1213 = tpu.vector_load %arg5[%get3A_1212] {strides = array<i32>} : memref<50176xf32, #tpu.memory_space<vmem>>, vector<16xf32>,
        %mul3A_1214 = arith.constant 16 : i32
        %mul3A_1215 = arith.muli %mul3A_934, %mul3A_1214 : i32
        %add3A_1216 = arith.constant 27648 : i32
        %add3A_1217 = arith.addi %add3A_1216, %mul3A_1215 : i32
        %get3A_1218 = arith.index_cast %add3A_1217 : i32 to index
        %get3A_1219 = tpu.vector_load %arg5[%get3A_1218] {strides = array<i32>} : memref<50176xf32, #tpu.memory_space<vmem>>, vector<16xf32>,
        %max3A_1220 = arith.maximumf %get3A_1201, %get3A_1207 : vector<16xf32>
        %min3A_1221 = arith.minimumf %get3A_1201, %get3A_1207 : vector<16xf32>
        %max3A_1222 = arith.maximumf %get3A_1213, %get3A_1219 : vector<16xf32>
        %min3A_1223 = arith.minimumf %get3A_1213, %get3A_1219 : vector<16xf32>
        %max3A_1224 = arith.maximumf %max3A_1220, %max3A_1222 : vector<16xf32>
        %min3A_1225 = arith.minimumf %max3A_1220, %max3A_1222 : vector<16xf32>
        %max3A_1226 = arith.maximumf %min3A_1221, %min3A_1223 : vector<16xf32>
        %min3A_1227 = arith.minimumf %min3A_1221, %min3A_1223 : vector<16xf32>
        %max3A_1228 = arith.maximumf %max3A_1226, %min3A_1225 : vector<16xf32>
        %min3A_1229 = arith.minimumf %max3A_1226, %min3A_1225 : vector<16xf32>
        %mul3A_1230 = arith.constant 16 : i32
        %mul3A_1231 = arith.muli %mul3A_934, %mul3A_1230 : i32
        %add3A_1232 = arith.constant 28672 : i32
        %add3A_1233 = arith.addi %add3A_1232, %mul3A_1231 : i32
        %get3A_1234 = arith.index_cast %add3A_1233 : i32 to index
        %get3A_1235 = tpu.vector_load %arg5[%get3A_1234] {strides = array<i32>} : memref<50176xf32, #tpu.memory_space<vmem>>, vector<16xf32>,
        %mul3A_1236 = arith.constant 16 : i32
        %mul3A_1237 = arith.muli %mul3A_934, %mul3A_1236 : i32
        %add3A_1238 = arith.constant 29696 : i32
        %add3A_1239 = arith.addi %add3A_1238, %mul3A_1237 : i32
        %get3A_1240 = arith.index_cast %add3A_1239 : i32 to index
        %get3A_1241 = tpu.vector_load %arg5[%get3A_1240] {strides = array<i32>} : memref<50176xf32, #tpu.memory_space<vmem>>, vector<16xf32>,
        %mul3A_1242 = arith.constant 16 : i32
        %mul3A_1243 = arith.muli %mul3A_934, %mul3A_1242 : i32
        %add3A_1244 = arith.constant 30720 : i32
        %add3A_1245 = arith.addi %add3A_1244, %mul3A_1243 : i32
        %get3A_1246 = arith.index_cast %add3A_1245 : i32 to index
        %get3A_1247 = tpu.vector_load %arg5[%get3A_1246] {strides = array<i32>} : memref<50176xf32, #tpu.memory_space<vmem>>, vector<16xf32>,
        %mul3A_1248 = arith.constant 16 : i32
        %mul3A_1249 = arith.muli %mul3A_934, %mul3A_1248 : i32
        %add3A_1250 = arith.constant 31744 : i32
        %add3A_1251 = arith.addi %add3A_1250, %mul3A_1249 : i32
        %get3A_1252 = arith.index_cast %add3A_1251 : i32 to index
        %get3A_1253 = tpu.vector_load %arg5[%get3A_1252] {strides = array<i32>} : memref<50176xf32, #tpu.memory_space<vmem>>, vector<16xf32>,
        %max3A_1254 = arith.maximumf %get3A_1235, %get3A_1241 : vector<16xf32>
        %min3A_1255 = arith.minimumf %get3A_1235, %get3A_1241 : vector<16xf32>
        %max3A_1256 = arith.maximumf %get3A_1247, %get3A_1253 : vector<16xf32>
        %min3A_1257 = arith.minimumf %get3A_1247, %get3A_1253 : vector<16xf32>
        %max3A_1258 = arith.maximumf %max3A_1254, %max3A_1256 : vector<16xf32>
        %min3A_1259 = arith.minimumf %max3A_1254, %max3A_1256 : vector<16xf32>
        %max3A_1260 = arith.maximumf %min3A_1255, %min3A_1257 : vector<16xf32>
        %min3A_1261 = arith.minimumf %min3A_1255, %min3A_1257 : vector<16xf32>
        %max3A_1262 = arith.maximumf %max3A_1260, %min3A_1259 : vector<16xf32>
        %min3A_1263 = arith.minimumf %max3A_1260, %min3A_1259 : vector<16xf32>
        %max3A_1264 = arith.maximumf %max3A_1224, %max3A_1258 : vector<16xf32>
        %min3A_1265 = arith.minimumf %max3A_1224, %max3A_1258 : vector<16xf32>
        %max3A_1266 = arith.maximumf %min3A_1229, %min3A_1263 : vector<16xf32>
        %max3A_1267 = arith.maximumf %min3A_1265, %max3A_1266 : vector<16xf32>
        %min3A_1268 = arith.minimumf %min3A_1265, %max3A_1266 : vector<16xf32>
        %max3A_1269 = arith.maximumf %max3A_1228, %max3A_1262 : vector<16xf32>
        %min3A_1270 = arith.minimumf %max3A_1228, %max3A_1262 : vector<16xf32>
        %max3A_1271 = arith.maximumf %min3A_1227, %min3A_1261 : vector<16xf32>
        %max3A_1272 = arith.maximumf %min3A_1270, %max3A_1271 : vector<16xf32>
        %max3A_1273 = arith.maximumf %max3A_1269, %max3A_1267 : vector<16xf32>
        %min3A_1274 = arith.minimumf %max3A_1269, %max3A_1267 : vector<16xf32>
        %max3A_1275 = arith.maximumf %max3A_1272, %min3A_1268 : vector<16xf32>
        %max3A_1276 = arith.maximumf %max3A_1184, %max3A_1264 : vector<16xf32>
        %min3A_1277 = arith.minimumf %max3A_1184, %max3A_1264 : vector<16xf32>
        %max3A_1278 = arith.maximumf %min3A_1194, %min3A_1274 : vector<16xf32>
        %max3A_1279 = arith.maximumf %min3A_1277, %max3A_1278 : vector<16xf32>
        %min3A_1280 = arith.minimumf %min3A_1277, %max3A_1278 : vector<16xf32>
        %max3A_1281 = arith.maximumf %max3A_1193, %max3A_1273 : vector<16xf32>
        %min3A_1282 = arith.minimumf %max3A_1193, %max3A_1273 : vector<16xf32>
        %max3A_1283 = arith.maximumf %max3A_1195, %max3A_1275 : vector<16xf32>
        %max3A_1284 = arith.maximumf %min3A_1282, %max3A_1283 : vector<16xf32>
        %max3A_1285 = arith.maximumf %max3A_1281, %max3A_1279 : vector<16xf32>
        %min3A_1286 = arith.minimumf %max3A_1281, %max3A_1279 : vector<16xf32>
        %max3A_1287 = arith.maximumf %max3A_1284, %min3A_1280 : vector<16xf32>
        %max3A_1288 = arith.maximumf %max3A_1104, %max3A_1276 : vector<16xf32>
        %min3A_1289 = arith.minimumf %max3A_1104, %max3A_1276 : vector<16xf32>
        %max3A_1290 = arith.maximumf %min3A_1114, %min3A_1286 : vector<16xf32>
        %max3A_1291 = arith.maximumf %min3A_1289, %max3A_1290 : vector<16xf32>
        %min3A_1292 = arith.minimumf %min3A_1289, %max3A_1290 : vector<16xf32>
        %max3A_1293 = arith.maximumf %max3A_1113, %max3A_1285 : vector<16xf32>
        %min3A_1294 = arith.minimumf %max3A_1113, %max3A_1285 : vector<16xf32>
        %max3A_1295 = arith.maximumf %max3A_1115, %max3A_1287 : vector<16xf32>
        %max3A_1296 = arith.maximumf %min3A_1294, %max3A_1295 : vector<16xf32>
        %max3A_1297 = arith.maximumf %max3A_1293, %max3A_1291 : vector<16xf32>
        %min3A_1298 = arith.minimumf %max3A_1293, %max3A_1291 : vector<16xf32>
        %max3A_1299 = arith.maximumf %max3A_1296, %min3A_1292 : vector<16xf32>
        %mul3A_1300 = arith.constant 16 : i32
        %mul3A_1301 = arith.muli %mul3A_934, %mul3A_1300 : i32
        %add3A_1302 = arith.constant 32768 : i32
        %add3A_1303 = arith.addi %add3A_1302, %mul3A_1301 : i32
        %get3A_1304 = arith.index_cast %add3A_1303 : i32 to index
        %get3A_1305 = tpu.vector_load %arg5[%get3A_1304] {strides = array<i32>} : memref<50176xf32, #tpu.memory_space<vmem>>, vector<16xf32>,
        %mul3A_1306 = arith.constant 16 : i32
        %mul3A_1307 = arith.muli %mul3A_934, %mul3A_1306 : i32
        %add3A_1308 = arith.constant 33792 : i32
        %add3A_1309 = arith.addi %add3A_1308, %mul3A_1307 : i32
        %get3A_1310 = arith.index_cast %add3A_1309 : i32 to index
        %get3A_1311 = tpu.vector_load %arg5[%get3A_1310] {strides = array<i32>} : memref<50176xf32, #tpu.memory_space<vmem>>, vector<16xf32>,
        %mul3A_1312 = arith.constant 16 : i32
        %mul3A_1313 = arith.muli %mul3A_934, %mul3A_1312 : i32
        %add3A_1314 = arith.constant 34816 : i32
        %add3A_1315 = arith.addi %add3A_1314, %mul3A_1313 : i32
        %get3A_1316 = arith.index_cast %add3A_1315 : i32 to index
        %get3A_1317 = tpu.vector_load %arg5[%get3A_1316] {strides = array<i32>} : memref<50176xf32, #tpu.memory_space<vmem>>, vector<16xf32>,
        %mul3A_1318 = arith.constant 16 : i32
        %mul3A_1319 = arith.muli %mul3A_934, %mul3A_1318 : i32
        %add3A_1320 = arith.constant 35840 : i32
        %add3A_1321 = arith.addi %add3A_1320, %mul3A_1319 : i32
        %get3A_1322 = arith.index_cast %add3A_1321 : i32 to index
        %get3A_1323 = tpu.vector_load %arg5[%get3A_1322] {strides = array<i32>} : memref<50176xf32, #tpu.memory_space<vmem>>, vector<16xf32>,
        %max3A_1324 = arith.maximumf %get3A_1305, %get3A_1311 : vector<16xf32>
        %min3A_1325 = arith.minimumf %get3A_1305, %get3A_1311 : vector<16xf32>
        %max3A_1326 = arith.maximumf %get3A_1317, %get3A_1323 : vector<16xf32>
        %min3A_1327 = arith.minimumf %get3A_1317, %get3A_1323 : vector<16xf32>
        %max3A_1328 = arith.maximumf %max3A_1324, %max3A_1326 : vector<16xf32>
        %min3A_1329 = arith.minimumf %max3A_1324, %max3A_1326 : vector<16xf32>
        %max3A_1330 = arith.maximumf %min3A_1325, %min3A_1327 : vector<16xf32>
        %min3A_1331 = arith.minimumf %min3A_1325, %min3A_1327 : vector<16xf32>
        %max3A_1332 = arith.maximumf %max3A_1330, %min3A_1329 : vector<16xf32>
        %min3A_1333 = arith.minimumf %max3A_1330, %min3A_1329 : vector<16xf32>
        %mul3A_1334 = arith.constant 16 : i32
        %mul3A_1335 = arith.muli %mul3A_934, %mul3A_1334 : i32
        %add3A_1336 = arith.constant 36864 : i32
        %add3A_1337 = arith.addi %add3A_1336, %mul3A_1335 : i32
        %get3A_1338 = arith.index_cast %add3A_1337 : i32 to index
        %get3A_1339 = tpu.vector_load %arg5[%get3A_1338] {strides = array<i32>} : memref<50176xf32, #tpu.memory_space<vmem>>, vector<16xf32>,
        %mul3A_1340 = arith.constant 16 : i32
        %mul3A_1341 = arith.muli %mul3A_934, %mul3A_1340 : i32
        %add3A_1342 = arith.constant 37888 : i32
        %add3A_1343 = arith.addi %add3A_1342, %mul3A_1341 : i32
        %get3A_1344 = arith.index_cast %add3A_1343 : i32 to index
        %get3A_1345 = tpu.vector_load %arg5[%get3A_1344] {strides = array<i32>} : memref<50176xf32, #tpu.memory_space<vmem>>, vector<16xf32>,
        %mul3A_1346 = arith.constant 16 : i32
        %mul3A_1347 = arith.muli %mul3A_934, %mul3A_1346 : i32
        %add3A_1348 = arith.constant 38912 : i32
        %add3A_1349 = arith.addi %add3A_1348, %mul3A_1347 : i32
        %get3A_1350 = arith.index_cast %add3A_1349 : i32 to index
        %get3A_1351 = tpu.vector_load %arg5[%get3A_1350] {strides = array<i32>} : memref<50176xf32, #tpu.memory_space<vmem>>, vector<16xf32>,
        %mul3A_1352 = arith.constant 16 : i32
        %mul3A_1353 = arith.muli %mul3A_934, %mul3A_1352 : i32
        %add3A_1354 = arith.constant 39936 : i32
        %add3A_1355 = arith.addi %add3A_1354, %mul3A_1353 : i32
        %get3A_1356 = arith.index_cast %add3A_1355 : i32 to index
        %get3A_1357 = tpu.vector_load %arg5[%get3A_1356] {strides = array<i32>} : memref<50176xf32, #tpu.memory_space<vmem>>, vector<16xf32>,
        %max3A_1358 = arith.maximumf %get3A_1339, %get3A_1345 : vector<16xf32>
        %min3A_1359 = arith.minimumf %get3A_1339, %get3A_1345 : vector<16xf32>
        %max3A_1360 = arith.maximumf %get3A_1351, %get3A_1357 : vector<16xf32>
        %min3A_1361 = arith.minimumf %get3A_1351, %get3A_1357 : vector<16xf32>
        %max3A_1362 = arith.maximumf %max3A_1358, %max3A_1360 : vector<16xf32>
        %min3A_1363 = arith.minimumf %max3A_1358, %max3A_1360 : vector<16xf32>
        %max3A_1364 = arith.maximumf %min3A_1359, %min3A_1361 : vector<16xf32>
        %min3A_1365 = arith.minimumf %min3A_1359, %min3A_1361 : vector<16xf32>
        %max3A_1366 = arith.maximumf %max3A_1364, %min3A_1363 : vector<16xf32>
        %min3A_1367 = arith.minimumf %max3A_1364, %min3A_1363 : vector<16xf32>
        %max3A_1368 = arith.maximumf %max3A_1328, %max3A_1362 : vector<16xf32>
        %min3A_1369 = arith.minimumf %max3A_1328, %max3A_1362 : vector<16xf32>
        %max3A_1370 = arith.maximumf %min3A_1333, %min3A_1367 : vector<16xf32>
        %max3A_1371 = arith.maximumf %min3A_1369, %max3A_1370 : vector<16xf32>
        %min3A_1372 = arith.minimumf %min3A_1369, %max3A_1370 : vector<16xf32>
        %max3A_1373 = arith.maximumf %max3A_1332, %max3A_1366 : vector<16xf32>
        %min3A_1374 = arith.minimumf %max3A_1332, %max3A_1366 : vector<16xf32>
        %max3A_1375 = arith.maximumf %min3A_1331, %min3A_1365 : vector<16xf32>
        %max3A_1376 = arith.maximumf %min3A_1374, %max3A_1375 : vector<16xf32>
        %max3A_1377 = arith.maximumf %max3A_1373, %max3A_1371 : vector<16xf32>
        %min3A_1378 = arith.minimumf %max3A_1373, %max3A_1371 : vector<16xf32>
        %max3A_1379 = arith.maximumf %max3A_1376, %min3A_1372 : vector<16xf32>
        %mul3A_1380 = arith.constant 16 : i32
        %mul3A_1381 = arith.muli %mul3A_934, %mul3A_1380 : i32
        %add3A_1382 = arith.constant 40960 : i32
        %add3A_1383 = arith.addi %add3A_1382, %mul3A_1381 : i32
        %get3A_1384 = arith.index_cast %add3A_1383 : i32 to index
        %get3A_1385 = tpu.vector_load %arg5[%get3A_1384] {strides = array<i32>} : memref<50176xf32, #tpu.memory_space<vmem>>, vector<16xf32>,
        %mul3A_1386 = arith.constant 16 : i32
        %mul3A_1387 = arith.muli %mul3A_934, %mul3A_1386 : i32
        %add3A_1388 = arith.constant 41984 : i32
        %add3A_1389 = arith.addi %add3A_1388, %mul3A_1387 : i32
        %get3A_1390 = arith.index_cast %add3A_1389 : i32 to index
        %get3A_1391 = tpu.vector_load %arg5[%get3A_1390] {strides = array<i32>} : memref<50176xf32, #tpu.memory_space<vmem>>, vector<16xf32>,
        %mul3A_1392 = arith.constant 16 : i32
        %mul3A_1393 = arith.muli %mul3A_934, %mul3A_1392 : i32
        %add3A_1394 = arith.constant 43008 : i32
        %add3A_1395 = arith.addi %add3A_1394, %mul3A_1393 : i32
        %get3A_1396 = arith.index_cast %add3A_1395 : i32 to index
        %get3A_1397 = tpu.vector_load %arg5[%get3A_1396] {strides = array<i32>} : memref<50176xf32, #tpu.memory_space<vmem>>, vector<16xf32>,
        %mul3A_1398 = arith.constant 16 : i32
        %mul3A_1399 = arith.muli %mul3A_934, %mul3A_1398 : i32
        %add3A_1400 = arith.constant 44032 : i32
        %add3A_1401 = arith.addi %add3A_1400, %mul3A_1399 : i32
        %get3A_1402 = arith.index_cast %add3A_1401 : i32 to index
        %get3A_1403 = tpu.vector_load %arg5[%get3A_1402] {strides = array<i32>} : memref<50176xf32, #tpu.memory_space<vmem>>, vector<16xf32>,
        %max3A_1404 = arith.maximumf %get3A_1385, %get3A_1391 : vector<16xf32>
        %min3A_1405 = arith.minimumf %get3A_1385, %get3A_1391 : vector<16xf32>
        %max3A_1406 = arith.maximumf %get3A_1397, %get3A_1403 : vector<16xf32>
        %min3A_1407 = arith.minimumf %get3A_1397, %get3A_1403 : vector<16xf32>
        %max3A_1408 = arith.maximumf %max3A_1404, %max3A_1406 : vector<16xf32>
        %min3A_1409 = arith.minimumf %max3A_1404, %max3A_1406 : vector<16xf32>
        %max3A_1410 = arith.maximumf %min3A_1405, %min3A_1407 : vector<16xf32>
        %min3A_1411 = arith.minimumf %min3A_1405, %min3A_1407 : vector<16xf32>
        %max3A_1412 = arith.maximumf %max3A_1410, %min3A_1409 : vector<16xf32>
        %min3A_1413 = arith.minimumf %max3A_1410, %min3A_1409 : vector<16xf32>
        %mul3A_1414 = arith.constant 16 : i32
        %mul3A_1415 = arith.muli %mul3A_934, %mul3A_1414 : i32
        %add3A_1416 = arith.constant 45056 : i32
        %add3A_1417 = arith.addi %add3A_1416, %mul3A_1415 : i32
        %get3A_1418 = arith.index_cast %add3A_1417 : i32 to index
        %get3A_1419 = tpu.vector_load %arg5[%get3A_1418] {strides = array<i32>} : memref<50176xf32, #tpu.memory_space<vmem>>, vector<16xf32>,
        %mul3A_1420 = arith.constant 16 : i32
        %mul3A_1421 = arith.muli %mul3A_934, %mul3A_1420 : i32
        %add3A_1422 = arith.constant 46080 : i32
        %add3A_1423 = arith.addi %add3A_1422, %mul3A_1421 : i32
        %get3A_1424 = arith.index_cast %add3A_1423 : i32 to index
        %get3A_1425 = tpu.vector_load %arg5[%get3A_1424] {strides = array<i32>} : memref<50176xf32, #tpu.memory_space<vmem>>, vector<16xf32>,
        %mul3A_1426 = arith.constant 16 : i32
        %mul3A_1427 = arith.muli %mul3A_934, %mul3A_1426 : i32
        %add3A_1428 = arith.constant 47104 : i32
        %add3A_1429 = arith.addi %add3A_1428, %mul3A_1427 : i32
        %get3A_1430 = arith.index_cast %add3A_1429 : i32 to index
        %get3A_1431 = tpu.vector_load %arg5[%get3A_1430] {strides = array<i32>} : memref<50176xf32, #tpu.memory_space<vmem>>, vector<16xf32>,
        %mul3A_1432 = arith.constant 16 : i32
        %mul3A_1433 = arith.muli %mul3A_934, %mul3A_1432 : i32
        %add3A_1434 = arith.constant 48128 : i32
        %add3A_1435 = arith.addi %add3A_1434, %mul3A_1433 : i32
        %get3A_1436 = arith.index_cast %add3A_1435 : i32 to index
        %get3A_1437 = tpu.vector_load %arg5[%get3A_1436] {strides = array<i32>} : memref<50176xf32, #tpu.memory_space<vmem>>, vector<16xf32>,
        %max3A_1438 = arith.maximumf %get3A_1419, %get3A_1425 : vector<16xf32>
        %min3A_1439 = arith.minimumf %get3A_1419, %get3A_1425 : vector<16xf32>
        %max3A_1440 = arith.maximumf %get3A_1431, %get3A_1437 : vector<16xf32>
        %min3A_1441 = arith.minimumf %get3A_1431, %get3A_1437 : vector<16xf32>
        %max3A_1442 = arith.maximumf %max3A_1438, %max3A_1440 : vector<16xf32>
        %min3A_1443 = arith.minimumf %max3A_1438, %max3A_1440 : vector<16xf32>
        %max3A_1444 = arith.maximumf %min3A_1439, %min3A_1441 : vector<16xf32>
        %min3A_1445 = arith.minimumf %min3A_1439, %min3A_1441 : vector<16xf32>
        %max3A_1446 = arith.maximumf %max3A_1444, %min3A_1443 : vector<16xf32>
        %min3A_1447 = arith.minimumf %max3A_1444, %min3A_1443 : vector<16xf32>
        %max3A_1448 = arith.maximumf %max3A_1408, %max3A_1442 : vector<16xf32>
        %min3A_1449 = arith.minimumf %max3A_1408, %max3A_1442 : vector<16xf32>
        %max3A_1450 = arith.maximumf %min3A_1413, %min3A_1447 : vector<16xf32>
        %max3A_1451 = arith.maximumf %min3A_1449, %max3A_1450 : vector<16xf32>
        %min3A_1452 = arith.minimumf %min3A_1449, %max3A_1450 : vector<16xf32>
        %max3A_1453 = arith.maximumf %max3A_1412, %max3A_1446 : vector<16xf32>
        %min3A_1454 = arith.minimumf %max3A_1412, %max3A_1446 : vector<16xf32>
        %max3A_1455 = arith.maximumf %min3A_1411, %min3A_1445 : vector<16xf32>
        %max3A_1456 = arith.maximumf %min3A_1454, %max3A_1455 : vector<16xf32>
        %max3A_1457 = arith.maximumf %max3A_1453, %max3A_1451 : vector<16xf32>
        %min3A_1458 = arith.minimumf %max3A_1453, %max3A_1451 : vector<16xf32>
        %max3A_1459 = arith.maximumf %max3A_1456, %min3A_1452 : vector<16xf32>
        %max3A_1460 = arith.maximumf %max3A_1368, %max3A_1448 : vector<16xf32>
        %min3A_1461 = arith.minimumf %max3A_1368, %max3A_1448 : vector<16xf32>
        %max3A_1462 = arith.maximumf %min3A_1378, %min3A_1458 : vector<16xf32>
        %max3A_1463 = arith.maximumf %min3A_1461, %max3A_1462 : vector<16xf32>
        %min3A_1464 = arith.minimumf %min3A_1461, %max3A_1462 : vector<16xf32>
        %max3A_1465 = arith.maximumf %max3A_1377, %max3A_1457 : vector<16xf32>
        %min3A_1466 = arith.minimumf %max3A_1377, %max3A_1457 : vector<16xf32>
        %max3A_1467 = arith.maximumf %max3A_1379, %max3A_1459 : vector<16xf32>
        %max3A_1468 = arith.maximumf %min3A_1466, %max3A_1467 : vector<16xf32>
        %max3A_1469 = arith.maximumf %max3A_1465, %max3A_1463 : vector<16xf32>
        %min3A_1470 = arith.minimumf %max3A_1465, %max3A_1463 : vector<16xf32>
        %max3A_1471 = arith.maximumf %max3A_1468, %min3A_1464 : vector<16xf32>
        %max3A_1472 = arith.maximumf %max3A_1288, %max3A_1460 : vector<16xf32>
        %min3A_1473 = arith.minimumf %max3A_1288, %max3A_1460 : vector<16xf32>
        %max3A_1474 = arith.maximumf %min3A_1298, %min3A_1470 : vector<16xf32>
        %max3A_1475 = arith.maximumf %min3A_1473, %max3A_1474 : vector<16xf32>
        %min3A_1476 = arith.minimumf %min3A_1473, %max3A_1474 : vector<16xf32>
        %max3A_1477 = arith.maximumf %max3A_1297, %max3A_1469 : vector<16xf32>
        %min3A_1478 = arith.minimumf %max3A_1297, %max3A_1469 : vector<16xf32>
        %max3A_1479 = arith.maximumf %max3A_1299, %max3A_1471 : vector<16xf32>
        %max3A_1480 = arith.maximumf %min3A_1478, %max3A_1479 : vector<16xf32>
        %max3A_1481 = arith.maximumf %max3A_1477, %max3A_1475 : vector<16xf32>
        %min3A_1482 = arith.minimumf %max3A_1477, %max3A_1475 : vector<16xf32>
        %max3A_1483 = arith.maximumf %max3A_1480, %min3A_1476 : vector<16xf32>
        %mul3A_1484 = arith.constant 16 : i32
        %mul3A_1485 = arith.muli %mul3A_934, %mul3A_1484 : i32
        %add3A_1486 = arith.constant 49152 : i32
        %add3A_1487 = arith.addi %add3A_1486, %mul3A_1485 : i32
        %get3A_1488 = arith.index_cast %add3A_1487 : i32 to index
        %get3A_1489 = tpu.vector_load %arg5[%get3A_1488] {strides = array<i32>} : memref<50176xf32, #tpu.memory_space<vmem>>, vector<16xf32>,
        %min3A_1490 = arith.minimumf %max3A_1472, %get3A_1489 : vector<16xf32>
        %max3A_1491 = arith.maximumf %max3A_1472, %get3A_1489 : vector<16xf32>
        %min3A_1492 = arith.minimumf %max3A_1481, %min3A_1490 : vector<16xf32>
        %max3A_1493 = arith.maximumf %max3A_1481, %min3A_1490 : vector<16xf32>
        %min3A_1494 = arith.minimumf %min3A_1482, %min3A_1492 : vector<16xf32>
        %max3A_1495 = arith.maximumf %min3A_1482, %min3A_1492 : vector<16xf32>
        %max3A_1496 = arith.maximumf %max3A_1483, %min3A_1494 : vector<16xf32>
        %add3A_1497 = arith.addf %max3A_1491, %max3A_1493 : vector<16xf32>
        %add3A_1498 = arith.addf %add3A_1497, %max3A_1495 : vector<16xf32>
        %add3A_1499 = arith.addf %add3A_1498, %max3A_1496 : vector<16xf32>
        %mul3A_1500 = arith.constant 2.500000e-01 : f32
        %mul3A_1501 = vector.broadcast %mul3A_1500 : f32 to vector<16xf32>
        %mul3A_1502 = arith.mulf %add3A_1499, %mul3A_1501 : vector<16xf32>
        %swap3A = arith.index_cast %add3A_946 : i32 to index
        %swap3A_1503 = tpu.vector_load %arg6[%swap3A] {strides = array<i32>} : memref<4096xf32, #tpu.memory_space<vmem>>, vector<16xf32>,
        tpu.vector_store %arg6[%swap3A], %mul3A_1502 {strides = array<i32>} : memref<4096xf32, #tpu.memory_space<vmem>>, vector<16xf32>,
        %add3A_1504 = arith.constant 1 : i32
        %add3A_1505 = arith.addi %mul3A_934, %add3A_1504 : i32
        %shift_right_arithmetic3A_1506 = arith.constant 3 : i32
        %shift_right_arithmetic3A_1507 = arith.shrsi %add3A_1505, %shift_right_arithmetic3A_1506 : i32
        %mul3A_1508 = arith.constant 4 : i32
        %mul3A_1509 = arith.muli %shift_right_arithmetic3A_1507, %mul3A_1508 : i32
        %shift_left3A_1510 = arith.constant 7 : i32
        %shift_left3A_1511 = arith.shli %mul3A_1509, %shift_left3A_1510 : i32
        %shift_left3A_1512 = arith.constant 7 : i32
        %shift_left3A_1513 = arith.shli %add3A_925, %shift_left3A_1512 : i32
        %add3A_1514 = arith.addi %shift_left3A_1511, %shift_left3A_1513 : i32
        %and3A_1515 = arith.constant 7 : i32
        %and3A_1516 = arith.andi %add3A_1505, %and3A_1515 : i32
        %shift_left3A_1517 = arith.constant 4 : i32
        %shift_left3A_1518 = arith.shli %and3A_1516, %shift_left3A_1517 : i32
        %add3A_1519 = arith.addi %add3A_1514, %shift_left3A_1518 : i32
        %mul3A_1520 = arith.constant 16 : i32
        %mul3A_1521 = arith.muli %add3A_1505, %mul3A_1520 : i32
        %add3A_1522 = arith.constant 0 : i32
        %add3A_1523 = arith.addi %add3A_1522, %mul3A_1521 : i32
        %get3A_1524 = arith.index_cast %add3A_1523 : i32 to index
        %get3A_1525 = tpu.vector_load %arg5[%get3A_1524] {strides = array<i32>} : memref<50176xf32, #tpu.memory_space<vmem>>, vector<16xf32>,
        %mul3A_1526 = arith.constant 16 : i32
        %mul3A_1527 = arith.muli %add3A_1505, %mul3A_1526 : i32
        %add3A_1528 = arith.constant 1024 : i32
        %add3A_1529 = arith.addi %add3A_1528, %mul3A_1527 : i32
        %get3A_1530 = arith.index_cast %add3A_1529 : i32 to index
        %get3A_1531 = tpu.vector_load %arg5[%get3A_1530] {strides = array<i32>} : memref<50176xf32, #tpu.memory_space<vmem>>, vector<16xf32>,
        %mul3A_1532 = arith.constant 16 : i32
        %mul3A_1533 = arith.muli %add3A_1505, %mul3A_1532 : i32
        %add3A_1534 = arith.constant 2048 : i32
        %add3A_1535 = arith.addi %add3A_1534, %mul3A_1533 : i32
        %get3A_1536 = arith.index_cast %add3A_1535 : i32 to index
        %get3A_1537 = tpu.vector_load %arg5[%get3A_1536] {strides = array<i32>} : memref<50176xf32, #tpu.memory_space<vmem>>, vector<16xf32>,
        %mul3A_1538 = arith.constant 16 : i32
        %mul3A_1539 = arith.muli %add3A_1505, %mul3A_1538 : i32
        %add3A_1540 = arith.constant 3072 : i32
        %add3A_1541 = arith.addi %add3A_1540, %mul3A_1539 : i32
        %get3A_1542 = arith.index_cast %add3A_1541 : i32 to index
        %get3A_1543 = tpu.vector_load %arg5[%get3A_1542] {strides = array<i32>} : memref<50176xf32, #tpu.memory_space<vmem>>, vector<16xf32>,
        %max3A_1544 = arith.maximumf %get3A_1525, %get3A_1531 : vector<16xf32>
        %min3A_1545 = arith.minimumf %get3A_1525, %get3A_1531 : vector<16xf32>
        %max3A_1546 = arith.maximumf %get3A_1537, %get3A_1543 : vector<16xf32>
        %min3A_1547 = arith.minimumf %get3A_1537, %get3A_1543 : vector<16xf32>
        %max3A_1548 = arith.maximumf %max3A_1544, %max3A_1546 : vector<16xf32>
        %min3A_1549 = arith.minimumf %max3A_1544, %max3A_1546 : vector<16xf32>
        %max3A_1550 = arith.maximumf %min3A_1545, %min3A_1547 : vector<16xf32>
        %min3A_1551 = arith.minimumf %min3A_1545, %min3A_1547 : vector<16xf32>
        %max3A_1552 = arith.maximumf %max3A_1550, %min3A_1549 : vector<16xf32>
        %min3A_1553 = arith.minimumf %max3A_1550, %min3A_1549 : vector<16xf32>
        %mul3A_1554 = arith.constant 16 : i32
        %mul3A_1555 = arith.muli %add3A_1505, %mul3A_1554 : i32
        %add3A_1556 = arith.constant 4096 : i32
        %add3A_1557 = arith.addi %add3A_1556, %mul3A_1555 : i32
        %get3A_1558 = arith.index_cast %add3A_1557 : i32 to index
        %get3A_1559 = tpu.vector_load %arg5[%get3A_1558] {strides = array<i32>} : memref<50176xf32, #tpu.memory_space<vmem>>, vector<16xf32>,
        %mul3A_1560 = arith.constant 16 : i32
        %mul3A_1561 = arith.muli %add3A_1505, %mul3A_1560 : i32
        %add3A_1562 = arith.constant 5120 : i32
        %add3A_1563 = arith.addi %add3A_1562, %mul3A_1561 : i32
        %get3A_1564 = arith.index_cast %add3A_1563 : i32 to index
        %get3A_1565 = tpu.vector_load %arg5[%get3A_1564] {strides = array<i32>} : memref<50176xf32, #tpu.memory_space<vmem>>, vector<16xf32>,
        %mul3A_1566 = arith.constant 16 : i32
        %mul3A_1567 = arith.muli %add3A_1505, %mul3A_1566 : i32
        %add3A_1568 = arith.constant 6144 : i32
        %add3A_1569 = arith.addi %add3A_1568, %mul3A_1567 : i32
        %get3A_1570 = arith.index_cast %add3A_1569 : i32 to index
        %get3A_1571 = tpu.vector_load %arg5[%get3A_1570] {strides = array<i32>} : memref<50176xf32, #tpu.memory_space<vmem>>, vector<16xf32>,
        %mul3A_1572 = arith.constant 16 : i32
        %mul3A_1573 = arith.muli %add3A_1505, %mul3A_1572 : i32
        %add3A_1574 = arith.constant 7168 : i32
        %add3A_1575 = arith.addi %add3A_1574, %mul3A_1573 : i32
        %get3A_1576 = arith.index_cast %add3A_1575 : i32 to index
        %get3A_1577 = tpu.vector_load %arg5[%get3A_1576] {strides = array<i32>} : memref<50176xf32, #tpu.memory_space<vmem>>, vector<16xf32>,
        %max3A_1578 = arith.maximumf %get3A_1559, %get3A_1565 : vector<16xf32>
        %min3A_1579 = arith.minimumf %get3A_1559, %get3A_1565 : vector<16xf32>
        %max3A_1580 = arith.maximumf %get3A_1571, %get3A_1577 : vector<16xf32>
        %min3A_1581 = arith.minimumf %get3A_1571, %get3A_1577 : vector<16xf32>
        %max3A_1582 = arith.maximumf %max3A_1578, %max3A_1580 : vector<16xf32>
        %min3A_1583 = arith.minimumf %max3A_1578, %max3A_1580 : vector<16xf32>
        %max3A_1584 = arith.maximumf %min3A_1579, %min3A_1581 : vector<16xf32>
        %min3A_1585 = arith.minimumf %min3A_1579, %min3A_1581 : vector<16xf32>
        %max3A_1586 = arith.maximumf %max3A_1584, %min3A_1583 : vector<16xf32>
        %min3A_1587 = arith.minimumf %max3A_1584, %min3A_1583 : vector<16xf32>
        %max3A_1588 = arith.maximumf %max3A_1548, %max3A_1582 : vector<16xf32>
        %min3A_1589 = arith.minimumf %max3A_1548, %max3A_1582 : vector<16xf32>
        %max3A_1590 = arith.maximumf %min3A_1553, %min3A_1587 : vector<16xf32>
        %max3A_1591 = arith.maximumf %min3A_1589, %max3A_1590 : vector<16xf32>
        %min3A_1592 = arith.minimumf %min3A_1589, %max3A_1590 : vector<16xf32>
        %max3A_1593 = arith.maximumf %max3A_1552, %max3A_1586 : vector<16xf32>
        %min3A_1594 = arith.minimumf %max3A_1552, %max3A_1586 : vector<16xf32>
        %max3A_1595 = arith.maximumf %min3A_1551, %min3A_1585 : vector<16xf32>
        %max3A_1596 = arith.maximumf %min3A_1594, %max3A_1595 : vector<16xf32>
        %max3A_1597 = arith.maximumf %max3A_1593, %max3A_1591 : vector<16xf32>
        %min3A_1598 = arith.minimumf %max3A_1593, %max3A_1591 : vector<16xf32>
        %max3A_1599 = arith.maximumf %max3A_1596, %min3A_1592 : vector<16xf32>
        %mul3A_1600 = arith.constant 16 : i32
        %mul3A_1601 = arith.muli %add3A_1505, %mul3A_1600 : i32
        %add3A_1602 = arith.constant 8192 : i32
        %add3A_1603 = arith.addi %add3A_1602, %mul3A_1601 : i32
        %get3A_1604 = arith.index_cast %add3A_1603 : i32 to index
        %get3A_1605 = tpu.vector_load %arg5[%get3A_1604] {strides = array<i32>} : memref<50176xf32, #tpu.memory_space<vmem>>, vector<16xf32>,
        %mul3A_1606 = arith.constant 16 : i32
        %mul3A_1607 = arith.muli %add3A_1505, %mul3A_1606 : i32
        %add3A_1608 = arith.constant 9216 : i32
        %add3A_1609 = arith.addi %add3A_1608, %mul3A_1607 : i32
        %get3A_1610 = arith.index_cast %add3A_1609 : i32 to index
        %get3A_1611 = tpu.vector_load %arg5[%get3A_1610] {strides = array<i32>} : memref<50176xf32, #tpu.memory_space<vmem>>, vector<16xf32>,
        %mul3A_1612 = arith.constant 16 : i32
        %mul3A_1613 = arith.muli %add3A_1505, %mul3A_1612 : i32
        %add3A_1614 = arith.constant 10240 : i32
        %add3A_1615 = arith.addi %add3A_1614, %mul3A_1613 : i32
        %get3A_1616 = arith.index_cast %add3A_1615 : i32 to index
        %get3A_1617 = tpu.vector_load %arg5[%get3A_1616] {strides = array<i32>} : memref<50176xf32, #tpu.memory_space<vmem>>, vector<16xf32>,
        %mul3A_1618 = arith.constant 16 : i32
        %mul3A_1619 = arith.muli %add3A_1505, %mul3A_1618 : i32
        %add3A_1620 = arith.constant 11264 : i32
        %add3A_1621 = arith.addi %add3A_1620, %mul3A_1619 : i32
        %get3A_1622 = arith.index_cast %add3A_1621 : i32 to index
        %get3A_1623 = tpu.vector_load %arg5[%get3A_1622] {strides = array<i32>} : memref<50176xf32, #tpu.memory_space<vmem>>, vector<16xf32>,
        %max3A_1624 = arith.maximumf %get3A_1605, %get3A_1611 : vector<16xf32>
        %min3A_1625 = arith.minimumf %get3A_1605, %get3A_1611 : vector<16xf32>
        %max3A_1626 = arith.maximumf %get3A_1617, %get3A_1623 : vector<16xf32>
        %min3A_1627 = arith.minimumf %get3A_1617, %get3A_1623 : vector<16xf32>
        %max3A_1628 = arith.maximumf %max3A_1624, %max3A_1626 : vector<16xf32>
        %min3A_1629 = arith.minimumf %max3A_1624, %max3A_1626 : vector<16xf32>
        %max3A_1630 = arith.maximumf %min3A_1625, %min3A_1627 : vector<16xf32>
        %min3A_1631 = arith.minimumf %min3A_1625, %min3A_1627 : vector<16xf32>
        %max3A_1632 = arith.maximumf %max3A_1630, %min3A_1629 : vector<16xf32>
        %min3A_1633 = arith.minimumf %max3A_1630, %min3A_1629 : vector<16xf32>
        %mul3A_1634 = arith.constant 16 : i32
        %mul3A_1635 = arith.muli %add3A_1505, %mul3A_1634 : i32
        %add3A_1636 = arith.constant 12288 : i32
        %add3A_1637 = arith.addi %add3A_1636, %mul3A_1635 : i32
        %get3A_1638 = arith.index_cast %add3A_1637 : i32 to index
        %get3A_1639 = tpu.vector_load %arg5[%get3A_1638] {strides = array<i32>} : memref<50176xf32, #tpu.memory_space<vmem>>, vector<16xf32>,
        %mul3A_1640 = arith.constant 16 : i32
        %mul3A_1641 = arith.muli %add3A_1505, %mul3A_1640 : i32
        %add3A_1642 = arith.constant 13312 : i32
        %add3A_1643 = arith.addi %add3A_1642, %mul3A_1641 : i32
        %get3A_1644 = arith.index_cast %add3A_1643 : i32 to index
        %get3A_1645 = tpu.vector_load %arg5[%get3A_1644] {strides = array<i32>} : memref<50176xf32, #tpu.memory_space<vmem>>, vector<16xf32>,
        %mul3A_1646 = arith.constant 16 : i32
        %mul3A_1647 = arith.muli %add3A_1505, %mul3A_1646 : i32
        %add3A_1648 = arith.constant 14336 : i32
        %add3A_1649 = arith.addi %add3A_1648, %mul3A_1647 : i32
        %get3A_1650 = arith.index_cast %add3A_1649 : i32 to index
        %get3A_1651 = tpu.vector_load %arg5[%get3A_1650] {strides = array<i32>} : memref<50176xf32, #tpu.memory_space<vmem>>, vector<16xf32>,
        %mul3A_1652 = arith.constant 16 : i32
        %mul3A_1653 = arith.muli %add3A_1505, %mul3A_1652 : i32
        %add3A_1654 = arith.constant 15360 : i32
        %add3A_1655 = arith.addi %add3A_1654, %mul3A_1653 : i32
        %get3A_1656 = arith.index_cast %add3A_1655 : i32 to index
        %get3A_1657 = tpu.vector_load %arg5[%get3A_1656] {strides = array<i32>} : memref<50176xf32, #tpu.memory_space<vmem>>, vector<16xf32>,
        %max3A_1658 = arith.maximumf %get3A_1639, %get3A_1645 : vector<16xf32>
        %min3A_1659 = arith.minimumf %get3A_1639, %get3A_1645 : vector<16xf32>
        %max3A_1660 = arith.maximumf %get3A_1651, %get3A_1657 : vector<16xf32>
        %min3A_1661 = arith.minimumf %get3A_1651, %get3A_1657 : vector<16xf32>
        %max3A_1662 = arith.maximumf %max3A_1658, %max3A_1660 : vector<16xf32>
        %min3A_1663 = arith.minimumf %max3A_1658, %max3A_1660 : vector<16xf32>
        %max3A_1664 = arith.maximumf %min3A_1659, %min3A_1661 : vector<16xf32>
        %min3A_1665 = arith.minimumf %min3A_1659, %min3A_1661 : vector<16xf32>
        %max3A_1666 = arith.maximumf %max3A_1664, %min3A_1663 : vector<16xf32>
        %min3A_1667 = arith.minimumf %max3A_1664, %min3A_1663 : vector<16xf32>
        %max3A_1668 = arith.maximumf %max3A_1628, %max3A_1662 : vector<16xf32>
        %min3A_1669 = arith.minimumf %max3A_1628, %max3A_1662 : vector<16xf32>
        %max3A_1670 = arith.maximumf %min3A_1633, %min3A_1667 : vector<16xf32>
        %max3A_1671 = arith.maximumf %min3A_1669, %max3A_1670 : vector<16xf32>
        %min3A_1672 = arith.minimumf %min3A_1669, %max3A_1670 : vector<16xf32>
        %max3A_1673 = arith.maximumf %max3A_1632, %max3A_1666 : vector<16xf32>
        %min3A_1674 = arith.minimumf %max3A_1632, %max3A_1666 : vector<16xf32>
        %max3A_1675 = arith.maximumf %min3A_1631, %min3A_1665 : vector<16xf32>
        %max3A_1676 = arith.maximumf %min3A_1674, %max3A_1675 : vector<16xf32>
        %max3A_1677 = arith.maximumf %max3A_1673, %max3A_1671 : vector<16xf32>
        %min3A_1678 = arith.minimumf %max3A_1673, %max3A_1671 : vector<16xf32>
        %max3A_1679 = arith.maximumf %max3A_1676, %min3A_1672 : vector<16xf32>
        %max3A_1680 = arith.maximumf %max3A_1588, %max3A_1668 : vector<16xf32>
        %min3A_1681 = arith.minimumf %max3A_1588, %max3A_1668 : vector<16xf32>
        %max3A_1682 = arith.maximumf %min3A_1598, %min3A_1678 : vector<16xf32>
        %max3A_1683 = arith.maximumf %min3A_1681, %max3A_1682 : vector<16xf32>
        %min3A_1684 = arith.minimumf %min3A_1681, %max3A_1682 : vector<16xf32>
        %max3A_1685 = arith.maximumf %max3A_1597, %max3A_1677 : vector<16xf32>
        %min3A_1686 = arith.minimumf %max3A_1597, %max3A_1677 : vector<16xf32>
        %max3A_1687 = arith.maximumf %max3A_1599, %max3A_1679 : vector<16xf32>
        %max3A_1688 = arith.maximumf %min3A_1686, %max3A_1687 : vector<16xf32>
        %max3A_1689 = arith.maximumf %max3A_1685, %max3A_1683 : vector<16xf32>
        %min3A_1690 = arith.minimumf %max3A_1685, %max3A_1683 : vector<16xf32>
        %max3A_1691 = arith.maximumf %max3A_1688, %min3A_1684 : vector<16xf32>
        %mul3A_1692 = arith.constant 16 : i32
        %mul3A_1693 = arith.muli %add3A_1505, %mul3A_1692 : i32
        %add3A_1694 = arith.constant 16384 : i32
        %add3A_1695 = arith.addi %add3A_1694, %mul3A_1693 : i32
        %get3A_1696 = arith.index_cast %add3A_1695 : i32 to index
        %get3A_1697 = tpu.vector_load %arg5[%get3A_1696] {strides = array<i32>} : memref<50176xf32, #tpu.memory_space<vmem>>, vector<16xf32>,
        %mul3A_1698 = arith.constant 16 : i32
        %mul3A_1699 = arith.muli %add3A_1505, %mul3A_1698 : i32
        %add3A_1700 = arith.constant 17408 : i32
        %add3A_1701 = arith.addi %add3A_1700, %mul3A_1699 : i32
        %get3A_1702 = arith.index_cast %add3A_1701 : i32 to index
        %get3A_1703 = tpu.vector_load %arg5[%get3A_1702] {strides = array<i32>} : memref<50176xf32, #tpu.memory_space<vmem>>, vector<16xf32>,
        %mul3A_1704 = arith.constant 16 : i32
        %mul3A_1705 = arith.muli %add3A_1505, %mul3A_1704 : i32
        %add3A_1706 = arith.constant 18432 : i32
        %add3A_1707 = arith.addi %add3A_1706, %mul3A_1705 : i32
        %get3A_1708 = arith.index_cast %add3A_1707 : i32 to index
        %get3A_1709 = tpu.vector_load %arg5[%get3A_1708] {strides = array<i32>} : memref<50176xf32, #tpu.memory_space<vmem>>, vector<16xf32>,
        %mul3A_1710 = arith.constant 16 : i32
        %mul3A_1711 = arith.muli %add3A_1505, %mul3A_1710 : i32
        %add3A_1712 = arith.constant 19456 : i32
        %add3A_1713 = arith.addi %add3A_1712, %mul3A_1711 : i32
        %get3A_1714 = arith.index_cast %add3A_1713 : i32 to index
        %get3A_1715 = tpu.vector_load %arg5[%get3A_1714] {strides = array<i32>} : memref<50176xf32, #tpu.memory_space<vmem>>, vector<16xf32>,
        %max3A_1716 = arith.maximumf %get3A_1697, %get3A_1703 : vector<16xf32>
        %min3A_1717 = arith.minimumf %get3A_1697, %get3A_1703 : vector<16xf32>
        %max3A_1718 = arith.maximumf %get3A_1709, %get3A_1715 : vector<16xf32>
        %min3A_1719 = arith.minimumf %get3A_1709, %get3A_1715 : vector<16xf32>
        %max3A_1720 = arith.maximumf %max3A_1716, %max3A_1718 : vector<16xf32>
        %min3A_1721 = arith.minimumf %max3A_1716, %max3A_1718 : vector<16xf32>
        %max3A_1722 = arith.maximumf %min3A_1717, %min3A_1719 : vector<16xf32>
        %min3A_1723 = arith.minimumf %min3A_1717, %min3A_1719 : vector<16xf32>
        %max3A_1724 = arith.maximumf %max3A_1722, %min3A_1721 : vector<16xf32>
        %min3A_1725 = arith.minimumf %max3A_1722, %min3A_1721 : vector<16xf32>
        %mul3A_1726 = arith.constant 16 : i32
        %mul3A_1727 = arith.muli %add3A_1505, %mul3A_1726 : i32
        %add3A_1728 = arith.constant 20480 : i32
        %add3A_1729 = arith.addi %add3A_1728, %mul3A_1727 : i32
        %get3A_1730 = arith.index_cast %add3A_1729 : i32 to index
        %get3A_1731 = tpu.vector_load %arg5[%get3A_1730] {strides = array<i32>} : memref<50176xf32, #tpu.memory_space<vmem>>, vector<16xf32>,
        %mul3A_1732 = arith.constant 16 : i32
        %mul3A_1733 = arith.muli %add3A_1505, %mul3A_1732 : i32
        %add3A_1734 = arith.constant 21504 : i32
        %add3A_1735 = arith.addi %add3A_1734, %mul3A_1733 : i32
        %get3A_1736 = arith.index_cast %add3A_1735 : i32 to index
        %get3A_1737 = tpu.vector_load %arg5[%get3A_1736] {strides = array<i32>} : memref<50176xf32, #tpu.memory_space<vmem>>, vector<16xf32>,
        %mul3A_1738 = arith.constant 16 : i32
        %mul3A_1739 = arith.muli %add3A_1505, %mul3A_1738 : i32
        %add3A_1740 = arith.constant 22528 : i32
        %add3A_1741 = arith.addi %add3A_1740, %mul3A_1739 : i32
        %get3A_1742 = arith.index_cast %add3A_1741 : i32 to index
        %get3A_1743 = tpu.vector_load %arg5[%get3A_1742] {strides = array<i32>} : memref<50176xf32, #tpu.memory_space<vmem>>, vector<16xf32>,
        %mul3A_1744 = arith.constant 16 : i32
        %mul3A_1745 = arith.muli %add3A_1505, %mul3A_1744 : i32
        %add3A_1746 = arith.constant 23552 : i32
        %add3A_1747 = arith.addi %add3A_1746, %mul3A_1745 : i32
        %get3A_1748 = arith.index_cast %add3A_1747 : i32 to index
        %get3A_1749 = tpu.vector_load %arg5[%get3A_1748] {strides = array<i32>} : memref<50176xf32, #tpu.memory_space<vmem>>, vector<16xf32>,
        %max3A_1750 = arith.maximumf %get3A_1731, %get3A_1737 : vector<16xf32>
        %min3A_1751 = arith.minimumf %get3A_1731, %get3A_1737 : vector<16xf32>
        %max3A_1752 = arith.maximumf %get3A_1743, %get3A_1749 : vector<16xf32>
        %min3A_1753 = arith.minimumf %get3A_1743, %get3A_1749 : vector<16xf32>
        %max3A_1754 = arith.maximumf %max3A_1750, %max3A_1752 : vector<16xf32>
        %min3A_1755 = arith.minimumf %max3A_1750, %max3A_1752 : vector<16xf32>
        %max3A_1756 = arith.maximumf %min3A_1751, %min3A_1753 : vector<16xf32>
        %min3A_1757 = arith.minimumf %min3A_1751, %min3A_1753 : vector<16xf32>
        %max3A_1758 = arith.maximumf %max3A_1756, %min3A_1755 : vector<16xf32>
        %min3A_1759 = arith.minimumf %max3A_1756, %min3A_1755 : vector<16xf32>
        %max3A_1760 = arith.maximumf %max3A_1720, %max3A_1754 : vector<16xf32>
        %min3A_1761 = arith.minimumf %max3A_1720, %max3A_1754 : vector<16xf32>
        %max3A_1762 = arith.maximumf %min3A_1725, %min3A_1759 : vector<16xf32>
        %max3A_1763 = arith.maximumf %min3A_1761, %max3A_1762 : vector<16xf32>
        %min3A_1764 = arith.minimumf %min3A_1761, %max3A_1762 : vector<16xf32>
        %max3A_1765 = arith.maximumf %max3A_1724, %max3A_1758 : vector<16xf32>
        %min3A_1766 = arith.minimumf %max3A_1724, %max3A_1758 : vector<16xf32>
        %max3A_1767 = arith.maximumf %min3A_1723, %min3A_1757 : vector<16xf32>
        %max3A_1768 = arith.maximumf %min3A_1766, %max3A_1767 : vector<16xf32>
        %max3A_1769 = arith.maximumf %max3A_1765, %max3A_1763 : vector<16xf32>
        %min3A_1770 = arith.minimumf %max3A_1765, %max3A_1763 : vector<16xf32>
        %max3A_1771 = arith.maximumf %max3A_1768, %min3A_1764 : vector<16xf32>
        %mul3A_1772 = arith.constant 16 : i32
        %mul3A_1773 = arith.muli %add3A_1505, %mul3A_1772 : i32
        %add3A_1774 = arith.constant 24576 : i32
        %add3A_1775 = arith.addi %add3A_1774, %mul3A_1773 : i32
        %get3A_1776 = arith.index_cast %add3A_1775 : i32 to index
        %get3A_1777 = tpu.vector_load %arg5[%get3A_1776] {strides = array<i32>} : memref<50176xf32, #tpu.memory_space<vmem>>, vector<16xf32>,
        %mul3A_1778 = arith.constant 16 : i32
        %mul3A_1779 = arith.muli %add3A_1505, %mul3A_1778 : i32
        %add3A_1780 = arith.constant 25600 : i32
        %add3A_1781 = arith.addi %add3A_1780, %mul3A_1779 : i32
        %get3A_1782 = arith.index_cast %add3A_1781 : i32 to index
        %get3A_1783 = tpu.vector_load %arg5[%get3A_1782] {strides = array<i32>} : memref<50176xf32, #tpu.memory_space<vmem>>, vector<16xf32>,
        %mul3A_1784 = arith.constant 16 : i32
        %mul3A_1785 = arith.muli %add3A_1505, %mul3A_1784 : i32
        %add3A_1786 = arith.constant 26624 : i32
        %add3A_1787 = arith.addi %add3A_1786, %mul3A_1785 : i32
        %get3A_1788 = arith.index_cast %add3A_1787 : i32 to index
        %get3A_1789 = tpu.vector_load %arg5[%get3A_1788] {strides = array<i32>} : memref<50176xf32, #tpu.memory_space<vmem>>, vector<16xf32>,
        %mul3A_1790 = arith.constant 16 : i32
        %mul3A_1791 = arith.muli %add3A_1505, %mul3A_1790 : i32
        %add3A_1792 = arith.constant 27648 : i32
        %add3A_1793 = arith.addi %add3A_1792, %mul3A_1791 : i32
        %get3A_1794 = arith.index_cast %add3A_1793 : i32 to index
        %get3A_1795 = tpu.vector_load %arg5[%get3A_1794] {strides = array<i32>} : memref<50176xf32, #tpu.memory_space<vmem>>, vector<16xf32>,
        %max3A_1796 = arith.maximumf %get3A_1777, %get3A_1783 : vector<16xf32>
        %min3A_1797 = arith.minimumf %get3A_1777, %get3A_1783 : vector<16xf32>
        %max3A_1798 = arith.maximumf %get3A_1789, %get3A_1795 : vector<16xf32>
        %min3A_1799 = arith.minimumf %get3A_1789, %get3A_1795 : vector<16xf32>
        %max3A_1800 = arith.maximumf %max3A_1796, %max3A_1798 : vector<16xf32>
        %min3A_1801 = arith.minimumf %max3A_1796, %max3A_1798 : vector<16xf32>
        %max3A_1802 = arith.maximumf %min3A_1797, %min3A_1799 : vector<16xf32>
        %min3A_1803 = arith.minimumf %min3A_1797, %min3A_1799 : vector<16xf32>
        %max3A_1804 = arith.maximumf %max3A_1802, %min3A_1801 : vector<16xf32>
        %min3A_1805 = arith.minimumf %max3A_1802, %min3A_1801 : vector<16xf32>
        %mul3A_1806 = arith.constant 16 : i32
        %mul3A_1807 = arith.muli %add3A_1505, %mul3A_1806 : i32
        %add3A_1808 = arith.constant 28672 : i32
        %add3A_1809 = arith.addi %add3A_1808, %mul3A_1807 : i32
        %get3A_1810 = arith.index_cast %add3A_1809 : i32 to index
        %get3A_1811 = tpu.vector_load %arg5[%get3A_1810] {strides = array<i32>} : memref<50176xf32, #tpu.memory_space<vmem>>, vector<16xf32>,
        %mul3A_1812 = arith.constant 16 : i32
        %mul3A_1813 = arith.muli %add3A_1505, %mul3A_1812 : i32
        %add3A_1814 = arith.constant 29696 : i32
        %add3A_1815 = arith.addi %add3A_1814, %mul3A_1813 : i32
        %get3A_1816 = arith.index_cast %add3A_1815 : i32 to index
        %get3A_1817 = tpu.vector_load %arg5[%get3A_1816] {strides = array<i32>} : memref<50176xf32, #tpu.memory_space<vmem>>, vector<16xf32>,
        %mul3A_1818 = arith.constant 16 : i32
        %mul3A_1819 = arith.muli %add3A_1505, %mul3A_1818 : i32
        %add3A_1820 = arith.constant 30720 : i32
        %add3A_1821 = arith.addi %add3A_1820, %mul3A_1819 : i32
        %get3A_1822 = arith.index_cast %add3A_1821 : i32 to index
        %get3A_1823 = tpu.vector_load %arg5[%get3A_1822] {strides = array<i32>} : memref<50176xf32, #tpu.memory_space<vmem>>, vector<16xf32>,
        %mul3A_1824 = arith.constant 16 : i32
        %mul3A_1825 = arith.muli %add3A_1505, %mul3A_1824 : i32
        %add3A_1826 = arith.constant 31744 : i32
        %add3A_1827 = arith.addi %add3A_1826, %mul3A_1825 : i32
        %get3A_1828 = arith.index_cast %add3A_1827 : i32 to index
        %get3A_1829 = tpu.vector_load %arg5[%get3A_1828] {strides = array<i32>} : memref<50176xf32, #tpu.memory_space<vmem>>, vector<16xf32>,
        %max3A_1830 = arith.maximumf %get3A_1811, %get3A_1817 : vector<16xf32>
        %min3A_1831 = arith.minimumf %get3A_1811, %get3A_1817 : vector<16xf32>
        %max3A_1832 = arith.maximumf %get3A_1823, %get3A_1829 : vector<16xf32>
        %min3A_1833 = arith.minimumf %get3A_1823, %get3A_1829 : vector<16xf32>
        %max3A_1834 = arith.maximumf %max3A_1830, %max3A_1832 : vector<16xf32>
        %min3A_1835 = arith.minimumf %max3A_1830, %max3A_1832 : vector<16xf32>
        %max3A_1836 = arith.maximumf %min3A_1831, %min3A_1833 : vector<16xf32>
        %min3A_1837 = arith.minimumf %min3A_1831, %min3A_1833 : vector<16xf32>
        %max3A_1838 = arith.maximumf %max3A_1836, %min3A_1835 : vector<16xf32>
        %min3A_1839 = arith.minimumf %max3A_1836, %min3A_1835 : vector<16xf32>
        %max3A_1840 = arith.maximumf %max3A_1800, %max3A_1834 : vector<16xf32>
        %min3A_1841 = arith.minimumf %max3A_1800, %max3A_1834 : vector<16xf32>
        %max3A_1842 = arith.maximumf %min3A_1805, %min3A_1839 : vector<16xf32>
        %max3A_1843 = arith.maximumf %min3A_1841, %max3A_1842 : vector<16xf32>
        %min3A_1844 = arith.minimumf %min3A_1841, %max3A_1842 : vector<16xf32>
        %max3A_1845 = arith.maximumf %max3A_1804, %max3A_1838 : vector<16xf32>
        %min3A_1846 = arith.minimumf %max3A_1804, %max3A_1838 : vector<16xf32>
        %max3A_1847 = arith.maximumf %min3A_1803, %min3A_1837 : vector<16xf32>
        %max3A_1848 = arith.maximumf %min3A_1846, %max3A_1847 : vector<16xf32>
        %max3A_1849 = arith.maximumf %max3A_1845, %max3A_1843 : vector<16xf32>
        %min3A_1850 = arith.minimumf %max3A_1845, %max3A_1843 : vector<16xf32>
        %max3A_1851 = arith.maximumf %max3A_1848, %min3A_1844 : vector<16xf32>
        %max3A_1852 = arith.maximumf %max3A_1760, %max3A_1840 : vector<16xf32>
        %min3A_1853 = arith.minimumf %max3A_1760, %max3A_1840 : vector<16xf32>
        %max3A_1854 = arith.maximumf %min3A_1770, %min3A_1850 : vector<16xf32>
        %max3A_1855 = arith.maximumf %min3A_1853, %max3A_1854 : vector<16xf32>
        %min3A_1856 = arith.minimumf %min3A_1853, %max3A_1854 : vector<16xf32>
        %max3A_1857 = arith.maximumf %max3A_1769, %max3A_1849 : vector<16xf32>
        %min3A_1858 = arith.minimumf %max3A_1769, %max3A_1849 : vector<16xf32>
        %max3A_1859 = arith.maximumf %max3A_1771, %max3A_1851 : vector<16xf32>
        %max3A_1860 = arith.maximumf %min3A_1858, %max3A_1859 : vector<16xf32>
        %max3A_1861 = arith.maximumf %max3A_1857, %max3A_1855 : vector<16xf32>
        %min3A_1862 = arith.minimumf %max3A_1857, %max3A_1855 : vector<16xf32>
        %max3A_1863 = arith.maximumf %max3A_1860, %min3A_1856 : vector<16xf32>
        %max3A_1864 = arith.maximumf %max3A_1680, %max3A_1852 : vector<16xf32>
        %min3A_1865 = arith.minimumf %max3A_1680, %max3A_1852 : vector<16xf32>
        %max3A_1866 = arith.maximumf %min3A_1690, %min3A_1862 : vector<16xf32>
        %max3A_1867 = arith.maximumf %min3A_1865, %max3A_1866 : vector<16xf32>
        %min3A_1868 = arith.minimumf %min3A_1865, %max3A_1866 : vector<16xf32>
        %max3A_1869 = arith.maximumf %max3A_1689, %max3A_1861 : vector<16xf32>
        %min3A_1870 = arith.minimumf %max3A_1689, %max3A_1861 : vector<16xf32>
        %max3A_1871 = arith.maximumf %max3A_1691, %max3A_1863 : vector<16xf32>
        %max3A_1872 = arith.maximumf %min3A_1870, %max3A_1871 : vector<16xf32>
        %max3A_1873 = arith.maximumf %max3A_1869, %max3A_1867 : vector<16xf32>
        %min3A_1874 = arith.minimumf %max3A_1869, %max3A_1867 : vector<16xf32>
        %max3A_1875 = arith.maximumf %max3A_1872, %min3A_1868 : vector<16xf32>
        %mul3A_1876 = arith.constant 16 : i32
        %mul3A_1877 = arith.muli %add3A_1505, %mul3A_1876 : i32
        %add3A_1878 = arith.constant 32768 : i32
        %add3A_1879 = arith.addi %add3A_1878, %mul3A_1877 : i32
        %get3A_1880 = arith.index_cast %add3A_1879 : i32 to index
        %get3A_1881 = tpu.vector_load %arg5[%get3A_1880] {strides = array<i32>} : memref<50176xf32, #tpu.memory_space<vmem>>, vector<16xf32>,
        %mul3A_1882 = arith.constant 16 : i32
        %mul3A_1883 = arith.muli %add3A_1505, %mul3A_1882 : i32
        %add3A_1884 = arith.constant 33792 : i32
        %add3A_1885 = arith.addi %add3A_1884, %mul3A_1883 : i32
        %get3A_1886 = arith.index_cast %add3A_1885 : i32 to index
        %get3A_1887 = tpu.vector_load %arg5[%get3A_1886] {strides = array<i32>} : memref<50176xf32, #tpu.memory_space<vmem>>, vector<16xf32>,
        %mul3A_1888 = arith.constant 16 : i32
        %mul3A_1889 = arith.muli %add3A_1505, %mul3A_1888 : i32
        %add3A_1890 = arith.constant 34816 : i32
        %add3A_1891 = arith.addi %add3A_1890, %mul3A_1889 : i32
        %get3A_1892 = arith.index_cast %add3A_1891 : i32 to index
        %get3A_1893 = tpu.vector_load %arg5[%get3A_1892] {strides = array<i32>} : memref<50176xf32, #tpu.memory_space<vmem>>, vector<16xf32>,
        %mul3A_1894 = arith.constant 16 : i32
        %mul3A_1895 = arith.muli %add3A_1505, %mul3A_1894 : i32
        %add3A_1896 = arith.constant 35840 : i32
        %add3A_1897 = arith.addi %add3A_1896, %mul3A_1895 : i32
        %get3A_1898 = arith.index_cast %add3A_1897 : i32 to index
        %get3A_1899 = tpu.vector_load %arg5[%get3A_1898] {strides = array<i32>} : memref<50176xf32, #tpu.memory_space<vmem>>, vector<16xf32>,
        %max3A_1900 = arith.maximumf %get3A_1881, %get3A_1887 : vector<16xf32>
        %min3A_1901 = arith.minimumf %get3A_1881, %get3A_1887 : vector<16xf32>
        %max3A_1902 = arith.maximumf %get3A_1893, %get3A_1899 : vector<16xf32>
        %min3A_1903 = arith.minimumf %get3A_1893, %get3A_1899 : vector<16xf32>
        %max3A_1904 = arith.maximumf %max3A_1900, %max3A_1902 : vector<16xf32>
        %min3A_1905 = arith.minimumf %max3A_1900, %max3A_1902 : vector<16xf32>
        %max3A_1906 = arith.maximumf %min3A_1901, %min3A_1903 : vector<16xf32>
        %min3A_1907 = arith.minimumf %min3A_1901, %min3A_1903 : vector<16xf32>
        %max3A_1908 = arith.maximumf %max3A_1906, %min3A_1905 : vector<16xf32>
        %min3A_1909 = arith.minimumf %max3A_1906, %min3A_1905 : vector<16xf32>
        %mul3A_1910 = arith.constant 16 : i32
        %mul3A_1911 = arith.muli %add3A_1505, %mul3A_1910 : i32
        %add3A_1912 = arith.constant 36864 : i32
        %add3A_1913 = arith.addi %add3A_1912, %mul3A_1911 : i32
        %get3A_1914 = arith.index_cast %add3A_1913 : i32 to index
        %get3A_1915 = tpu.vector_load %arg5[%get3A_1914] {strides = array<i32>} : memref<50176xf32, #tpu.memory_space<vmem>>, vector<16xf32>,
        %mul3A_1916 = arith.constant 16 : i32
        %mul3A_1917 = arith.muli %add3A_1505, %mul3A_1916 : i32
        %add3A_1918 = arith.constant 37888 : i32
        %add3A_1919 = arith.addi %add3A_1918, %mul3A_1917 : i32
        %get3A_1920 = arith.index_cast %add3A_1919 : i32 to index
        %get3A_1921 = tpu.vector_load %arg5[%get3A_1920] {strides = array<i32>} : memref<50176xf32, #tpu.memory_space<vmem>>, vector<16xf32>,
        %mul3A_1922 = arith.constant 16 : i32
        %mul3A_1923 = arith.muli %add3A_1505, %mul3A_1922 : i32
        %add3A_1924 = arith.constant 38912 : i32
        %add3A_1925 = arith.addi %add3A_1924, %mul3A_1923 : i32
        %get3A_1926 = arith.index_cast %add3A_1925 : i32 to index
        %get3A_1927 = tpu.vector_load %arg5[%get3A_1926] {strides = array<i32>} : memref<50176xf32, #tpu.memory_space<vmem>>, vector<16xf32>,
        %mul3A_1928 = arith.constant 16 : i32
        %mul3A_1929 = arith.muli %add3A_1505, %mul3A_1928 : i32
        %add3A_1930 = arith.constant 39936 : i32
        %add3A_1931 = arith.addi %add3A_1930, %mul3A_1929 : i32
        %get3A_1932 = arith.index_cast %add3A_1931 : i32 to index
        %get3A_1933 = tpu.vector_load %arg5[%get3A_1932] {strides = array<i32>} : memref<50176xf32, #tpu.memory_space<vmem>>, vector<16xf32>,
        %max3A_1934 = arith.maximumf %get3A_1915, %get3A_1921 : vector<16xf32>
        %min3A_1935 = arith.minimumf %get3A_1915, %get3A_1921 : vector<16xf32>
        %max3A_1936 = arith.maximumf %get3A_1927, %get3A_1933 : vector<16xf32>
        %min3A_1937 = arith.minimumf %get3A_1927, %get3A_1933 : vector<16xf32>
        %max3A_1938 = arith.maximumf %max3A_1934, %max3A_1936 : vector<16xf32>
        %min3A_1939 = arith.minimumf %max3A_1934, %max3A_1936 : vector<16xf32>
        %max3A_1940 = arith.maximumf %min3A_1935, %min3A_1937 : vector<16xf32>
        %min3A_1941 = arith.minimumf %min3A_1935, %min3A_1937 : vector<16xf32>
        %max3A_1942 = arith.maximumf %max3A_1940, %min3A_1939 : vector<16xf32>
        %min3A_1943 = arith.minimumf %max3A_1940, %min3A_1939 : vector<16xf32>
        %max3A_1944 = arith.maximumf %max3A_1904, %max3A_1938 : vector<16xf32>
        %min3A_1945 = arith.minimumf %max3A_1904, %max3A_1938 : vector<16xf32>
        %max3A_1946 = arith.maximumf %min3A_1909, %min3A_1943 : vector<16xf32>
        %max3A_1947 = arith.maximumf %min3A_1945, %max3A_1946 : vector<16xf32>
        %min3A_1948 = arith.minimumf %min3A_1945, %max3A_1946 : vector<16xf32>
        %max3A_1949 = arith.maximumf %max3A_1908, %max3A_1942 : vector<16xf32>
        %min3A_1950 = arith.minimumf %max3A_1908, %max3A_1942 : vector<16xf32>
        %max3A_1951 = arith.maximumf %min3A_1907, %min3A_1941 : vector<16xf32>
        %max3A_1952 = arith.maximumf %min3A_1950, %max3A_1951 : vector<16xf32>
        %max3A_1953 = arith.maximumf %max3A_1949, %max3A_1947 : vector<16xf32>
        %min3A_1954 = arith.minimumf %max3A_1949, %max3A_1947 : vector<16xf32>
        %max3A_1955 = arith.maximumf %max3A_1952, %min3A_1948 : vector<16xf32>
        %mul3A_1956 = arith.constant 16 : i32
        %mul3A_1957 = arith.muli %add3A_1505, %mul3A_1956 : i32
        %add3A_1958 = arith.constant 40960 : i32
        %add3A_1959 = arith.addi %add3A_1958, %mul3A_1957 : i32
        %get3A_1960 = arith.index_cast %add3A_1959 : i32 to index
        %get3A_1961 = tpu.vector_load %arg5[%get3A_1960] {strides = array<i32>} : memref<50176xf32, #tpu.memory_space<vmem>>, vector<16xf32>,
        %mul3A_1962 = arith.constant 16 : i32
        %mul3A_1963 = arith.muli %add3A_1505, %mul3A_1962 : i32
        %add3A_1964 = arith.constant 41984 : i32
        %add3A_1965 = arith.addi %add3A_1964, %mul3A_1963 : i32
        %get3A_1966 = arith.index_cast %add3A_1965 : i32 to index
        %get3A_1967 = tpu.vector_load %arg5[%get3A_1966] {strides = array<i32>} : memref<50176xf32, #tpu.memory_space<vmem>>, vector<16xf32>,
        %mul3A_1968 = arith.constant 16 : i32
        %mul3A_1969 = arith.muli %add3A_1505, %mul3A_1968 : i32
        %add3A_1970 = arith.constant 43008 : i32
        %add3A_1971 = arith.addi %add3A_1970, %mul3A_1969 : i32
        %get3A_1972 = arith.index_cast %add3A_1971 : i32 to index
        %get3A_1973 = tpu.vector_load %arg5[%get3A_1972] {strides = array<i32>} : memref<50176xf32, #tpu.memory_space<vmem>>, vector<16xf32>,
        %mul3A_1974 = arith.constant 16 : i32
        %mul3A_1975 = arith.muli %add3A_1505, %mul3A_1974 : i32
        %add3A_1976 = arith.constant 44032 : i32
        %add3A_1977 = arith.addi %add3A_1976, %mul3A_1975 : i32
        %get3A_1978 = arith.index_cast %add3A_1977 : i32 to index
        %get3A_1979 = tpu.vector_load %arg5[%get3A_1978] {strides = array<i32>} : memref<50176xf32, #tpu.memory_space<vmem>>, vector<16xf32>,
        %max3A_1980 = arith.maximumf %get3A_1961, %get3A_1967 : vector<16xf32>
        %min3A_1981 = arith.minimumf %get3A_1961, %get3A_1967 : vector<16xf32>
        %max3A_1982 = arith.maximumf %get3A_1973, %get3A_1979 : vector<16xf32>
        %min3A_1983 = arith.minimumf %get3A_1973, %get3A_1979 : vector<16xf32>
        %max3A_1984 = arith.maximumf %max3A_1980, %max3A_1982 : vector<16xf32>
        %min3A_1985 = arith.minimumf %max3A_1980, %max3A_1982 : vector<16xf32>
        %max3A_1986 = arith.maximumf %min3A_1981, %min3A_1983 : vector<16xf32>
        %min3A_1987 = arith.minimumf %min3A_1981, %min3A_1983 : vector<16xf32>
        %max3A_1988 = arith.maximumf %max3A_1986, %min3A_1985 : vector<16xf32>
        %min3A_1989 = arith.minimumf %max3A_1986, %min3A_1985 : vector<16xf32>
        %mul3A_1990 = arith.constant 16 : i32
        %mul3A_1991 = arith.muli %add3A_1505, %mul3A_1990 : i32
        %add3A_1992 = arith.constant 45056 : i32
        %add3A_1993 = arith.addi %add3A_1992, %mul3A_1991 : i32
        %get3A_1994 = arith.index_cast %add3A_1993 : i32 to index
        %get3A_1995 = tpu.vector_load %arg5[%get3A_1994] {strides = array<i32>} : memref<50176xf32, #tpu.memory_space<vmem>>, vector<16xf32>,
        %mul3A_1996 = arith.constant 16 : i32
        %mul3A_1997 = arith.muli %add3A_1505, %mul3A_1996 : i32
        %add3A_1998 = arith.constant 46080 : i32
        %add3A_1999 = arith.addi %add3A_1998, %mul3A_1997 : i32
        %get3A_2000 = arith.index_cast %add3A_1999 : i32 to index
        %get3A_2001 = tpu.vector_load %arg5[%get3A_2000] {strides = array<i32>} : memref<50176xf32, #tpu.memory_space<vmem>>, vector<16xf32>,
        %mul3A_2002 = arith.constant 16 : i32
        %mul3A_2003 = arith.muli %add3A_1505, %mul3A_2002 : i32
        %add3A_2004 = arith.constant 47104 : i32
        %add3A_2005 = arith.addi %add3A_2004, %mul3A_2003 : i32
        %get3A_2006 = arith.index_cast %add3A_2005 : i32 to index
        %get3A_2007 = tpu.vector_load %arg5[%get3A_2006] {strides = array<i32>} : memref<50176xf32, #tpu.memory_space<vmem>>, vector<16xf32>,
        %mul3A_2008 = arith.constant 16 : i32
        %mul3A_2009 = arith.muli %add3A_1505, %mul3A_2008 : i32
        %add3A_2010 = arith.constant 48128 : i32
        %add3A_2011 = arith.addi %add3A_2010, %mul3A_2009 : i32
        %get3A_2012 = arith.index_cast %add3A_2011 : i32 to index
        %get3A_2013 = tpu.vector_load %arg5[%get3A_2012] {strides = array<i32>} : memref<50176xf32, #tpu.memory_space<vmem>>, vector<16xf32>,
        %max3A_2014 = arith.maximumf %get3A_1995, %get3A_2001 : vector<16xf32>
        %min3A_2015 = arith.minimumf %get3A_1995, %get3A_2001 : vector<16xf32>
        %max3A_2016 = arith.maximumf %get3A_2007, %get3A_2013 : vector<16xf32>
        %min3A_2017 = arith.minimumf %get3A_2007, %get3A_2013 : vector<16xf32>
        %max3A_2018 = arith.maximumf %max3A_2014, %max3A_2016 : vector<16xf32>
        %min3A_2019 = arith.minimumf %max3A_2014, %max3A_2016 : vector<16xf32>
        %max3A_2020 = arith.maximumf %min3A_2015, %min3A_2017 : vector<16xf32>
        %min3A_2021 = arith.minimumf %min3A_2015, %min3A_2017 : vector<16xf32>
        %max3A_2022 = arith.maximumf %max3A_2020, %min3A_2019 : vector<16xf32>
        %min3A_2023 = arith.minimumf %max3A_2020, %min3A_2019 : vector<16xf32>
        %max3A_2024 = arith.maximumf %max3A_1984, %max3A_2018 : vector<16xf32>
        %min3A_2025 = arith.minimumf %max3A_1984, %max3A_2018 : vector<16xf32>
        %max3A_2026 = arith.maximumf %min3A_1989, %min3A_2023 : vector<16xf32>
        %max3A_2027 = arith.maximumf %min3A_2025, %max3A_2026 : vector<16xf32>
        %min3A_2028 = arith.minimumf %min3A_2025, %max3A_2026 : vector<16xf32>
        %max3A_2029 = arith.maximumf %max3A_1988, %max3A_2022 : vector<16xf32>
        %min3A_2030 = arith.minimumf %max3A_1988, %max3A_2022 : vector<16xf32>
        %max3A_2031 = arith.maximumf %min3A_1987, %min3A_2021 : vector<16xf32>
        %max3A_2032 = arith.maximumf %min3A_2030, %max3A_2031 : vector<16xf32>
        %max3A_2033 = arith.maximumf %max3A_2029, %max3A_2027 : vector<16xf32>
        %min3A_2034 = arith.minimumf %max3A_2029, %max3A_2027 : vector<16xf32>
        %max3A_2035 = arith.maximumf %max3A_2032, %min3A_2028 : vector<16xf32>
        %max3A_2036 = arith.maximumf %max3A_1944, %max3A_2024 : vector<16xf32>
        %min3A_2037 = arith.minimumf %max3A_1944, %max3A_2024 : vector<16xf32>
        %max3A_2038 = arith.maximumf %min3A_1954, %min3A_2034 : vector<16xf32>
        %max3A_2039 = arith.maximumf %min3A_2037, %max3A_2038 : vector<16xf32>
        %min3A_2040 = arith.minimumf %min3A_2037, %max3A_2038 : vector<16xf32>
        %max3A_2041 = arith.maximumf %max3A_1953, %max3A_2033 : vector<16xf32>
        %min3A_2042 = arith.minimumf %max3A_1953, %max3A_2033 : vector<16xf32>
        %max3A_2043 = arith.maximumf %max3A_1955, %max3A_2035 : vector<16xf32>
        %max3A_2044 = arith.maximumf %min3A_2042, %max3A_2043 : vector<16xf32>
        %max3A_2045 = arith.maximumf %max3A_2041, %max3A_2039 : vector<16xf32>
        %min3A_2046 = arith.minimumf %max3A_2041, %max3A_2039 : vector<16xf32>
        %max3A_2047 = arith.maximumf %max3A_2044, %min3A_2040 : vector<16xf32>
        %max3A_2048 = arith.maximumf %max3A_1864, %max3A_2036 : vector<16xf32>
        %min3A_2049 = arith.minimumf %max3A_1864, %max3A_2036 : vector<16xf32>
        %max3A_2050 = arith.maximumf %min3A_1874, %min3A_2046 : vector<16xf32>
        %max3A_2051 = arith.maximumf %min3A_2049, %max3A_2050 : vector<16xf32>
        %min3A_2052 = arith.minimumf %min3A_2049, %max3A_2050 : vector<16xf32>
        %max3A_2053 = arith.maximumf %max3A_1873, %max3A_2045 : vector<16xf32>
        %min3A_2054 = arith.minimumf %max3A_1873, %max3A_2045 : vector<16xf32>
        %max3A_2055 = arith.maximumf %max3A_1875, %max3A_2047 : vector<16xf32>
        %max3A_2056 = arith.maximumf %min3A_2054, %max3A_2055 : vector<16xf32>
        %max3A_2057 = arith.maximumf %max3A_2053, %max3A_2051 : vector<16xf32>
        %min3A_2058 = arith.minimumf %max3A_2053, %max3A_2051 : vector<16xf32>
        %max3A_2059 = arith.maximumf %max3A_2056, %min3A_2052 : vector<16xf32>
        %mul3A_2060 = arith.constant 16 : i32
        %mul3A_2061 = arith.muli %add3A_1505, %mul3A_2060 : i32
        %add3A_2062 = arith.constant 49152 : i32
        %add3A_2063 = arith.addi %add3A_2062, %mul3A_2061 : i32
        %get3A_2064 = arith.index_cast %add3A_2063 : i32 to index
        %get3A_2065 = tpu.vector_load %arg5[%get3A_2064] {strides = array<i32>} : memref<50176xf32, #tpu.memory_space<vmem>>, vector<16xf32>,
        %min3A_2066 = arith.minimumf %max3A_2048, %get3A_2065 : vector<16xf32>
        %max3A_2067 = arith.maximumf %max3A_2048, %get3A_2065 : vector<16xf32>
        %min3A_2068 = arith.minimumf %max3A_2057, %min3A_2066 : vector<16xf32>
        %max3A_2069 = arith.maximumf %max3A_2057, %min3A_2066 : vector<16xf32>
        %min3A_2070 = arith.minimumf %min3A_2058, %min3A_2068 : vector<16xf32>
        %max3A_2071 = arith.maximumf %min3A_2058, %min3A_2068 : vector<16xf32>
        %max3A_2072 = arith.maximumf %max3A_2059, %min3A_2070 : vector<16xf32>
        %add3A_2073 = arith.addf %max3A_2067, %max3A_2069 : vector<16xf32>
        %add3A_2074 = arith.addf %add3A_2073, %max3A_2071 : vector<16xf32>
        %add3A_2075 = arith.addf %add3A_2074, %max3A_2072 : vector<16xf32>
        %mul3A_2076 = arith.constant 2.500000e-01 : f32
        %mul3A_2077 = vector.broadcast %mul3A_2076 : f32 to vector<16xf32>
        %mul3A_2078 = arith.mulf %add3A_2075, %mul3A_2077 : vector<16xf32>
        %swap3A_2079 = arith.index_cast %add3A_1519 : i32 to index
        %swap3A_2080 = tpu.vector_load %arg6[%swap3A_2079] {strides = array<i32>} : memref<4096xf32, #tpu.memory_space<vmem>>, vector<16xf32>,
        tpu.vector_store %arg6[%swap3A_2079], %mul3A_2078 {strides = array<i32>} : memref<4096xf32, #tpu.memory_space<vmem>>, vector<16xf32>,
      }
      %scan3A_931 = arith.constant 32 : i32
    }
    %scan3A_400 = arith.constant 2 : i32
    %jit3A = arith.constant 4 : i32
    %div3A = arith.divsi %add3A, %jit3A : i32
    %sign3A = arith.constant 0 : i32
    %sign3A_401 = arith.cmpi sgt, %add3A, %sign3A : i32
    %sign3A_402 = arith.extui %sign3A_401 : i1 to i32
    %sign3A_403 = arith.constant 0 : i32
    %sign3A_404 = arith.cmpi slt, %add3A, %sign3A_403 : i32
    %sign3A_405 = arith.extui %sign3A_404 : i1 to i32
    %sign3A_406 = arith.subi %sign3A_402, %sign3A_405 : i32
    %sign3A_407 = arith.constant 0 : i32
    %sign3A_408 = arith.cmpi sgt, %jit3A, %sign3A_407 : i32
    %sign3A_409 = arith.extui %sign3A_408 : i1 to i32
    %sign3A_410 = arith.constant 0 : i32
    %sign3A_411 = arith.cmpi slt, %jit3A, %sign3A_410 : i32
    %sign3A_412 = arith.extui %sign3A_411 : i1 to i32
    %sign3A_413 = arith.subi %sign3A_409, %sign3A_412 : i32
    %ne3A = arith.cmpi ne, %sign3A_406, %sign3A_413 : i32
    %rem3A = arith.remsi %add3A, %jit3A : i32
    %ne3A_414 = arith.constant 0 : i32
    %ne3A_415 = arith.cmpi ne, %rem3A, %ne3A_414 : i32
    %and3A = arith.andi %ne3A, %ne3A_415 : i1
    %sub3A = arith.constant 1 : i32
    %sub3A_416 = arith.subi %div3A, %sub3A : i32
    %select_n3A = arith.select %and3A, %sub3A_416, %div3A : i32
    %mul3A_417 = arith.constant 8 : i32
    %mul3A_418 = arith.muli %select_n3A, %mul3A_417 : i32
    %mul3A_419 = arith.constant 2048 : i32
    %mul3A_420 = arith.muli %mul3A_418, %mul3A_419 : i32
    %mul3A_421 = arith.constant 4 : i32
    %mul3A_422 = arith.muli %add3A, %mul3A_421 : i32
    %jit3A_423 = arith.constant 16 : i32
    %eq3A = arith.constant 0 : i32
    %eq3A_424 = arith.cmpi eq, %jit3A_423, %eq3A : i32
    %jit3A_425 = arith.constant 1 : i32
    %select_n3A_426 = arith.select %eq3A_424, %jit3A_425, %jit3A_423 : i32
    %rem3A_427 = arith.remsi %mul3A_422, %select_n3A_426 : i32
    %ne3A_428 = arith.constant 0 : i32
    %ne3A_429 = arith.cmpi ne, %rem3A_427, %ne3A_428 : i32
    %lt3A = arith.constant 0 : i32
    %lt3A_430 = arith.cmpi slt, %rem3A_427, %lt3A : i32
    %lt3A_431 = arith.constant 0 : i32
    %lt3A_432 = arith.cmpi slt, %select_n3A_426, %lt3A_431 : i32
    %ne3A_433 = arith.xori %lt3A_430, %lt3A_432 : i1
    %and3A_434 = arith.andi %ne3A_433, %ne3A_429 : i1
    %add3A_435 = arith.addi %rem3A_427, %select_n3A_426 : i32
    %select_n3A_436 = arith.select %and3A_434, %add3A_435, %rem3A_427 : i32
    %mul3A_437 = arith.constant 128 : i32
    %mul3A_438 = arith.muli %select_n3A_436, %mul3A_437 : i32
    %add3A_439 = arith.addi %mul3A_420, %mul3A_438 : i32
    %add3A_440 = arith.constant 0 : i32
    %add3A_441 = arith.addi %add3A_439, %add3A_440 : i32
    %dma_start3A_442 = arith.constant 0 : i32
    %dma_start3A_443 = tpu.memref_slice %arg6[%dma_start3A_442] : memref<4096xf32, #tpu.memory_space<vmem>> -> memref<512xf32, #tpu.memory_space<vmem>>
    %dma_start3A_444 = tpu.memref_slice %arg3[%add3A_441] : memref<131072xf32, #tpu.memory_space<hbm>> -> memref<512xf32, #tpu.memory_space<hbm>>
    %dma_start3A_445 = tpu.memref_slice %arg3[%add3A_441] : memref<131072xf32, #tpu.memory_space<hbm>> -> memref<512xf32, #tpu.memory_space<hbm>>
    %dma_start3A_446 = arith.constant 0 : i32
    %dma_start3A_447 = tpu.memref_slice %arg6[%dma_start3A_446] : memref<4096xf32, #tpu.memory_space<vmem>> -> memref<512xf32, #tpu.memory_space<vmem>>
    tpu.enqueue_dma source(%dma_start3A_447 : memref<512xf32, #tpu.memory_space<vmem>>) target(%dma_start3A_445 : memref<512xf32, #tpu.memory_space<hbm>>) target_semaphore(%arg9 : memref<!tpu.dma_semaphore, #tpu.memory_space<semaphore_mem>>)
    %add3A_448 = arith.constant 2048 : i32
    %add3A_449 = arith.addi %add3A_439, %add3A_448 : i32
    %dma_start3A_450 = arith.constant 512 : i32
    %dma_start3A_451 = tpu.memref_slice %arg6[%dma_start3A_450] : memref<4096xf32, #tpu.memory_space<vmem>> -> memref<512xf32, #tpu.memory_space<vmem>>
    %dma_start3A_452 = tpu.memref_slice %arg3[%add3A_449] : memref<131072xf32, #tpu.memory_space<hbm>> -> memref<512xf32, #tpu.memory_space<hbm>>
    %dma_start3A_453 = tpu.memref_slice %arg3[%add3A_449] : memref<131072xf32, #tpu.memory_space<hbm>> -> memref<512xf32, #tpu.memory_space<hbm>>
    %dma_start3A_454 = arith.constant 512 : i32
    %dma_start3A_455 = tpu.memref_slice %arg6[%dma_start3A_454] : memref<4096xf32, #tpu.memory_space<vmem>> -> memref<512xf32, #tpu.memory_space<vmem>>
    tpu.enqueue_dma source(%dma_start3A_455 : memref<512xf32, #tpu.memory_space<vmem>>) target(%dma_start3A_453 : memref<512xf32, #tpu.memory_space<hbm>>) target_semaphore(%arg9 : memref<!tpu.dma_semaphore, #tpu.memory_space<semaphore_mem>>)
    %add3A_456 = arith.constant 4096 : i32
    %add3A_457 = arith.addi %add3A_439, %add3A_456 : i32
    %dma_start3A_458 = arith.constant 1024 : i32
    %dma_start3A_459 = tpu.memref_slice %arg6[%dma_start3A_458] : memref<4096xf32, #tpu.memory_space<vmem>> -> memref<512xf32, #tpu.memory_space<vmem>>
    %dma_start3A_460 = tpu.memref_slice %arg3[%add3A_457] : memref<131072xf32, #tpu.memory_space<hbm>> -> memref<512xf32, #tpu.memory_space<hbm>>
    %dma_start3A_461 = tpu.memref_slice %arg3[%add3A_457] : memref<131072xf32, #tpu.memory_space<hbm>> -> memref<512xf32, #tpu.memory_space<hbm>>
    %dma_start3A_462 = arith.constant 1024 : i32
    %dma_start3A_463 = tpu.memref_slice %arg6[%dma_start3A_462] : memref<4096xf32, #tpu.memory_space<vmem>> -> memref<512xf32, #tpu.memory_space<vmem>>
    tpu.enqueue_dma source(%dma_start3A_463 : memref<512xf32, #tpu.memory_space<vmem>>) target(%dma_start3A_461 : memref<512xf32, #tpu.memory_space<hbm>>) target_semaphore(%arg9 : memref<!tpu.dma_semaphore, #tpu.memory_space<semaphore_mem>>)
    %add3A_464 = arith.constant 6144 : i32
    %add3A_465 = arith.addi %add3A_439, %add3A_464 : i32
    %dma_start3A_466 = arith.constant 1536 : i32
    %dma_start3A_467 = tpu.memref_slice %arg6[%dma_start3A_466] : memref<4096xf32, #tpu.memory_space<vmem>> -> memref<512xf32, #tpu.memory_space<vmem>>
    %dma_start3A_468 = tpu.memref_slice %arg3[%add3A_465] : memref<131072xf32, #tpu.memory_space<hbm>> -> memref<512xf32, #tpu.memory_space<hbm>>
    %dma_start3A_469 = tpu.memref_slice %arg3[%add3A_465] : memref<131072xf32, #tpu.memory_space<hbm>> -> memref<512xf32, #tpu.memory_space<hbm>>
    %dma_start3A_470 = arith.constant 1536 : i32
    %dma_start3A_471 = tpu.memref_slice %arg6[%dma_start3A_470] : memref<4096xf32, #tpu.memory_space<vmem>> -> memref<512xf32, #tpu.memory_space<vmem>>
    tpu.enqueue_dma source(%dma_start3A_471 : memref<512xf32, #tpu.memory_space<vmem>>) target(%dma_start3A_469 : memref<512xf32, #tpu.memory_space<hbm>>) target_semaphore(%arg9 : memref<!tpu.dma_semaphore, #tpu.memory_space<semaphore_mem>>)
    %add3A_472 = arith.constant 8192 : i32
    %add3A_473 = arith.addi %add3A_439, %add3A_472 : i32
    %dma_start3A_474 = arith.constant 2048 : i32
    %dma_start3A_475 = tpu.memref_slice %arg6[%dma_start3A_474] : memref<4096xf32, #tpu.memory_space<vmem>> -> memref<512xf32, #tpu.memory_space<vmem>>
    %dma_start3A_476 = tpu.memref_slice %arg3[%add3A_473] : memref<131072xf32, #tpu.memory_space<hbm>> -> memref<512xf32, #tpu.memory_space<hbm>>
    %dma_start3A_477 = tpu.memref_slice %arg3[%add3A_473] : memref<131072xf32, #tpu.memory_space<hbm>> -> memref<512xf32, #tpu.memory_space<hbm>>
    %dma_start3A_478 = arith.constant 2048 : i32
    %dma_start3A_479 = tpu.memref_slice %arg6[%dma_start3A_478] : memref<4096xf32, #tpu.memory_space<vmem>> -> memref<512xf32, #tpu.memory_space<vmem>>
    tpu.enqueue_dma source(%dma_start3A_479 : memref<512xf32, #tpu.memory_space<vmem>>) target(%dma_start3A_477 : memref<512xf32, #tpu.memory_space<hbm>>) target_semaphore(%arg9 : memref<!tpu.dma_semaphore, #tpu.memory_space<semaphore_mem>>)
    %add3A_480 = arith.constant 10240 : i32
    %add3A_481 = arith.addi %add3A_439, %add3A_480 : i32
    %dma_start3A_482 = arith.constant 2560 : i32
    %dma_start3A_483 = tpu.memref_slice %arg6[%dma_start3A_482] : memref<4096xf32, #tpu.memory_space<vmem>> -> memref<512xf32, #tpu.memory_space<vmem>>
    %dma_start3A_484 = tpu.memref_slice %arg3[%add3A_481] : memref<131072xf32, #tpu.memory_space<hbm>> -> memref<512xf32, #tpu.memory_space<hbm>>
    %dma_start3A_485 = tpu.memref_slice %arg3[%add3A_481] : memref<131072xf32, #tpu.memory_space<hbm>> -> memref<512xf32, #tpu.memory_space<hbm>>
    %dma_start3A_486 = arith.constant 2560 : i32
    %dma_start3A_487 = tpu.memref_slice %arg6[%dma_start3A_486] : memref<4096xf32, #tpu.memory_space<vmem>> -> memref<512xf32, #tpu.memory_space<vmem>>
    tpu.enqueue_dma source(%dma_start3A_487 : memref<512xf32, #tpu.memory_space<vmem>>) target(%dma_start3A_485 : memref<512xf32, #tpu.memory_space<hbm>>) target_semaphore(%arg9 : memref<!tpu.dma_semaphore, #tpu.memory_space<semaphore_mem>>)
    %add3A_488 = arith.constant 12288 : i32
    %add3A_489 = arith.addi %add3A_439, %add3A_488 : i32
    %dma_start3A_490 = arith.constant 3072 : i32
    %dma_start3A_491 = tpu.memref_slice %arg6[%dma_start3A_490] : memref<4096xf32, #tpu.memory_space<vmem>> -> memref<512xf32, #tpu.memory_space<vmem>>
    %dma_start3A_492 = tpu.memref_slice %arg3[%add3A_489] : memref<131072xf32, #tpu.memory_space<hbm>> -> memref<512xf32, #tpu.memory_space<hbm>>
    %dma_start3A_493 = tpu.memref_slice %arg3[%add3A_489] : memref<131072xf32, #tpu.memory_space<hbm>> -> memref<512xf32, #tpu.memory_space<hbm>>
    %dma_start3A_494 = arith.constant 3072 : i32
    %dma_start3A_495 = tpu.memref_slice %arg6[%dma_start3A_494] : memref<4096xf32, #tpu.memory_space<vmem>> -> memref<512xf32, #tpu.memory_space<vmem>>
    tpu.enqueue_dma source(%dma_start3A_495 : memref<512xf32, #tpu.memory_space<vmem>>) target(%dma_start3A_493 : memref<512xf32, #tpu.memory_space<hbm>>) target_semaphore(%arg9 : memref<!tpu.dma_semaphore, #tpu.memory_space<semaphore_mem>>)
    %add3A_496 = arith.constant 14336 : i32
    %add3A_497 = arith.addi %add3A_439, %add3A_496 : i32
    %dma_start3A_498 = arith.constant 3584 : i32
    %dma_start3A_499 = tpu.memref_slice %arg6[%dma_start3A_498] : memref<4096xf32, #tpu.memory_space<vmem>> -> memref<512xf32, #tpu.memory_space<vmem>>
    %dma_start3A_500 = tpu.memref_slice %arg3[%add3A_497] : memref<131072xf32, #tpu.memory_space<hbm>> -> memref<512xf32, #tpu.memory_space<hbm>>
    %dma_start3A_501 = tpu.memref_slice %arg3[%add3A_497] : memref<131072xf32, #tpu.memory_space<hbm>> -> memref<512xf32, #tpu.memory_space<hbm>>
    %dma_start3A_502 = arith.constant 3584 : i32
    %dma_start3A_503 = tpu.memref_slice %arg6[%dma_start3A_502] : memref<4096xf32, #tpu.memory_space<vmem>> -> memref<512xf32, #tpu.memory_space<vmem>>
    tpu.enqueue_dma source(%dma_start3A_503 : memref<512xf32, #tpu.memory_space<vmem>>) target(%dma_start3A_501 : memref<512xf32, #tpu.memory_space<hbm>>) target_semaphore(%arg9 : memref<!tpu.dma_semaphore, #tpu.memory_space<semaphore_mem>>)
    %dma_wait3A = arith.constant 0 : i32
    %dma_wait3A_504 = tpu.memref_slice %arg2[%dma_wait3A] : memref<25690112xf32, #tpu.memory_space<hbm>> -> memref<4096xf32, #tpu.memory_space<hbm>>
    %dma_wait3A_505 = arith.constant 0 : i32
    %dma_wait3A_506 = tpu.memref_slice %arg2[%dma_wait3A_505] : memref<25690112xf32, #tpu.memory_space<hbm>> -> memref<4096xf32, #tpu.memory_space<hbm>>
    tpu.wait_dma2 semaphore(%arg9 : memref<!tpu.dma_semaphore, #tpu.memory_space<semaphore_mem>>) src(%dma_wait3A_506 : memref<4096xf32, #tpu.memory_space<hbm>>) dst(%arg6 : memref<4096xf32, #tpu.memory_space<vmem>>)
    return
  }
}

</mosaic_0001>

<sc_bundles>
// kernel: _apool_sc.3.cloned.1.call-start
scs
__scs_entry_jumppad:
0x0: {  	(pc) =	sbr.rel $0x88, $3  }
0x1: {  	(tag) =	ssettag $0x0;
	lr =	simm.s32 $0x1  }
0x2: {  	[smem:$0x3FA0] =	sst lr;
	_ =	strace $0xD0000000  }
0x3: {  	_ = 	snop  }
0x4: {  	_ = 	snop  }
0x5: {  	_ = 	snop  }
0x6: {  	_ = 	snop  }
0x7: {  	_ = 	snop  }
__scs_overlays_trampoline_lowered:
0x8: {  	[smem:$0x3FAF] =	sst s0  }
0x9: {  	[smem:$0x3FB0] =	sst s1  }
0xa: {  	[smem:$0x3FB1] =	sst s2  }
0xb: {  	[smem:$0x3FB2] =	sst s3  }
0xc: {  	[smem:$0x3FB3] =	sst s4  }
0xd: {  	[smem:$0x3FB4] =	sst s5  }
0xe: {  	[smem:$0x3FB5] =	sst s6  }
0xf: {  	[smem:$0x3FB6] =	sst s7  }
0x10: {  	[smem:$0x3FB7] =	sst s8  }
0x11: {  	[smem:$0x3FB8] =	sst s9;
	s0 =	simm.s32 @!p0 $0x0  }
0x12: {  	s1 =	sld [smem:$0x3F9E];
	s0 =	simm.s32 @p0 $0x1  }
0x13: {  	[smem:$0x3FB9] =	sst s0;
	s0 =	simm.s32 @!p1 $0x0  }
0x14: {  	s2 =	sld [smem:$0x3F9D];
	s0 =	simm.s32 @p1 $0x1  }
0x15: {  	[smem:$0x3FBA] =	sst s0;
	s0 =	simm.s32 @!p2 $0x0  }
0x16: {  	s3 =	sld [smem:$0x3FDB];
	s0 =	simm.s32 @p2 $0x1  }
0x17: {  	s4 =	simm.s32 $0x1BF5;
	[smem:$0x3FBC] =	sst s0  }
0x18: {  	s0 =	sld [smem:$0x3F9F];
	_ =	swait.ge [sflag:s4], $0x0  }
0x19: {  	s7 =	sld [smem:$0x3FA0]  }
0x1a: {  	s8 =	sadd.s32 $0xFFFFE003, lr  }
0x1b: {  	s9 =	sadd.s32 $0xFFFFFEF7, lr;
	s5 =	simm.s32 $0xFFFFFFFF;
	p2 =	slt.u32 s8, $0xFFFFF086  }
0x1c: {  	p1 =	slt.u32 s9, $0xF7A;
	s5 =	simm.s32 @!p2 $0x0  }
0x1d: {  	s5 =	simm.s32 @p1 $0x1;
	p0 =	seq.s32 s7, s2  }
0x1e: {  	s7 =	smul.u32 @!p0 $0xF7A, s2;
	p2 =	seq.s32 @!p0 s5, $0x0  }
0x1f: {  	s9 =	smul.u32 $0xF7A, s1;
	s8 =	simm.s32 @!p0 $0x1BF5;
	p2 =	por !p2, p0  }
0x20: {  	[sflag:s8] =	ssyncset.s32 @!p0 $0xFFFFF086;
	s6 =	sadd.s32 @!p0 s3, s7;
	s7 =	simm.s32 @!p0 $0x108  }
0x21: {  	s3 =	sadd.s32 s3, s9;
	s6 =	sadd.s32 @!p0 $0x88, s6;
	s7 =	simm.s32 @p2 $0x1082  }
0x22: {  	[simem:s7], [sflag:s8] =	dma.local @!p0 [hbm:s6], $0xF7A  }
0x23: {  	s9 =	sor.u32 $0xD0000000, s2;
	s6 =	simm.s32 $0x108;
	_ =	swait.ge @!p0 [sflag:s8], $0x0  }
0x24: {  	s3 =	sadd.s32 $0x88, s3;
	s6 =	simm.s32 @!p1 $0x1082;
	[sflag:s4] =	ssyncset.s32 $0xFFFFF086  }
0x25: {  	[simem:s6], [sflag:s4] =	dma.local [hbm:s3], $0xF7A  }
0x26: {  	[smem:$0x3FA0] =	sst s1;
	(tag) =	ssettag s2;
	_ =	strace s9  }
0x27: {  	s1 =	sld [smem:$0x3FB0]  }
0x28: {  	s2 =	sld [smem:$0x3FB1]  }
0x29: {  	s4 =	sld [smem:$0x3FB3]  }
0x2a: {  	p0 =	seq.s32 s5, $0x0;
	s5 =	sld [smem:$0x3FB4]  }
0x2b: {  	s6 =	sld [smem:$0x3FB5]  }
0x2c: {  	s7 =	sld [smem:$0x3FB6]  }
0x2d: {  	s3 =	simm.s32 $0x108;
	s8 =	sld [smem:$0x3FB7]  }
0x2e: {  	s3 =	simm.s32 @!p0 $0x1082;
	s9 =	sld [smem:$0x3FB8]  }
0x2f: {  	lr =	sadd.s32 s0, s3;
	s0 =	sld [smem:$0x3FAF]  }
0x30: {  	s3 =	sld [smem:$0x3FB2]  }
0x31: {  	[smem:$0x3FBB] =	sst s10  }
0x32: {  	s10 =	sld [smem:$0x3FB9];
	_ =	sdelay $0x3  }
0x33: {  	p0 =	seq.s32 s10, $0x1;
	s10 =	sld [smem:$0x3FBB];
	_ =	sdelay $0x3  }
0x34: {  	[smem:$0x3FBB] =	sst s10  }
0x35: {  	s10 =	sld [smem:$0x3FBA];
	_ =	sdelay $0x3  }
0x36: {  	p1 =	seq.s32 s10, $0x1;
	s10 =	sld [smem:$0x3FBB];
	_ =	sdelay $0x3  }
0x37: {  	[smem:$0x3FBB] =	sst s10  }
0x38: {  	s10 =	sld [smem:$0x3FBC]  }
0x39: {  	_ = 	snop;
	(pc) =	sbr.ind lr, $3  }
0x3a: {  	_ = 	snop  }
0x3b: {  	_ = 	snop  }
0x3c: {  	p2 =	seq.s32 s10, $0x1;
	s10 =	sld [smem:$0x3FBB]  }
0x3d: {  	_ =	shalt  }
0x3e: {  	_ =	shalt  }
0x3f: {  	_ =	shalt  }
0x40: {  	_ =	shalt  }
0x41: {  	_ =	shalt  }
0x42: {  	_ =	shalt  }
0x43: {  	_ =	shalt  }
0x44: {  	_ =	shalt  }
0x45: {  	_ =	shalt  }
0x46: {  	_ =	shalt  }
0x47: {  	_ =	shalt  }
0x48: {  	_ =	shalt  }
0x49: {  	_ =	shalt  }
0x4a: {  	_ =	shalt  }
0x4b: {  	_ =	shalt  }
0x4c: {  	_ =	shalt  }
0x4d: {  	_ =	shalt  }
0x4e: {  	_ =	shalt  }
0x4f: {  	_ =	shalt  }
0x50: {  	_ =	shalt  }
0x51: {  	_ =	shalt  }
0x52: {  	_ =	shalt  }
0x53: {  	_ =	shalt  }
0x54: {  	_ =	shalt  }
0x55: {  	_ =	shalt  }
0x56: {  	_ =	shalt  }
0x57: {  	_ =	shalt  }
0x58: {  	_ =	shalt  }
0x59: {  	_ =	shalt  }
0x5a: {  	_ =	shalt  }
0x5b: {  	_ =	shalt  }
0x5c: {  	_ =	shalt  }
0x5d: {  	_ =	shalt  }
0x5e: {  	_ =	shalt  }
0x5f: {  	_ =	shalt  }
0x60: {  	_ =	shalt  }
0x61: {  	_ =	shalt  }
0x62: {  	_ =	shalt  }
0x63: {  	_ =	shalt  }
0x64: {  	_ =	shalt  }
0x65: {  	_ =	shalt  }
0x66: {  	_ =	shalt  }
0x67: {  	_ =	shalt  }
0x68: {  	_ =	shalt  }
0x69: {  	_ =	shalt  }
0x6a: {  	_ =	shalt  }
0x6b: {  	_ =	shalt  }
0x6c: {  	_ =	shalt  }
0x6d: {  	_ =	shalt  }
0x6e: {  	_ =	shalt  }
0x6f: {  	_ =	shalt  }
0x70: {  	_ =	shalt  }
0x71: {  	_ =	shalt  }
0x72: {  	_ =	shalt  }
0x73: {  	_ =	shalt  }
0x74: {  	_ =	shalt  }
0x75: {  	_ =	shalt  }
0x76: {  	_ =	shalt  }
0x77: {  	_ =	shalt  }
0x78: {  	_ =	shalt  }
0x79: {  	_ =	shalt  }
0x7a: {  	_ =	shalt  }
0x7b: {  	_ =	shalt  }
0x7c: {  	_ =	shalt  }
0x7d: {  	_ =	shalt  }
0x7e: {  	_ =	shalt  }
0x7f: {  	_ =	shalt  }
0x80: {  	_ =	shalt  }
0x81: {  	_ =	shalt  }
0x82: {  	_ =	shalt  }
0x83: {  	_ =	shalt  }
0x84: {  	_ =	shalt  }
0x85: {  	_ =	shalt  }
0x86: {  	_ =	shalt  }
0x87: {  	_ =	shalt  }
.Lfunc_end0:
.L_simem_size_0:
called_computation_lowered:
.L_overlay_start_0:
0x88: {  	s2 =	sld [smem:$0x3FD9]  }
0x89: {  	s3 =	sld [smem:$0x3FFE];
	_ =	sdelay $0x1  }
0x8a: {  	s1 =	srdreg.scid  }
0x8b: {  	s0 =	sand.u32 $0x1, s1  }
0x8c: {  	s18 =	sshll.u32 s0, $0xA;
	s2 =	sadd.s32 s3, s2  }
0x8d: {  	s2 =	sadd.s32 s2, s18  }
0x8e: {  	[smem:$0x3FC7] =	sst s2  }
0x8f: {  	_ = 	snop  }
0x90: {  	s2 =	sld [smem:$0x3FC9]  }
0x91: {  	s19 =	sld [smem:$0x3FD0];
	(tm) =	ssettm $0x1  }
0x92: {  	s4 =	sld [smem:$0x3FFB];
	_ =	sdelay $0x3  }
0x93: {  	_ =	strace s4  }
0x94: {  	s4 =	sld [smem:$0x3FFC];
	_ =	sdelay $0x3  }
0x95: {  	_ =	strace s4  }
0x96: {  	s4 =	sld [smem:$0x3FFD];
	_ =	sdelay $0x3  }
0x97: {  	_ =	strace s4  }
0x98: {  	_ =	strace $0x8FFFFFFF  }
0x99: {  	s20 =	sld [smem:$0x3FDB];
	_ =	sdelay $0x1  }
0x9a: {  	s5 =	simm.s32 $_scs_section_size  }
0x9b: {  	s6 =	simm.s32 $_size__tile_overlayer_lowered;
	s7 =	simm.s32 $_tile_overlayer_lowered  }
0x9c: {  	s23 =	simm.s32 $0x1BFF;
	s22 =	sshll.u32 s7, $0x1;
	s4 =	sadd.s32 s5, s20  }
0x9d: {  	s8 =	simm.s32 $0x0;
	s21 =	sshll.u32 s6, $0x1;
	s6 =	sadd.s32 s22, s4  }
0x9e: {  	[timem:s8], [sflag:s23] =	dma.local [hbm:s6], s21  }
0x9f: {  	_ =	swait.ge [sflag:s23], s21  }
0xa0: {  	s5 =	ssub.s32 $0x0, s21;
	[sflag:s23] =	ssyncset.done $0x0  }
0xa1: {  	[sflag:s23] =	ssyncadd.s32 s5;
	_ =	sdelay $0x1  }
0xa2: {  	s24 =	simm.s32 $0x1B8B  }
0xa3: {  	_ =	swait.ge [sflag:s24], $0x1  }
0xa4: {  	[sflag:s24] =	ssyncset.done $0x0  }
0xa5: {  	s25 =	simm.s32 $0x1B8E;
	[sflag:s24] =	ssyncadd.s32 $0xFFFFFFFF  }
0xa6: {  	s26 =	simm.s32 $execute0_lowered;
	[smem:$0x3FD2] =	sst s25  }
0xa7: {  	s5 =	sshll.u32 s26, $0x1;
	_ =	strace $0x80000046;
	[dreg:$0x1] =	wrdreg $0xFFFFFFFF  }
0xa8: {  	s28 =	simm.s32 $_size_execute0_lowered;
	s4 =	sadd.s32 s4, s5;
	[dreg:$0x0] =	wrdreg $0x0  }
0xa9: {  	s5 =	sshll.u32 s28, $0x1;
	[dreg:$0x2] =	wrdreg s4  }
0xaa: {  	[dreg:$0x3] =	wrdreg s5  }
0xab: {  	[dreg:$0x4] =	wrdreg $0xC0  }
0xac: {  	_ =	task [dreg:s8], $0x5FFFF  }
0xad: {  	[dreg:$0x1] =	wrdreg $0xFFFFFFFF  }
0xae: {  	[dreg:$0x0] =	wrdreg $0x60  }
0xaf: {  	[dreg:$0x2] =	wrdreg s2  }
0xb0: {  	[dreg:$0x3] =	wrdreg s19  }
0xb1: {  	[dreg:$0x4] =	wrdreg $0x9  }
0xb2: {  	_ =	task.clear_ibuf [dreg:s8], $0x5FFFF;
	_ =	strace $0x90000046  }
0xb3: {  	s29 =	simm.s32 $0x9;
	_ =	strace $0x80000048  }
0xb4: {  	_ =	swait.ge [sflag:s29], $0x1  }
0xb5: {  	[sflag:s29] =	ssyncadd.s32 $0xFFFFFFFF  }
0xb6: {  	_ =	strace $0x90000048  }
0xb7: {  	_ =	sfence  }
0xb8: {  	s30 =	sld [smem:$0x0];
	_ =	sdelay $0x2  }
0xb9: {  	s31 =	sshll.u32 s1, $0xD;
	s1 =	sshrl.u32 s1, $0x2  }
0xba: {  	s3 =	sand.u32 $0x4000, s31;
	s1 =	sadd.s32 s1, s30  }
0xbb: {  	s0 =	sor.u32 s3, s0;
	s1 =	sshll.u32 s1, $0x11  }
0xbc: {  	s0 =	sor.u32 s1, s0  }
0xbd: {  	s0 =	sadd.s32 $0x8F2B, s0  }
0xbe: {  	[sflag:s0] =	ssyncadd.remote.s32 $0x1  }
0xbf: {  	_ =	sfence.sel $0xFFFF  }
0xc0: {  	[dreg:$0x0] =	wrdreg $0xFFFFFFFF;
	(pc) =	sbr.abs _section_cstart, $3  }
0xc1: {  	[dreg:$0x1] =	wrdreg $0xFFFFFFFF  }
0xc2: {  	_ =	task.clear_ibuf [dreg:s8], $0x2FFFF;
	_ =	strace $0x9FFFFFFF  }
0xc3: {  	(tm) =	ssettm $0x7FFFFFFF  }
tec
execute0_lowered:
.L_overlay_start_1:
0x0: {  	(tag) =	ssettag $0x1  }
0x1: {  	s5 =	rddreg [dreg:$0x0]  }
0x2: {  	s0 =	rddreg [dreg:$0x1];
	s6 =	simm.s32 $0x0  }
0x3: {  	[smem:$0x7FF] =	sst s6;
	s23 =	sadd.s32 $0x10000, s5  }
0x4: {  	s24 =	sadd.s32 $0x20000, s5;
	_ =	strace $0x80000047;
	[dreg:$0x6] =	wrdreg s23  }
0x5: {  	s25 =	sadd.s32 $0x30000, s5;
	[dreg:$0x9] =	wrdreg s24  }
0x6: {  	s8 =	sadd.s32 $0x40000, s5;
	[dreg:$0xb] =	wrdreg s25  }
0x7: {  	s28 =	sadd.s32 $0x50000, s5;
	[dreg:$0xc] =	wrdreg s8  }
0x8: {  	s29 =	sadd.s32 $0x60000, s5;
	[dreg:$0xf] =	wrdreg s28  }
0x9: {  	s9 =	sadd.s32 $0x80000, s5;
	[dreg:$0x11] =	wrdreg s29  }
0xa: {  	s1 =	srdreg.scid;
	s10 =	sadd.s32 $0x90000, s5;
	[dreg:$0x15] =	wrdreg s9  }
0xb: {  	s7 =	stileid.u32;
	s13 =	sadd.s32 $0xA0000, s5;
	[dreg:$0x17] =	wrdreg s10  }
0xc: {  	s1 =	sand.u32 $0x1, s1;
	s14 =	sadd.s32 $0xB0000, s5;
	[dreg:$0x1b] =	wrdreg s13  }
0xd: {  	s4 =	sshll.u32 s7, $0xA;
	s15 =	sadd.s32 $0xC0000, s5;
	[dreg:$0x1c] =	wrdreg s14  }
0xe: {  	s18 =	sadd.s32 $0xD0000, s5;
	s19 =	sadd.s32 $0xE0000, s5;
	[dreg:$0x1d] =	wrdreg s15  }
0xf: {  	s20 =	sadd.s32 $0xF0000, s5;
	s2 =	ssub.s32 $0x2, s1;
	[smem:$0x77E] =	sst s18  }
0x10: {  	s1 =	sshll.u32 s1, $0x9;
	[smem:$0x780] =	sst s19;
	s3 =	sshrl.u32 s2, $0x1  }
0x11: {  	[smem:$0x782] =	sst s20;
	s2 =	ssub.s32 s2, s3;
	s3 =	sor.u32 s1, s4  }
0x12: {  	s1 =	sadd.s32 s3, s23;
	[dreg:$0x5] =	wrdreg s3  }
0x13: {  	s26 =	sadd.s32 s3, s8;
	[dreg:$0x8] =	wrdreg s1  }
0x14: {  	s31 =	sadd.s32 s3, s29;
	[dreg:$0xe] =	wrdreg s26  }
0x15: {  	s8 =	sadd.s32 $0x70000, s5;
	[dreg:$0x12] =	wrdreg s31  }
0x16: {  	s11 =	sadd.s32 s3, s10;
	[dreg:$0x13] =	wrdreg s8  }
0x17: {  	s12 =	smax.u32 s2, $0x1;
	[dreg:$0x19] =	wrdreg s11  }
0x18: {  	s16 =	sadd.s32 s3, s14;
	[dreg:$0x1a] =	wrdreg s12  }
0x19: {  	s17 =	sadd.s32 s3, s15;
	[dreg:$0x1f] =	wrdreg s16  }
0x1a: {  	s21 =	sadd.s32 s3, s19;
	[smem:$0x77D] =	sst s17  }
0x1b: {  	s22 =	sadd.s32 s3, s20;
	[smem:$0x781] =	sst s21  }
0x1c: {  	s23 =	sadd.s32 $0x100000, s5;
	[smem:$0x783] =	sst s22  }
0x1d: {  	s29 =	sadd.s32 $0x130000, s5;
	[smem:$0x784] =	sst s23  }
0x1e: {  	s10 =	sadd.s32 $0x180000, s5;
	[smem:$0x78A] =	sst s29  }
0x1f: {  	s14 =	sadd.s32 $0x1A0000, s5;
	[smem:$0x794] =	sst s10  }
0x20: {  	s15 =	sadd.s32 $0x1B0000, s5;
	[smem:$0x798] =	sst s14  }
0x21: {  	s19 =	sadd.s32 $0x1D0000, s5;
	[smem:$0x79A] =	sst s15  }
0x22: {  	s20 =	sadd.s32 $0x1E0000, s5;
	[smem:$0x79E] =	sst s19  }
0x23: {  	s4 =	sadd.s32 s5, s3;
	[smem:$0x7A0] =	sst s20  }
0x24: {  	s1 =	sadd.s32 s3, s24;
	[dreg:$0x7] =	wrdreg s4  }
0x25: {  	s30 =	sshll.u32 s7, $0xD;
	s7 =	sadd.s32 s3, s8;
	[dreg:$0xa] =	wrdreg s1  }
0x26: {  	s24 =	sadd.s32 $0x110000, s5;
	[dreg:$0x14] =	wrdreg s7  }
0x27: {  	s31 =	sadd.s32 $0x150000, s5;
	[smem:$0x786] =	sst s24  }
0x28: {  	s8 =	sadd.s32 $0x160000, s5;
	[smem:$0x78E] =	sst s31  }
0x29: {  	s12 =	sadd.s32 s3, s10;
	[smem:$0x790] =	sst s8  }
0x2a: {  	s16 =	sadd.s32 s3, s14;
	[smem:$0x795] =	sst s12  }
0x2b: {  	s17 =	sadd.s32 s3, s15;
	[smem:$0x799] =	sst s16  }
0x2c: {  	s21 =	sadd.s32 s3, s19;
	[smem:$0x79B] =	sst s17  }
0x2d: {  	s22 =	sadd.s32 s3, s20;
	[smem:$0x79F] =	sst s21  }
0x2e: {  	s19 =	sadd.s32 $0x10100, s4;
	[smem:$0x7A1] =	sst s22  }
0x2f: {  	s20 =	sadd.s32 $0x50100, s4;
	[smem:$0x7A8] =	sst s19  }
0x30: {  	s10 =	sadd.s32 $0x270000, s5;
	[smem:$0x7AC] =	sst s20  }
0x31: {  	s14 =	sadd.s32 $0x2B0000, s5;
	[smem:$0x7CB] =	sst s10  }
0x32: {  	s15 =	sadd.s32 $0x2C0000, s5;
	[smem:$0x7DB] =	sst s14  }
0x33: {  	s1 =	sadd.s32 s3, s25;
	[smem:$0x7DF] =	sst s15  }
0x34: {  	s7 =	sadd.s32 s3, s9;
	[dreg:$0xd] =	wrdreg s1  }
0x35: {  	s26 =	sadd.s32 s3, s24;
	[dreg:$0x16] =	wrdreg s7  }
0x36: {  	s25 =	sadd.s32 $0x120000, s5;
	[smem:$0x787] =	sst s26  }
0x37: {  	s9 =	sadd.s32 $0x170000, s5;
	[smem:$0x788] =	sst s25  }
0x38: {  	s24 =	sadd.s32 $0x200000, s5;
	[smem:$0x792] =	sst s9  }
0x39: {  	s21 =	sadd.s32 $0x60100, s4;
	[smem:$0x7A4] =	sst s24  }
0x3a: {  	s22 =	sadd.s32 $0x70100, s4;
	[smem:$0x7AD] =	sst s21  }
0x3b: {  	s19 =	sadd.s32 $0x100100, s4;
	[smem:$0x7AE] =	sst s22  }
0x3c: {  	s20 =	sadd.s32 $0x110100, s4;
	[smem:$0x7B9] =	sst s19  }
0x3d: {  	s12 =	sadd.s32 $0x290000, s5;
	[smem:$0x7BA] =	sst s20  }
0x3e: {  	s16 =	sadd.s32 $0x2D0000, s5;
	[smem:$0x7D3] =	sst s12  }
0x3f: {  	s17 =	sadd.s32 $0x2E0000, s5;
	[smem:$0x7E3] =	sst s16  }
0x40: {  	s1 =	sadd.s32 s3, s28;
	[smem:$0x7E7] =	sst s17  }
0x41: {  	s28 =	sadd.s32 s3, s25;
	[dreg:$0x10] =	wrdreg s1  }
0x42: {  	s7 =	sadd.s32 s3, s31;
	[smem:$0x789] =	sst s28  }
0x43: {  	s11 =	sadd.s32 s3, s9;
	[smem:$0x78F] =	sst s7  }
0x44: {  	s26 =	sadd.s32 s3, s24;
	[smem:$0x793] =	sst s11  }
0x45: {  	s25 =	sadd.s32 $0x210000, s5;
	[smem:$0x7A5] =	sst s26  }
0x46: {  	s31 =	sadd.s32 $0x40100, s4;
	[smem:$0x7A6] =	sst s25  }
0x47: {  	s24 =	sadd.s32 $0x90100, s4;
	[smem:$0x7AB] =	sst s31  }
0x48: {  	s22 =	sadd.s32 $0x120100, s4;
	[smem:$0x7B0] =	sst s24  }
0x49: {  	s9 =	sadd.s32 $0x260000, s5;
	[smem:$0x7BD] =	sst s22  }
0x4a: {  	s20 =	sadd.s32 $0x1C0100, s4;
	[smem:$0x7C7] =	sst s9  }
0x4b: {  	s1 =	sor.u32 s30, s3;
	s30 =	sadd.s32 $0x140000, s5;
	[smem:$0x7D1] =	sst s20  }
0x4c: {  	s28 =	sadd.s32 s3, s25;
	[smem:$0x78C] =	sst s30  }
0x4d: {  	s25 =	sadd.s32 $0xA0100, s4;
	[smem:$0x7A7] =	sst s28  }
0x4e: {  	s26 =	sadd.s32 $0xB0100, s4;
	[smem:$0x7B1] =	sst s25  }
0x4f: {  	s31 =	sadd.s32 $0xF0100, s4;
	[smem:$0x7B2] =	sst s26  }
0x50: {  	s7 =	sadd.s32 $0x240000, s5;
	[smem:$0x7B6] =	sst s31  }
0x51: {  	s11 =	sadd.s32 $0x280000, s5;
	[smem:$0x7BF] =	sst s7  }
0x52: {  	s22 =	sadd.s32 s3, s12;
	[smem:$0x7CF] =	sst s11  }
0x53: {  	s12 =	sadd.s32 s3, s17;
	[smem:$0x7D4] =	sst s22  }
0x54: {  	s17 =	sadd.s32 $0x2B0100, s4;
	[smem:$0x7E8] =	sst s12  }
0x55: {  	s20 =	sadd.s32 $0x2D0100, s4;
	[smem:$0x7EE] =	sst s17  }
0x56: {  	s2 =	sadd.s32 s3, s30;
	[smem:$0x7F2] =	sst s20  }
0x57: {  	s30 =	sadd.s32 $0x30100, s4;
	[smem:$0x78D] =	sst s2  }
0x58: {  	s28 =	sadd.s32 $0xC0100, s4;
	[smem:$0x7AA] =	sst s30  }
0x59: {  	s24 =	sadd.s32 s3, s7;
	[smem:$0x7B3] =	sst s28  }
0x5a: {  	s25 =	sadd.s32 $0x140100, s4;
	[smem:$0x7C0] =	sst s24  }
0x5b: {  	s26 =	sadd.s32 $0x150100, s4;
	[smem:$0x7C1] =	sst s25  }
0x5c: {  	s31 =	sadd.s32 s3, s9;
	[smem:$0x7C2] =	sst s26  }
0x5d: {  	s7 =	sadd.s32 $0x190100, s4;
	[smem:$0x7C8] =	sst s31  }
0x5e: {  	s9 =	sadd.s32 $0x1A0100, s4;
	[smem:$0x7CA] =	sst s7  }
0x5f: {  	s19 =	sadd.s32 s3, s11;
	[smem:$0x7CD] =	sst s9  }
0x60: {  	s11 =	sadd.s32 $0x270100, s4;
	[smem:$0x7D0] =	sst s19  }
0x61: {  	s22 =	sadd.s32 $0x2E0100, s4;
	[smem:$0x7E6] =	sst s11  }
0x62: {  	s30 =	sadd.s32 $0xE0100, s4;
	[smem:$0x7F4] =	sst s22  }
0x63: {  	s2 =	sadd.s32 $0x230000, s5;
	[smem:$0x7B5] =	sst s30  }
0x64: {  	s24 =	sadd.s32 $0x1F0100, s4;
	[smem:$0x7BB] =	sst s2  }
0x65: {  	s26 =	sadd.s32 $0x200100, s4;
	[smem:$0x7D6] =	sst s24  }
0x66: {  	s31 =	sadd.s32 $0x230100, s4;
	[smem:$0x7D9] =	sst s26  }
0x67: {  	s7 =	sadd.s32 $0x240100, s4;
	[smem:$0x7DE] =	sst s31  }
0x68: {  	s9 =	sadd.s32 s3, s16;
	[smem:$0x7E1] =	sst s7  }
0x69: {  	s1 =	sand.u32 $0x1C600, s1;
	s16 =	sadd.s32 $0x2A0100, s4;
	[smem:$0x7E4] =	sst s9  }
0x6a: {  	s1 =	sshrl.u32 s1, $0x3;
	s19 =	sadd.s32 $0x2C0100, s4;
	[smem:$0x7ED] =	sst s16  }
0x6b: {  	s0 =	sadd.s32 s0, s1;
	s1 =	sadd.s32 s3, s13;
	[smem:$0x7F1] =	sst s19  }
0x6c: {  	s13 =	sadd.s32 $0x190000, s5;
	[dreg:$0x1e] =	wrdreg s1  }
0x6d: {  	s21 =	sadd.s32 s3, s2;
	[smem:$0x796] =	sst s13  }
0x6e: {  	s30 =	sadd.s32 $0x170100, s4;
	[smem:$0x7BC] =	sst s21  }
0x6f: {  	s2 =	sadd.s32 $0x180100, s4;
	[smem:$0x7C6] =	sst s30  }
0x70: {  	s24 =	sadd.s32 $0x300100, s4;
	[smem:$0x7C9] =	sst s2  }
0x71: {  	[smem:$0x7F6] =	sst s24  }
0x72: {  	s1 =	sadd.s32 s3, s18;
	[dreg:$0x18] =	wrdreg s0  }
0x73: {  	s18 =	sadd.s32 $0x1C0000, s5;
	[smem:$0x77F] =	sst s1  }
0x74: {  	s21 =	sadd.s32 $0x1D0100, s4;
	[smem:$0x79C] =	sst s18  }
0x75: {  	s30 =	sadd.s32 $0x220100, s4;
	[smem:$0x7D2] =	sst s21  }
0x76: {  	s2 =	sadd.s32 s3, s15;
	[smem:$0x7DD] =	sst s30  }
0x77: {  	s26 =	sadd.s32 $0x200, s0;
	[smem:$0x7E0] =	sst s2  }
0x78: {  	s31 =	sadd.s32 $0x600, s0;
	[smem:$0x7F8] =	sst s26  }
0x79: {  	s1 =	sadd.s32 s3, s23;
	[smem:$0x7FC] =	sst s31  }
0x7a: {  	s23 =	sadd.s32 $0x1F0000, s5;
	[smem:$0x785] =	sst s1  }
0x7b: {  	s21 =	sadd.s32 $0x100, s4;
	[smem:$0x7A2] =	sst s23  }
0x7c: {  	s30 =	sadd.s32 $0x500, s0;
	[smem:$0x7F3] =	sst s21  }
0x7d: {  	s1 =	sadd.s32 s3, s29;
	[smem:$0x7FB] =	sst s30  }
0x7e: {  	s29 =	sadd.s32 $0x20100, s4;
	[smem:$0x78B] =	sst s1  }
0x7f: {  	s1 =	sadd.s32 s3, s8;
	[smem:$0x7A9] =	sst s29  }
0x80: {  	s29 =	sadd.s32 $0xD0100, s4;
	[smem:$0x791] =	sst s1  }
0x81: {  	s8 =	sadd.s32 $0x250000, s5;
	[smem:$0x7B4] =	sst s29  }
0x82: {  	s1 =	sadd.s32 s3, s13;
	[smem:$0x7C3] =	sst s8  }
0x83: {  	s28 =	sadd.s32 s3, s8;
	[smem:$0x797] =	sst s1  }
0x84: {  	s29 =	sadd.s32 $0x160100, s4;
	[smem:$0x7C4] =	sst s28  }
0x85: {  	s8 =	sadd.s32 s3, s10;
	[smem:$0x7C5] =	sst s29  }
0x86: {  	s10 =	sadd.s32 $0x1B0100, s4;
	[smem:$0x7CC] =	sst s8  }
0x87: {  	s13 =	sadd.s32 $0x2A0000, s5;
	[smem:$0x7CE] =	sst s10  }
0x88: {  	s1 =	sadd.s32 s3, s18;
	[smem:$0x7D7] =	sst s13  }
0x89: {  	s25 =	sadd.s32 s3, s13;
	[smem:$0x79D] =	sst s1  }
0x8a: {  	s28 =	sadd.s32 $0x210100, s4;
	[smem:$0x7D8] =	sst s25  }
0x8b: {  	s29 =	sadd.s32 s3, s14;
	[smem:$0x7DA] =	sst s28  }
0x8c: {  	s8 =	sadd.s32 $0x250100, s4;
	[smem:$0x7DC] =	sst s29  }
0x8d: {  	s10 =	sadd.s32 $0x260100, s4;
	[smem:$0x7E2] =	sst s8  }
0x8e: {  	s13 =	sadd.s32 $0x280100, s4;
	[smem:$0x7E5] =	sst s10  }
0x8f: {  	s14 =	sadd.s32 $0x290100, s4;
	[smem:$0x7E9] =	sst s13  }
0x90: {  	s18 =	sadd.s32 $0x2F0000, s5;
	[smem:$0x7EA] =	sst s14  }
0x91: {  	s1 =	sadd.s32 s3, s23;
	[smem:$0x7EB] =	sst s18  }
0x92: {  	s23 =	sadd.s32 $0x80100, s4;
	[smem:$0x7A3] =	sst s1  }
0x93: {  	s15 =	sadd.s32 s3, s18;
	[smem:$0x7AF] =	sst s23  }
0x94: {  	s25 =	sadd.s32 $0x100, s0;
	[smem:$0x7EC] =	sst s15  }
0x95: {  	s28 =	sadd.s32 $0x300, s0;
	[smem:$0x7F7] =	sst s25  }
0x96: {  	s29 =	sadd.s32 $0x400, s0;
	[smem:$0x7F9] =	sst s28  }
0x97: {  	s0 =	sadd.s32 $0x700, s0;
	[smem:$0x7FA] =	sst s29  }
0x98: {  	s1 =	sadd.s32 $0x220000, s5;
	[smem:$0x7FD] =	sst s0  }
0x99: {  	s23 =	sadd.s32 $0x130100, s4;
	[smem:$0x7B7] =	sst s1  }
0x9a: {  	s5 =	sadd.s32 $0x300000, s5;
	[smem:$0x7BE] =	sst s23  }
0x9b: {  	s1 =	sadd.s32 s3, s1;
	[smem:$0x7EF] =	sst s5  }
0x9c: {  	s23 =	sadd.s32 $0x1E0100, s4;
	[smem:$0x7B8] =	sst s1  }
0x9d: {  	s18 =	sadd.s32 s3, s5;
	[smem:$0x7D5] =	sst s23  }
0x9e: {  	[smem:$0x7F0] =	sst s18;
	s23 =	sadd.s32 $0x2F0100, s4  }
0x9f: {  	s2 =	simm.s32 $0x0;
	[smem:$0x7F5] =	sst s23  }
.LBB2_1:
0xa0: {  	[smem:$0x77C] =	sst s2  }
0xa1: {  	s0 =	rddreg [dreg:$0x7]  }
0xa2: {  	s20 =	rddreg [dreg:$0x8]  }
0xa3: {  	[tilespmem:s6], [sflag:$0x1] =	stream.linear.gather [hbm4b:s0+s6], $0x400, $0x38;
	[tilespmem:$0x19800] =	vst v63  }
0xa4: {  	s1 =	simm.s32 $0x400;
	s21 =	rddreg [dreg:$0xa]  }
0xa5: {  	[tilespmem:s1], [sflag:$0x1] =	stream.linear.gather [hbm4b:s20+s6], $0x400, $0x38;
	[tilespmem:$0x19800] =	vst v63  }
0xa6: {  	s22 =	simm.s32 $0x800;
	s23 =	rddreg [dreg:$0xd]  }
0xa7: {  	[tilespmem:s22], [sflag:$0x1] =	stream.linear.gather [hbm4b:s21+s6], $0x400, $0x38;
	[tilespmem:$0x19800] =	vst v63  }
0xa8: {  	s24 =	simm.s32 $0xC00;
	s25 =	rddreg [dreg:$0xe]  }
0xa9: {  	[tilespmem:s24], [sflag:$0x1] =	stream.linear.gather [hbm4b:s23+s6], $0x400, $0x38;
	[tilespmem:$0x19800] =	vst v63  }
0xaa: {  	s26 =	simm.s32 $0x1000;
	s28 =	rddreg [dreg:$0x10]  }
0xab: {  	[tilespmem:s26], [sflag:$0x1] =	stream.linear.gather [hbm4b:s25+s6], $0x400, $0x38;
	[tilespmem:$0x19800] =	vst v63  }
0xac: {  	s29 =	simm.s32 $0x1400;
	s30 =	rddreg [dreg:$0x12]  }
0xad: {  	[tilespmem:s29], [sflag:$0x1] =	stream.linear.gather [hbm4b:s28+s6], $0x400, $0x38;
	[tilespmem:$0x19800] =	vst v63  }
0xae: {  	s31 =	simm.s32 $0x1800;
	s2 =	rddreg [dreg:$0x14]  }
0xaf: {  	[tilespmem:s31], [sflag:$0x1] =	stream.linear.gather [hbm4b:s30+s6], $0x400, $0x38;
	[tilespmem:$0x19800] =	vst v63  }
0xb0: {  	s3 =	simm.s32 $0x1C00;
	s4 =	rddreg [dreg:$0x16]  }
0xb1: {  	[tilespmem:s3], [sflag:$0x1] =	stream.linear.gather [hbm4b:s2+s6], $0x400, $0x38;
	[tilespmem:$0x19800] =	vst v63  }
0xb2: {  	s5 =	simm.s32 $0x2000;
	s7 =	rddreg [dreg:$0x19]  }
0xb3: {  	[tilespmem:s5], [sflag:$0x1] =	stream.linear.gather [hbm4b:s4+s6], $0x400, $0x38;
	[tilespmem:$0x19800] =	vst v63  }
0xb4: {  	s8 =	simm.s32 $0x2400;
	s9 =	rddreg [dreg:$0x1e]  }
0xb5: {  	[tilespmem:s8], [sflag:$0x1] =	stream.linear.gather [hbm4b:s7+s6], $0x400, $0x38;
	[tilespmem:$0x19800] =	vst v63  }
0xb6: {  	s10 =	simm.s32 $0x2800;
	s11 =	rddreg [dreg:$0x1f]  }
0xb7: {  	[tilespmem:s10], [sflag:$0x1] =	stream.linear.gather [hbm4b:s9+s6], $0x400, $0x38;
	[tilespmem:$0x19800] =	vst v63  }
0xb8: {  	s12 =	simm.s32 $0x2C00;
	s13 =	sld [smem:$0x77D]  }
0xb9: {  	[tilespmem:s12], [sflag:$0x1] =	stream.linear.gather [hbm4b:s11+s6], $0x400, $0x38;
	[tilespmem:$0x19800] =	vst v63  }
0xba: {  	s14 =	simm.s32 $0x3000;
	s15 =	sld [smem:$0x77F]  }
0xbb: {  	[tilespmem:s14], [sflag:$0x1] =	stream.linear.gather [hbm4b:s13+s6], $0x400, $0x38;
	[tilespmem:$0x19800] =	vst v63  }
0xbc: {  	s16 =	simm.s32 $0x3400;
	s17 =	sld [smem:$0x781]  }
0xbd: {  	[tilespmem:s16], [sflag:$0x1] =	stream.linear.gather [hbm4b:s15+s6], $0x400, $0x38;
	[tilespmem:$0x19800] =	vst v63  }
0xbe: {  	s18 =	simm.s32 $0x3800;
	s19 =	sld [smem:$0x783]  }
0xbf: {  	[tilespmem:s18], [sflag:$0x1] =	stream.linear.gather [hbm4b:s17+s6], $0x400, $0x38;
	[tilespmem:$0x19800] =	vst v63  }
0xc0: {  	s20 =	simm.s32 $0x3C00;
	s21 =	sld [smem:$0x785]  }
0xc1: {  	[tilespmem:s20], [sflag:$0x1] =	stream.linear.gather [hbm4b:s19+s6], $0x400, $0x38;
	[tilespmem:$0x19800] =	vst v63  }
0xc2: {  	s22 =	simm.s32 $0x4000;
	s23 =	sld [smem:$0x787]  }
0xc3: {  	[tilespmem:s22], [sflag:$0x1] =	stream.linear.gather [hbm4b:s21+s6], $0x400, $0x38;
	[tilespmem:$0x19800] =	vst v63  }
0xc4: {  	s24 =	simm.s32 $0x4400;
	s25 =	sld [smem:$0x789]  }
0xc5: {  	[tilespmem:s24], [sflag:$0x1] =	stream.linear.gather [hbm4b:s23+s6], $0x400, $0x38;
	[tilespmem:$0x19800] =	vst v63  }
0xc6: {  	s26 =	simm.s32 $0x4800;
	s28 =	sld [smem:$0x78B]  }
0xc7: {  	[tilespmem:s26], [sflag:$0x1] =	stream.linear.gather [hbm4b:s25+s6], $0x400, $0x38;
	[tilespmem:$0x19800] =	vst v63  }
0xc8: {  	s29 =	simm.s32 $0x4C00;
	s30 =	sld [smem:$0x78D]  }
0xc9: {  	[tilespmem:s29], [sflag:$0x1] =	stream.linear.gather [hbm4b:s28+s6], $0x400, $0x38;
	[tilespmem:$0x19800] =	vst v63  }
0xca: {  	s31 =	simm.s32 $0x5000;
	s2 =	sld [smem:$0x78F]  }
0xcb: {  	[tilespmem:s31], [sflag:$0x1] =	stream.linear.gather [hbm4b:s30+s6], $0x400, $0x38;
	[tilespmem:$0x19800] =	vst v63  }
0xcc: {  	s3 =	simm.s32 $0x5400;
	s4 =	sld [smem:$0x791]  }
0xcd: {  	[tilespmem:s3], [sflag:$0x1] =	stream.linear.gather [hbm4b:s2+s6], $0x400, $0x38;
	[tilespmem:$0x19800] =	vst v63  }
0xce: {  	s5 =	simm.s32 $0x5800;
	s7 =	sld [smem:$0x793]  }
0xcf: {  	[tilespmem:s5], [sflag:$0x1] =	stream.linear.gather [hbm4b:s4+s6], $0x400, $0x38;
	[tilespmem:$0x19800] =	vst v63  }
0xd0: {  	s8 =	simm.s32 $0x5C00;
	s9 =	sld [smem:$0x795]  }
0xd1: {  	[tilespmem:s8], [sflag:$0x1] =	stream.linear.gather [hbm4b:s7+s6], $0x400, $0x38;
	[tilespmem:$0x19800] =	vst v63  }
0xd2: {  	s10 =	simm.s32 $0x6000;
	s11 =	sld [smem:$0x797]  }
0xd3: {  	[tilespmem:s10], [sflag:$0x1] =	stream.linear.gather [hbm4b:s9+s6], $0x400, $0x38;
	[tilespmem:$0x19800] =	vst v63  }
0xd4: {  	s12 =	simm.s32 $0x6400;
	s13 =	sld [smem:$0x799]  }
0xd5: {  	[tilespmem:s12], [sflag:$0x1] =	stream.linear.gather [hbm4b:s11+s6], $0x400, $0x38;
	[tilespmem:$0x19800] =	vst v63  }
0xd6: {  	s14 =	simm.s32 $0x6800;
	s15 =	sld [smem:$0x79B]  }
0xd7: {  	[tilespmem:s14], [sflag:$0x1] =	stream.linear.gather [hbm4b:s13+s6], $0x400, $0x38;
	[tilespmem:$0x19800] =	vst v63  }
0xd8: {  	s16 =	simm.s32 $0x6C00;
	s17 =	sld [smem:$0x79D]  }
0xd9: {  	[tilespmem:s16], [sflag:$0x1] =	stream.linear.gather [hbm4b:s15+s6], $0x400, $0x38;
	[tilespmem:$0x19800] =	vst v63  }
0xda: {  	s18 =	simm.s32 $0x7000;
	s19 =	sld [smem:$0x79F]  }
0xdb: {  	[tilespmem:s18], [sflag:$0x1] =	stream.linear.gather [hbm4b:s17+s6], $0x400, $0x38;
	[tilespmem:$0x19800] =	vst v63  }
0xdc: {  	s20 =	simm.s32 $0x7400;
	s21 =	sld [smem:$0x7A1]  }
0xdd: {  	[tilespmem:s20], [sflag:$0x1] =	stream.linear.gather [hbm4b:s19+s6], $0x400, $0x38;
	[tilespmem:$0x19800] =	vst v63  }
0xde: {  	s22 =	simm.s32 $0x7800;
	s23 =	sld [smem:$0x7A3]  }
0xdf: {  	[tilespmem:s22], [sflag:$0x1] =	stream.linear.gather [hbm4b:s21+s6], $0x400, $0x38;
	[tilespmem:$0x19800] =	vst v63  }
0xe0: {  	s24 =	simm.s32 $0x7C00;
	s25 =	sld [smem:$0x7A5]  }
0xe1: {  	[tilespmem:s24], [sflag:$0x1] =	stream.linear.gather [hbm4b:s23+s6], $0x400, $0x38;
	[tilespmem:$0x19800] =	vst v63  }
0xe2: {  	s26 =	simm.s32 $0x8000;
	s28 =	sld [smem:$0x7A7]  }
0xe3: {  	[tilespmem:s26], [sflag:$0x1] =	stream.linear.gather [hbm4b:s25+s6], $0x400, $0x38;
	[tilespmem:$0x19800] =	vst v63  }
0xe4: {  	s29 =	simm.s32 $0x8400;
	s30 =	sld [smem:$0x7B8]  }
0xe5: {  	[tilespmem:s29], [sflag:$0x1] =	stream.linear.gather [hbm4b:s28+s6], $0x400, $0x38;
	[tilespmem:$0x19800] =	vst v63  }
0xe6: {  	s31 =	simm.s32 $0x8800;
	s2 =	sld [smem:$0x7BC]  }
0xe7: {  	[tilespmem:s31], [sflag:$0x1] =	stream.linear.gather [hbm4b:s30+s6], $0x400, $0x38;
	[tilespmem:$0x19800] =	vst v63  }
0xe8: {  	s3 =	simm.s32 $0x8C00;
	s4 =	sld [smem:$0x7C0]  }
0xe9: {  	[tilespmem:s3], [sflag:$0x1] =	stream.linear.gather [hbm4b:s2+s6], $0x400, $0x38;
	[tilespmem:$0x19800] =	vst v63  }
0xea: {  	s5 =	simm.s32 $0x9000;
	s7 =	sld [smem:$0x7C4]  }
0xeb: {  	[tilespmem:s5], [sflag:$0x1] =	stream.linear.gather [hbm4b:s4+s6], $0x400, $0x38;
	[tilespmem:$0x19800] =	vst v63  }
0xec: {  	s8 =	simm.s32 $0x9400;
	s9 =	sld [smem:$0x7C8]  }
0xed: {  	[tilespmem:s8], [sflag:$0x1] =	stream.linear.gather [hbm4b:s7+s6], $0x400, $0x38;
	[tilespmem:$0x19800] =	vst v63  }
0xee: {  	s10 =	simm.s32 $0x9800;
	s11 =	sld [smem:$0x7CC]  }
0xef: {  	[tilespmem:s10], [sflag:$0x1] =	stream.linear.gather [hbm4b:s9+s6], $0x400, $0x38;
	[tilespmem:$0x19800] =	vst v63  }
0xf0: {  	s12 =	simm.s32 $0x9C00;
	s13 =	sld [smem:$0x7D0]  }
0xf1: {  	[tilespmem:s12], [sflag:$0x1] =	stream.linear.gather [hbm4b:s11+s6], $0x400, $0x38;
	[tilespmem:$0x19800] =	vst v63  }
0xf2: {  	s14 =	simm.s32 $0xA000;
	s15 =	sld [smem:$0x7D4]  }
0xf3: {  	[tilespmem:s14], [sflag:$0x1] =	stream.linear.gather [hbm4b:s13+s6], $0x400, $0x38;
	[tilespmem:$0x19800] =	vst v63  }
0xf4: {  	s16 =	simm.s32 $0xA400;
	s17 =	sld [smem:$0x7D8]  }
0xf5: {  	[tilespmem:s16], [sflag:$0x1] =	stream.linear.gather [hbm4b:s15+s6], $0x400, $0x38;
	[tilespmem:$0x19800] =	vst v63  }
0xf6: {  	s18 =	simm.s32 $0xA800;
	s19 =	sld [smem:$0x7DC]  }
0xf7: {  	[tilespmem:s18], [sflag:$0x1] =	stream.linear.gather [hbm4b:s17+s6], $0x400, $0x38;
	[tilespmem:$0x19800] =	vst v63  }
0xf8: {  	s20 =	simm.s32 $0xAC00;
	s21 =	sld [smem:$0x7E0]  }
0xf9: {  	[tilespmem:s20], [sflag:$0x1] =	stream.linear.gather [hbm4b:s19+s6], $0x400, $0x38;
	[tilespmem:$0x19800] =	vst v63  }
0xfa: {  	s22 =	simm.s32 $0xB000;
	s23 =	sld [smem:$0x7E4]  }
0xfb: {  	[tilespmem:s22], [sflag:$0x1] =	stream.linear.gather [hbm4b:s21+s6], $0x400, $0x38;
	[tilespmem:$0x19800] =	vst v63  }
0xfc: {  	s24 =	simm.s32 $0xB400;
	s25 =	sld [smem:$0x7E8]  }
0xfd: {  	[tilespmem:s24], [sflag:$0x1] =	stream.linear.gather [hbm4b:s23+s6], $0x400, $0x38;
	[tilespmem:$0x19800] =	vst v63  }
0xfe: {  	s26 =	simm.s32 $0xB800;
	s28 =	sld [smem:$0x7EC]  }
0xff: {  	[tilespmem:s26], [sflag:$0x1] =	stream.linear.gather [hbm4b:s25+s6], $0x400, $0x38;
	[tilespmem:$0x19800] =	vst v63  }
0x100: {  	p2 =	por $0x1, $0x1;
	s29 =	simm.s32 $0xBC00;
	s30 =	sld [smem:$0x7F0]  }
0x101: {  	[tilespmem:s29], [sflag:$0x1] =	stream.linear.gather [hbm4b:s28+s6], $0x400, $0x38;
	[tilespmem:$0x19800] =	vst v63  }
0x102: {  	p1 =	por $0x0, $0x0;
	s0 =	simm.s32 $0x0;
	s31 =	simm.s32 $0xC000  }
0x103: {  	[tilespmem:s31], [sflag:$0x1] =	stream.linear.gather [hbm4b:s30+s6], $0x400, $0x38;
	[tilespmem:$0x19800] =	vst v63  }
.LBB2_2:
0x104: {  	s8 =	rddreg [dreg:$0x5]  }
0x105: {  	s1 =	sshllo.u32 s0, $0x1;
	s9 =	rddreg [dreg:$0x0]  }
0x106: {  	s10 =	rddreg [dreg:$0x6];
	s2 =	sshll.u32 s1, $0x7  }
0x107: {  	s30 =	simm.s32 $0x0;
	s12 =	rddreg [dreg:$0x9];
	s1 =	sor.u32 s8, s2  }
0x108: {  	s3 =	simm.s32 $0xC400;
	[smem:$0x77B] =	sst s2;
	s2 =	sadd.s32 s9, s1  }
0x109: {  	[tilespmem:s3], [sflag:$0x2] =	stream.linear.gather [hbm4b:s2+s30], $0x400, $0x38;
	[tilespmem:$0x19800] =	vst v63  }
0x10a: {  	s11 =	simm.s32 $0xC800;
	s14 =	rddreg [dreg:$0xb];
	s2 =	sadd.s32 s1, s10  }
0x10b: {  	[tilespmem:s11], [sflag:$0x2] =	stream.linear.gather [hbm4b:s2+s30], $0x400, $0x38;
	[tilespmem:$0x19800] =	vst v63  }
0x10c: {  	s13 =	simm.s32 $0xCC00;
	s16 =	rddreg [dreg:$0xc];
	s2 =	sadd.s32 s1, s12  }
0x10d: {  	[tilespmem:s13], [sflag:$0x2] =	stream.linear.gather [hbm4b:s2+s30], $0x400, $0x38;
	[tilespmem:$0x19800] =	vst v63  }
0x10e: {  	s15 =	simm.s32 $0xD000;
	s18 =	rddreg [dreg:$0xf];
	s2 =	sadd.s32 s1, s14  }
0x10f: {  	[tilespmem:s15], [sflag:$0x2] =	stream.linear.gather [hbm4b:s2+s30], $0x400, $0x38;
	[tilespmem:$0x19800] =	vst v63  }
0x110: {  	s17 =	simm.s32 $0xD400;
	s20 =	rddreg [dreg:$0x11];
	s2 =	sadd.s32 s1, s16  }
0x111: {  	[tilespmem:s17], [sflag:$0x2] =	stream.linear.gather [hbm4b:s2+s30], $0x400, $0x38;
	[tilespmem:$0x19800] =	vst v63  }
0x112: {  	s19 =	simm.s32 $0xD800;
	s22 =	rddreg [dreg:$0x13];
	s2 =	sadd.s32 s1, s18  }
0x113: {  	[tilespmem:s19], [sflag:$0x2] =	stream.linear.gather [hbm4b:s2+s30], $0x400, $0x38;
	[tilespmem:$0x19800] =	vst v63  }
0x114: {  	s21 =	simm.s32 $0xDC00;
	s24 =	rddreg [dreg:$0x15];
	s2 =	sadd.s32 s1, s20  }
0x115: {  	[tilespmem:s21], [sflag:$0x2] =	stream.linear.gather [hbm4b:s2+s30], $0x400, $0x38;
	[tilespmem:$0x19800] =	vst v63  }
0x116: {  	s23 =	simm.s32 $0xE000;
	s26 =	rddreg [dreg:$0x17];
	s2 =	sadd.s32 s1, s22  }
0x117: {  	[tilespmem:s23], [sflag:$0x2] =	stream.linear.gather [hbm4b:s2+s30], $0x400, $0x38;
	[tilespmem:$0x19800] =	vst v63  }
0x118: {  	s25 =	simm.s32 $0xE400;
	s29 =	rddreg [dreg:$0x1b];
	s2 =	sadd.s32 s1, s24  }
0x119: {  	[tilespmem:s25], [sflag:$0x2] =	stream.linear.gather [hbm4b:s2+s30], $0x400, $0x38;
	[tilespmem:$0x19800] =	vst v63  }
0x11a: {  	s28 =	simm.s32 $0xE800;
	s4 =	rddreg [dreg:$0x1c];
	s2 =	sadd.s32 s1, s26  }
0x11b: {  	[tilespmem:s28], [sflag:$0x2] =	stream.linear.gather [hbm4b:s2+s30], $0x400, $0x38;
	[tilespmem:$0x19800] =	vst v63  }
0x11c: {  	s31 =	simm.s32 $0xEC00;
	s6 =	rddreg [dreg:$0x1d];
	s2 =	sadd.s32 s1, s29  }
0x11d: {  	[tilespmem:s31], [sflag:$0x2] =	stream.linear.gather [hbm4b:s2+s30], $0x400, $0x38;
	[tilespmem:$0x19800] =	vst v63  }
0x11e: {  	s5 =	simm.s32 $0xF000;
	s8 =	sld [smem:$0x77E];
	s2 =	sadd.s32 s1, s4  }
0x11f: {  	[tilespmem:s5], [sflag:$0x2] =	stream.linear.gather [hbm4b:s2+s30], $0x400, $0x38;
	[tilespmem:$0x19800] =	vst v63  }
0x120: {  	s7 =	simm.s32 $0xF400;
	s10 =	sld [smem:$0x780];
	s2 =	sadd.s32 s1, s6  }
0x121: {  	[tilespmem:s7], [sflag:$0x2] =	stream.linear.gather [hbm4b:s2+s30], $0x400, $0x38;
	[tilespmem:$0x19800] =	vst v63  }
0x122: {  	s9 =	simm.s32 $0xF800;
	s12 =	sld [smem:$0x782];
	s2 =	sadd.s32 s1, s8  }
0x123: {  	[tilespmem:s9], [sflag:$0x2] =	stream.linear.gather [hbm4b:s2+s30], $0x400, $0x38;
	[tilespmem:$0x19800] =	vst v63  }
0x124: {  	s11 =	simm.s32 $0xFC00;
	s14 =	sld [smem:$0x784];
	s2 =	sadd.s32 s1, s10  }
0x125: {  	[tilespmem:s11], [sflag:$0x2] =	stream.linear.gather [hbm4b:s2+s30], $0x400, $0x38;
	[tilespmem:$0x19800] =	vst v63  }
0x126: {  	s13 =	simm.s32 $0x10000;
	s16 =	sld [smem:$0x786];
	s2 =	sadd.s32 s1, s12  }
0x127: {  	[tilespmem:s13], [sflag:$0x2] =	stream.linear.gather [hbm4b:s2+s30], $0x400, $0x38;
	[tilespmem:$0x19800] =	vst v63  }
0x128: {  	s15 =	simm.s32 $0x10400;
	s18 =	sld [smem:$0x788];
	s2 =	sadd.s32 s1, s14  }
0x129: {  	[tilespmem:s15], [sflag:$0x2] =	stream.linear.gather [hbm4b:s2+s30], $0x400, $0x38;
	[tilespmem:$0x19800] =	vst v63  }
0x12a: {  	s17 =	simm.s32 $0x10800;
	s20 =	sld [smem:$0x78A];
	s2 =	sadd.s32 s1, s16  }
0x12b: {  	[tilespmem:s17], [sflag:$0x2] =	stream.linear.gather [hbm4b:s2+s30], $0x400, $0x38;
	[tilespmem:$0x19800] =	vst v63  }
0x12c: {  	s19 =	simm.s32 $0x10C00;
	s22 =	sld [smem:$0x78C];
	s2 =	sadd.s32 s1, s18  }
0x12d: {  	[tilespmem:s19], [sflag:$0x2] =	stream.linear.gather [hbm4b:s2+s30], $0x400, $0x38;
	[tilespmem:$0x19800] =	vst v63  }
0x12e: {  	s21 =	simm.s32 $0x11000;
	s24 =	sld [smem:$0x78E];
	s2 =	sadd.s32 s1, s20  }
0x12f: {  	[tilespmem:s21], [sflag:$0x2] =	stream.linear.gather [hbm4b:s2+s30], $0x400, $0x38;
	[tilespmem:$0x19800] =	vst v63  }
0x130: {  	s23 =	simm.s32 $0x11400;
	s26 =	sld [smem:$0x790];
	s2 =	sadd.s32 s1, s22  }
0x131: {  	[tilespmem:s23], [sflag:$0x2] =	stream.linear.gather [hbm4b:s2+s30], $0x400, $0x38;
	[tilespmem:$0x19800] =	vst v63  }
0x132: {  	s25 =	simm.s32 $0x11800;
	s29 =	sld [smem:$0x792];
	s2 =	sadd.s32 s1, s24  }
0x133: {  	[tilespmem:s25], [sflag:$0x2] =	stream.linear.gather [hbm4b:s2+s30], $0x400, $0x38;
	[tilespmem:$0x19800] =	vst v63  }
0x134: {  	s28 =	simm.s32 $0x11C00;
	s4 =	sld [smem:$0x794];
	s2 =	sadd.s32 s1, s26  }
0x135: {  	[tilespmem:s28], [sflag:$0x2] =	stream.linear.gather [hbm4b:s2+s30], $0x400, $0x38;
	[tilespmem:$0x19800] =	vst v63  }
0x136: {  	s31 =	simm.s32 $0x12000;
	s6 =	sld [smem:$0x796];
	s2 =	sadd.s32 s1, s29  }
0x137: {  	[tilespmem:s31], [sflag:$0x2] =	stream.linear.gather [hbm4b:s2+s30], $0x400, $0x38;
	[tilespmem:$0x19800] =	vst v63  }
0x138: {  	s5 =	simm.s32 $0x12400;
	s8 =	sld [smem:$0x798];
	s2 =	sadd.s32 s1, s4  }
0x139: {  	[tilespmem:s5], [sflag:$0x2] =	stream.linear.gather [hbm4b:s2+s30], $0x400, $0x38;
	[tilespmem:$0x19800] =	vst v63  }
0x13a: {  	s7 =	simm.s32 $0x12800;
	s10 =	sld [smem:$0x79A];
	s2 =	sadd.s32 s1, s6  }
0x13b: {  	[tilespmem:s7], [sflag:$0x2] =	stream.linear.gather [hbm4b:s2+s30], $0x400, $0x38;
	[tilespmem:$0x19800] =	vst v63  }
0x13c: {  	s9 =	simm.s32 $0x12C00;
	s12 =	sld [smem:$0x79C];
	s2 =	sadd.s32 s1, s8  }
0x13d: {  	[tilespmem:s9], [sflag:$0x2] =	stream.linear.gather [hbm4b:s2+s30], $0x400, $0x38;
	[tilespmem:$0x19800] =	vst v63  }
0x13e: {  	s11 =	simm.s32 $0x13000;
	s14 =	sld [smem:$0x79E];
	s2 =	sadd.s32 s1, s10  }
0x13f: {  	[tilespmem:s11], [sflag:$0x2] =	stream.linear.gather [hbm4b:s2+s30], $0x400, $0x38;
	[tilespmem:$0x19800] =	vst v63  }
0x140: {  	s13 =	simm.s32 $0x13400;
	s16 =	sld [smem:$0x7A0];
	s2 =	sadd.s32 s1, s12  }
0x141: {  	[tilespmem:s13], [sflag:$0x2] =	stream.linear.gather [hbm4b:s2+s30], $0x400, $0x38;
	[tilespmem:$0x19800] =	vst v63  }
0x142: {  	s15 =	simm.s32 $0x13800;
	s18 =	sld [smem:$0x7A2];
	s2 =	sadd.s32 s1, s14  }
0x143: {  	[tilespmem:s15], [sflag:$0x2] =	stream.linear.gather [hbm4b:s2+s30], $0x400, $0x38;
	[tilespmem:$0x19800] =	vst v63  }
0x144: {  	s17 =	simm.s32 $0x13C00;
	s20 =	sld [smem:$0x7A4];
	s2 =	sadd.s32 s1, s16  }
0x145: {  	[tilespmem:s17], [sflag:$0x2] =	stream.linear.gather [hbm4b:s2+s30], $0x400, $0x38;
	[tilespmem:$0x19800] =	vst v63  }
0x146: {  	s19 =	simm.s32 $0x14000;
	s22 =	sld [smem:$0x7A6];
	s2 =	sadd.s32 s1, s18  }
0x147: {  	[tilespmem:s19], [sflag:$0x2] =	stream.linear.gather [hbm4b:s2+s30], $0x400, $0x38;
	[tilespmem:$0x19800] =	vst v63  }
0x148: {  	s21 =	simm.s32 $0x14400;
	s24 =	sld [smem:$0x7B7];
	s2 =	sadd.s32 s1, s20  }
0x149: {  	[tilespmem:s21], [sflag:$0x2] =	stream.linear.gather [hbm4b:s2+s30], $0x400, $0x38;
	[tilespmem:$0x19800] =	vst v63  }
0x14a: {  	s23 =	simm.s32 $0x14800;
	s26 =	sld [smem:$0x7BB];
	s2 =	sadd.s32 s1, s22  }
0x14b: {  	[tilespmem:s23], [sflag:$0x2] =	stream.linear.gather [hbm4b:s2+s30], $0x400, $0x38;
	[tilespmem:$0x19800] =	vst v63  }
0x14c: {  	s25 =	simm.s32 $0x14C00;
	s29 =	sld [smem:$0x7BF];
	s2 =	sadd.s32 s1, s24  }
0x14d: {  	[tilespmem:s25], [sflag:$0x2] =	stream.linear.gather [hbm4b:s2+s30], $0x400, $0x38;
	[tilespmem:$0x19800] =	vst v63  }
0x14e: {  	s28 =	simm.s32 $0x15000;
	s4 =	sld [smem:$0x7C3];
	s2 =	sadd.s32 s1, s26  }
0x14f: {  	[tilespmem:s28], [sflag:$0x2] =	stream.linear.gather [hbm4b:s2+s30], $0x400, $0x38;
	[tilespmem:$0x19800] =	vst v63  }
0x150: {  	s31 =	simm.s32 $0x15400;
	s6 =	sld [smem:$0x7C7];
	s2 =	sadd.s32 s1, s29  }
0x151: {  	[tilespmem:s31], [sflag:$0x2] =	stream.linear.gather [hbm4b:s2+s30], $0x400, $0x38;
	[tilespmem:$0x19800] =	vst v63  }
0x152: {  	s5 =	simm.s32 $0x15800;
	s8 =	sld [smem:$0x7CB];
	s2 =	sadd.s32 s1, s4  }
0x153: {  	[tilespmem:s5], [sflag:$0x2] =	stream.linear.gather [hbm4b:s2+s30], $0x400, $0x38;
	[tilespmem:$0x19800] =	vst v63  }
0x154: {  	s7 =	simm.s32 $0x15C00;
	s10 =	sld [smem:$0x7CF];
	s2 =	sadd.s32 s1, s6  }
0x155: {  	[tilespmem:s7], [sflag:$0x2] =	stream.linear.gather [hbm4b:s2+s30], $0x400, $0x38;
	[tilespmem:$0x19800] =	vst v63  }
0x156: {  	s9 =	simm.s32 $0x16000;
	s12 =	sld [smem:$0x7D3];
	s2 =	sadd.s32 s1, s8  }
0x157: {  	[tilespmem:s9], [sflag:$0x2] =	stream.linear.gather [hbm4b:s2+s30], $0x400, $0x38;
	[tilespmem:$0x19800] =	vst v63  }
0x158: {  	s11 =	simm.s32 $0x16400;
	s14 =	sld [smem:$0x7D7];
	s2 =	sadd.s32 s1, s10  }
0x159: {  	[tilespmem:s11], [sflag:$0x2] =	stream.linear.gather [hbm4b:s2+s30], $0x400, $0x38;
	[tilespmem:$0x19800] =	vst v63  }
0x15a: {  	s13 =	simm.s32 $0x16800;
	s16 =	sld [smem:$0x7DB];
	s2 =	sadd.s32 s1, s12  }
0x15b: {  	[tilespmem:s13], [sflag:$0x2] =	stream.linear.gather [hbm4b:s2+s30], $0x400, $0x38;
	[tilespmem:$0x19800] =	vst v63  }
0x15c: {  	s15 =	simm.s32 $0x16C00;
	s18 =	sld [smem:$0x7DF];
	s2 =	sadd.s32 s1, s14  }
0x15d: {  	[tilespmem:s15], [sflag:$0x2] =	stream.linear.gather [hbm4b:s2+s30], $0x400, $0x38;
	[tilespmem:$0x19800] =	vst v63  }
0x15e: {  	s17 =	simm.s32 $0x17000;
	s20 =	sld [smem:$0x7E3];
	s2 =	sadd.s32 s1, s16  }
0x15f: {  	[tilespmem:s17], [sflag:$0x2] =	stream.linear.gather [hbm4b:s2+s30], $0x400, $0x38;
	[tilespmem:$0x19800] =	vst v63  }
0x160: {  	s19 =	simm.s32 $0x17400;
	s22 =	sld [smem:$0x7E7];
	s2 =	sadd.s32 s1, s18  }
0x161: {  	[tilespmem:s19], [sflag:$0x2] =	stream.linear.gather [hbm4b:s2+s30], $0x400, $0x38;
	[tilespmem:$0x19800] =	vst v63  }
0x162: {  	s21 =	simm.s32 $0x17800;
	s24 =	sld [smem:$0x7EB];
	s2 =	sadd.s32 s1, s20  }
0x163: {  	[tilespmem:s21], [sflag:$0x2] =	stream.linear.gather [hbm4b:s2+s30], $0x400, $0x38;
	[tilespmem:$0x19800] =	vst v63  }
0x164: {  	s23 =	simm.s32 $0x17C00;
	s26 =	sld [smem:$0x7EF];
	s2 =	sadd.s32 s1, s22  }
0x165: {  	[tilespmem:s23], [sflag:$0x2] =	stream.linear.gather [hbm4b:s2+s30], $0x400, $0x38;
	[tilespmem:$0x19800] =	vst v63  }
0x166: {  	s25 =	simm.s32 $0x18000;
	s28 =	simm.s32 $0x18400;
	s2 =	sadd.s32 s1, s24  }
0x167: {  	[tilespmem:s25], [sflag:$0x2] =	stream.linear.gather [hbm4b:s2+s30], $0x400, $0x38;
	[tilespmem:$0x19800] =	vst v63  }
0x168: {  	s29 =	sshll.u32 s0, $0x8;
	s31 =	simm.s32 $0x1;
	s1 =	sadd.s32 s1, s26  }
0x169: {  	[tilespmem:s28], [sflag:$0x2] =	stream.linear.gather [hbm4b:s1+s30], $0x400, $0x38;
	[tilespmem:$0x19800] =	vst v63  }
0x16a: {  	s0 =	sand.u32 $0x3FFFFF00, s29;
	_ =	swait.ge [sflag:s31], $0xC400  }
0x16b: {  	p0 =	por p2, p2;
	s0 =	sadd.s32 $0x18800, s0;
	[sflag:s31] =	ssyncset.done $0x0  }
0x16c: {  	s13 =	simm.s32 $0x0;
	[dreg:$0x3] =	wrdreg s0;
	[sflag:s31] =	ssyncadd.s32 $0xFFFF3C00  }
.LBB2_3:
0x16d: {  	s0 =	sand.u32 $0x380, s13  }
0x16e: {  	s1 =	sshra.s32 s30, $0x2;
	s5 =	sand.u32 $0x60, s13;
	s2 =	sor.u32 $0x400, s0  }
0x16f: {  	v0 =	vld [tilespmem:s1+$0x0];
	s23 =	sor.u32 $0x800, s0;
	s22 =	sor.u32 s5, s2  }
0x170: {  	s25 =	sor.u32 $0xC00, s0;
	s24 =	sor.u32 s5, s23;
	v1 =	vld [tilespmem:s22+$0x0]  }
0x171: {  	s28 =	sor.u32 $0x1000, s0;
	s26 =	sor.u32 s5, s25;
	v2 =	vld [tilespmem:s24+$0x0]  }
0x172: {  	s31 =	sor.u32 $0x1400, s0;
	s29 =	sor.u32 s5, s28;
	v3 =	vld [tilespmem:s26+$0x0]  }
0x173: {  	s3 =	sor.u32 $0x1800, s0;
	[smem:$0x765] =	sst s2;
	s2 =	sor.u32 s5, s31;
	v4 =	vld [tilespmem:s29+$0x0]  }
0x174: {  	s6 =	sor.u32 $0x1C00, s0;
	s4 =	sor.u32 s5, s3;
	v5 =	vld [tilespmem:s2+$0x0]  }
0x175: {  	s8 =	sor.u32 $0x2000, s0;
	s7 =	sor.u32 s5, s6;
	v6 =	vld [tilespmem:s4+$0x0]  }
0x176: {  	[smem:$0x764] =	sst s1;
	s9 =	sor.u32 $0x2400, s0;
	s1 =	sor.u32 s5, s8;
	v7 =	vld [tilespmem:s7+$0x0]  }
0x177: {  	s11 =	sor.u32 $0x2800, s0;
	s10 =	sor.u32 s5, s9;
	v44 =	vld [tilespmem:s1+$0x0]  }
0x178: {  	s14 =	sor.u32 $0x2C00, s0;
	s12 =	sor.u32 s5, s11;
	v10 =	vld [tilespmem:s10+$0x0]  }
0x179: {  	s16 =	sor.u32 $0x3000, s0;
	s15 =	sor.u32 s5, s14;
	v47 =	vld [tilespmem:s12+$0x0]  }
0x17a: {  	s18 =	sor.u32 $0x3400, s0;
	s17 =	sor.u32 s5, s16;
	v12 =	vld [tilespmem:s15+$0x0]  }
0x17b: {  	s20 =	sor.u32 $0x3800, s0;
	s19 =	sor.u32 s5, s18;
	v50 =	vld [tilespmem:s17+$0x0]  }
0x17c: {  	[smem:$0x767] =	sst s25;
	s21 =	sor.u32 s5, s20;
	s25 =	sor.u32 $0x4400, s0;
	v51 =	vld [tilespmem:s19+$0x0]  }
0x17d: {  	[smem:$0x768] =	sst s28;
	s28 =	sor.u32 $0x4800, s0;
	v52 =	vld [tilespmem:s21+$0x0];
	s26 =	sor.u32 s5, s25;
	v8 =	vmax.f32 v0, v1;
	v9 =	vmax.f32 v2, v3  }
0x17e: {  	[smem:$0x769] =	sst s31;
	s31 =	sor.u32 $0x4C00, s0;
	s29 =	sor.u32 s5, s28;
	v21 =	vld [tilespmem:s26+$0x0];
	v0 =	vmin.f32 v0, v1;
	v40 =	vmin.f32 v2, v3;
	v45 =	vmax.f32 v4, v5  }
0x17f: {  	[smem:$0x76A] =	sst s3;
	s22 =	sor.u32 $0x3C00, s0;
	s3 =	sor.u32 s5, s31;
	v22 =	vld [tilespmem:s29+$0x0];
	v4 =	vmin.f32 v4, v5;
	v46 =	vmax.f32 v6, v7;
	v6 =	vmin.f32 v6, v7  }
0x180: {  	[smem:$0x766] =	sst s23;
	s24 =	sor.u32 $0x4000, s0;
	s23 =	sor.u32 s5, s22;
	v24 =	vld [tilespmem:s3+$0x0];
	v55 =	vmax.f32 v44, v10;
	v1 =	vmin.f32 v44, v10;
	v56 =	vmax.f32 v47, v12  }
0x181: {  	s4 =	sor.u32 $0x5000, s0;
	s1 =	sor.u32 s5, s24;
	v54 =	vld [tilespmem:s23+$0x0];
	v7 =	vmin.f32 v47, v12;
	v59 =	vmax.f32 v50, v51;
	v41 =	vmax.f32 v8, v9  }
0x182: {  	[smem:$0x76B] =	sst s6;
	s7 =	sor.u32 $0x5400, s0;
	s6 =	sor.u32 s5, s4;
	v18 =	vld [tilespmem:s1+$0x0];
	v42 =	vmin.f32 v8, v9;
	v43 =	vmax.f32 v0, v40;
	v0 =	vmin.f32 v0, v40  }
0x183: {  	[smem:$0x76C] =	sst s8;
	s8 =	sor.u32 s5, s7;
	v27 =	vld [tilespmem:s6+$0x0];
	v11 =	vmax.f32 v45, v46;
	v5 =	vmin.f32 v45, v46;
	v48 =	vmax.f32 v4, v6  }
0x184: {  	[smem:$0x76D] =	sst s9;
	s9 =	sor.u32 $0x5800, s0;
	v29 =	vld [tilespmem:s8+$0x0];
	v4 =	vmin.f32 v4, v6;
	v57 =	vmax.f32 v55, v56;
	v58 =	vmax.f32 v1, v7  }
0x185: {  	s10 =	sor.u32 s5, s9;
	s29 =	sor.u32 $0x5C00, s0;
	v1 =	vmin.f32 v1, v7;
	v34 =	vmax.f32 v22, v24;
	v9 =	vmax.f32 v43, v42  }
0x186: {  	[smem:$0x76E] =	sst s11;
	v30 =	vld [tilespmem:s10+$0x0];
	s11 =	sor.u32 s5, s29;
	v3 =	vmin.f32 v43, v42;
	v49 =	vmax.f32 v48, v5;
	v5 =	vmin.f32 v48, v5  }
0x187: {  	v31 =	vld [tilespmem:s11+$0x0];
	v13 =	vmax.f32 v41, v11;
	v2 =	vmin.f32 v41, v11;
	v0 =	vmax.f32 v0, v4  }
0x188: {  	v60 =	vmax.f32 v52, v54;
	v4 =	vmin.f32 v52, v54;
	v33 =	vmax.f32 v18, v21  }
0x189: {  	v8 =	vmin.f32 v18, v21;
	v39 =	vmax.f32 v27, v29;
	v3 =	vmax.f32 v3, v5  }
0x18a: {  	v14 =	vmin.f32 v9, v49;
	v53 =	vmax.f32 v9, v49;
	v5 =	vmin.f32 v50, v51  }
0x18b: {  	[smem:$0x776] =	sst s28;
	s28 =	sor.u32 $0x6000, s0;
	v62 =	vmin.f32 v59, v60;
	v7 =	vmax.f32 v59, v60;
	v35 =	vmax.f32 v33, v34  }
0x18c: {  	[smem:$0x773] =	sst s22;
	s12 =	sor.u32 s5, s28;
	s22 =	sor.u32 $0x7400, s0;
	v41 =	vmax.f32 v30, v31;
	v11 =	vmax.f32 v2, v3;
	v2 =	vmin.f32 v2, v3  }
0x18d: {  	[smem:$0x771] =	sst s18;
	s26 =	sor.u32 $0x6400, s0;
	v37 =	vld [tilespmem:s12+$0x0];
	s18 =	sor.u32 s5, s22;
	v0 =	vmax.f32 v14, v0;
	v63 =	vmax.f32 v5, v4;
	v4 =	vmin.f32 v5, v4  }
0x18e: {  	[smem:$0x76F] =	sst s14;
	s14 =	sor.u32 s5, s26;
	s23 =	sor.u32 $0x7000, s0;
	v47 =	vld [tilespmem:s18+$0x0];
	v17 =	vmin.f32 v57, v7;
	v7 =	vmax.f32 v57, v7;
	v5 =	vmin.f32 v27, v29  }
0x18f: {  	s21 =	sor.u32 $0x7800, s0;
	s17 =	sor.u32 s5, s23;
	v40 =	vld [tilespmem:s14+$0x0];
	v43 =	vmin.f32 v39, v41;
	v12 =	vmax.f32 v39, v41;
	v9 =	vmax.f32 v53, v11  }
0x190: {  	[smem:$0x772] =	sst s20;
	s20 =	sor.u32 $0x7C00, s0;
	s19 =	sor.u32 s5, s21;
	v45 =	vld [tilespmem:s17+$0x0];
	v3 =	vmin.f32 v53, v11;
	v2 =	vmax.f32 v0, v2;
	v0 =	vmin.f32 v55, v56  }
0x191: {  	[smem:$0x777] =	sst s31;
	s31 =	sor.u32 s5, s20;
	v49 =	vld [tilespmem:s19+$0x0];
	v16 =	vmin.f32 v63, v62;
	v19 =	vmax.f32 v63, v62;
	v1 =	vmax.f32 v1, v4  }
0x192: {  	v50 =	vld [tilespmem:s31+$0x0];
	v26 =	vmin.f32 v13, v7;
	v4 =	vmin.f32 v22, v24;
	v46 =	vmin.f32 v35, v12  }
0x193: {  	v61 =	vmax.f32 v58, v0;
	v0 =	vmin.f32 v58, v0;
	v36 =	vmax.f32 v8, v4  }
0x194: {  	v4 =	vmin.f32 v8, v4;
	v53 =	vmax.f32 v37, v40;
	v11 =	vmin.f32 v37, v40  }
0x195: {  	v58 =	vmax.f32 v45, v47;
	v0 =	vmax.f32 v0, v16;
	v14 =	vmax.f32 v61, v19  }
0x196: {  	v6 =	vmin.f32 v61, v19;
	v20 =	vmax.f32 v17, v0;
	v0 =	vmin.f32 v17, v0  }
0x197: {  	v1 =	vmax.f32 v6, v1;
	v6 =	vmax.f32 v35, v12;
	v59 =	vmax.f32 v49, v50  }
0x198: {  	[smem:$0x775] =	sst s25;
	s25 =	sor.u32 $0x6800, s0;
	v23 =	vmin.f32 v14, v20;
	v25 =	vmax.f32 v14, v20;
	v1 =	vmax.f32 v1, v0  }
0x199: {  	[smem:$0x774] =	sst s24;
	s15 =	sor.u32 s5, s25;
	s24 =	sor.u32 $0x6C00, s0;
	v0 =	vmax.f32 v13, v7;
	v60 =	vmax.f32 v58, v59;
	v12 =	vmin.f32 v58, v59  }
0x19a: {  	[smem:$0x770] =	sst s16;
	s16 =	sor.u32 s5, s24;
	v42 =	vld [tilespmem:s15+$0x0];
	v3 =	vmax.f32 v3, v23;
	v15 =	vmax.f32 v9, v25;
	v9 =	vmin.f32 v9, v25  }
0x19b: {  	s18 =	sor.u32 $0x8000, s0;
	v17 =	vld [tilespmem:s16+$0x0];
	v1 =	vmax.f32 v2, v1;
	v2 =	vmin.f32 v30, v31;
	v28 =	vmax.f32 v26, v3  }
0x19c: {  	s2 =	sor.u32 s5, s18;
	s15 =	sor.u32 $0x9000, s0;
	v3 =	vmin.f32 v26, v3;
	v9 =	vmax.f32 v9, v1;
	v16 =	vmax.f32 v5, v2  }
0x19d: {  	[smem:$0x779] =	sst s7;
	s12 =	sor.u32 $0x9800, s0;
	v21 =	vld [tilespmem:s2+$0x0];
	s7 =	sor.u32 s5, s15;
	v2 =	vmin.f32 v5, v2;
	v32 =	vmax.f32 v15, v28;
	v7 =	vmin.f32 v15, v28  }
0x19e: {  	[smem:$0x77A] =	sst s9;
	s9 =	sor.u32 s5, s12;
	s17 =	sor.u32 $0x8800, s0;
	v27 =	vld [tilespmem:s7+$0x0];
	v3 =	vmax.f32 v9, v3;
	v9 =	vmin.f32 v33, v34;
	v44 =	vmin.f32 v16, v43  }
0x19f: {  	[smem:$0x778] =	sst s4;
	s11 =	sor.u32 $0x9C00, s0;
	s4 =	sor.u32 s5, s17;
	v29 =	vld [tilespmem:s9+$0x0];
	v10 =	vmax.f32 v16, v43;
	v2 =	vmax.f32 v4, v2;
	v4 =	vmin.f32 v49, v50  }
0x1a0: {  	s10 =	sor.u32 s5, s11;
	s9 =	sor.u32 $0xA000, s0;
	v24 =	vld [tilespmem:s4+$0x0];
	v38 =	vmax.f32 v36, v9;
	v9 =	vmin.f32 v36, v9;
	v54 =	vmax.f32 v42, v17  }
0x1a1: {  	s31 =	sor.u32 s5, s9;
	s16 =	sor.u32 $0x8C00, s0;
	v31 =	vld [tilespmem:s10+$0x0];
	v14 =	vmin.f32 v42, v17;
	v5 =	vmax.f32 v9, v44;
	v18 =	vmax.f32 v38, v10  }
0x1a2: {  	s14 =	sor.u32 $0x9400, s0;
	v35 =	vld [tilespmem:s31+$0x0];
	s6 =	sor.u32 s5, s16;
	v8 =	vmin.f32 v38, v10;
	v55 =	vmax.f32 v53, v54;
	v56 =	vmax.f32 v11, v14  }
0x1a3: {  	s8 =	sor.u32 s5, s14;
	s10 =	sor.u32 $0xA400, s0;
	v26 =	vld [tilespmem:s6+$0x0];
	v11 =	vmin.f32 v11, v14;
	v9 =	vmin.f32 v45, v47;
	v48 =	vmax.f32 v46, v5  }
0x1a4: {  	s19 =	sor.u32 $0x8400, s0;
	s2 =	sor.u32 s5, s10;
	v28 =	vld [tilespmem:s8+$0x0];
	v5 =	vmin.f32 v46, v5;
	v2 =	vmax.f32 v8, v2;
	v61 =	vmax.f32 v9, v4  }
0x1a5: {  	s3 =	sor.u32 s5, s19;
	s7 =	sor.u32 $0xAC00, s0;
	v37 =	vld [tilespmem:s2+$0x0];
	v4 =	vmin.f32 v9, v4;
	v63 =	vmax.f32 v55, v60;
	v15 =	vmin.f32 v55, v60  }
0x1a6: {  	v22 =	vld [tilespmem:s3+$0x0];
	s4 =	sor.u32 s5, s7;
	s8 =	sor.u32 $0xA800, s0;
	v39 =	vmax.f32 v29, v31;
	v51 =	vmax.f32 v18, v48;
	v52 =	vmin.f32 v18, v48  }
0x1a7: {  	s6 =	sor.u32 $0xB000, s0;
	s3 =	sor.u32 s5, s8;
	v42 =	vld [tilespmem:s4+$0x0];
	v2 =	vmax.f32 v2, v5;
	v5 =	vmin.f32 v53, v54;
	v62 =	vmax.f32 v61, v12  }
0x1a8: {  	s31 =	sor.u32 s5, s6;
	s4 =	sor.u32 $0xB400, s0;
	v40 =	vld [tilespmem:s3+$0x0];
	v12 =	vmin.f32 v61, v12;
	v4 =	vmax.f32 v11, v4;
	v23 =	vmax.f32 v6, v63  }
0x1a9: {  	v44 =	vld [tilespmem:s31+$0x0];
	s2 =	sor.u32 s5, s4;
	v6 =	vmin.f32 v6, v63;
	v33 =	vmax.f32 v24, v26;
	v57 =	vmax.f32 v56, v5  }
0x1aa: {  	v47 =	vld [tilespmem:s2+$0x0];
	v5 =	vmin.f32 v56, v5;
	v38 =	vmax.f32 v27, v28;
	v54 =	vmax.f32 v35, v37  }
0x1ab: {  	v55 =	vmin.f32 v35, v37;
	v5 =	vmax.f32 v5, v12;
	v20 =	vmin.f32 v57, v62  }
0x1ac: {  	v9 =	vmax.f32 v57, v62;
	v41 =	vmax.f32 v38, v39;
	v12 =	vmax.f32 v15, v5  }
0x1ad: {  	v5 =	vmin.f32 v15, v5;
	v4 =	vmax.f32 v20, v4;
	v56 =	vmax.f32 v40, v42  }
0x1ae: {  	v14 =	vmax.f32 v9, v12;
	v9 =	vmin.f32 v9, v12;
	v4 =	vmax.f32 v4, v5  }
0x1af: {  	v5 =	vmin.f32 v21, v22;
	v57 =	vmax.f32 v54, v56;
	v60 =	vmax.f32 v44, v47  }
0x1b0: {  	v9 =	vmax.f32 v52, v9;
	v25 =	vmin.f32 v51, v14;
	v2 =	vmax.f32 v2, v4  }
0x1b1: {  	v8 =	vmax.f32 v51, v14;
	v4 =	vmin.f32 v24, v26;
	v13 =	vmax.f32 v6, v9  }
0x1b2: {  	v6 =	vmin.f32 v6, v9;
	v2 =	vmax.f32 v25, v2;
	v10 =	vmax.f32 v5, v4  }
0x1b3: {  	v4 =	vmin.f32 v5, v4;
	v9 =	vmin.f32 v40, v42;
	v14 =	vmax.f32 v8, v13  }
0x1b4: {  	v8 =	vmin.f32 v8, v13;
	v2 =	vmax.f32 v2, v6;
	v13 =	vmax.f32 v0, v23  }
0x1b5: {  	v0 =	vmin.f32 v0, v23;
	v6 =	vmin.f32 v27, v28;
	v58 =	vmax.f32 v55, v9  }
0x1b6: {  	s3 =	sor.u32 $0xB800, s0;
	v9 =	vmin.f32 v55, v9;
	v7 =	vmax.f32 v7, v8;
	v30 =	vmin.f32 v32, v14  }
0x1b7: {  	s31 =	sor.u32 s5, s3;
	s2 =	sor.u32 $0xBC00, s0;
	v2 =	vmax.f32 v3, v2;
	v1 =	vmax.f32 v32, v14;
	v32 =	vmax.f32 v21, v22  }
0x1b8: {  	v49 =	vld [tilespmem:s31+$0x0];
	s31 =	sor.u32 s5, s2;
	v3 =	vmin.f32 v29, v31;
	v12 =	vmax.f32 v0, v7;
	v0 =	vmin.f32 v0, v7  }
0x1b9: {  	v51 =	vld [tilespmem:s31+$0x0];
	v2 =	vmax.f32 v30, v2;
	v34 =	vmin.f32 v32, v33;
	v11 =	vmax.f32 v32, v33  }
0x1ba: {  	v43 =	vmax.f32 v6, v3;
	v3 =	vmin.f32 v6, v3;
	v6 =	vmin.f32 v44, v47  }
0x1bb: {  	v7 =	vmax.f32 v1, v12;
	v1 =	vmin.f32 v1, v12;
	v0 =	vmax.f32 v2, v0  }
0x1bc: {  	v36 =	vmax.f32 v10, v34;
	v2 =	vmin.f32 v10, v34;
	v10 =	vmin.f32 v38, v39  }
0x1bd: {  	v46 =	vmax.f32 v11, v41;
	v8 =	vmin.f32 v11, v41;
	v3 =	vmax.f32 v4, v3  }
0x1be: {  	v61 =	vmax.f32 v49, v51;
	v4 =	vmin.f32 v49, v51;
	v45 =	vmax.f32 v43, v10  }
0x1bf: {  	v10 =	vmin.f32 v43, v10;
	v62 =	vmin.f32 v60, v61;
	v63 =	vmax.f32 v6, v4  }
0x1c0: {  	v16 =	vmax.f32 v60, v61;
	v4 =	vmin.f32 v6, v4;
	v2 =	vmax.f32 v2, v10  }
0x1c1: {  	s1 =	sor.u32 $0xC000, s0;
	v48 =	vmax.f32 v36, v45;
	v5 =	vmin.f32 v36, v45;
	v19 =	vmin.f32 v63, v62  }
0x1c2: {  	s0 =	sor.u32 s5, s1;
	v11 =	vmax.f32 v63, v62;
	v20 =	vmin.f32 v57, v16;
	v21 =	vmax.f32 v57, v16  }
0x1c3: {  	v27 =	vld [tilespmem:s0+$0x0];
	v4 =	vmax.f32 v9, v4;
	v50 =	vmax.f32 v8, v2;
	v2 =	vmin.f32 v8, v2  }
0x1c4: {  	v3 =	vmax.f32 v5, v3;
	v26 =	vmin.f32 v46, v21;
	v6 =	vmax.f32 v46, v21  }
0x1c5: {  	v52 =	vmax.f32 v48, v50;
	v2 =	vmax.f32 v3, v2;
	v3 =	vmin.f32 v54, v56  }
0x1c6: {  	v53 =	vmin.f32 v48, v50;
	v59 =	vmax.f32 v58, v3;
	v3 =	vmin.f32 v58, v3  }
0x1c7: {  	v32 =	vmin.f32 v13, v6;
	v33 =	vmax.f32 v13, v6;
	v3 =	vmax.f32 v3, v19  }
0x1c8: {  	v37 =	vmin.f32 v33, v27;
	v23 =	vmax.f32 v59, v11;
	v22 =	vmax.f32 v20, v3  }
0x1c9: {  	v10 =	vmin.f32 v59, v11;
	v3 =	vmin.f32 v20, v3;
	v25 =	vmin.f32 v23, v22  }
0x1ca: {  	v4 =	vmax.f32 v10, v4;
	v24 =	vmax.f32 v23, v22;
	v8 =	vmax.f32 v53, v25  }
0x1cb: {  	v3 =	vmax.f32 v4, v3;
	v29 =	vmax.f32 v52, v24;
	v28 =	vmax.f32 v26, v8  }
0x1cc: {  	v5 =	vmin.f32 v52, v24;
	v2 =	vmax.f32 v2, v3;
	v31 =	vmin.f32 v29, v28  }
0x1cd: {  	v4 =	vmin.f32 v26, v8;
	v30 =	vmax.f32 v29, v28;
	v1 =	vmax.f32 v1, v31  }
0x1ce: {  	v2 =	vmax.f32 v5, v2;
	v35 =	vmax.f32 v7, v30;
	v34 =	vmax.f32 v32, v1  }
0x1cf: {  	v38 =	vmax.f32 v33, v27;
	v2 =	vmax.f32 v2, v4;
	v36 =	vmax.f32 v35, v34  }
0x1d0: {  	v3 =	vmin.f32 v7, v30;
	v0 =	vmax.f32 v0, v2;
	v39 =	vmax.f32 v36, v37  }
0x1d1: {  	v6 =	vmin.f32 v35, v34;
	v7 =	vmin.f32 v36, v37;
	v2 =	vadd.f32 v39, v38  }
0x1d2: {  	v1 =	vmin.f32 v32, v1;
	v0 =	vmax.f32 v3, v0;
	v40 =	vmax.f32 v6, v7  }
0x1d3: {  	v0 =	vmax.f32 v0, v1;
	v41 =	vmin.f32 v6, v7;
	v2 =	vadd.f32 v40, v2  }
0x1d4: {  	v0 =	vmax.f32 v0, v41  }
0x1d5: {  	v0 =	vadd.f32 v0, v2  }
0x1d6: {  	s31 =	sand.u32 $0xE00, s30;
	s0 =	rddreg [dreg:$0x3]  }
0x1d7: {  	s0 =	sadd.s32 s31, s0;
	v0 =	vmul.f32 $2.500000000e-01, v0  }
0x1d8: {  	s31 =	sadd.s32 $0x10, s13;
	s5 =	sadd.s32 s5, s0  }
0x1d9: {  	[tilespmem:s5+$0x0] =	vst v0;
	s5 =	sand.u32 $0x70, s31;
	s31 =	sld [smem:$0x764];
	_ =	sdelay $0x2  }
0x1da: {  	v0 =	vld [tilespmem:s31+$0x10];
	s31 =	sld [smem:$0x765];
	_ =	sdelay $0x2  }
0x1db: {  	s31 =	sor.u32 s5, s31  }
0x1dc: {  	v42 =	vld [tilespmem:s31+$0x0];
	s31 =	sld [smem:$0x766];
	_ =	sdelay $0x2  }
0x1dd: {  	s31 =	sor.u32 s5, s31  }
0x1de: {  	v43 =	vld [tilespmem:s31+$0x0];
	s31 =	sld [smem:$0x767];
	_ =	sdelay $0x2  }
0x1df: {  	s31 =	sor.u32 s5, s31  }
0x1e0: {  	v44 =	vld [tilespmem:s31+$0x0];
	s31 =	sld [smem:$0x768];
	_ =	sdelay $0x2  }
0x1e1: {  	s31 =	sor.u32 s5, s31  }
0x1e2: {  	v45 =	vld [tilespmem:s31+$0x0];
	s31 =	sld [smem:$0x769];
	_ =	sdelay $0x2  }
0x1e3: {  	s31 =	sor.u32 s5, s31  }
0x1e4: {  	v46 =	vld [tilespmem:s31+$0x0];
	s31 =	sld [smem:$0x76A];
	_ =	sdelay $0x2  }
0x1e5: {  	s31 =	sor.u32 s5, s31  }
0x1e6: {  	v47 =	vld [tilespmem:s31+$0x0];
	s31 =	sld [smem:$0x76B];
	_ =	sdelay $0x2  }
0x1e7: {  	s31 =	sor.u32 s5, s31  }
0x1e8: {  	v48 =	vld [tilespmem:s31+$0x0];
	s31 =	sld [smem:$0x76C];
	_ =	sdelay $0x2  }
0x1e9: {  	s31 =	sor.u32 s5, s31  }
0x1ea: {  	v53 =	vld [tilespmem:s31+$0x0];
	s31 =	sld [smem:$0x76D];
	_ =	sdelay $0x2  }
0x1eb: {  	s31 =	sor.u32 s5, s31  }
0x1ec: {  	v55 =	vld [tilespmem:s31+$0x0];
	s31 =	sld [smem:$0x76E];
	_ =	sdelay $0x2  }
0x1ed: {  	s31 =	sor.u32 s5, s31  }
0x1ee: {  	v58 =	vld [tilespmem:s31+$0x0];
	s31 =	sld [smem:$0x76F];
	_ =	sdelay $0x2  }
0x1ef: {  	s31 =	sor.u32 s5, s31  }
0x1f0: {  	v60 =	vld [tilespmem:s31+$0x0];
	s31 =	sld [smem:$0x770];
	_ =	sdelay $0x2  }
0x1f1: {  	s31 =	sor.u32 s5, s31  }
0x1f2: {  	v63 =	vld [tilespmem:s31+$0x0];
	s31 =	sld [smem:$0x771];
	_ =	sdelay $0x2  }
0x1f3: {  	s31 =	sor.u32 s5, s31  }
0x1f4: {  	v19 =	vld [tilespmem:s31+$0x0];
	s31 =	sld [smem:$0x772];
	_ =	sdelay $0x2  }
0x1f5: {  	s31 =	sor.u32 s5, s31  }
0x1f6: {  	v21 =	vld [tilespmem:s31+$0x0];
	s31 =	sld [smem:$0x773];
	_ =	sdelay $0x2  }
0x1f7: {  	v49 =	vmax.f32 v0, v42;
	v50 =	vmax.f32 v43, v44;
	s31 =	sor.u32 s5, s31  }
0x1f8: {  	v0 =	vmin.f32 v0, v42;
	v51 =	vmin.f32 v43, v44;
	v52 =	vmax.f32 v49, v50;
	v23 =	vld [tilespmem:s31+$0x0];
	s31 =	sld [smem:$0x774]  }
0x1f9: {  	v8 =	vmin.f32 v49, v50;
	v54 =	vmax.f32 v0, v51;
	v0 =	vmin.f32 v0, v51  }
0x1fa: {  	v56 =	vmax.f32 v54, v8;
	v8 =	vmin.f32 v54, v8;
	v57 =	vmax.f32 v45, v46  }
0x1fb: {  	v4 =	vmin.f32 v45, v46;
	v59 =	vmax.f32 v47, v48;
	v6 =	vmin.f32 v47, v48;
	s31 =	sor.u32 s5, s31  }
0x1fc: {  	v61 =	vmax.f32 v57, v59;
	v5 =	vmin.f32 v57, v59;
	v62 =	vmax.f32 v4, v6;
	v35 =	vld [tilespmem:s31+$0x0];
	s31 =	sld [smem:$0x775]  }
0x1fd: {  	s24 =	sor.u32 s5, s24;
	v4 =	vmin.f32 v4, v6;
	v18 =	vmax.f32 v62, v5;
	v5 =	vmin.f32 v62, v5  }
0x1fe: {  	s25 =	sor.u32 s5, s25;
	v20 =	vmax.f32 v52, v61;
	v2 =	vmin.f32 v52, v61;
	v0 =	vmax.f32 v0, v4;
	v61 =	vld [tilespmem:s24+$0x0]  }
0x1ff: {  	v5 =	vmax.f32 v8, v5;
	v26 =	vmax.f32 v58, v60;
	v7 =	vmin.f32 v58, v60;
	v58 =	vld [tilespmem:s25+$0x0];
	s31 =	sor.u32 s5, s31  }
0x200: {  	v22 =	vmin.f32 v56, v18;
	v24 =	vmax.f32 v56, v18;
	v12 =	vmax.f32 v2, v5;
	v37 =	vld [tilespmem:s31+$0x0];
	s31 =	sld [smem:$0x776]  }
0x201: {  	s26 =	sor.u32 s5, s26;
	v2 =	vmin.f32 v2, v5;
	v0 =	vmax.f32 v22, v0;
	v6 =	vmax.f32 v24, v12  }
0x202: {  	s28 =	sor.u32 s5, s28;
	v56 =	vld [tilespmem:s26+$0x0];
	v5 =	vmin.f32 v24, v12;
	v25 =	vmax.f32 v53, v55;
	v1 =	vmin.f32 v53, v55  }
0x203: {  	v0 =	vmax.f32 v0, v2;
	v53 =	vld [tilespmem:s28+$0x0];
	v2 =	vmin.f32 v25, v26;
	v28 =	vmax.f32 v1, v7;
	s31 =	sor.u32 s5, s31  }
0x204: {  	v27 =	vmax.f32 v25, v26;
	v1 =	vmin.f32 v1, v7;
	v31 =	vmax.f32 v28, v2;
	v39 =	vld [tilespmem:s31+$0x0];
	s31 =	sld [smem:$0x777]  }
0x205: {  	s22 =	sor.u32 s5, s22;
	v2 =	vmin.f32 v28, v2;
	v14 =	vmin.f32 v58, v61;
	v29 =	vmax.f32 v63, v19  }
0x206: {  	s23 =	sor.u32 s5, s23;
	v22 =	vld [tilespmem:s22+$0x0];
	v9 =	vmin.f32 v63, v19;
	v30 =	vmax.f32 v21, v23;
	v4 =	vmin.f32 v21, v23  }
0x207: {  	v63 =	vld [tilespmem:s23+$0x0];
	v32 =	vmin.f32 v29, v30;
	v13 =	vmax.f32 v9, v4;
	v33 =	vmax.f32 v29, v30;
	s31 =	sor.u32 s5, s31  }
0x208: {  	v4 =	vmin.f32 v9, v4;
	v29 =	vmax.f32 v53, v56;
	v30 =	vmax.f32 v58, v61;
	v41 =	vld [tilespmem:s31+$0x0];
	s31 =	sld [smem:$0x778]  }
0x209: {  	v34 =	vmin.f32 v13, v32;
	v36 =	vmin.f32 v27, v33;
	v12 =	vmax.f32 v13, v32  }
0x20a: {  	v3 =	vmax.f32 v27, v33;
	v1 =	vmax.f32 v1, v4;
	v2 =	vmax.f32 v2, v34  }
0x20b: {  	v40 =	vmax.f32 v31, v12;
	v8 =	vmin.f32 v31, v12;
	v44 =	vmin.f32 v20, v3;
	s31 =	sor.u32 s5, s31  }
0x20c: {  	s21 =	sor.u32 s5, s21;
	v12 =	vmin.f32 v53, v56;
	v31 =	vmax.f32 v29, v30;
	v34 =	vmax.f32 v63, v22;
	v43 =	vld [tilespmem:s31+$0x0];
	s31 =	sld [smem:$0x779]  }
0x20d: {  	s20 =	sor.u32 s5, s20;
	v24 =	vld [tilespmem:s21+$0x0];
	v38 =	vmax.f32 v36, v2;
	v2 =	vmin.f32 v36, v2;
	v1 =	vmax.f32 v8, v1  }
0x20e: {  	v26 =	vld [tilespmem:s20+$0x0];
	v32 =	vmax.f32 v12, v14;
	v12 =	vmin.f32 v12, v14;
	v42 =	vmin.f32 v40, v38  }
0x20f: {  	v10 =	vmax.f32 v40, v38;
	v1 =	vmax.f32 v1, v2;
	v2 =	vmax.f32 v20, v3;
	s31 =	sor.u32 s5, s31  }
0x210: {  	s29 =	sor.u32 s5, s29;
	v5 =	vmax.f32 v5, v42;
	v15 =	vmax.f32 v6, v10;
	v6 =	vmin.f32 v6, v10;
	v45 =	vld [tilespmem:s31+$0x0];
	s31 =	sld [smem:$0x77A]  }
0x211: {  	v48 =	vld [tilespmem:s29+$0x0];
	s29 =	sor.u32 s5, s19;
	v0 =	vmax.f32 v0, v1;
	v46 =	vmax.f32 v44, v5;
	v5 =	vmin.f32 v44, v5  }
0x212: {  	s18 =	sor.u32 s5, s18;
	v42 =	vld [tilespmem:s29+$0x0];
	v0 =	vmax.f32 v6, v0;
	v49 =	vmax.f32 v35, v37;
	v7 =	vmin.f32 v35, v37  }
0x213: {  	v35 =	vmax.f32 v24, v26;
	v50 =	vmax.f32 v39, v41;
	v4 =	vmin.f32 v39, v41;
	v41 =	vld [tilespmem:s18+$0x0];
	s31 =	sor.u32 s5, s31  }
0x214: {  	s9 =	sor.u32 s5, s9;
	v6 =	vmax.f32 v15, v46;
	v3 =	vmin.f32 v15, v46;
	v36 =	vmax.f32 v34, v35;
	v47 =	vld [tilespmem:s31+$0x0]  }
0x215: {  	v56 =	vld [tilespmem:s9+$0x0];
	v0 =	vmax.f32 v0, v5;
	v11 =	vmin.f32 v34, v35;
	v15 =	vmin.f32 v31, v36;
	s31 =	sor.u32 s5, s10  }
0x216: {  	v39 =	vmax.f32 v31, v36;
	v5 =	vmin.f32 v49, v50;
	v52 =	vmax.f32 v7, v4;
	v58 =	vld [tilespmem:s31+$0x0]  }
0x217: {  	v51 =	vmax.f32 v49, v50;
	v4 =	vmin.f32 v7, v4;
	v54 =	vmax.f32 v52, v5  }
0x218: {  	v5 =	vmin.f32 v52, v5;
	v53 =	vmax.f32 v41, v42;
	v55 =	vmax.f32 v43, v45  }
0x219: {  	s17 =	sor.u32 s5, s17;
	v8 =	vmin.f32 v43, v45;
	v57 =	vmax.f32 v47, v48;
	v1 =	vmin.f32 v47, v48  }
0x21a: {  	s16 =	sor.u32 s5, s16;
	v44 =	vld [tilespmem:s17+$0x0];
	v59 =	vmin.f32 v55, v57;
	v60 =	vmax.f32 v8, v1;
	v9 =	vmax.f32 v55, v57  }
0x21b: {  	v46 =	vld [tilespmem:s16+$0x0];
	v1 =	vmin.f32 v8, v1;
	v8 =	vmin.f32 v63, v22;
	v31 =	vmax.f32 v56, v58  }
0x21c: {  	s8 =	sor.u32 s5, s8;
	v62 =	vmin.f32 v60, v59;
	v10 =	vmax.f32 v60, v59;
	v21 =	vmin.f32 v51, v9  }
0x21d: {  	s12 =	sor.u32 s5, s12;
	v61 =	vld [tilespmem:s8+$0x0];
	v9 =	vmax.f32 v51, v9;
	v1 =	vmax.f32 v4, v1;
	v4 =	vmin.f32 v24, v26  }
0x21e: {  	s15 =	sor.u32 s5, s15;
	v49 =	vld [tilespmem:s12+$0x0];
	v5 =	vmax.f32 v5, v62;
	v25 =	vmax.f32 v54, v10;
	v7 =	vmin.f32 v54, v10  }
0x21f: {  	s14 =	sor.u32 s5, s14;
	v47 =	vld [tilespmem:s15+$0x0];
	v37 =	vmax.f32 v8, v4;
	v4 =	vmin.f32 v8, v4;
	v43 =	vmax.f32 v9, v39  }
0x220: {  	s11 =	sor.u32 s5, s11;
	v48 =	vld [tilespmem:s14+$0x0];
	v9 =	vmin.f32 v9, v39;
	v54 =	vmax.f32 v44, v46;
	v23 =	vmax.f32 v21, v5  }
0x221: {  	s7 =	sor.u32 s5, s7;
	v51 =	vld [tilespmem:s11+$0x0];
	v5 =	vmin.f32 v21, v5;
	v1 =	vmax.f32 v7, v1;
	v38 =	vmax.f32 v37, v11  }
0x222: {  	v63 =	vld [tilespmem:s7+$0x0];
	v11 =	vmin.f32 v37, v11;
	v4 =	vmax.f32 v12, v4;
	v55 =	vmin.f32 v53, v54  }
0x223: {  	s4 =	sor.u32 s5, s4;
	v27 =	vmax.f32 v25, v23;
	v1 =	vmax.f32 v1, v5;
	v5 =	vmin.f32 v29, v30  }
0x224: {  	s6 =	sor.u32 s5, s6;
	v24 =	vld [tilespmem:s4+$0x0];
	v28 =	vmin.f32 v25, v23;
	v33 =	vmax.f32 v32, v5;
	v5 =	vmin.f32 v32, v5  }
0x225: {  	v21 =	vld [tilespmem:s6+$0x0];
	v59 =	vmax.f32 v47, v48;
	v32 =	vmin.f32 v56, v58;
	v5 =	vmax.f32 v5, v11  }
0x226: {  	v40 =	vmin.f32 v33, v38;
	v8 =	vmax.f32 v33, v38;
	v60 =	vmax.f32 v49, v51  }
0x227: {  	v33 =	vmax.f32 v61, v63;
	v11 =	vmax.f32 v15, v5;
	v5 =	vmin.f32 v15, v5  }
0x228: {  	v4 =	vmax.f32 v40, v4;
	v62 =	vmax.f32 v59, v60;
	v34 =	vmax.f32 v31, v33  }
0x229: {  	v14 =	vmax.f32 v8, v11;
	v8 =	vmin.f32 v8, v11;
	v4 =	vmax.f32 v4, v5  }
0x22a: {  	v5 =	vmin.f32 v41, v42;
	v37 =	vmax.f32 v21, v24;
	v8 =	vmax.f32 v28, v8  }
0x22b: {  	v45 =	vmin.f32 v27, v14;
	v1 =	vmax.f32 v1, v4;
	v7 =	vmax.f32 v27, v14  }
0x22c: {  	v4 =	vmin.f32 v44, v46;
	v13 =	vmax.f32 v9, v8;
	v8 =	vmin.f32 v9, v8  }
0x22d: {  	v1 =	vmax.f32 v45, v1;
	v10 =	vmax.f32 v5, v4;
	v4 =	vmin.f32 v5, v4  }
0x22e: {  	v9 =	vmin.f32 v61, v63;
	v14 =	vmax.f32 v7, v13;
	v7 =	vmin.f32 v7, v13  }
0x22f: {  	v1 =	vmax.f32 v1, v8;
	v13 =	vmax.f32 v2, v43;
	v2 =	vmin.f32 v2, v43  }
0x230: {  	s3 =	sor.u32 s5, s3;
	v57 =	vmax.f32 v10, v55;
	v8 =	vmin.f32 v47, v48;
	v35 =	vmax.f32 v32, v9  }
0x231: {  	s2 =	sor.u32 s5, s2;
	v26 =	vld [tilespmem:s3+$0x0];
	v9 =	vmin.f32 v32, v9;
	v3 =	vmax.f32 v3, v7;
	v50 =	vmin.f32 v6, v14  }
0x232: {  	v28 =	vld [tilespmem:s2+$0x0];
	v0 =	vmax.f32 v0, v1;
	v52 =	vmax.f32 v6, v14;
	v1 =	vmin.f32 v49, v51  }
0x233: {  	v11 =	vmax.f32 v2, v3;
	v2 =	vmin.f32 v2, v3;
	v0 =	vmax.f32 v50, v0  }
0x234: {  	v20 =	vmax.f32 v8, v1;
	v1 =	vmin.f32 v8, v1;
	v8 =	vmin.f32 v21, v24  }
0x235: {  	v6 =	vmax.f32 v52, v11;
	v3 =	vmin.f32 v52, v11;
	v0 =	vmax.f32 v0, v2  }
0x236: {  	v11 =	vmax.f32 v53, v54;
	v2 =	vmin.f32 v10, v55;
	v10 =	vmin.f32 v59, v60  }
0x237: {  	v1 =	vmax.f32 v4, v1;
	v38 =	vmax.f32 v26, v28;
	v4 =	vmin.f32 v26, v28  }
0x238: {  	v22 =	vmax.f32 v20, v10;
	v10 =	vmin.f32 v20, v10;
	v23 =	vmax.f32 v11, v62  }
0x239: {  	v7 =	vmin.f32 v11, v62;
	v39 =	vmin.f32 v37, v38;
	v40 =	vmax.f32 v8, v4  }
0x23a: {  	v16 =	vmax.f32 v37, v38;
	v4 =	vmin.f32 v8, v4;
	v2 =	vmax.f32 v2, v10  }
0x23b: {  	v25 =	vmax.f32 v57, v22;
	v5 =	vmin.f32 v57, v22;
	v41 =	vmin.f32 v40, v39  }
0x23c: {  	s1 =	sor.u32 s5, s1;
	v11 =	vmax.f32 v40, v39;
	v42 =	vmin.f32 v34, v16;
	v43 =	vmax.f32 v34, v16  }
0x23d: {  	v49 =	vld [tilespmem:s1+$0x0];
	v4 =	vmax.f32 v9, v4;
	v27 =	vmax.f32 v7, v2;
	v2 =	vmin.f32 v7, v2  }
0x23e: {  	v1 =	vmax.f32 v5, v1;
	v48 =	vmin.f32 v23, v43;
	v8 =	vmax.f32 v23, v43  }
0x23f: {  	v29 =	vmax.f32 v25, v27;
	v1 =	vmax.f32 v1, v2;
	v2 =	vmin.f32 v31, v33  }
0x240: {  	v30 =	vmin.f32 v25, v27;
	v36 =	vmax.f32 v35, v2;
	v2 =	vmin.f32 v35, v2  }
0x241: {  	v54 =	vmin.f32 v13, v8;
	v55 =	vmax.f32 v13, v8;
	v2 =	vmax.f32 v2, v41  }
0x242: {  	v59 =	vmin.f32 v55, v49;
	v45 =	vmax.f32 v36, v11;
	v44 =	vmax.f32 v42, v2  }
0x243: {  	v10 =	vmin.f32 v36, v11;
	v2 =	vmin.f32 v42, v2;
	v47 =	vmin.f32 v45, v44  }
0x244: {  	v4 =	vmax.f32 v10, v4;
	v46 =	vmax.f32 v45, v44;
	v7 =	vmax.f32 v30, v47  }
0x245: {  	v2 =	vmax.f32 v4, v2;
	v51 =	vmax.f32 v29, v46;
	v50 =	vmax.f32 v48, v7  }
0x246: {  	v5 =	vmin.f32 v29, v46;
	v1 =	vmax.f32 v1, v2;
	v53 =	vmin.f32 v51, v50  }
0x247: {  	v4 =	vmin.f32 v48, v7;
	v52 =	vmax.f32 v51, v50;
	v3 =	vmax.f32 v3, v53  }
0x248: {  	v1 =	vmax.f32 v5, v1;
	v57 =	vmax.f32 v6, v52;
	v56 =	vmax.f32 v54, v3  }
0x249: {  	v60 =	vmax.f32 v55, v49;
	v1 =	vmax.f32 v1, v4;
	v58 =	vmax.f32 v57, v56  }
0x24a: {  	v2 =	vmin.f32 v6, v52;
	v0 =	vmax.f32 v0, v1;
	v61 =	vmax.f32 v58, v59  }
0x24b: {  	v7 =	vmin.f32 v57, v56;
	v6 =	vmin.f32 v58, v59;
	v1 =	vadd.f32 v61, v60  }
0x24c: {  	v3 =	vmin.f32 v54, v3;
	v0 =	vmax.f32 v2, v0;
	v62 =	vmax.f32 v7, v6  }
0x24d: {  	v0 =	vmax.f32 v0, v3;
	v63 =	vmin.f32 v7, v6;
	v1 =	vadd.f32 v62, v1  }
0x24e: {  	p2 =	sne.s32 s13, $0x3E0;
	v0 =	vmax.f32 v0, v63  }
.Ltmp0:
0x24f: {  	v0 =	vadd.f32 v0, v1;
	(pc) =	sbr.rel @p2 .LBB2_3-.Ltmp0, $4  }
0x250: {  	_ = 	snop  }
0x251: {  	v0 =	vmul.f32 $2.500000000e-01, v0  }
0x252: {  	s0 =	sadd.s32 s5, s0  }
0x253: {  	s30 =	sadd.s32 $0x80, s30;
	s13 =	sadd.s32 $0x20, s13;
	[tilespmem:s0+$0x0] =	vst v0  }
.Ltmp1:
0x254: {  	(pc) =	sbr.rel @p1 .LBB2_6-.Ltmp1, $1  }
0x255: {  	_ =	sdelay $0x3  }
0x256: {  	s1 =	sld [smem:$0x7F3];
	_ =	sdelay $0x1  }
0x257: {  	s0 =	simm.s32 $0x0;
	s20 =	sld [smem:$0x7A8]  }
0x258: {  	[tilespmem:s0], [sflag:$0x1] =	stream.linear.gather [hbm4b:s1+s0], $0x400, $0x38;
	[tilespmem:$0x19800] =	vst v63  }
0x259: {  	s2 =	simm.s32 $0x400;
	s21 =	sld [smem:$0x7A9]  }
0x25a: {  	[tilespmem:s2], [sflag:$0x1] =	stream.linear.gather [hbm4b:s20+s0], $0x400, $0x38;
	[tilespmem:$0x19800] =	vst v63  }
0x25b: {  	s22 =	simm.s32 $0x800;
	s23 =	sld [smem:$0x7AA]  }
0x25c: {  	[tilespmem:s22], [sflag:$0x1] =	stream.linear.gather [hbm4b:s21+s0], $0x400, $0x38;
	[tilespmem:$0x19800] =	vst v63  }
0x25d: {  	s24 =	simm.s32 $0xC00;
	s25 =	sld [smem:$0x7AB]  }
0x25e: {  	[tilespmem:s24], [sflag:$0x1] =	stream.linear.gather [hbm4b:s23+s0], $0x400, $0x38;
	[tilespmem:$0x19800] =	vst v63  }
0x25f: {  	s26 =	simm.s32 $0x1000;
	s28 =	sld [smem:$0x7AC]  }
0x260: {  	[tilespmem:s26], [sflag:$0x1] =	stream.linear.gather [hbm4b:s25+s0], $0x400, $0x38;
	[tilespmem:$0x19800] =	vst v63  }
0x261: {  	s29 =	simm.s32 $0x1400;
	s30 =	sld [smem:$0x7AD]  }
0x262: {  	[tilespmem:s29], [sflag:$0x1] =	stream.linear.gather [hbm4b:s28+s0], $0x400, $0x38;
	[tilespmem:$0x19800] =	vst v63  }
0x263: {  	s31 =	simm.s32 $0x1800;
	s3 =	sld [smem:$0x7AE]  }
0x264: {  	[tilespmem:s31], [sflag:$0x1] =	stream.linear.gather [hbm4b:s30+s0], $0x400, $0x38;
	[tilespmem:$0x19800] =	vst v63  }
0x265: {  	s4 =	simm.s32 $0x1C00;
	s5 =	sld [smem:$0x7AF]  }
0x266: {  	[tilespmem:s4], [sflag:$0x1] =	stream.linear.gather [hbm4b:s3+s0], $0x400, $0x38;
	[tilespmem:$0x19800] =	vst v63  }
0x267: {  	s6 =	simm.s32 $0x2000;
	s7 =	sld [smem:$0x7B0]  }
0x268: {  	[tilespmem:s6], [sflag:$0x1] =	stream.linear.gather [hbm4b:s5+s0], $0x400, $0x38;
	[tilespmem:$0x19800] =	vst v63  }
0x269: {  	s8 =	simm.s32 $0x2400;
	s9 =	sld [smem:$0x7B1]  }
0x26a: {  	[tilespmem:s8], [sflag:$0x1] =	stream.linear.gather [hbm4b:s7+s0], $0x400, $0x38;
	[tilespmem:$0x19800] =	vst v63  }
0x26b: {  	s10 =	simm.s32 $0x2800;
	s11 =	sld [smem:$0x7B2]  }
0x26c: {  	[tilespmem:s10], [sflag:$0x1] =	stream.linear.gather [hbm4b:s9+s0], $0x400, $0x38;
	[tilespmem:$0x19800] =	vst v63  }
0x26d: {  	s12 =	simm.s32 $0x2C00;
	s13 =	sld [smem:$0x7B3]  }
0x26e: {  	[tilespmem:s12], [sflag:$0x1] =	stream.linear.gather [hbm4b:s11+s0], $0x400, $0x38;
	[tilespmem:$0x19800] =	vst v63  }
0x26f: {  	s14 =	simm.s32 $0x3000;
	s15 =	sld [smem:$0x7B4]  }
0x270: {  	[tilespmem:s14], [sflag:$0x1] =	stream.linear.gather [hbm4b:s13+s0], $0x400, $0x38;
	[tilespmem:$0x19800] =	vst v63  }
0x271: {  	s16 =	simm.s32 $0x3400;
	s17 =	sld [smem:$0x7B5]  }
0x272: {  	[tilespmem:s16], [sflag:$0x1] =	stream.linear.gather [hbm4b:s15+s0], $0x400, $0x38;
	[tilespmem:$0x19800] =	vst v63  }
0x273: {  	s18 =	simm.s32 $0x3800;
	s19 =	sld [smem:$0x7B6]  }
0x274: {  	[tilespmem:s18], [sflag:$0x1] =	stream.linear.gather [hbm4b:s17+s0], $0x400, $0x38;
	[tilespmem:$0x19800] =	vst v63  }
0x275: {  	s20 =	simm.s32 $0x3C00;
	s21 =	sld [smem:$0x7B9]  }
0x276: {  	[tilespmem:s20], [sflag:$0x1] =	stream.linear.gather [hbm4b:s19+s0], $0x400, $0x38;
	[tilespmem:$0x19800] =	vst v63  }
0x277: {  	s22 =	simm.s32 $0x4000;
	s23 =	sld [smem:$0x7BA]  }
0x278: {  	[tilespmem:s22], [sflag:$0x1] =	stream.linear.gather [hbm4b:s21+s0], $0x400, $0x38;
	[tilespmem:$0x19800] =	vst v63  }
0x279: {  	s24 =	simm.s32 $0x4400;
	s25 =	sld [smem:$0x7BD]  }
0x27a: {  	[tilespmem:s24], [sflag:$0x1] =	stream.linear.gather [hbm4b:s23+s0], $0x400, $0x38;
	[tilespmem:$0x19800] =	vst v63  }
0x27b: {  	s26 =	simm.s32 $0x4800;
	s28 =	sld [smem:$0x7BE]  }
0x27c: {  	[tilespmem:s26], [sflag:$0x1] =	stream.linear.gather [hbm4b:s25+s0], $0x400, $0x38;
	[tilespmem:$0x19800] =	vst v63  }
0x27d: {  	s29 =	simm.s32 $0x4C00;
	s30 =	sld [smem:$0x7C1]  }
0x27e: {  	[tilespmem:s29], [sflag:$0x1] =	stream.linear.gather [hbm4b:s28+s0], $0x400, $0x38;
	[tilespmem:$0x19800] =	vst v63  }
0x27f: {  	s31 =	simm.s32 $0x5000;
	s3 =	sld [smem:$0x7C2]  }
0x280: {  	[tilespmem:s31], [sflag:$0x1] =	stream.linear.gather [hbm4b:s30+s0], $0x400, $0x38;
	[tilespmem:$0x19800] =	vst v63  }
0x281: {  	s4 =	simm.s32 $0x5400;
	s5 =	sld [smem:$0x7C5]  }
0x282: {  	[tilespmem:s4], [sflag:$0x1] =	stream.linear.gather [hbm4b:s3+s0], $0x400, $0x38;
	[tilespmem:$0x19800] =	vst v63  }
0x283: {  	s6 =	simm.s32 $0x5800;
	s7 =	sld [smem:$0x7C6]  }
0x284: {  	[tilespmem:s6], [sflag:$0x1] =	stream.linear.gather [hbm4b:s5+s0], $0x400, $0x38;
	[tilespmem:$0x19800] =	vst v63  }
0x285: {  	s8 =	simm.s32 $0x5C00;
	s9 =	sld [smem:$0x7C9]  }
0x286: {  	[tilespmem:s8], [sflag:$0x1] =	stream.linear.gather [hbm4b:s7+s0], $0x400, $0x38;
	[tilespmem:$0x19800] =	vst v63  }
0x287: {  	s10 =	simm.s32 $0x6000;
	s11 =	sld [smem:$0x7CA]  }
0x288: {  	[tilespmem:s10], [sflag:$0x1] =	stream.linear.gather [hbm4b:s9+s0], $0x400, $0x38;
	[tilespmem:$0x19800] =	vst v63  }
0x289: {  	s12 =	simm.s32 $0x6400;
	s13 =	sld [smem:$0x7CD]  }
0x28a: {  	[tilespmem:s12], [sflag:$0x1] =	stream.linear.gather [hbm4b:s11+s0], $0x400, $0x38;
	[tilespmem:$0x19800] =	vst v63  }
0x28b: {  	s14 =	simm.s32 $0x6800;
	s15 =	sld [smem:$0x7CE]  }
0x28c: {  	[tilespmem:s14], [sflag:$0x1] =	stream.linear.gather [hbm4b:s13+s0], $0x400, $0x38;
	[tilespmem:$0x19800] =	vst v63  }
0x28d: {  	s16 =	simm.s32 $0x6C00;
	s17 =	sld [smem:$0x7D1]  }
0x28e: {  	[tilespmem:s16], [sflag:$0x1] =	stream.linear.gather [hbm4b:s15+s0], $0x400, $0x38;
	[tilespmem:$0x19800] =	vst v63  }
0x28f: {  	s18 =	simm.s32 $0x7000;
	s19 =	sld [smem:$0x7D2]  }
0x290: {  	[tilespmem:s18], [sflag:$0x1] =	stream.linear.gather [hbm4b:s17+s0], $0x400, $0x38;
	[tilespmem:$0x19800] =	vst v63  }
0x291: {  	s20 =	simm.s32 $0x7400;
	s21 =	sld [smem:$0x7D5]  }
0x292: {  	[tilespmem:s20], [sflag:$0x1] =	stream.linear.gather [hbm4b:s19+s0], $0x400, $0x38;
	[tilespmem:$0x19800] =	vst v63  }
0x293: {  	s22 =	simm.s32 $0x7800;
	s23 =	sld [smem:$0x7D6]  }
0x294: {  	[tilespmem:s22], [sflag:$0x1] =	stream.linear.gather [hbm4b:s21+s0], $0x400, $0x38;
	[tilespmem:$0x19800] =	vst v63  }
0x295: {  	s24 =	simm.s32 $0x7C00;
	s25 =	sld [smem:$0x7D9]  }
0x296: {  	[tilespmem:s24], [sflag:$0x1] =	stream.linear.gather [hbm4b:s23+s0], $0x400, $0x38;
	[tilespmem:$0x19800] =	vst v63  }
0x297: {  	s26 =	simm.s32 $0x8000;
	s28 =	sld [smem:$0x7DA]  }
0x298: {  	[tilespmem:s26], [sflag:$0x1] =	stream.linear.gather [hbm4b:s25+s0], $0x400, $0x38;
	[tilespmem:$0x19800] =	vst v63  }
0x299: {  	s29 =	simm.s32 $0x8400;
	s30 =	sld [smem:$0x7DD]  }
0x29a: {  	[tilespmem:s29], [sflag:$0x1] =	stream.linear.gather [hbm4b:s28+s0], $0x400, $0x38;
	[tilespmem:$0x19800] =	vst v63  }
0x29b: {  	s31 =	simm.s32 $0x8800;
	s3 =	sld [smem:$0x7DE]  }
0x29c: {  	[tilespmem:s31], [sflag:$0x1] =	stream.linear.gather [hbm4b:s30+s0], $0x400, $0x38;
	[tilespmem:$0x19800] =	vst v63  }
0x29d: {  	s4 =	simm.s32 $0x8C00;
	s5 =	sld [smem:$0x7E1]  }
0x29e: {  	[tilespmem:s4], [sflag:$0x1] =	stream.linear.gather [hbm4b:s3+s0], $0x400, $0x38;
	[tilespmem:$0x19800] =	vst v63  }
0x29f: {  	s6 =	simm.s32 $0x9000;
	s7 =	sld [smem:$0x7E2]  }
0x2a0: {  	[tilespmem:s6], [sflag:$0x1] =	stream.linear.gather [hbm4b:s5+s0], $0x400, $0x38;
	[tilespmem:$0x19800] =	vst v63  }
0x2a1: {  	s8 =	simm.s32 $0x9400;
	s9 =	sld [smem:$0x7E5]  }
0x2a2: {  	[tilespmem:s8], [sflag:$0x1] =	stream.linear.gather [hbm4b:s7+s0], $0x400, $0x38;
	[tilespmem:$0x19800] =	vst v63  }
0x2a3: {  	s10 =	simm.s32 $0x9800;
	s11 =	sld [smem:$0x7E6]  }
0x2a4: {  	[tilespmem:s10], [sflag:$0x1] =	stream.linear.gather [hbm4b:s9+s0], $0x400, $0x38;
	[tilespmem:$0x19800] =	vst v63  }
0x2a5: {  	s12 =	simm.s32 $0x9C00;
	s13 =	sld [smem:$0x7E9]  }
0x2a6: {  	[tilespmem:s12], [sflag:$0x1] =	stream.linear.gather [hbm4b:s11+s0], $0x400, $0x38;
	[tilespmem:$0x19800] =	vst v63  }
0x2a7: {  	s14 =	simm.s32 $0xA000;
	s15 =	sld [smem:$0x7EA]  }
0x2a8: {  	[tilespmem:s14], [sflag:$0x1] =	stream.linear.gather [hbm4b:s13+s0], $0x400, $0x38;
	[tilespmem:$0x19800] =	vst v63  }
0x2a9: {  	s16 =	simm.s32 $0xA400;
	s17 =	sld [smem:$0x7ED]  }
0x2aa: {  	[tilespmem:s16], [sflag:$0x1] =	stream.linear.gather [hbm4b:s15+s0], $0x400, $0x38;
	[tilespmem:$0x19800] =	vst v63  }
0x2ab: {  	s18 =	simm.s32 $0xA800;
	s19 =	sld [smem:$0x7EE]  }
0x2ac: {  	[tilespmem:s18], [sflag:$0x1] =	stream.linear.gather [hbm4b:s17+s0], $0x400, $0x38;
	[tilespmem:$0x19800] =	vst v63  }
0x2ad: {  	s20 =	simm.s32 $0xAC00;
	s21 =	sld [smem:$0x7F1]  }
0x2ae: {  	[tilespmem:s20], [sflag:$0x1] =	stream.linear.gather [hbm4b:s19+s0], $0x400, $0x38;
	[tilespmem:$0x19800] =	vst v63  }
0x2af: {  	s22 =	simm.s32 $0xB000;
	s23 =	sld [smem:$0x7F2]  }
0x2b0: {  	[tilespmem:s22], [sflag:$0x1] =	stream.linear.gather [hbm4b:s21+s0], $0x400, $0x38;
	[tilespmem:$0x19800] =	vst v63  }
0x2b1: {  	s24 =	simm.s32 $0xB400;
	s25 =	sld [smem:$0x7F4]  }
0x2b2: {  	[tilespmem:s24], [sflag:$0x1] =	stream.linear.gather [hbm4b:s23+s0], $0x400, $0x38;
	[tilespmem:$0x19800] =	vst v63  }
0x2b3: {  	s26 =	simm.s32 $0xB800;
	s28 =	sld [smem:$0x7F5]  }
0x2b4: {  	[tilespmem:s26], [sflag:$0x1] =	stream.linear.gather [hbm4b:s25+s0], $0x400, $0x38;
	[tilespmem:$0x19800] =	vst v63  }
0x2b5: {  	s29 =	simm.s32 $0xBC00;
	s30 =	sld [smem:$0x7F6]  }
0x2b6: {  	[tilespmem:s29], [sflag:$0x1] =	stream.linear.gather [hbm4b:s28+s0], $0x400, $0x38;
	[tilespmem:$0x19800] =	vst v63  }
0x2b7: {  	s31 =	simm.s32 $0xC000  }
0x2b8: {  	[tilespmem:s31], [sflag:$0x1] =	stream.linear.gather [hbm4b:s30+s0], $0x400, $0x38;
	[tilespmem:$0x19800] =	vst v63  }
.LBB2_6:
0x2b9: {  	s1 =	simm.s32 $0x2  }
0x2ba: {  	_ =	swait.ge [sflag:s1], $0xC400  }
0x2bb: {  	s0 =	sld [smem:$0x77B];
	_ =	sdelay $0x2  }
0x2bc: {  	s0 =	sand.u32 $0x3FFFFF80, s0  }
0x2bd: {  	s25 =	simm.s32 $0x0;
	[sflag:s1] =	ssyncset.done $0x0;
	s0 =	sadd.s32 $0x18800, s0  }
0x2be: {  	s13 =	simm.s32 $0x0;
	[sflag:s1] =	ssyncadd.s32 $0xFFFF3C00;
	[dreg:$0x4] =	wrdreg s0  }
.LBB2_7:
0x2bf: {  	s0 =	sand.u32 $0x380, s13  }
0x2c0: {  	s1 =	sshra.s32 s25, $0x2;
	s5 =	sand.u32 $0x60, s13;
	s2 =	sor.u32 $0xC800, s0  }
0x2c1: {  	v0 =	vld [tilespmem:s1+$0xC400];
	s23 =	sor.u32 $0xCC00, s0;
	s22 =	sor.u32 s5, s2  }
0x2c2: {  	s26 =	sor.u32 $0xD000, s0;
	s24 =	sor.u32 s5, s23;
	v1 =	vld [tilespmem:s22+$0x0]  }
0x2c3: {  	s29 =	sor.u32 $0xD400, s0;
	s28 =	sor.u32 s5, s26;
	v2 =	vld [tilespmem:s24+$0x0]  }
0x2c4: {  	s31 =	sor.u32 $0xD800, s0;
	s30 =	sor.u32 s5, s29;
	v3 =	vld [tilespmem:s28+$0x0]  }
0x2c5: {  	s3 =	sor.u32 $0xDC00, s0;
	[smem:$0x74E] =	sst s2;
	s2 =	sor.u32 s5, s31;
	v4 =	vld [tilespmem:s30+$0x0]  }
0x2c6: {  	s6 =	sor.u32 $0xE000, s0;
	s4 =	sor.u32 s5, s3;
	v5 =	vld [tilespmem:s2+$0x0]  }
0x2c7: {  	s8 =	sor.u32 $0xE400, s0;
	s7 =	sor.u32 s5, s6;
	v6 =	vld [tilespmem:s4+$0x0]  }
0x2c8: {  	[smem:$0x74D] =	sst s1;
	s9 =	sor.u32 $0xE800, s0;
	s1 =	sor.u32 s5, s8;
	v7 =	vld [tilespmem:s7+$0x0]  }
0x2c9: {  	s11 =	sor.u32 $0xEC00, s0;
	s10 =	sor.u32 s5, s9;
	v44 =	vld [tilespmem:s1+$0x0]  }
0x2ca: {  	s14 =	sor.u32 $0xF000, s0;
	s12 =	sor.u32 s5, s11;
	v10 =	vld [tilespmem:s10+$0x0]  }
0x2cb: {  	s16 =	sor.u32 $0xF400, s0;
	s15 =	sor.u32 s5, s14;
	v47 =	vld [tilespmem:s12+$0x0]  }
0x2cc: {  	s18 =	sor.u32 $0xF800, s0;
	s17 =	sor.u32 s5, s16;
	v12 =	vld [tilespmem:s15+$0x0]  }
0x2cd: {  	s20 =	sor.u32 $0xFC00, s0;
	[smem:$0x750] =	sst s26;
	s19 =	sor.u32 s5, s18;
	v50 =	vld [tilespmem:s17+$0x0]  }
0x2ce: {  	[smem:$0x751] =	sst s29;
	s21 =	sor.u32 s5, s20;
	s26 =	sor.u32 $0x10800, s0;
	v51 =	vld [tilespmem:s19+$0x0]  }
0x2cf: {  	[smem:$0x752] =	sst s31;
	s29 =	sor.u32 $0x10C00, s0;
	v52 =	vld [tilespmem:s21+$0x0];
	s28 =	sor.u32 s5, s26  }
0x2d0: {  	[smem:$0x753] =	sst s3;
	s31 =	sor.u32 $0x11000, s0;
	s30 =	sor.u32 s5, s29;
	v21 =	vld [tilespmem:s28+$0x0]  }
0x2d1: {  	[smem:$0x756] =	sst s9;
	s9 =	sor.u32 $0x11C00, s0;
	s3 =	sor.u32 s5, s31;
	v22 =	vld [tilespmem:s30+$0x0];
	v8 =	vmax.f32 v0, v1;
	v9 =	vmax.f32 v2, v3  }
0x2d2: {  	s22 =	sor.u32 $0x10000, s0;
	s10 =	sor.u32 s5, s9;
	v24 =	vld [tilespmem:s3+$0x0];
	v0 =	vmin.f32 v0, v1;
	v40 =	vmin.f32 v2, v3;
	v45 =	vmax.f32 v4, v5  }
0x2d3: {  	[smem:$0x74F] =	sst s23;
	s24 =	sor.u32 $0x10400, s0;
	s23 =	sor.u32 s5, s22;
	v30 =	vld [tilespmem:s10+$0x0];
	v4 =	vmin.f32 v4, v5;
	v46 =	vmax.f32 v6, v7;
	v6 =	vmin.f32 v6, v7  }
0x2d4: {  	[smem:$0x754] =	sst s6;
	s4 =	sor.u32 $0x11400, s0;
	s1 =	sor.u32 s5, s24;
	v54 =	vld [tilespmem:s23+$0x0];
	v55 =	vmax.f32 v44, v10;
	v1 =	vmin.f32 v44, v10;
	v56 =	vmax.f32 v47, v12  }
0x2d5: {  	[smem:$0x755] =	sst s8;
	s7 =	sor.u32 $0x11800, s0;
	s6 =	sor.u32 s5, s4;
	v18 =	vld [tilespmem:s1+$0x0];
	v7 =	vmin.f32 v47, v12;
	v59 =	vmax.f32 v50, v51;
	v41 =	vmax.f32 v8, v9  }
0x2d6: {  	[smem:$0x75F] =	sst s29;
	s29 =	sor.u32 $0x12000, s0;
	s8 =	sor.u32 s5, s7;
	v27 =	vld [tilespmem:s6+$0x0];
	v42 =	vmin.f32 v8, v9;
	v43 =	vmax.f32 v0, v40;
	v0 =	vmin.f32 v0, v40  }
0x2d7: {  	[smem:$0x757] =	sst s11;
	s11 =	sor.u32 s5, s29;
	v29 =	vld [tilespmem:s8+$0x0];
	v11 =	vmax.f32 v45, v46;
	v5 =	vmin.f32 v45, v46;
	v48 =	vmax.f32 v4, v6  }
0x2d8: {  	v31 =	vld [tilespmem:s11+$0x0];
	v4 =	vmin.f32 v4, v6;
	v57 =	vmax.f32 v55, v56;
	v58 =	vmax.f32 v1, v7  }
0x2d9: {  	v1 =	vmin.f32 v1, v7;
	v34 =	vmax.f32 v22, v24;
	v9 =	vmax.f32 v43, v42  }
0x2da: {  	v3 =	vmin.f32 v43, v42;
	v49 =	vmax.f32 v48, v5;
	v5 =	vmin.f32 v48, v5  }
0x2db: {  	v13 =	vmax.f32 v41, v11;
	v2 =	vmin.f32 v41, v11;
	v0 =	vmax.f32 v0, v4  }
0x2dc: {  	v60 =	vmax.f32 v52, v54;
	v4 =	vmin.f32 v52, v54;
	v33 =	vmax.f32 v18, v21  }
0x2dd: {  	v8 =	vmin.f32 v18, v21;
	v39 =	vmax.f32 v27, v29;
	v41 =	vmax.f32 v30, v31  }
0x2de: {  	v3 =	vmax.f32 v3, v5;
	v14 =	vmin.f32 v9, v49;
	v53 =	vmax.f32 v9, v49  }
0x2df: {  	[smem:$0x75A] =	sst s18;
	s28 =	sor.u32 $0x12400, s0;
	v5 =	vmin.f32 v50, v51;
	v62 =	vmin.f32 v59, v60;
	v7 =	vmax.f32 v59, v60  }
0x2e0: {  	[smem:$0x75C] =	sst s22;
	s22 =	sor.u32 $0x13800, s0;
	s12 =	sor.u32 s5, s28;
	v35 =	vmax.f32 v33, v34;
	v43 =	vmin.f32 v39, v41;
	v12 =	vmax.f32 v39, v41  }
0x2e1: {  	[smem:$0x75E] =	sst s26;
	s26 =	sor.u32 $0x12800, s0;
	s18 =	sor.u32 s5, s22;
	v37 =	vld [tilespmem:s12+$0x0];
	v11 =	vmax.f32 v2, v3;
	v2 =	vmin.f32 v2, v3;
	v0 =	vmax.f32 v14, v0  }
0x2e2: {  	[smem:$0x758] =	sst s14;
	s14 =	sor.u32 s5, s26;
	s23 =	sor.u32 $0x13400, s0;
	v47 =	vld [tilespmem:s18+$0x0];
	v63 =	vmax.f32 v5, v4;
	v4 =	vmin.f32 v5, v4;
	v17 =	vmin.f32 v57, v7  }
0x2e3: {  	s21 =	sor.u32 $0x13C00, s0;
	s17 =	sor.u32 s5, s23;
	v40 =	vld [tilespmem:s14+$0x0];
	v7 =	vmax.f32 v57, v7;
	v5 =	vmin.f32 v27, v29;
	v46 =	vmin.f32 v35, v12  }
0x2e4: {  	[smem:$0x75B] =	sst s20;
	s20 =	sor.u32 $0x14000, s0;
	s19 =	sor.u32 s5, s21;
	v45 =	vld [tilespmem:s17+$0x0];
	v9 =	vmax.f32 v53, v11;
	v3 =	vmin.f32 v53, v11;
	v2 =	vmax.f32 v0, v2  }
0x2e5: {  	s30 =	sor.u32 s5, s20;
	v49 =	vld [tilespmem:s19+$0x0];
	v0 =	vmin.f32 v55, v56;
	v16 =	vmin.f32 v63, v62;
	v19 =	vmax.f32 v63, v62  }
0x2e6: {  	v50 =	vld [tilespmem:s30+$0x0];
	v1 =	vmax.f32 v1, v4;
	v26 =	vmin.f32 v13, v7;
	v4 =	vmin.f32 v22, v24  }
0x2e7: {  	v61 =	vmax.f32 v58, v0;
	v0 =	vmin.f32 v58, v0;
	v36 =	vmax.f32 v8, v4  }
0x2e8: {  	v4 =	vmin.f32 v8, v4;
	v53 =	vmax.f32 v37, v40;
	v11 =	vmin.f32 v37, v40  }
0x2e9: {  	v58 =	vmax.f32 v45, v47;
	v0 =	vmax.f32 v0, v16;
	v14 =	vmax.f32 v61, v19  }
0x2ea: {  	v6 =	vmin.f32 v61, v19;
	v20 =	vmax.f32 v17, v0;
	v0 =	vmin.f32 v17, v0  }
0x2eb: {  	v1 =	vmax.f32 v6, v1;
	v6 =	vmax.f32 v35, v12;
	v59 =	vmax.f32 v49, v50  }
0x2ec: {  	[smem:$0x760] =	sst s31;
	s31 =	sor.u32 $0x12C00, s0;
	v23 =	vmin.f32 v14, v20;
	v25 =	vmax.f32 v14, v20;
	v1 =	vmax.f32 v1, v0  }
0x2ed: {  	[smem:$0x75D] =	sst s24;
	s15 =	sor.u32 s5, s31;
	s24 =	sor.u32 $0x13000, s0;
	v0 =	vmax.f32 v13, v7;
	v60 =	vmax.f32 v58, v59;
	v12 =	vmin.f32 v58, v59  }
0x2ee: {  	[smem:$0x759] =	sst s16;
	s16 =	sor.u32 s5, s24;
	v42 =	vld [tilespmem:s15+$0x0];
	v3 =	vmax.f32 v3, v23;
	v15 =	vmax.f32 v9, v25;
	v9 =	vmin.f32 v9, v25  }
0x2ef: {  	s18 =	sor.u32 $0x14400, s0;
	v17 =	vld [tilespmem:s16+$0x0];
	v1 =	vmax.f32 v2, v1;
	v2 =	vmin.f32 v30, v31;
	v28 =	vmax.f32 v26, v3  }
0x2f0: {  	s2 =	sor.u32 s5, s18;
	s15 =	sor.u32 $0x15400, s0;
	v3 =	vmin.f32 v26, v3;
	v9 =	vmax.f32 v9, v1;
	v16 =	vmax.f32 v5, v2  }
0x2f1: {  	[smem:$0x762] =	sst s7;
	s12 =	sor.u32 $0x15C00, s0;
	v21 =	vld [tilespmem:s2+$0x0];
	s7 =	sor.u32 s5, s15;
	v2 =	vmin.f32 v5, v2;
	v32 =	vmax.f32 v15, v28;
	v7 =	vmin.f32 v15, v28  }
0x2f2: {  	[smem:$0x763] =	sst s9;
	s9 =	sor.u32 s5, s12;
	s17 =	sor.u32 $0x14C00, s0;
	v27 =	vld [tilespmem:s7+$0x0];
	v3 =	vmax.f32 v9, v3;
	v9 =	vmin.f32 v33, v34;
	v44 =	vmin.f32 v16, v43  }
0x2f3: {  	[smem:$0x761] =	sst s4;
	s11 =	sor.u32 $0x16000, s0;
	s4 =	sor.u32 s5, s17;
	v29 =	vld [tilespmem:s9+$0x0];
	v10 =	vmax.f32 v16, v43;
	v2 =	vmax.f32 v4, v2;
	v4 =	vmin.f32 v49, v50  }
0x2f4: {  	s10 =	sor.u32 s5, s11;
	s9 =	sor.u32 $0x16400, s0;
	v24 =	vld [tilespmem:s4+$0x0];
	v38 =	vmax.f32 v36, v9;
	v9 =	vmin.f32 v36, v9;
	v54 =	vmax.f32 v42, v17  }
0x2f5: {  	s30 =	sor.u32 s5, s9;
	s16 =	sor.u32 $0x15000, s0;
	v31 =	vld [tilespmem:s10+$0x0];
	v14 =	vmin.f32 v42, v17;
	v5 =	vmax.f32 v9, v44;
	v18 =	vmax.f32 v38, v10  }
0x2f6: {  	s14 =	sor.u32 $0x15800, s0;
	v35 =	vld [tilespmem:s30+$0x0];
	s6 =	sor.u32 s5, s16;
	v8 =	vmin.f32 v38, v10;
	v55 =	vmax.f32 v53, v54;
	v56 =	vmax.f32 v11, v14  }
0x2f7: {  	s8 =	sor.u32 s5, s14;
	s10 =	sor.u32 $0x16800, s0;
	v26 =	vld [tilespmem:s6+$0x0];
	v11 =	vmin.f32 v11, v14;
	v9 =	vmin.f32 v45, v47;
	v48 =	vmax.f32 v46, v5  }
0x2f8: {  	s19 =	sor.u32 $0x14800, s0;
	s2 =	sor.u32 s5, s10;
	v28 =	vld [tilespmem:s8+$0x0];
	v5 =	vmin.f32 v46, v5;
	v2 =	vmax.f32 v8, v2;
	v61 =	vmax.f32 v9, v4  }
0x2f9: {  	s3 =	sor.u32 s5, s19;
	s7 =	sor.u32 $0x17000, s0;
	v37 =	vld [tilespmem:s2+$0x0];
	v4 =	vmin.f32 v9, v4;
	v63 =	vmax.f32 v55, v60;
	v15 =	vmin.f32 v55, v60  }
0x2fa: {  	v22 =	vld [tilespmem:s3+$0x0];
	s4 =	sor.u32 s5, s7;
	s8 =	sor.u32 $0x16C00, s0;
	v39 =	vmax.f32 v29, v31;
	v51 =	vmax.f32 v18, v48;
	v52 =	vmin.f32 v18, v48  }
0x2fb: {  	s6 =	sor.u32 $0x17400, s0;
	s3 =	sor.u32 s5, s8;
	v42 =	vld [tilespmem:s4+$0x0];
	v2 =	vmax.f32 v2, v5;
	v5 =	vmin.f32 v53, v54;
	v62 =	vmax.f32 v61, v12  }
0x2fc: {  	s30 =	sor.u32 s5, s6;
	s4 =	sor.u32 $0x17800, s0;
	v40 =	vld [tilespmem:s3+$0x0];
	v12 =	vmin.f32 v61, v12;
	v4 =	vmax.f32 v11, v4;
	v23 =	vmax.f32 v6, v63  }
0x2fd: {  	v44 =	vld [tilespmem:s30+$0x0];
	s2 =	sor.u32 s5, s4;
	v6 =	vmin.f32 v6, v63;
	v33 =	vmax.f32 v24, v26;
	v57 =	vmax.f32 v56, v5  }
0x2fe: {  	v47 =	vld [tilespmem:s2+$0x0];
	v5 =	vmin.f32 v56, v5;
	v38 =	vmax.f32 v27, v28;
	v54 =	vmax.f32 v35, v37  }
0x2ff: {  	v55 =	vmin.f32 v35, v37;
	v5 =	vmax.f32 v5, v12;
	v20 =	vmin.f32 v57, v62  }
0x300: {  	v9 =	vmax.f32 v57, v62;
	v41 =	vmax.f32 v38, v39;
	v12 =	vmax.f32 v15, v5  }
0x301: {  	v5 =	vmin.f32 v15, v5;
	v4 =	vmax.f32 v20, v4;
	v56 =	vmax.f32 v40, v42  }
0x302: {  	v14 =	vmax.f32 v9, v12;
	v9 =	vmin.f32 v9, v12;
	v4 =	vmax.f32 v4, v5  }
0x303: {  	v5 =	vmin.f32 v21, v22;
	v57 =	vmax.f32 v54, v56;
	v60 =	vmax.f32 v44, v47  }
0x304: {  	v9 =	vmax.f32 v52, v9;
	v25 =	vmin.f32 v51, v14;
	v2 =	vmax.f32 v2, v4  }
0x305: {  	v8 =	vmax.f32 v51, v14;
	v4 =	vmin.f32 v24, v26;
	v13 =	vmax.f32 v6, v9  }
0x306: {  	v6 =	vmin.f32 v6, v9;
	v2 =	vmax.f32 v25, v2;
	v10 =	vmax.f32 v5, v4  }
0x307: {  	v4 =	vmin.f32 v5, v4;
	v9 =	vmin.f32 v40, v42;
	v14 =	vmax.f32 v8, v13  }
0x308: {  	v8 =	vmin.f32 v8, v13;
	v2 =	vmax.f32 v2, v6;
	v13 =	vmax.f32 v0, v23  }
0x309: {  	v0 =	vmin.f32 v0, v23;
	v6 =	vmin.f32 v27, v28;
	v58 =	vmax.f32 v55, v9  }
0x30a: {  	s3 =	sor.u32 $0x17C00, s0;
	v9 =	vmin.f32 v55, v9;
	v7 =	vmax.f32 v7, v8;
	v30 =	vmin.f32 v32, v14  }
0x30b: {  	s30 =	sor.u32 s5, s3;
	s2 =	sor.u32 $0x18000, s0;
	v2 =	vmax.f32 v3, v2;
	v1 =	vmax.f32 v32, v14;
	v32 =	vmax.f32 v21, v22  }
0x30c: {  	v49 =	vld [tilespmem:s30+$0x0];
	s30 =	sor.u32 s5, s2;
	v3 =	vmin.f32 v29, v31;
	v12 =	vmax.f32 v0, v7;
	v0 =	vmin.f32 v0, v7  }
0x30d: {  	v51 =	vld [tilespmem:s30+$0x0];
	v2 =	vmax.f32 v30, v2;
	v34 =	vmin.f32 v32, v33;
	v11 =	vmax.f32 v32, v33  }
0x30e: {  	v43 =	vmax.f32 v6, v3;
	v3 =	vmin.f32 v6, v3;
	v6 =	vmin.f32 v44, v47  }
0x30f: {  	v7 =	vmax.f32 v1, v12;
	v1 =	vmin.f32 v1, v12;
	v0 =	vmax.f32 v2, v0  }
0x310: {  	v36 =	vmax.f32 v10, v34;
	v2 =	vmin.f32 v10, v34;
	v10 =	vmin.f32 v38, v39  }
0x311: {  	v46 =	vmax.f32 v11, v41;
	v8 =	vmin.f32 v11, v41;
	v3 =	vmax.f32 v4, v3  }
0x312: {  	v61 =	vmax.f32 v49, v51;
	v4 =	vmin.f32 v49, v51;
	v45 =	vmax.f32 v43, v10  }
0x313: {  	v10 =	vmin.f32 v43, v10;
	v62 =	vmin.f32 v60, v61;
	v63 =	vmax.f32 v6, v4  }
0x314: {  	v16 =	vmax.f32 v60, v61;
	v4 =	vmin.f32 v6, v4;
	v2 =	vmax.f32 v2, v10  }
0x315: {  	s1 =	sor.u32 $0x18400, s0;
	v48 =	vmax.f32 v36, v45;
	v5 =	vmin.f32 v36, v45;
	v19 =	vmin.f32 v63, v62  }
0x316: {  	s0 =	sor.u32 s5, s1;
	v11 =	vmax.f32 v63, v62;
	v20 =	vmin.f32 v57, v16;
	v21 =	vmax.f32 v57, v16  }
0x317: {  	v27 =	vld [tilespmem:s0+$0x0];
	v4 =	vmax.f32 v9, v4;
	v50 =	vmax.f32 v8, v2;
	v2 =	vmin.f32 v8, v2  }
0x318: {  	v3 =	vmax.f32 v5, v3;
	v26 =	vmin.f32 v46, v21;
	v6 =	vmax.f32 v46, v21  }
0x319: {  	v52 =	vmax.f32 v48, v50;
	v2 =	vmax.f32 v3, v2;
	v3 =	vmin.f32 v54, v56  }
0x31a: {  	v53 =	vmin.f32 v48, v50;
	v59 =	vmax.f32 v58, v3;
	v3 =	vmin.f32 v58, v3  }
0x31b: {  	v32 =	vmin.f32 v13, v6;
	v33 =	vmax.f32 v13, v6;
	v3 =	vmax.f32 v3, v19  }
0x31c: {  	v37 =	vmin.f32 v33, v27;
	v23 =	vmax.f32 v59, v11;
	v22 =	vmax.f32 v20, v3  }
0x31d: {  	v10 =	vmin.f32 v59, v11;
	v3 =	vmin.f32 v20, v3;
	v25 =	vmin.f32 v23, v22  }
0x31e: {  	v4 =	vmax.f32 v10, v4;
	v24 =	vmax.f32 v23, v22;
	v8 =	vmax.f32 v53, v25  }
0x31f: {  	v3 =	vmax.f32 v4, v3;
	v29 =	vmax.f32 v52, v24;
	v28 =	vmax.f32 v26, v8  }
0x320: {  	v5 =	vmin.f32 v52, v24;
	v2 =	vmax.f32 v2, v3;
	v31 =	vmin.f32 v29, v28  }
0x321: {  	v4 =	vmin.f32 v26, v8;
	v30 =	vmax.f32 v29, v28;
	v1 =	vmax.f32 v1, v31  }
0x322: {  	v2 =	vmax.f32 v5, v2;
	v35 =	vmax.f32 v7, v30;
	v34 =	vmax.f32 v32, v1  }
0x323: {  	v38 =	vmax.f32 v33, v27;
	v2 =	vmax.f32 v2, v4;
	v36 =	vmax.f32 v35, v34  }
0x324: {  	v3 =	vmin.f32 v7, v30;
	v0 =	vmax.f32 v0, v2;
	v39 =	vmax.f32 v36, v37  }
0x325: {  	v6 =	vmin.f32 v35, v34;
	v7 =	vmin.f32 v36, v37;
	v2 =	vadd.f32 v39, v38  }
0x326: {  	v1 =	vmin.f32 v32, v1;
	v0 =	vmax.f32 v3, v0;
	v40 =	vmax.f32 v6, v7  }
0x327: {  	v0 =	vmax.f32 v0, v1;
	v41 =	vmin.f32 v6, v7;
	v2 =	vadd.f32 v40, v2  }
0x328: {  	v0 =	vmax.f32 v0, v41  }
0x329: {  	v0 =	vadd.f32 v0, v2  }
0x32a: {  	s30 =	sand.u32 $0xE00, s25;
	s0 =	rddreg [dreg:$0x4]  }
0x32b: {  	s0 =	sadd.s32 s30, s0;
	v0 =	vmul.f32 $2.500000000e-01, v0  }
0x32c: {  	s30 =	sadd.s32 $0x10, s13;
	s5 =	sadd.s32 s5, s0  }
0x32d: {  	[tilespmem:s5+$0x0] =	vst v0;
	s5 =	sand.u32 $0x70, s30;
	s30 =	sld [smem:$0x74D];
	_ =	sdelay $0x2  }
0x32e: {  	v0 =	vld [tilespmem:s30+$0xC410];
	s30 =	sld [smem:$0x74E];
	_ =	sdelay $0x2  }
0x32f: {  	s30 =	sor.u32 s5, s30  }
0x330: {  	v42 =	vld [tilespmem:s30+$0x0];
	s30 =	sld [smem:$0x74F];
	_ =	sdelay $0x2  }
0x331: {  	s30 =	sor.u32 s5, s30  }
0x332: {  	v43 =	vld [tilespmem:s30+$0x0];
	s30 =	sld [smem:$0x750];
	_ =	sdelay $0x2  }
0x333: {  	s30 =	sor.u32 s5, s30  }
0x334: {  	v44 =	vld [tilespmem:s30+$0x0];
	s30 =	sld [smem:$0x751];
	_ =	sdelay $0x2  }
0x335: {  	s30 =	sor.u32 s5, s30  }
0x336: {  	v45 =	vld [tilespmem:s30+$0x0];
	s30 =	sld [smem:$0x752];
	_ =	sdelay $0x2  }
0x337: {  	s30 =	sor.u32 s5, s30  }
0x338: {  	v46 =	vld [tilespmem:s30+$0x0];
	s30 =	sld [smem:$0x753];
	_ =	sdelay $0x2  }
0x339: {  	s30 =	sor.u32 s5, s30  }
0x33a: {  	v47 =	vld [tilespmem:s30+$0x0];
	s30 =	sld [smem:$0x754];
	_ =	sdelay $0x2  }
0x33b: {  	s30 =	sor.u32 s5, s30  }
0x33c: {  	v48 =	vld [tilespmem:s30+$0x0];
	s30 =	sld [smem:$0x755];
	_ =	sdelay $0x2  }
0x33d: {  	s30 =	sor.u32 s5, s30  }
0x33e: {  	v53 =	vld [tilespmem:s30+$0x0];
	s30 =	sld [smem:$0x756];
	_ =	sdelay $0x2  }
0x33f: {  	s30 =	sor.u32 s5, s30  }
0x340: {  	v55 =	vld [tilespmem:s30+$0x0];
	s30 =	sld [smem:$0x757];
	_ =	sdelay $0x2  }
0x341: {  	s30 =	sor.u32 s5, s30  }
0x342: {  	v58 =	vld [tilespmem:s30+$0x0];
	s30 =	sld [smem:$0x758];
	_ =	sdelay $0x2  }
0x343: {  	s30 =	sor.u32 s5, s30  }
0x344: {  	v60 =	vld [tilespmem:s30+$0x0];
	s30 =	sld [smem:$0x759];
	_ =	sdelay $0x2  }
0x345: {  	s30 =	sor.u32 s5, s30  }
0x346: {  	v63 =	vld [tilespmem:s30+$0x0];
	s30 =	sld [smem:$0x75A];
	_ =	sdelay $0x2  }
0x347: {  	s30 =	sor.u32 s5, s30  }
0x348: {  	v19 =	vld [tilespmem:s30+$0x0];
	s30 =	sld [smem:$0x75B];
	_ =	sdelay $0x2  }
0x349: {  	s30 =	sor.u32 s5, s30  }
0x34a: {  	v21 =	vld [tilespmem:s30+$0x0];
	s30 =	sld [smem:$0x75C];
	_ =	sdelay $0x2  }
0x34b: {  	v49 =	vmax.f32 v0, v42;
	v50 =	vmax.f32 v43, v44;
	s30 =	sor.u32 s5, s30  }
0x34c: {  	v0 =	vmin.f32 v0, v42;
	v51 =	vmin.f32 v43, v44;
	v52 =	vmax.f32 v49, v50;
	v23 =	vld [tilespmem:s30+$0x0];
	s30 =	sld [smem:$0x75D]  }
0x34d: {  	v8 =	vmin.f32 v49, v50;
	v54 =	vmax.f32 v0, v51;
	v0 =	vmin.f32 v0, v51  }
0x34e: {  	v56 =	vmax.f32 v54, v8;
	v8 =	vmin.f32 v54, v8;
	v57 =	vmax.f32 v45, v46  }
0x34f: {  	v4 =	vmin.f32 v45, v46;
	v59 =	vmax.f32 v47, v48;
	v6 =	vmin.f32 v47, v48;
	s30 =	sor.u32 s5, s30  }
0x350: {  	s29 =	sor.u32 s5, s29;
	v61 =	vmax.f32 v57, v59;
	v5 =	vmin.f32 v57, v59;
	v62 =	vmax.f32 v4, v6;
	v35 =	vld [tilespmem:s30+$0x0];
	s30 =	sld [smem:$0x75E]  }
0x351: {  	s24 =	sor.u32 s5, s24;
	v48 =	vld [tilespmem:s29+$0x0];
	v4 =	vmin.f32 v4, v6;
	v18 =	vmax.f32 v62, v5;
	v5 =	vmin.f32 v62, v5  }
0x352: {  	s29 =	sor.u32 s5, s31;
	v20 =	vmax.f32 v52, v61;
	v2 =	vmin.f32 v52, v61;
	v0 =	vmax.f32 v0, v4;
	v61 =	vld [tilespmem:s24+$0x0]  }
0x353: {  	v5 =	vmax.f32 v8, v5;
	v26 =	vmax.f32 v58, v60;
	v7 =	vmin.f32 v58, v60;
	v58 =	vld [tilespmem:s29+$0x0];
	s30 =	sor.u32 s5, s30  }
0x354: {  	v22 =	vmin.f32 v56, v18;
	v24 =	vmax.f32 v56, v18;
	v12 =	vmax.f32 v2, v5;
	v37 =	vld [tilespmem:s30+$0x0];
	s30 =	sld [smem:$0x75F]  }
0x355: {  	s26 =	sor.u32 s5, s26;
	v2 =	vmin.f32 v2, v5;
	v0 =	vmax.f32 v22, v0;
	v6 =	vmax.f32 v24, v12  }
0x356: {  	s28 =	sor.u32 s5, s28;
	v56 =	vld [tilespmem:s26+$0x0];
	v5 =	vmin.f32 v24, v12;
	v25 =	vmax.f32 v53, v55;
	v1 =	vmin.f32 v53, v55  }
0x357: {  	v0 =	vmax.f32 v0, v2;
	v53 =	vld [tilespmem:s28+$0x0];
	v2 =	vmin.f32 v25, v26;
	v28 =	vmax.f32 v1, v7;
	s30 =	sor.u32 s5, s30  }
0x358: {  	v27 =	vmax.f32 v25, v26;
	v1 =	vmin.f32 v1, v7;
	v31 =	vmax.f32 v28, v2;
	v39 =	vld [tilespmem:s30+$0x0];
	s30 =	sld [smem:$0x760]  }
0x359: {  	s22 =	sor.u32 s5, s22;
	v2 =	vmin.f32 v28, v2;
	v14 =	vmin.f32 v58, v61;
	v29 =	vmax.f32 v63, v19  }
0x35a: {  	s23 =	sor.u32 s5, s23;
	v22 =	vld [tilespmem:s22+$0x0];
	v9 =	vmin.f32 v63, v19;
	v30 =	vmax.f32 v21, v23;
	v4 =	vmin.f32 v21, v23  }
0x35b: {  	v63 =	vld [tilespmem:s23+$0x0];
	v32 =	vmin.f32 v29, v30;
	v13 =	vmax.f32 v9, v4;
	v33 =	vmax.f32 v29, v30;
	s30 =	sor.u32 s5, s30  }
0x35c: {  	v4 =	vmin.f32 v9, v4;
	v29 =	vmax.f32 v53, v56;
	v30 =	vmax.f32 v58, v61;
	v41 =	vld [tilespmem:s30+$0x0];
	s30 =	sld [smem:$0x761]  }
0x35d: {  	v34 =	vmin.f32 v13, v32;
	v36 =	vmin.f32 v27, v33;
	v12 =	vmax.f32 v13, v32  }
0x35e: {  	v3 =	vmax.f32 v27, v33;
	v1 =	vmax.f32 v1, v4;
	v2 =	vmax.f32 v2, v34  }
0x35f: {  	v40 =	vmax.f32 v31, v12;
	v8 =	vmin.f32 v31, v12;
	v44 =	vmin.f32 v20, v3;
	s30 =	sor.u32 s5, s30  }
0x360: {  	s21 =	sor.u32 s5, s21;
	v12 =	vmin.f32 v53, v56;
	v31 =	vmax.f32 v29, v30;
	v34 =	vmax.f32 v63, v22;
	v43 =	vld [tilespmem:s30+$0x0];
	s30 =	sld [smem:$0x762]  }
0x361: {  	s20 =	sor.u32 s5, s20;
	v24 =	vld [tilespmem:s21+$0x0];
	v38 =	vmax.f32 v36, v2;
	v2 =	vmin.f32 v36, v2;
	v1 =	vmax.f32 v8, v1  }
0x362: {  	s31 =	sor.u32 s5, s10;
	v26 =	vld [tilespmem:s20+$0x0];
	v32 =	vmax.f32 v12, v14;
	v12 =	vmin.f32 v12, v14;
	v42 =	vmin.f32 v40, v38  }
0x363: {  	v58 =	vld [tilespmem:s31+$0x0];
	v10 =	vmax.f32 v40, v38;
	v1 =	vmax.f32 v1, v2;
	v2 =	vmax.f32 v20, v3;
	s30 =	sor.u32 s5, s30  }
0x364: {  	s9 =	sor.u32 s5, s9;
	v5 =	vmax.f32 v5, v42;
	v15 =	vmax.f32 v6, v10;
	v6 =	vmin.f32 v6, v10;
	v45 =	vld [tilespmem:s30+$0x0];
	s30 =	sld [smem:$0x763]  }
0x365: {  	v56 =	vld [tilespmem:s9+$0x0];
	v0 =	vmax.f32 v0, v1;
	v46 =	vmax.f32 v44, v5;
	v5 =	vmin.f32 v44, v5  }
0x366: {  	v0 =	vmax.f32 v6, v0;
	v6 =	vmax.f32 v15, v46;
	v3 =	vmin.f32 v15, v46  }
0x367: {  	v49 =	vmax.f32 v35, v37;
	v7 =	vmin.f32 v35, v37;
	v35 =	vmax.f32 v24, v26;
	s30 =	sor.u32 s5, s30  }
0x368: {  	s18 =	sor.u32 s5, s18;
	v0 =	vmax.f32 v0, v5;
	v36 =	vmax.f32 v34, v35;
	v11 =	vmin.f32 v34, v35;
	v47 =	vld [tilespmem:s30+$0x0]  }
0x369: {  	v15 =	vmin.f32 v31, v36;
	v50 =	vmax.f32 v39, v41;
	v4 =	vmin.f32 v39, v41;
	v41 =	vld [tilespmem:s18+$0x0];
	s30 =	sor.u32 s5, s19  }
0x36a: {  	v39 =	vmax.f32 v31, v36;
	v31 =	vmax.f32 v56, v58;
	v51 =	vmax.f32 v49, v50;
	v42 =	vld [tilespmem:s30+$0x0]  }
0x36b: {  	v5 =	vmin.f32 v49, v50;
	v52 =	vmax.f32 v7, v4;
	v4 =	vmin.f32 v7, v4  }
0x36c: {  	v54 =	vmax.f32 v52, v5;
	v5 =	vmin.f32 v52, v5;
	v55 =	vmax.f32 v43, v45  }
0x36d: {  	s17 =	sor.u32 s5, s17;
	v8 =	vmin.f32 v43, v45;
	v57 =	vmax.f32 v47, v48;
	v1 =	vmin.f32 v47, v48  }
0x36e: {  	s16 =	sor.u32 s5, s16;
	v44 =	vld [tilespmem:s17+$0x0];
	v59 =	vmin.f32 v55, v57;
	v60 =	vmax.f32 v8, v1;
	v9 =	vmax.f32 v55, v57  }
0x36f: {  	v46 =	vld [tilespmem:s16+$0x0];
	v1 =	vmin.f32 v8, v1;
	v8 =	vmin.f32 v63, v22;
	v53 =	vmax.f32 v41, v42  }
0x370: {  	s8 =	sor.u32 s5, s8;
	v62 =	vmin.f32 v60, v59;
	v10 =	vmax.f32 v60, v59;
	v21 =	vmin.f32 v51, v9  }
0x371: {  	s12 =	sor.u32 s5, s12;
	v61 =	vld [tilespmem:s8+$0x0];
	v9 =	vmax.f32 v51, v9;
	v1 =	vmax.f32 v4, v1;
	v4 =	vmin.f32 v24, v26  }
0x372: {  	s15 =	sor.u32 s5, s15;
	v49 =	vld [tilespmem:s12+$0x0];
	v5 =	vmax.f32 v5, v62;
	v25 =	vmax.f32 v54, v10;
	v7 =	vmin.f32 v54, v10  }
0x373: {  	s14 =	sor.u32 s5, s14;
	v47 =	vld [tilespmem:s15+$0x0];
	v37 =	vmax.f32 v8, v4;
	v4 =	vmin.f32 v8, v4;
	v43 =	vmax.f32 v9, v39  }
0x374: {  	s11 =	sor.u32 s5, s11;
	v48 =	vld [tilespmem:s14+$0x0];
	v9 =	vmin.f32 v9, v39;
	v54 =	vmax.f32 v44, v46;
	v23 =	vmax.f32 v21, v5  }
0x375: {  	s7 =	sor.u32 s5, s7;
	v51 =	vld [tilespmem:s11+$0x0];
	v5 =	vmin.f32 v21, v5;
	v1 =	vmax.f32 v7, v1;
	v38 =	vmax.f32 v37, v11  }
0x376: {  	v63 =	vld [tilespmem:s7+$0x0];
	v11 =	vmin.f32 v37, v11;
	v4 =	vmax.f32 v12, v4;
	v55 =	vmin.f32 v53, v54  }
0x377: {  	s4 =	sor.u32 s5, s4;
	v27 =	vmax.f32 v25, v23;
	v1 =	vmax.f32 v1, v5;
	v5 =	vmin.f32 v29, v30  }
0x378: {  	s6 =	sor.u32 s5, s6;
	v24 =	vld [tilespmem:s4+$0x0];
	v28 =	vmin.f32 v25, v23;
	v33 =	vmax.f32 v32, v5;
	v5 =	vmin.f32 v32, v5  }
0x379: {  	v21 =	vld [tilespmem:s6+$0x0];
	v59 =	vmax.f32 v47, v48;
	v32 =	vmin.f32 v56, v58;
	v5 =	vmax.f32 v5, v11  }
0x37a: {  	v40 =	vmin.f32 v33, v38;
	v8 =	vmax.f32 v33, v38;
	v60 =	vmax.f32 v49, v51  }
0x37b: {  	v33 =	vmax.f32 v61, v63;
	v11 =	vmax.f32 v15, v5;
	v5 =	vmin.f32 v15, v5  }
0x37c: {  	v4 =	vmax.f32 v40, v4;
	v62 =	vmax.f32 v59, v60;
	v34 =	vmax.f32 v31, v33  }
0x37d: {  	v14 =	vmax.f32 v8, v11;
	v8 =	vmin.f32 v8, v11;
	v4 =	vmax.f32 v4, v5  }
0x37e: {  	v5 =	vmin.f32 v41, v42;
	v37 =	vmax.f32 v21, v24;
	v8 =	vmax.f32 v28, v8  }
0x37f: {  	v45 =	vmin.f32 v27, v14;
	v1 =	vmax.f32 v1, v4;
	v7 =	vmax.f32 v27, v14  }
0x380: {  	v4 =	vmin.f32 v44, v46;
	v13 =	vmax.f32 v9, v8;
	v8 =	vmin.f32 v9, v8  }
0x381: {  	v1 =	vmax.f32 v45, v1;
	v10 =	vmax.f32 v5, v4;
	v4 =	vmin.f32 v5, v4  }
0x382: {  	v9 =	vmin.f32 v61, v63;
	v14 =	vmax.f32 v7, v13;
	v7 =	vmin.f32 v7, v13  }
0x383: {  	v1 =	vmax.f32 v1, v8;
	v13 =	vmax.f32 v2, v43;
	v2 =	vmin.f32 v2, v43  }
0x384: {  	s3 =	sor.u32 s5, s3;
	v57 =	vmax.f32 v10, v55;
	v8 =	vmin.f32 v47, v48;
	v35 =	vmax.f32 v32, v9  }
0x385: {  	s2 =	sor.u32 s5, s2;
	v26 =	vld [tilespmem:s3+$0x0];
	v9 =	vmin.f32 v32, v9;
	v3 =	vmax.f32 v3, v7;
	v50 =	vmin.f32 v6, v14  }
0x386: {  	v28 =	vld [tilespmem:s2+$0x0];
	v0 =	vmax.f32 v0, v1;
	v52 =	vmax.f32 v6, v14;
	v1 =	vmin.f32 v49, v51  }
0x387: {  	v11 =	vmax.f32 v2, v3;
	v2 =	vmin.f32 v2, v3;
	v0 =	vmax.f32 v50, v0  }
0x388: {  	v20 =	vmax.f32 v8, v1;
	v1 =	vmin.f32 v8, v1;
	v8 =	vmin.f32 v21, v24  }
0x389: {  	v6 =	vmax.f32 v52, v11;
	v3 =	vmin.f32 v52, v11;
	v0 =	vmax.f32 v0, v2  }
0x38a: {  	v11 =	vmax.f32 v53, v54;
	v2 =	vmin.f32 v10, v55;
	v10 =	vmin.f32 v59, v60  }
0x38b: {  	v1 =	vmax.f32 v4, v1;
	v38 =	vmax.f32 v26, v28;
	v4 =	vmin.f32 v26, v28  }
0x38c: {  	v22 =	vmax.f32 v20, v10;
	v10 =	vmin.f32 v20, v10;
	v23 =	vmax.f32 v11, v62  }
0x38d: {  	v7 =	vmin.f32 v11, v62;
	v39 =	vmin.f32 v37, v38;
	v40 =	vmax.f32 v8, v4  }
0x38e: {  	v16 =	vmax.f32 v37, v38;
	v4 =	vmin.f32 v8, v4;
	v2 =	vmax.f32 v2, v10  }
0x38f: {  	v25 =	vmax.f32 v57, v22;
	v5 =	vmin.f32 v57, v22;
	v41 =	vmin.f32 v40, v39  }
0x390: {  	s1 =	sor.u32 s5, s1;
	v11 =	vmax.f32 v40, v39;
	v42 =	vmin.f32 v34, v16;
	v43 =	vmax.f32 v34, v16  }
0x391: {  	v49 =	vld [tilespmem:s1+$0x0];
	v4 =	vmax.f32 v9, v4;
	v27 =	vmax.f32 v7, v2;
	v2 =	vmin.f32 v7, v2  }
0x392: {  	v1 =	vmax.f32 v5, v1;
	v48 =	vmin.f32 v23, v43;
	v8 =	vmax.f32 v23, v43  }
0x393: {  	v29 =	vmax.f32 v25, v27;
	v1 =	vmax.f32 v1, v2;
	v2 =	vmin.f32 v31, v33  }
0x394: {  	v30 =	vmin.f32 v25, v27;
	v36 =	vmax.f32 v35, v2;
	v2 =	vmin.f32 v35, v2  }
0x395: {  	v54 =	vmin.f32 v13, v8;
	v55 =	vmax.f32 v13, v8;
	v2 =	vmax.f32 v2, v41  }
0x396: {  	v59 =	vmin.f32 v55, v49;
	v45 =	vmax.f32 v36, v11;
	v44 =	vmax.f32 v42, v2  }
0x397: {  	v10 =	vmin.f32 v36, v11;
	v2 =	vmin.f32 v42, v2;
	v47 =	vmin.f32 v45, v44  }
0x398: {  	v4 =	vmax.f32 v10, v4;
	v46 =	vmax.f32 v45, v44;
	v7 =	vmax.f32 v30, v47  }
0x399: {  	v2 =	vmax.f32 v4, v2;
	v51 =	vmax.f32 v29, v46;
	v50 =	vmax.f32 v48, v7  }
0x39a: {  	v5 =	vmin.f32 v29, v46;
	v1 =	vmax.f32 v1, v2;
	v53 =	vmin.f32 v51, v50  }
0x39b: {  	v4 =	vmin.f32 v48, v7;
	v52 =	vmax.f32 v51, v50;
	v3 =	vmax.f32 v3, v53  }
0x39c: {  	v1 =	vmax.f32 v5, v1;
	v57 =	vmax.f32 v6, v52;
	v56 =	vmax.f32 v54, v3  }
0x39d: {  	v60 =	vmax.f32 v55, v49;
	v1 =	vmax.f32 v1, v4;
	v58 =	vmax.f32 v57, v56  }
0x39e: {  	v2 =	vmin.f32 v6, v52;
	v0 =	vmax.f32 v0, v1;
	v61 =	vmax.f32 v58, v59  }
0x39f: {  	v7 =	vmin.f32 v57, v56;
	v6 =	vmin.f32 v58, v59;
	v1 =	vadd.f32 v61, v60  }
0x3a0: {  	v3 =	vmin.f32 v54, v3;
	v0 =	vmax.f32 v2, v0;
	v62 =	vmax.f32 v7, v6  }
0x3a1: {  	v0 =	vmax.f32 v0, v3;
	v63 =	vmin.f32 v7, v6;
	v1 =	vadd.f32 v62, v1  }
0x3a2: {  	p1 =	sne.s32 s13, $0x3E0;
	v0 =	vmax.f32 v0, v63  }
.Ltmp2:
0x3a3: {  	v0 =	vadd.f32 v0, v1;
	(pc) =	sbr.rel @p1 .LBB2_7-.Ltmp2, $4  }
0x3a4: {  	_ = 	snop  }
0x3a5: {  	v0 =	vmul.f32 $2.500000000e-01, v0  }
0x3a6: {  	s0 =	sadd.s32 s5, s0  }
0x3a7: {  	s25 =	sadd.s32 $0x80, s25;
	s13 =	sadd.s32 $0x20, s13;
	[tilespmem:s0+$0x0] =	vst v0  }
.Ltmp3:
0x3a8: {  	(pc) =	sbr.rel @p0 .LBB2_2-.Ltmp3, $2  }
0x3a9: {  	_ =	sdelay $0x2  }
0x3aa: {  	s0 =	simm.s32 $0x1;
	p2 =	por $0x0, $0x0;
	p1 =	por $0x1, $0x1  }
0x3ab: {  	s0 =	rddreg [dreg:$0x18]  }
0x3ac: {  	s6 =	simm.s32 $0x0;
	s1 =	simm.s32 $0x18800;
	s15 =	sld [smem:$0x7F7]  }
0x3ad: {  	[hbm4b:s0+s6] =	stream.linear.scatter [tilespmem:s1], [sflag:$0x3], $0x200, $0x38;
	[tilespmem:$0x19800] =	vst v63  }
0x3ae: {  	s16 =	simm.s32 $0x18A00;
	s17 =	sld [smem:$0x7F8]  }
0x3af: {  	[hbm4b:s15+s6] =	stream.linear.scatter [tilespmem:s16], [sflag:$0x3], $0x200, $0x38;
	[tilespmem:$0x19800] =	vst v63  }
0x3b0: {  	s18 =	simm.s32 $0x18C00;
	s19 =	sld [smem:$0x7F9]  }
0x3b1: {  	[hbm4b:s17+s6] =	stream.linear.scatter [tilespmem:s18], [sflag:$0x3], $0x200, $0x38;
	[tilespmem:$0x19800] =	vst v63  }
0x3b2: {  	s20 =	simm.s32 $0x18E00;
	s21 =	sld [smem:$0x7FA]  }
0x3b3: {  	[hbm4b:s19+s6] =	stream.linear.scatter [tilespmem:s20], [sflag:$0x3], $0x200, $0x38;
	[tilespmem:$0x19800] =	vst v63  }
0x3b4: {  	s22 =	simm.s32 $0x19000;
	s23 =	sld [smem:$0x7FB]  }
0x3b5: {  	[hbm4b:s21+s6] =	stream.linear.scatter [tilespmem:s22], [sflag:$0x3], $0x200, $0x38;
	[tilespmem:$0x19800] =	vst v63  }
0x3b6: {  	s24 =	simm.s32 $0x19200;
	s25 =	sld [smem:$0x7FC]  }
0x3b7: {  	[hbm4b:s23+s6] =	stream.linear.scatter [tilespmem:s24], [sflag:$0x3], $0x200, $0x38;
	[tilespmem:$0x19800] =	vst v63  }
0x3b8: {  	s26 =	simm.s32 $0x19400;
	s28 =	sld [smem:$0x7FD]  }
0x3b9: {  	[hbm4b:s25+s6] =	stream.linear.scatter [tilespmem:s26], [sflag:$0x3], $0x200, $0x38;
	[tilespmem:$0x19800] =	vst v63  }
0x3ba: {  	s29 =	simm.s32 $0x19600;
	s30 =	simm.s32 $0x3  }
0x3bb: {  	[hbm4b:s28+s6] =	stream.linear.scatter [tilespmem:s29], [sflag:$0x3], $0x200, $0x38;
	[tilespmem:$0x19800] =	vst v63  }
0x3bc: {  	_ =	swait.ge [sflag:s30], $0x1000  }
0x3bd: {  	s2 =	sld [smem:$0x77C];
	_ =	sdelay $0x2  }
0x3be: {  	s31 =	rddreg [dreg:$0x1a];
	s2 =	sadd.s32 $0x1, s2  }
0x3bf: {  	p0 =	sne.s32 s2, s31  }
.Ltmp4:
0x3c0: {  	_ = 	snop;
	(pc) =	sbr.rel @p0 .LBB2_1-.Ltmp4, $3  }
0x3c1: {  	_ =	sdelay $0x1  }
0x3c2: {  	[sflag:s30] =	ssyncset.done $0x0  }
0x3c3: {  	[sflag:s30] =	ssyncadd.s32 $0xFFFFF000  }
0x3c4: {  	_ =	sfence.sel $0x180000  }
0x3c5: {  	[bflag:$0x0] =	sbarrier.arrive $0xFFFF  }
0x3c6: {  	_ =	strace $0x90000047  }
0x3c7: {  	s0 =	stileid.u32;
	[bflag:$0x2] =	sbarrier.arrive $0xFFFF  }
0x3c8: {  	p0 =	sne.s32 s0, $0x0;
	s0 =	rddreg [dreg:$0x2]  }
0x3c9: {  	s0 =	sadd.s32 @!p0 $0x100000, s0  }
0x3ca: {  	[sflag:s0] =	ssyncadd.tile.s32 @!p0 $0x1;
	_ =	shalt  }
.Lfunc_end2:
_tile_overlayer_lowered:
.L_overlay_start_2:
0x3cb: {  	(tag) =	ssettag $0x2  }
0x3cc: {  	s0 =	rddreg [dreg:$0x0];
	s2 =	stileid.u32  }
0x3cd: {  	s1 =	rddreg [dreg:$0x1];
	p0 =	sne.s32 s2, $0x0  }
0x3ce: {  	s3 =	rddreg [dreg:$0x2];
	[bflag:$0x3] =	sbarrier.arrive $0xFFFF;
	s2 =	simm.s32 @!p0 $0x1C04  }
0x3cf: {  	[timem:s3], [sflag:s2] =	dma.local @!p0 [hbm:s0], s1  }
0x3d0: {  	s0 =	simm.s32 @!p0 $0x4  }
0x3d1: {  	_ =	swait.ge @!p0 [sflag:s0], s1  }
0x3d2: {  	s1 =	ssub.s32 @!p0 $0x0, s1;
	[sflag:s0] =	ssyncset.done @!p0 $0x0  }
0x3d3: {  	[sflag:s0] =	ssyncadd.s32 @!p0 s1  }
0x3d4: {  	[bflag:$0x3] =	sbarrier.arrive $0xFFFF  }
0x3d5: {  	_ =	shalt  }

</sc_bundles>
